<compile_context>
chip_gen: v7x
topology: tpu7x:2x2x1
jax: 0.10.2.dev20260603
libtpu: 0.0.44.dev20260713+nightly
codegen_flags: <defaults>
</compile_context>

<pallas_src>
import functools

import jax
import jax.numpy as jnp
from jax import lax
from jax.experimental import pallas as pl
from jax.experimental.pallas import tpu as pltpu
from jax.experimental.pallas import tpu_sc as plsc

N = 10000
E = 320000
D = 128
XP = 4
CW = 2 * D
DEG = 32.0

NC = 2
NS = 16
NW = NC * NS
EPW = E // NW
K = 80
NG = K // 16
NCH = EPW // K

NP = 10240
CR = NP // NW
ACC_R = CR + 1
KS = 64
CAPP = 10880
SCN = 1600
NSC = E // SCN
IDB = 19

f32 = jnp.float32


def _prep_body(h_ref, w1a_ref, w1b_ref, b1_ref, p_ref, q_ref):
    hh = h_ref[...]
    p_ref[...] = jnp.dot(hh, w1a_ref[...], preferred_element_type=f32) + b1_ref[...]
    q_ref[...] = jnp.dot(hh, w1b_ref[...], preferred_element_type=f32)


def _prep(h, w1a, w1b, b1):
    bn = 2000
    return pl.pallas_call(
        _prep_body,
        grid=(N // bn,),
        in_specs=[
            pl.BlockSpec((bn, D), lambda i: (i, 0)),
            pl.BlockSpec((D, D), lambda i: (0, 0)),
            pl.BlockSpec((D, D), lambda i: (0, 0)),
            pl.BlockSpec((1, D), lambda i: (0, 0)),
        ],
        out_specs=[
            pl.BlockSpec((bn, D), lambda i: (i, 0)),
            pl.BlockSpec((bn, D), lambda i: (i, 0)),
        ],
        out_shape=[
            jax.ShapeDtypeStruct((N, D), f32),
            jax.ShapeDtypeStruct((N, D), f32),
        ],
    )(h, w1a, w1b, b1)


@functools.lru_cache(maxsize=None)
def _sc_kernels():
    mesh = plsc.VectorSubcoreMesh(core_axis_name="c", subcore_axis_name="s")
    iota16 = lambda: lax.iota(jnp.int32, 16)
    params = pltpu.CompilerParams(needs_layout_passes=False)

    @functools.partial(
        pl.kernel,
        mesh=mesh,
        compiler_params=params,
        out_type=[
            jax.ShapeDtypeStruct((E, D), f32),
            jax.ShapeDtypeStruct((E, D), f32),
            jax.ShapeDtypeStruct((E * XP,), f32),
        ],
        scratch_types=[
            pltpu.VMEM((EPW,), jnp.int32),
            pltpu.VMEM((EPW,), jnp.int32),
            pltpu.VMEM((K, D), f32),
            pltpu.VMEM((K, D), f32),
            pltpu.VMEM((K, D), f32),
            pltpu.VMEM((K, D), f32),
            pltpu.VMEM((K * XP,), f32),
            pltpu.VMEM((K * XP,), f32),
            pltpu.VMEM((N * XP,), f32),
            pltpu.SemaphoreType.DMA,
            pltpu.SemaphoreType.DMA,
            pltpu.SemaphoreType.DMA,
        ],
    )
    def sc_gather(ptab, qtab, xtab, dst, src,
                  pd_o, qs_o, dd_o,
                  dall, sall, pbuf0, pbuf1, qbuf0, qbuf1, dbuf0, dbuf1,
                  xloc, semA, semB, wsem):
        wid = lax.axis_index("s") * NC + lax.axis_index("c")
        base = wid * EPW
        pltpu.sync_copy(xtab, xloc)
        pltpu.sync_copy(dst.at[pl.ds(base, EPW)], dall)
        pltpu.sync_copy(src.at[pl.ds(base, EPW)], sall)

        def xcompute(ci, dbuf):
            for g in range(NG):
                i16d = dall[pl.ds(ci * K + g * 16, 16)] * XP
                i16s = sall[pl.ds(ci * K + g * 16, 16)] * XP
                rows = (g * 16 + iota16()) * XP
                diffs = []
                for comp in range(3):
                    xd = plsc.load_gather(xloc, [i16d + comp])
                    xs = plsc.load_gather(xloc, [i16s + comp])
                    dc = xd - xs
                    diffs.append(dc)
                    plsc.store_scatter(dbuf, [rows + comp], dc)
                d2 = (diffs[0] * diffs[0] + diffs[1] * diffs[1]
                      + diffs[2] * diffs[2])
                plsc.store_scatter(dbuf, [rows + 3], d2)

        def do_chunk(ci, pbuf, qbuf, sem):
            off = base + ci * K
            c1 = pltpu.async_copy(ptab.at[dall.at[pl.ds(ci * K, K)]], pbuf, sem)
            c2 = pltpu.async_copy(qtab.at[sall.at[pl.ds(ci * K, K)]], qbuf, sem)
            return off, c1, c2

        def writes(off, pbuf, qbuf, dbuf):
            w1 = pltpu.async_copy(pbuf, pd_o.at[pl.ds(off, K)], wsem)
            w2 = pltpu.async_copy(qbuf, qs_o.at[pl.ds(off, K)], wsem)
            w3 = pltpu.async_copy(dbuf, dd_o.at[pl.ds(off * XP, K * XP)], wsem)
            return w1, w2, w3

        def pair_body(a, carry):
            off0, c1, c2 = do_chunk(2 * a, pbuf0, qbuf0, semA)
            off1, c3, c4 = do_chunk(2 * a + 1, pbuf1, qbuf1, semB)
            xcompute(2 * a, dbuf0)
            c1.wait(); c2.wait()
            ws0 = writes(off0, pbuf0, qbuf0, dbuf0)
            xcompute(2 * a + 1, dbuf1)
            c3.wait(); c4.wait()
            ws1 = writes(off1, pbuf1, qbuf1, dbuf1)
            for w in (*ws0, *ws1):
                w.wait()
            return carry

        lax.fori_loop(0, NCH // 2, pair_body, 0)
        off0, c1, c2 = do_chunk(NCH - 1, pbuf0, qbuf0, semA)
        xcompute(NCH - 1, dbuf0)
        c1.wait(); c2.wait()
        for w in writes(off0, pbuf0, qbuf0, dbuf0):
            w.wait()

    @functools.partial(
        pl.kernel,
        mesh=mesh,
        compiler_params=params,
        out_type=jax.ShapeDtypeStruct((NW, CAPP), jnp.int32),
        scratch_types=[
            pltpu.VMEM((SCN,), jnp.int32),
            pltpu.VMEM((SCN,), jnp.int32),
            pltpu.VMEM((CAPP,), jnp.int32),
            pltpu.SemaphoreType.DMA,
            pltpu.SemaphoreType.DMA,
        ],
    )
    def sc_scan(dst,
                packed_o,
                scan0, scan1, packed, semA, semB):
        c = lax.axis_index("c")
        s = lax.axis_index("s")
        wid = s * NC + c
        lo = wid * CR
        hi = lo + CR

        def process(scanbuf, ch, cnt):
            def vreg_body(g, cnt):
                for gg in (4 * g, 4 * g + 1, 4 * g + 2, 4 * g + 3):
                    v = scanbuf[pl.ds(gg * 16, 16)]
                    mask = (v >= lo) & (v < hi)
                    gid = ch * SCN + gg * 16 + iota16()
                    pk = gid | ((v - lo) << IDB)
                    plsc.store_compressed(packed.at[pl.ds(cnt, 16)], pk,
                                          mask=mask)
                    nm = plsc.all_reduce_population_count(mask)
                    cnt = cnt + nm[0]
                return cnt

            return lax.fori_loop(0, SCN // 64, vreg_body, cnt)

        def scan_pair(a, cnt):
            c0 = pltpu.async_copy(dst.at[pl.ds((2 * a) * SCN, SCN)],
                                  scan0, semA)
            c1 = pltpu.async_copy(dst.at[pl.ds((2 * a + 1) * SCN, SCN)],
                                  scan1, semB)
            c0.wait()
            cnt = process(scan0, 2 * a, cnt)
            c1.wait()
            cnt = process(scan1, 2 * a + 1, cnt)
            return cnt

        cnt = lax.fori_loop(0, NSC // 2, scan_pair, 0)

        def pad_body(g, carry):
            slot = g * 16 + iota16()
            pk = slot | (CR << IDB)
            plsc.store_scatter(packed, [slot], pk, mask=slot >= cnt)
            return carry

        lax.fori_loop(0, CAPP // 16, pad_body, 0)
        pltpu.sync_copy(packed, packed_o.at[wid])

    @functools.partial(
        pl.kernel,
        mesh=mesh,
        compiler_params=params,
        out_type=jax.ShapeDtypeStruct((NP * CW,), f32),
        scratch_types=[
            pltpu.VMEM((CAPP,), jnp.int32),
            pltpu.VMEM((KS,), jnp.int32),
            pltpu.VMEM((KS,), jnp.int32),
            pltpu.VMEM((KS,), jnp.int32),
            pltpu.VMEM((KS,), jnp.int32),
            pltpu.VMEM((KS, CW), f32),
            pltpu.VMEM((KS, CW), f32),
            pltpu.VMEM((ACC_R * CW,), f32),
            pltpu.SemaphoreType.DMA,
            pltpu.SemaphoreType.DMA,
        ],
    )
    def sc_scatter(comb, packed_i,
                   agg_o,
                   packed, ids0, ids1, lidx0, lidx1,
                   rb0, rb1, acc, semA, semB):
        c = lax.axis_index("c")
        s = lax.axis_index("s")
        wid = s * NC + c
        lo = wid * CR

        zp = pltpu.async_copy(packed_i.at[wid], packed, semB)

        def zero_body(r, carry):
            for jj in range(4):
                acc[pl.ds((r * 4 + jj) * 16, 16)] = jnp.zeros((16,), f32)
            return carry

        lax.fori_loop(0, ACC_R * CW // 64, zero_body, 0)
        npairs = CAPP // (2 * KS)
        zp.wait()

        def unpack(j, idsbuf, lidxbuf):
            for r in range(KS // 16):
                pv = packed[pl.ds(j * KS + r * 16, 16)]
                idsbuf[pl.ds(r * 16, 16)] = pv & ((1 << IDB) - 1)
                lidxbuf[pl.ds(r * 16, 16)] = pv >> IDB

        def accum(rowbuf, lidxbuf):
            def row_body(i2, carry2):
                for i in (2 * i2, 2 * i2 + 1):
                    lsplat = plsc.load_gather(
                        lidxbuf,
                        [jnp.broadcast_to(i, (16,)).astype(jnp.int32)])
                    base = lsplat * CW + iota16()
                    for jj in range((D + XP + 15) // 16):
                        v = rowbuf[i, pl.ds(jj * 16, 16)]
                        plsc.addupdate_scatter(acc, [base + jj * 16], v)
                return carry2

            lax.fori_loop(0, KS // 2, row_body, 0)

        def pair_body(a, carry):
            unpack(2 * a, ids0, lidx0)
            g0 = pltpu.async_copy(comb.at[ids0], rb0, semA)
            unpack(2 * a + 1, ids1, lidx1)
            g1 = pltpu.async_copy(comb.at[ids1], rb1, semB)
            g0.wait()
            accum(rb0, lidx0)
            g1.wait()
            accum(rb1, lidx1)
            return carry

        lax.fori_loop(0, npairs, pair_body, 0)

        pltpu.sync_copy(acc.at[pl.ds(0, CR * CW)],
                        agg_o.at[pl.ds(lo * CW, CR * CW)])

    return sc_gather, sc_scan, sc_scatter


def _edge_body(pd_ref, qs_ref, dd_ref, w2_ref, b2_ref, wc_ref,
               w1c_ref, comb_ref):
    dd = dd_ref[...]
    d2 = dd[:, 3:4]
    t1 = pd_ref[...] + qs_ref[...] + d2 * w1c_ref[...]
    a1 = t1 * jax.nn.sigmoid(t1)
    t2 = jnp.dot(a1, w2_ref[...], preferred_element_type=f32) + b2_ref[...]
    m = t2 * jax.nn.sigmoid(t2)
    cw = jnp.sum(m * wc_ref[...], axis=1, keepdims=True)
    comb_ref[:, :D] = m
    comb_ref[:, D:D + XP] = dd * cw


def _edge(pd, qs, dd, w2, b2, wc_row, w1c):
    be = 2000
    return pl.pallas_call(
        _edge_body,
        grid=(E // be,),
        in_specs=[
            pl.BlockSpec((be, D), lambda i: (i, 0)),
            pl.BlockSpec((be, D), lambda i: (i, 0)),
            pl.BlockSpec((be, XP), lambda i: (i, 0)),
            pl.BlockSpec((D, D), lambda i: (0, 0)),
            pl.BlockSpec((1, D), lambda i: (0, 0)),
            pl.BlockSpec((1, D), lambda i: (0, 0)),
            pl.BlockSpec((1, D), lambda i: (0, 0)),
        ],
        out_specs=pl.BlockSpec((be, CW), lambda i: (i, 0)),
        out_shape=jax.ShapeDtypeStruct((E, CW), f32),
    )(pd, qs, dd, w2, b2, wc_row, w1c)


def _node_body(h_ref, xp_ref, agg_ref, wu1a_ref, wu1b_ref, bu1_ref,
               wu2_ref, bu2_ref, xo_ref, ho_ref):
    agg = agg_ref[:, :D]
    aggx = agg_ref[:, D:D + XP]
    t = (jnp.dot(h_ref[...], wu1a_ref[...], preferred_element_type=f32)
         + jnp.dot(agg, wu1b_ref[...], preferred_element_type=f32)
         + bu1_ref[...])
    a = t * jax.nn.sigmoid(t)
    ho_ref[...] = (h_ref[...]
                   + jnp.dot(a, wu2_ref[...], preferred_element_type=f32)
                   + bu2_ref[...])
    xo_ref[...] = xp_ref[...] + aggx * (1.0 / DEG)


def _node(h, xp, agg, wu1a, wu1b, bu1, wu2, bu2):
    bn = 2000
    return pl.pallas_call(
        _node_body,
        grid=(N // bn,),
        in_specs=[
            pl.BlockSpec((bn, D), lambda i: (i, 0)),
            pl.BlockSpec((bn, XP), lambda i: (i, 0)),
            pl.BlockSpec((bn, CW), lambda i: (i, 0)),
            pl.BlockSpec((D, D), lambda i: (0, 0)),
            pl.BlockSpec((D, D), lambda i: (0, 0)),
            pl.BlockSpec((1, D), lambda i: (0, 0)),
            pl.BlockSpec((D, D), lambda i: (0, 0)),
            pl.BlockSpec((1, D), lambda i: (0, 0)),
        ],
        out_specs=[
            pl.BlockSpec((bn, XP), lambda i: (i, 0)),
            pl.BlockSpec((bn, D), lambda i: (i, 0)),
        ],
        out_shape=[
            jax.ShapeDtypeStruct((N, XP), f32),
            jax.ShapeDtypeStruct((N, D), f32),
        ],
    )(h, xp, agg, wu1a, wu1b, bu1, wu2, bu2)


def kernel(x, h, edge_index, W1, b1, W2, b2, Wc, Wu1, bu1, Wu2, bu2):
    src = edge_index[0].astype(jnp.int32)
    dst = edge_index[1].astype(jnp.int32)
    xp = jnp.pad(x.astype(f32), ((0, 0), (0, XP - x.shape[1])))
    w1a = W1[:D]
    w1b = W1[D:2 * D]
    w1c = W1[2 * D:2 * D + 1]
    b1r = b1.reshape(1, D)
    b2r = b2.reshape(1, D)
    wc_row = Wc.reshape(1, D)
    wu1a = Wu1[:D]
    wu1b = Wu1[D:2 * D]
    bu1r = bu1.reshape(1, D)
    bu2r = bu2.reshape(1, D)

    sc_gather, sc_scan, sc_scatter = _sc_kernels()
    p, q = _prep(h, w1a, w1b, b1r)
    packed = sc_scan(dst)
    pd, qs, dd = sc_gather(p, q, xp.reshape(-1), dst, src)
    dd = dd.reshape(E, XP)
    comb = _edge(pd, qs, dd, W2, b2r, wc_row, w1c)
    agg = sc_scatter(comb, packed).reshape(NP, CW)
    xo, ho = _node(h, xp, agg[:N], wu1a, wu1b, bu1r, Wu2, bu2r)
    return (xo[:, :x.shape[1]], ho)

# --- scband reference (transcript-rebuilt; emitter-appended) ---
"""Pipeline reference for scband-eghnv2-policy-38448547234232 (READ-ONLY COPY).

The authoritative reference and input builder live on the scoring server;
editing this copy changes nothing except your own understanding.
"""

import jax, jax.numpy as jnp
import numpy as np

N = 10000
E = 320000
D = 128
DIM = 3
DEG = 32.0


def setup_inputs(seed: int = 0) -> dict:
    key = jax.random.key(seed)
    ks = jax.random.split(key, 10)
    x = jax.random.normal(ks[0], (N, DIM), dtype=jnp.float32)
    h = jax.random.normal(ks[1], (N, D), dtype=jnp.float32)
    edge_index = jax.random.randint(ks[2], (2, E), 0, N)
    s = 1.0 / np.sqrt(D)
    W1 = jax.random.normal(ks[3], (2 * D + 1, D), dtype=jnp.float32) * s
    b1 = jnp.zeros((D,), dtype=jnp.float32)
    W2 = jax.random.normal(ks[4], (D, D), dtype=jnp.float32) * s
    b2 = jnp.zeros((D,), dtype=jnp.float32)
    Wc = jax.random.normal(ks[5], (D, 1), dtype=jnp.float32) * s
    Wu1 = jax.random.normal(ks[6], (2 * D, D), dtype=jnp.float32) * s
    bu1 = jnp.zeros((D,), dtype=jnp.float32)
    Wu2 = jax.random.normal(ks[7], (D, D), dtype=jnp.float32) * s
    bu2 = jnp.zeros((D,), dtype=jnp.float32)
    return {"x": x, "h": h, "edge_index": edge_index, "W1": W1, "b1": b1,
            "W2": W2, "b2": b2, "Wc": Wc, "Wu1": Wu1, "bu1": bu1,
            "Wu2": Wu2, "bu2": bu2}


def reference(x, h, edge_index, W1, b1, W2, b2, Wc, Wu1, bu1, Wu2, bu2):
    # EGNN-style equivariant message passing core of the EGHN policy.
    src = edge_index[0]
    dst = edge_index[1]
    xi = x[dst]
    xj = x[src]
    diff = xi - xj
    dist2 = jnp.sum(diff * diff, axis=-1, keepdims=True)
    # edge message MLP phi_e
    m_in = jnp.concatenate([h[dst], h[src], dist2], axis=-1)
    m = jax.nn.silu(jax.nn.silu(m_in @ W1 + b1) @ W2 + b2)
    # equivariant coordinate update phi_x
    coord_w = m @ Wc  # [E, 1]
    agg_x = jax.ops.segment_sum(diff * coord_w, dst, num_segments=N)
    x_out = x + agg_x / DEG
    # invariant node update phi_h
    agg_m = jax.ops.segment_sum(m, dst, num_segments=N)
    h_in = jnp.concatenate([h, agg_m], axis=-1)
    h_out = h + jax.nn.silu(h_in @ Wu1 + bu1) @ Wu2 + bu2
    return (x_out, h_out)

if __name__ == "__main__":
    import jax
    _d = setup_inputs()
    print(jax.jit(kernel)(*tuple(_d.values())))

</pallas_src>

<mosaic_0001>
#map = affine_map<(d0, d1) -> (0)>
#map1 = affine_map<(d0, d1) -> (0, 0)>
module attributes {stable_mosaic.version = 14 : i64} {
  func.func @sc_scan(%arg0: i32, %arg1: i32, %arg2: memref<320000xi32, #tpu.memory_space<hbm>>, %arg3: memref<32x10880xi32, #tpu.memory_space<hbm>>, %arg4: memref<1600xi32, #tpu.memory_space<vmem>>, %arg5: memref<1600xi32, #tpu.memory_space<vmem>>, %arg6: memref<10880xi32, #tpu.memory_space<vmem>>, %arg7: memref<!tpu.dma_semaphore, #tpu.memory_space<semaphore_mem>>, %arg8: memref<!tpu.dma_semaphore, #tpu.memory_space<semaphore_mem>>) attributes {dimension_semantics = [#tpu.dimension_semantics<core_parallel>, #tpu.dimension_semantics<subcore_parallel>], iteration_bounds = array<i64: 2, 16>, scalar_prefetch = 0 : i64, scratch_operands = 5 : i64, tpu.core_type = #tpu.core_type<sc_vector_subcore>, window_params = [{transform_indices = #map}, {transform_indices = #map1}]} {
    %mul3A = arith.constant 2 : i32
    %mul3A_0 = arith.muli %arg1, %mul3A : i32
    %add3A = arith.addi %mul3A_0, %arg0 : i32
    %mul3A_1 = arith.constant 320 : i32
    %mul3A_2 = arith.muli %add3A, %mul3A_1 : i32
    %add3A_3 = arith.constant 320 : i32
    %add3A_4 = arith.addi %mul3A_2, %add3A_3 : i32
    %scan3A = arith.constant 0 : i32
    %scan3A_5 = arith.constant 0 : i32
    %scan3A_6 = arith.constant 100 : i32
    %scan3A_7 = arith.addi %scan3A_5, %scan3A_6 : i32
    %scan3A_8 = arith.constant 1 : i32
    %scan3A_9 = scf.for %scan3A_17 = %scan3A_5 to %scan3A_7 step %scan3A_8 iter_args(%scan3A_18 = %scan3A) -> (i32)  : i32 {
      %mul3A_19 = arith.constant 2 : i32
      %mul3A_20 = arith.muli %mul3A_19, %scan3A_17 : i32
      %mul3A_21 = arith.constant 1600 : i32
      %mul3A_22 = arith.muli %mul3A_20, %mul3A_21 : i32
      %dma_start3A = tpu.memref_slice %arg2[%mul3A_22] : memref<320000xi32, #tpu.memory_space<hbm>> -> memref<1600xi32, #tpu.memory_space<hbm>>
      %dma_start3A_23 = tpu.memref_slice %arg2[%mul3A_22] : memref<320000xi32, #tpu.memory_space<hbm>> -> memref<1600xi32, #tpu.memory_space<hbm>>
      tpu.enqueue_dma source(%dma_start3A_23 : memref<1600xi32, #tpu.memory_space<hbm>>) target(%arg4 : memref<1600xi32, #tpu.memory_space<vmem>>) target_semaphore(%arg7 : memref<!tpu.dma_semaphore, #tpu.memory_space<semaphore_mem>>)
      %mul3A_24 = arith.constant 2 : i32
      %mul3A_25 = arith.muli %mul3A_24, %scan3A_17 : i32
      %add3A_26 = arith.constant 1 : i32
      %add3A_27 = arith.addi %mul3A_25, %add3A_26 : i32
      %mul3A_28 = arith.constant 1600 : i32
      %mul3A_29 = arith.muli %add3A_27, %mul3A_28 : i32
      %dma_start3A_30 = tpu.memref_slice %arg2[%mul3A_29] : memref<320000xi32, #tpu.memory_space<hbm>> -> memref<1600xi32, #tpu.memory_space<hbm>>
      %dma_start3A_31 = tpu.memref_slice %arg2[%mul3A_29] : memref<320000xi32, #tpu.memory_space<hbm>> -> memref<1600xi32, #tpu.memory_space<hbm>>
      tpu.enqueue_dma source(%dma_start3A_31 : memref<1600xi32, #tpu.memory_space<hbm>>) target(%arg5 : memref<1600xi32, #tpu.memory_space<vmem>>) target_semaphore(%arg8 : memref<!tpu.dma_semaphore, #tpu.memory_space<semaphore_mem>>)
      %dma_wait3A = tpu.memref_slice %arg2[%mul3A_22] : memref<320000xi32, #tpu.memory_space<hbm>> -> memref<1600xi32, #tpu.memory_space<hbm>>
      %dma_wait3A_32 = tpu.memref_slice %arg2[%mul3A_22] : memref<320000xi32, #tpu.memory_space<hbm>> -> memref<1600xi32, #tpu.memory_space<hbm>>
      tpu.wait_dma2 semaphore(%arg7 : memref<!tpu.dma_semaphore, #tpu.memory_space<semaphore_mem>>) src(%dma_wait3A_32 : memref<1600xi32, #tpu.memory_space<hbm>>) dst(%arg4 : memref<1600xi32, #tpu.memory_space<vmem>>)
      %mul3A_33 = arith.constant 2 : i32
      %mul3A_34 = arith.muli %mul3A_33, %scan3A_17 : i32
      %scan3A_35 = arith.constant 0 : i32
      %scan3A_36 = arith.constant 25 : i32
      %scan3A_37 = arith.addi %scan3A_35, %scan3A_36 : i32
      %scan3A_38 = arith.constant 1 : i32
      %scan3A_39 = scf.for %scan3A_53 = %scan3A_35 to %scan3A_37 step %scan3A_38 iter_args(%scan3A_54 = %scan3A_18) -> (i32)  : i32 {
        %mul3A_55 = arith.constant 4 : i32
        %mul3A_56 = arith.muli %mul3A_55, %scan3A_53 : i32
        %mul3A_57 = arith.constant 4 : i32
        %mul3A_58 = arith.muli %mul3A_57, %scan3A_53 : i32
        %add3A_59 = arith.constant 1 : i32
        %add3A_60 = arith.addi %mul3A_58, %add3A_59 : i32
        %mul3A_61 = arith.constant 4 : i32
        %mul3A_62 = arith.muli %mul3A_61, %scan3A_53 : i32
        %add3A_63 = arith.constant 2 : i32
        %add3A_64 = arith.addi %mul3A_62, %add3A_63 : i32
        %mul3A_65 = arith.constant 4 : i32
        %mul3A_66 = arith.muli %mul3A_65, %scan3A_53 : i32
        %add3A_67 = arith.constant 3 : i32
        %add3A_68 = arith.addi %mul3A_66, %add3A_67 : i32
        %mul3A_69 = arith.constant 16 : i32
        %mul3A_70 = arith.muli %mul3A_56, %mul3A_69 : i32
        %get3A = arith.index_cast %mul3A_70 : i32 to index
        %get3A_71 = tpu.vector_load %arg4[%get3A] {strides = array<i32>} : memref<1600xi32, #tpu.memory_space<vmem>>, vector<16xi32>,
        %ge3A = vector.broadcast %mul3A_2 : i32 to vector<16xi32>
        %ge3A_72 = arith.cmpi sge, %get3A_71, %ge3A : vector<16xi32>
        %lt3A = vector.broadcast %add3A_4 : i32 to vector<16xi32>
        %lt3A_73 = arith.cmpi slt, %get3A_71, %lt3A : vector<16xi32>
        %and3A = arith.andi %ge3A_72, %lt3A_73 : vector<16xi1>
        %mul3A_74 = arith.constant 1600 : i32
        %mul3A_75 = arith.muli %mul3A_34, %mul3A_74 : i32
        %mul3A_76 = arith.constant 16 : i32
        %mul3A_77 = arith.muli %mul3A_56, %mul3A_76 : i32
        %add3A_78 = arith.addi %mul3A_75, %mul3A_77 : i32
        %iota3A = tpu.iota {dimensions = array<i32: 0>} : vector<16xi32>
        %add3A_79 = vector.broadcast %add3A_78 : i32 to vector<16xi32>
        %add3A_80 = arith.addi %add3A_79, %iota3A : vector<16xi32>
        %sub3A = vector.broadcast %mul3A_2 : i32 to vector<16xi32>
        %sub3A_81 = arith.subi %get3A_71, %sub3A : vector<16xi32>
        %shift_left3A = arith.constant 19 : i32
        %shift_left3A_82 = vector.broadcast %shift_left3A : i32 to vector<16xi32>
        %shift_left3A_83 = arith.shli %sub3A_81, %shift_left3A_82 : vector<16xi32>
        %or3A = arith.ori %add3A_80, %shift_left3A_83 : vector<16xi32>
        %swap3A = arith.index_cast %scan3A_54 : i32 to index
        %swap3A_84 = tpu.vector_load %arg6[%swap3A] masked %and3A {strides = array<i32>} : memref<10880xi32, #tpu.memory_space<vmem>>, vector<16xi32>, vector<16xi1>
        tpu.vector_store %arg6[%swap3A], %or3A masked %and3A {strides = array<i32>} : memref<10880xi32, #tpu.memory_space<vmem>>, vector<16xi32>, vector<16xi1>
        %all_reduce_population_count3A = tpu.all_reduce %and3A {dim = 0 : i64, kind = #tpu.reduction_kind<sum>} : vector<16xi1> -> vector<16xi32>
        %slice3A = vector.extract_strided_slice %all_reduce_population_count3A {offsets = [0], sizes = [1], strides = [1]} : vector<16xi32> to vector<1xi32>
        %squeeze3A = vector.extract %slice3A[0] : i32 from vector<1xi32>
        %add3A_85 = arith.addi %scan3A_54, %squeeze3A : i32
        %mul3A_86 = arith.constant 16 : i32
        %mul3A_87 = arith.muli %add3A_60, %mul3A_86 : i32
        %get3A_88 = arith.index_cast %mul3A_87 : i32 to index
        %get3A_89 = tpu.vector_load %arg4[%get3A_88] {strides = array<i32>} : memref<1600xi32, #tpu.memory_space<vmem>>, vector<16xi32>,
        %ge3A_90 = vector.broadcast %mul3A_2 : i32 to vector<16xi32>
        %ge3A_91 = arith.cmpi sge, %get3A_89, %ge3A_90 : vector<16xi32>
        %lt3A_92 = vector.broadcast %add3A_4 : i32 to vector<16xi32>
        %lt3A_93 = arith.cmpi slt, %get3A_89, %lt3A_92 : vector<16xi32>
        %and3A_94 = arith.andi %ge3A_91, %lt3A_93 : vector<16xi1>
        %mul3A_95 = arith.constant 1600 : i32
        %mul3A_96 = arith.muli %mul3A_34, %mul3A_95 : i32
        %mul3A_97 = arith.constant 16 : i32
        %mul3A_98 = arith.muli %add3A_60, %mul3A_97 : i32
        %add3A_99 = arith.addi %mul3A_96, %mul3A_98 : i32
        %iota3A_100 = tpu.iota {dimensions = array<i32: 0>} : vector<16xi32>
        %add3A_101 = vector.broadcast %add3A_99 : i32 to vector<16xi32>
        %add3A_102 = arith.addi %add3A_101, %iota3A_100 : vector<16xi32>
        %sub3A_103 = vector.broadcast %mul3A_2 : i32 to vector<16xi32>
        %sub3A_104 = arith.subi %get3A_89, %sub3A_103 : vector<16xi32>
        %shift_left3A_105 = arith.constant 19 : i32
        %shift_left3A_106 = vector.broadcast %shift_left3A_105 : i32 to vector<16xi32>
        %shift_left3A_107 = arith.shli %sub3A_104, %shift_left3A_106 : vector<16xi32>
        %or3A_108 = arith.ori %add3A_102, %shift_left3A_107 : vector<16xi32>
        %swap3A_109 = arith.index_cast %add3A_85 : i32 to index
        %swap3A_110 = tpu.vector_load %arg6[%swap3A_109] masked %and3A_94 {strides = array<i32>} : memref<10880xi32, #tpu.memory_space<vmem>>, vector<16xi32>, vector<16xi1>
        tpu.vector_store %arg6[%swap3A_109], %or3A_108 masked %and3A_94 {strides = array<i32>} : memref<10880xi32, #tpu.memory_space<vmem>>, vector<16xi32>, vector<16xi1>
        %all_reduce_population_count3A_111 = tpu.all_reduce %and3A_94 {dim = 0 : i64, kind = #tpu.reduction_kind<sum>} : vector<16xi1> -> vector<16xi32>
        %slice3A_112 = vector.extract_strided_slice %all_reduce_population_count3A_111 {offsets = [0], sizes = [1], strides = [1]} : vector<16xi32> to vector<1xi32>
        %squeeze3A_113 = vector.extract %slice3A_112[0] : i32 from vector<1xi32>
        %add3A_114 = arith.addi %add3A_85, %squeeze3A_113 : i32
        %mul3A_115 = arith.constant 16 : i32
        %mul3A_116 = arith.muli %add3A_64, %mul3A_115 : i32
        %get3A_117 = arith.index_cast %mul3A_116 : i32 to index
        %get3A_118 = tpu.vector_load %arg4[%get3A_117] {strides = array<i32>} : memref<1600xi32, #tpu.memory_space<vmem>>, vector<16xi32>,
        %ge3A_119 = vector.broadcast %mul3A_2 : i32 to vector<16xi32>
        %ge3A_120 = arith.cmpi sge, %get3A_118, %ge3A_119 : vector<16xi32>
        %lt3A_121 = vector.broadcast %add3A_4 : i32 to vector<16xi32>
        %lt3A_122 = arith.cmpi slt, %get3A_118, %lt3A_121 : vector<16xi32>
        %and3A_123 = arith.andi %ge3A_120, %lt3A_122 : vector<16xi1>
        %mul3A_124 = arith.constant 1600 : i32
        %mul3A_125 = arith.muli %mul3A_34, %mul3A_124 : i32
        %mul3A_126 = arith.constant 16 : i32
        %mul3A_127 = arith.muli %add3A_64, %mul3A_126 : i32
        %add3A_128 = arith.addi %mul3A_125, %mul3A_127 : i32
        %iota3A_129 = tpu.iota {dimensions = array<i32: 0>} : vector<16xi32>
        %add3A_130 = vector.broadcast %add3A_128 : i32 to vector<16xi32>
        %add3A_131 = arith.addi %add3A_130, %iota3A_129 : vector<16xi32>
        %sub3A_132 = vector.broadcast %mul3A_2 : i32 to vector<16xi32>
        %sub3A_133 = arith.subi %get3A_118, %sub3A_132 : vector<16xi32>
        %shift_left3A_134 = arith.constant 19 : i32
        %shift_left3A_135 = vector.broadcast %shift_left3A_134 : i32 to vector<16xi32>
        %shift_left3A_136 = arith.shli %sub3A_133, %shift_left3A_135 : vector<16xi32>
        %or3A_137 = arith.ori %add3A_131, %shift_left3A_136 : vector<16xi32>
        %swap3A_138 = arith.index_cast %add3A_114 : i32 to index
        %swap3A_139 = tpu.vector_load %arg6[%swap3A_138] masked %and3A_123 {strides = array<i32>} : memref<10880xi32, #tpu.memory_space<vmem>>, vector<16xi32>, vector<16xi1>
        tpu.vector_store %arg6[%swap3A_138], %or3A_137 masked %and3A_123 {strides = array<i32>} : memref<10880xi32, #tpu.memory_space<vmem>>, vector<16xi32>, vector<16xi1>
        %all_reduce_population_count3A_140 = tpu.all_reduce %and3A_123 {dim = 0 : i64, kind = #tpu.reduction_kind<sum>} : vector<16xi1> -> vector<16xi32>
        %slice3A_141 = vector.extract_strided_slice %all_reduce_population_count3A_140 {offsets = [0], sizes = [1], strides = [1]} : vector<16xi32> to vector<1xi32>
        %squeeze3A_142 = vector.extract %slice3A_141[0] : i32 from vector<1xi32>
        %add3A_143 = arith.addi %add3A_114, %squeeze3A_142 : i32
        %mul3A_144 = arith.constant 16 : i32
        %mul3A_145 = arith.muli %add3A_68, %mul3A_144 : i32
        %get3A_146 = arith.index_cast %mul3A_145 : i32 to index
        %get3A_147 = tpu.vector_load %arg4[%get3A_146] {strides = array<i32>} : memref<1600xi32, #tpu.memory_space<vmem>>, vector<16xi32>,
        %ge3A_148 = vector.broadcast %mul3A_2 : i32 to vector<16xi32>
        %ge3A_149 = arith.cmpi sge, %get3A_147, %ge3A_148 : vector<16xi32>
        %lt3A_150 = vector.broadcast %add3A_4 : i32 to vector<16xi32>
        %lt3A_151 = arith.cmpi slt, %get3A_147, %lt3A_150 : vector<16xi32>
        %and3A_152 = arith.andi %ge3A_149, %lt3A_151 : vector<16xi1>
        %mul3A_153 = arith.constant 1600 : i32
        %mul3A_154 = arith.muli %mul3A_34, %mul3A_153 : i32
        %mul3A_155 = arith.constant 16 : i32
        %mul3A_156 = arith.muli %add3A_68, %mul3A_155 : i32
        %add3A_157 = arith.addi %mul3A_154, %mul3A_156 : i32
        %iota3A_158 = tpu.iota {dimensions = array<i32: 0>} : vector<16xi32>
        %add3A_159 = vector.broadcast %add3A_157 : i32 to vector<16xi32>
        %add3A_160 = arith.addi %add3A_159, %iota3A_158 : vector<16xi32>
        %sub3A_161 = vector.broadcast %mul3A_2 : i32 to vector<16xi32>
        %sub3A_162 = arith.subi %get3A_147, %sub3A_161 : vector<16xi32>
        %shift_left3A_163 = arith.constant 19 : i32
        %shift_left3A_164 = vector.broadcast %shift_left3A_163 : i32 to vector<16xi32>
        %shift_left3A_165 = arith.shli %sub3A_162, %shift_left3A_164 : vector<16xi32>
        %or3A_166 = arith.ori %add3A_160, %shift_left3A_165 : vector<16xi32>
        %swap3A_167 = arith.index_cast %add3A_143 : i32 to index
        %swap3A_168 = tpu.vector_load %arg6[%swap3A_167] masked %and3A_152 {strides = array<i32>} : memref<10880xi32, #tpu.memory_space<vmem>>, vector<16xi32>, vector<16xi1>
        tpu.vector_store %arg6[%swap3A_167], %or3A_166 masked %and3A_152 {strides = array<i32>} : memref<10880xi32, #tpu.memory_space<vmem>>, vector<16xi32>, vector<16xi1>
        %all_reduce_population_count3A_169 = tpu.all_reduce %and3A_152 {dim = 0 : i64, kind = #tpu.reduction_kind<sum>} : vector<16xi1> -> vector<16xi32>
        %slice3A_170 = vector.extract_strided_slice %all_reduce_population_count3A_169 {offsets = [0], sizes = [1], strides = [1]} : vector<16xi32> to vector<1xi32>
        %squeeze3A_171 = vector.extract %slice3A_170[0] : i32 from vector<1xi32>
        %add3A_172 = arith.addi %add3A_143, %squeeze3A_171 : i32
        scf.yield %add3A_172 : i32
      }
      %scan3A_40 = arith.constant 25 : i32
      %dma_wait3A_41 = tpu.memref_slice %arg2[%mul3A_29] : memref<320000xi32, #tpu.memory_space<hbm>> -> memref<1600xi32, #tpu.memory_space<hbm>>
      %dma_wait3A_42 = tpu.memref_slice %arg2[%mul3A_29] : memref<320000xi32, #tpu.memory_space<hbm>> -> memref<1600xi32, #tpu.memory_space<hbm>>
      tpu.wait_dma2 semaphore(%arg8 : memref<!tpu.dma_semaphore, #tpu.memory_space<semaphore_mem>>) src(%dma_wait3A_42 : memref<1600xi32, #tpu.memory_space<hbm>>) dst(%arg5 : memref<1600xi32, #tpu.memory_space<vmem>>)
      %mul3A_43 = arith.constant 2 : i32
      %mul3A_44 = arith.muli %mul3A_43, %scan3A_17 : i32
      %add3A_45 = arith.constant 1 : i32
      %add3A_46 = arith.addi %mul3A_44, %add3A_45 : i32
      %scan3A_47 = arith.constant 0 : i32
      %scan3A_48 = arith.constant 25 : i32
      %scan3A_49 = arith.addi %scan3A_47, %scan3A_48 : i32
      %scan3A_50 = arith.constant 1 : i32
      %scan3A_51 = scf.for %scan3A_53 = %scan3A_47 to %scan3A_49 step %scan3A_50 iter_args(%scan3A_54 = %scan3A_39) -> (i32)  : i32 {
        %mul3A_55 = arith.constant 4 : i32
        %mul3A_56 = arith.muli %mul3A_55, %scan3A_53 : i32
        %mul3A_57 = arith.constant 4 : i32
        %mul3A_58 = arith.muli %mul3A_57, %scan3A_53 : i32
        %add3A_59 = arith.constant 1 : i32
        %add3A_60 = arith.addi %mul3A_58, %add3A_59 : i32
        %mul3A_61 = arith.constant 4 : i32
        %mul3A_62 = arith.muli %mul3A_61, %scan3A_53 : i32
        %add3A_63 = arith.constant 2 : i32
        %add3A_64 = arith.addi %mul3A_62, %add3A_63 : i32
        %mul3A_65 = arith.constant 4 : i32
        %mul3A_66 = arith.muli %mul3A_65, %scan3A_53 : i32
        %add3A_67 = arith.constant 3 : i32
        %add3A_68 = arith.addi %mul3A_66, %add3A_67 : i32
        %mul3A_69 = arith.constant 16 : i32
        %mul3A_70 = arith.muli %mul3A_56, %mul3A_69 : i32
        %get3A = arith.index_cast %mul3A_70 : i32 to index
        %get3A_71 = tpu.vector_load %arg5[%get3A] {strides = array<i32>} : memref<1600xi32, #tpu.memory_space<vmem>>, vector<16xi32>,
        %ge3A = vector.broadcast %mul3A_2 : i32 to vector<16xi32>
        %ge3A_72 = arith.cmpi sge, %get3A_71, %ge3A : vector<16xi32>
        %lt3A = vector.broadcast %add3A_4 : i32 to vector<16xi32>
        %lt3A_73 = arith.cmpi slt, %get3A_71, %lt3A : vector<16xi32>
        %and3A = arith.andi %ge3A_72, %lt3A_73 : vector<16xi1>
        %mul3A_74 = arith.constant 1600 : i32
        %mul3A_75 = arith.muli %add3A_46, %mul3A_74 : i32
        %mul3A_76 = arith.constant 16 : i32
        %mul3A_77 = arith.muli %mul3A_56, %mul3A_76 : i32
        %add3A_78 = arith.addi %mul3A_75, %mul3A_77 : i32
        %iota3A = tpu.iota {dimensions = array<i32: 0>} : vector<16xi32>
        %add3A_79 = vector.broadcast %add3A_78 : i32 to vector<16xi32>
        %add3A_80 = arith.addi %add3A_79, %iota3A : vector<16xi32>
        %sub3A = vector.broadcast %mul3A_2 : i32 to vector<16xi32>
        %sub3A_81 = arith.subi %get3A_71, %sub3A : vector<16xi32>
        %shift_left3A = arith.constant 19 : i32
        %shift_left3A_82 = vector.broadcast %shift_left3A : i32 to vector<16xi32>
        %shift_left3A_83 = arith.shli %sub3A_81, %shift_left3A_82 : vector<16xi32>
        %or3A = arith.ori %add3A_80, %shift_left3A_83 : vector<16xi32>
        %swap3A = arith.index_cast %scan3A_54 : i32 to index
        %swap3A_84 = tpu.vector_load %arg6[%swap3A] masked %and3A {strides = array<i32>} : memref<10880xi32, #tpu.memory_space<vmem>>, vector<16xi32>, vector<16xi1>
        tpu.vector_store %arg6[%swap3A], %or3A masked %and3A {strides = array<i32>} : memref<10880xi32, #tpu.memory_space<vmem>>, vector<16xi32>, vector<16xi1>
        %all_reduce_population_count3A = tpu.all_reduce %and3A {dim = 0 : i64, kind = #tpu.reduction_kind<sum>} : vector<16xi1> -> vector<16xi32>
        %slice3A = vector.extract_strided_slice %all_reduce_population_count3A {offsets = [0], sizes = [1], strides = [1]} : vector<16xi32> to vector<1xi32>
        %squeeze3A = vector.extract %slice3A[0] : i32 from vector<1xi32>
        %add3A_85 = arith.addi %scan3A_54, %squeeze3A : i32
        %mul3A_86 = arith.constant 16 : i32
        %mul3A_87 = arith.muli %add3A_60, %mul3A_86 : i32
        %get3A_88 = arith.index_cast %mul3A_87 : i32 to index
        %get3A_89 = tpu.vector_load %arg5[%get3A_88] {strides = array<i32>} : memref<1600xi32, #tpu.memory_space<vmem>>, vector<16xi32>,
        %ge3A_90 = vector.broadcast %mul3A_2 : i32 to vector<16xi32>
        %ge3A_91 = arith.cmpi sge, %get3A_89, %ge3A_90 : vector<16xi32>
        %lt3A_92 = vector.broadcast %add3A_4 : i32 to vector<16xi32>
        %lt3A_93 = arith.cmpi slt, %get3A_89, %lt3A_92 : vector<16xi32>
        %and3A_94 = arith.andi %ge3A_91, %lt3A_93 : vector<16xi1>
        %mul3A_95 = arith.constant 1600 : i32
        %mul3A_96 = arith.muli %add3A_46, %mul3A_95 : i32
        %mul3A_97 = arith.constant 16 : i32
        %mul3A_98 = arith.muli %add3A_60, %mul3A_97 : i32
        %add3A_99 = arith.addi %mul3A_96, %mul3A_98 : i32
        %iota3A_100 = tpu.iota {dimensions = array<i32: 0>} : vector<16xi32>
        %add3A_101 = vector.broadcast %add3A_99 : i32 to vector<16xi32>
        %add3A_102 = arith.addi %add3A_101, %iota3A_100 : vector<16xi32>
        %sub3A_103 = vector.broadcast %mul3A_2 : i32 to vector<16xi32>
        %sub3A_104 = arith.subi %get3A_89, %sub3A_103 : vector<16xi32>
        %shift_left3A_105 = arith.constant 19 : i32
        %shift_left3A_106 = vector.broadcast %shift_left3A_105 : i32 to vector<16xi32>
        %shift_left3A_107 = arith.shli %sub3A_104, %shift_left3A_106 : vector<16xi32>
        %or3A_108 = arith.ori %add3A_102, %shift_left3A_107 : vector<16xi32>
        %swap3A_109 = arith.index_cast %add3A_85 : i32 to index
        %swap3A_110 = tpu.vector_load %arg6[%swap3A_109] masked %and3A_94 {strides = array<i32>} : memref<10880xi32, #tpu.memory_space<vmem>>, vector<16xi32>, vector<16xi1>
        tpu.vector_store %arg6[%swap3A_109], %or3A_108 masked %and3A_94 {strides = array<i32>} : memref<10880xi32, #tpu.memory_space<vmem>>, vector<16xi32>, vector<16xi1>
        %all_reduce_population_count3A_111 = tpu.all_reduce %and3A_94 {dim = 0 : i64, kind = #tpu.reduction_kind<sum>} : vector<16xi1> -> vector<16xi32>
        %slice3A_112 = vector.extract_strided_slice %all_reduce_population_count3A_111 {offsets = [0], sizes = [1], strides = [1]} : vector<16xi32> to vector<1xi32>
        %squeeze3A_113 = vector.extract %slice3A_112[0] : i32 from vector<1xi32>
        %add3A_114 = arith.addi %add3A_85, %squeeze3A_113 : i32
        %mul3A_115 = arith.constant 16 : i32
        %mul3A_116 = arith.muli %add3A_64, %mul3A_115 : i32
        %get3A_117 = arith.index_cast %mul3A_116 : i32 to index
        %get3A_118 = tpu.vector_load %arg5[%get3A_117] {strides = array<i32>} : memref<1600xi32, #tpu.memory_space<vmem>>, vector<16xi32>,
        %ge3A_119 = vector.broadcast %mul3A_2 : i32 to vector<16xi32>
        %ge3A_120 = arith.cmpi sge, %get3A_118, %ge3A_119 : vector<16xi32>
        %lt3A_121 = vector.broadcast %add3A_4 : i32 to vector<16xi32>
        %lt3A_122 = arith.cmpi slt, %get3A_118, %lt3A_121 : vector<16xi32>
        %and3A_123 = arith.andi %ge3A_120, %lt3A_122 : vector<16xi1>
        %mul3A_124 = arith.constant 1600 : i32
        %mul3A_125 = arith.muli %add3A_46, %mul3A_124 : i32
        %mul3A_126 = arith.constant 16 : i32
        %mul3A_127 = arith.muli %add3A_64, %mul3A_126 : i32
        %add3A_128 = arith.addi %mul3A_125, %mul3A_127 : i32
        %iota3A_129 = tpu.iota {dimensions = array<i32: 0>} : vector<16xi32>
        %add3A_130 = vector.broadcast %add3A_128 : i32 to vector<16xi32>
        %add3A_131 = arith.addi %add3A_130, %iota3A_129 : vector<16xi32>
        %sub3A_132 = vector.broadcast %mul3A_2 : i32 to vector<16xi32>
        %sub3A_133 = arith.subi %get3A_118, %sub3A_132 : vector<16xi32>
        %shift_left3A_134 = arith.constant 19 : i32
        %shift_left3A_135 = vector.broadcast %shift_left3A_134 : i32 to vector<16xi32>
        %shift_left3A_136 = arith.shli %sub3A_133, %shift_left3A_135 : vector<16xi32>
        %or3A_137 = arith.ori %add3A_131, %shift_left3A_136 : vector<16xi32>
        %swap3A_138 = arith.index_cast %add3A_114 : i32 to index
        %swap3A_139 = tpu.vector_load %arg6[%swap3A_138] masked %and3A_123 {strides = array<i32>} : memref<10880xi32, #tpu.memory_space<vmem>>, vector<16xi32>, vector<16xi1>
        tpu.vector_store %arg6[%swap3A_138], %or3A_137 masked %and3A_123 {strides = array<i32>} : memref<10880xi32, #tpu.memory_space<vmem>>, vector<16xi32>, vector<16xi1>
        %all_reduce_population_count3A_140 = tpu.all_reduce %and3A_123 {dim = 0 : i64, kind = #tpu.reduction_kind<sum>} : vector<16xi1> -> vector<16xi32>
        %slice3A_141 = vector.extract_strided_slice %all_reduce_population_count3A_140 {offsets = [0], sizes = [1], strides = [1]} : vector<16xi32> to vector<1xi32>
        %squeeze3A_142 = vector.extract %slice3A_141[0] : i32 from vector<1xi32>
        %add3A_143 = arith.addi %add3A_114, %squeeze3A_142 : i32
        %mul3A_144 = arith.constant 16 : i32
        %mul3A_145 = arith.muli %add3A_68, %mul3A_144 : i32
        %get3A_146 = arith.index_cast %mul3A_145 : i32 to index
        %get3A_147 = tpu.vector_load %arg5[%get3A_146] {strides = array<i32>} : memref<1600xi32, #tpu.memory_space<vmem>>, vector<16xi32>,
        %ge3A_148 = vector.broadcast %mul3A_2 : i32 to vector<16xi32>
        %ge3A_149 = arith.cmpi sge, %get3A_147, %ge3A_148 : vector<16xi32>
        %lt3A_150 = vector.broadcast %add3A_4 : i32 to vector<16xi32>
        %lt3A_151 = arith.cmpi slt, %get3A_147, %lt3A_150 : vector<16xi32>
        %and3A_152 = arith.andi %ge3A_149, %lt3A_151 : vector<16xi1>
        %mul3A_153 = arith.constant 1600 : i32
        %mul3A_154 = arith.muli %add3A_46, %mul3A_153 : i32
        %mul3A_155 = arith.constant 16 : i32
        %mul3A_156 = arith.muli %add3A_68, %mul3A_155 : i32
        %add3A_157 = arith.addi %mul3A_154, %mul3A_156 : i32
        %iota3A_158 = tpu.iota {dimensions = array<i32: 0>} : vector<16xi32>
        %add3A_159 = vector.broadcast %add3A_157 : i32 to vector<16xi32>
        %add3A_160 = arith.addi %add3A_159, %iota3A_158 : vector<16xi32>
        %sub3A_161 = vector.broadcast %mul3A_2 : i32 to vector<16xi32>
        %sub3A_162 = arith.subi %get3A_147, %sub3A_161 : vector<16xi32>
        %shift_left3A_163 = arith.constant 19 : i32
        %shift_left3A_164 = vector.broadcast %shift_left3A_163 : i32 to vector<16xi32>
        %shift_left3A_165 = arith.shli %sub3A_162, %shift_left3A_164 : vector<16xi32>
        %or3A_166 = arith.ori %add3A_160, %shift_left3A_165 : vector<16xi32>
        %swap3A_167 = arith.index_cast %add3A_143 : i32 to index
        %swap3A_168 = tpu.vector_load %arg6[%swap3A_167] masked %and3A_152 {strides = array<i32>} : memref<10880xi32, #tpu.memory_space<vmem>>, vector<16xi32>, vector<16xi1>
        tpu.vector_store %arg6[%swap3A_167], %or3A_166 masked %and3A_152 {strides = array<i32>} : memref<10880xi32, #tpu.memory_space<vmem>>, vector<16xi32>, vector<16xi1>
        %all_reduce_population_count3A_169 = tpu.all_reduce %and3A_152 {dim = 0 : i64, kind = #tpu.reduction_kind<sum>} : vector<16xi1> -> vector<16xi32>
        %slice3A_170 = vector.extract_strided_slice %all_reduce_population_count3A_169 {offsets = [0], sizes = [1], strides = [1]} : vector<16xi32> to vector<1xi32>
        %squeeze3A_171 = vector.extract %slice3A_170[0] : i32 from vector<1xi32>
        %add3A_172 = arith.addi %add3A_143, %squeeze3A_171 : i32
        scf.yield %add3A_172 : i32
      }
      %scan3A_52 = arith.constant 25 : i32
      scf.yield %scan3A_51 : i32
    }
    %scan3A_10 = arith.constant 100 : i32
    %scan3A_11 = arith.constant 0 : i32
    %scan3A_12 = arith.constant 0 : i32
    %scan3A_13 = arith.constant 680 : i32
    %scan3A_14 = arith.addi %scan3A_12, %scan3A_13 : i32
    %scan3A_15 = arith.constant 1 : i32
    scf.for %scan3A_17 = %scan3A_12 to %scan3A_14 step %scan3A_15  : i32 {
      %mul3A_18 = arith.constant 16 : i32
      %mul3A_19 = arith.muli %scan3A_17, %mul3A_18 : i32
      %iota3A = tpu.iota {dimensions = array<i32: 0>} : vector<16xi32>
      %add3A_20 = vector.broadcast %mul3A_19 : i32 to vector<16xi32>
      %add3A_21 = arith.addi %add3A_20, %iota3A : vector<16xi32>
      %or3A = arith.constant 167772160 : i32
      %or3A_22 = vector.broadcast %or3A : i32 to vector<16xi32>
      %or3A_23 = arith.ori %add3A_21, %or3A_22 : vector<16xi32>
      %ge3A = vector.broadcast %scan3A_9 : i32 to vector<16xi32>
      %ge3A_24 = arith.cmpi sge, %add3A_21, %ge3A : vector<16xi32>
      tpu.vector_store_idx %arg6[%add3A_21], %or3A_23 masked %ge3A_24 : memref<10880xi32, #tpu.memory_space<vmem>>[vector<16xi32>], vector<16xi32>, vector<16xi1>
    }
    %scan3A_16 = arith.constant 680 : i32
    "tpu.region"() ({
      %run_scoped3A = tpu.sem_alloc : memref<!tpu.dma_semaphore, #tpu.memory_space<semaphore_mem>>
      %dma_start3A = arith.constant 0 : i32
      %dma_start3A_17 = tpu.memref_slice %arg3[%add3A, %dma_start3A] : memref<32x10880xi32, #tpu.memory_space<hbm>> -> memref<1x10880xi32, #tpu.memory_space<hbm>>
      %dma_start3A_18 = tpu.memref_squeeze %dma_start3A_17 : memref<1x10880xi32, #tpu.memory_space<hbm>> -> memref<10880xi32, #tpu.memory_space<hbm>>
      %dma_start3A_19 = arith.constant 0 : i32
      %dma_start3A_20 = tpu.memref_slice %arg3[%add3A, %dma_start3A_19] : memref<32x10880xi32, #tpu.memory_space<hbm>> -> memref<1x10880xi32, #tpu.memory_space<hbm>>
      %dma_start3A_21 = tpu.memref_squeeze %dma_start3A_20 : memref<1x10880xi32, #tpu.memory_space<hbm>> -> memref<10880xi32, #tpu.memory_space<hbm>>
      tpu.enqueue_dma source(%arg6 : memref<10880xi32, #tpu.memory_space<vmem>>) target(%dma_start3A_21 : memref<10880xi32, #tpu.memory_space<hbm>>) target_semaphore(%run_scoped3A : memref<!tpu.dma_semaphore, #tpu.memory_space<semaphore_mem>>)
      %dma_wait3A = arith.constant 0 : i32
      %dma_wait3A_22 = tpu.memref_slice %arg3[%add3A, %dma_wait3A] : memref<32x10880xi32, #tpu.memory_space<hbm>> -> memref<1x10880xi32, #tpu.memory_space<hbm>>
      %dma_wait3A_23 = tpu.memref_squeeze %dma_wait3A_22 : memref<1x10880xi32, #tpu.memory_space<hbm>> -> memref<10880xi32, #tpu.memory_space<hbm>>
      %dma_wait3A_24 = arith.constant 0 : i32
      %dma_wait3A_25 = tpu.memref_slice %arg3[%add3A, %dma_wait3A_24] : memref<32x10880xi32, #tpu.memory_space<hbm>> -> memref<1x10880xi32, #tpu.memory_space<hbm>>
      %dma_wait3A_26 = tpu.memref_squeeze %dma_wait3A_25 : memref<1x10880xi32, #tpu.memory_space<hbm>> -> memref<10880xi32, #tpu.memory_space<hbm>>
      tpu.wait_dma2 semaphore(%run_scoped3A : memref<!tpu.dma_semaphore, #tpu.memory_space<semaphore_mem>>) src(%arg6 : memref<10880xi32, #tpu.memory_space<vmem>>) dst(%dma_wait3A_26 : memref<10880xi32, #tpu.memory_space<hbm>>)
      tpu.yield
    }) : () -> ()
    return
  }
}

#map = affine_map<(d0, d1) -> (0, 0)>
#map1 = affine_map<(d0, d1) -> (0)>
module attributes {stable_mosaic.version = 14 : i64} {
  func.func @sc_scatter(%arg0: i32, %arg1: i32, %arg2: memref<320000x256xf32, #tpu.memory_space<hbm>>, %arg3: memref<32x10880xi32, #tpu.memory_space<hbm>>, %arg4: memref<2621440xf32, #tpu.memory_space<hbm>>, %arg5: memref<10880xi32, #tpu.memory_space<vmem>>, %arg6: memref<64xi32, #tpu.memory_space<vmem>>, %arg7: memref<64xi32, #tpu.memory_space<vmem>>, %arg8: memref<64xi32, #tpu.memory_space<vmem>>, %arg9: memref<64xi32, #tpu.memory_space<vmem>>, %arg10: memref<64x256xf32, #tpu.memory_space<vmem>>, %arg11: memref<64x256xf32, #tpu.memory_space<vmem>>, %arg12: memref<82176xf32, #tpu.memory_space<vmem>>, %arg13: memref<!tpu.dma_semaphore, #tpu.memory_space<semaphore_mem>>, %arg14: memref<!tpu.dma_semaphore, #tpu.memory_space<semaphore_mem>>) attributes {dimension_semantics = [#tpu.dimension_semantics<core_parallel>, #tpu.dimension_semantics<subcore_parallel>], iteration_bounds = array<i64: 2, 16>, scalar_prefetch = 0 : i64, scratch_operands = 10 : i64, tpu.core_type = #tpu.core_type<sc_vector_subcore>, window_params = [{transform_indices = #map}, {transform_indices = #map}, {transform_indices = #map1}]} {
    %mul3A = arith.constant 2 : i32
    %mul3A_0 = arith.muli %arg1, %mul3A : i32
    %add3A = arith.addi %mul3A_0, %arg0 : i32
    %mul3A_1 = arith.constant 320 : i32
    %mul3A_2 = arith.muli %add3A, %mul3A_1 : i32
    %dma_start3A = arith.constant 0 : i32
    %dma_start3A_3 = tpu.memref_slice %arg3[%add3A, %dma_start3A] : memref<32x10880xi32, #tpu.memory_space<hbm>> -> memref<1x10880xi32, #tpu.memory_space<hbm>>
    %dma_start3A_4 = tpu.memref_squeeze %dma_start3A_3 : memref<1x10880xi32, #tpu.memory_space<hbm>> -> memref<10880xi32, #tpu.memory_space<hbm>>
    %dma_start3A_5 = arith.constant 0 : i32
    %dma_start3A_6 = tpu.memref_slice %arg3[%add3A, %dma_start3A_5] : memref<32x10880xi32, #tpu.memory_space<hbm>> -> memref<1x10880xi32, #tpu.memory_space<hbm>>
    %dma_start3A_7 = tpu.memref_squeeze %dma_start3A_6 : memref<1x10880xi32, #tpu.memory_space<hbm>> -> memref<10880xi32, #tpu.memory_space<hbm>>
    tpu.enqueue_dma source(%dma_start3A_7 : memref<10880xi32, #tpu.memory_space<hbm>>) target(%arg5 : memref<10880xi32, #tpu.memory_space<vmem>>) target_semaphore(%arg14 : memref<!tpu.dma_semaphore, #tpu.memory_space<semaphore_mem>>)
    %scan3A = arith.constant 0 : i32
    %scan3A_8 = arith.constant 0 : i32
    %scan3A_9 = arith.constant 1284 : i32
    %scan3A_10 = arith.addi %scan3A_8, %scan3A_9 : i32
    %scan3A_11 = arith.constant 1 : i32
    scf.for %scan3A_26 = %scan3A_8 to %scan3A_10 step %scan3A_11  : i32 {
      %broadcast_in_dim3A = arith.constant 0.000000e+00 : f32
      %broadcast_in_dim3A_27 = vector.broadcast %broadcast_in_dim3A : f32 to vector<16xf32>
      %mul3A_28 = arith.constant 4 : i32
      %mul3A_29 = arith.muli %scan3A_26, %mul3A_28 : i32
      %add3A_30 = arith.constant 0 : i32
      %add3A_31 = arith.addi %mul3A_29, %add3A_30 : i32
      %mul3A_32 = arith.constant 16 : i32
      %mul3A_33 = arith.muli %add3A_31, %mul3A_32 : i32
      %swap3A = arith.index_cast %mul3A_33 : i32 to index
      %swap3A_34 = tpu.vector_load %arg12[%swap3A] {strides = array<i32>} : memref<82176xf32, #tpu.memory_space<vmem>>, vector<16xf32>,
      tpu.vector_store %arg12[%swap3A], %broadcast_in_dim3A_27 {strides = array<i32>} : memref<82176xf32, #tpu.memory_space<vmem>>, vector<16xf32>,
      %broadcast_in_dim3A_35 = arith.constant 0.000000e+00 : f32
      %broadcast_in_dim3A_36 = vector.broadcast %broadcast_in_dim3A_35 : f32 to vector<16xf32>
      %mul3A_37 = arith.constant 4 : i32
      %mul3A_38 = arith.muli %scan3A_26, %mul3A_37 : i32
      %add3A_39 = arith.constant 1 : i32
      %add3A_40 = arith.addi %mul3A_38, %add3A_39 : i32
      %mul3A_41 = arith.constant 16 : i32
      %mul3A_42 = arith.muli %add3A_40, %mul3A_41 : i32
      %swap3A_43 = arith.index_cast %mul3A_42 : i32 to index
      %swap3A_44 = tpu.vector_load %arg12[%swap3A_43] {strides = array<i32>} : memref<82176xf32, #tpu.memory_space<vmem>>, vector<16xf32>,
      tpu.vector_store %arg12[%swap3A_43], %broadcast_in_dim3A_36 {strides = array<i32>} : memref<82176xf32, #tpu.memory_space<vmem>>, vector<16xf32>,
      %broadcast_in_dim3A_45 = arith.constant 0.000000e+00 : f32
      %broadcast_in_dim3A_46 = vector.broadcast %broadcast_in_dim3A_45 : f32 to vector<16xf32>
      %mul3A_47 = arith.constant 4 : i32
      %mul3A_48 = arith.muli %scan3A_26, %mul3A_47 : i32
      %add3A_49 = arith.constant 2 : i32
      %add3A_50 = arith.addi %mul3A_48, %add3A_49 : i32
      %mul3A_51 = arith.constant 16 : i32
      %mul3A_52 = arith.muli %add3A_50, %mul3A_51 : i32
      %swap3A_53 = arith.index_cast %mul3A_52 : i32 to index
      %swap3A_54 = tpu.vector_load %arg12[%swap3A_53] {strides = array<i32>} : memref<82176xf32, #tpu.memory_space<vmem>>, vector<16xf32>,
      tpu.vector_store %arg12[%swap3A_53], %broadcast_in_dim3A_46 {strides = array<i32>} : memref<82176xf32, #tpu.memory_space<vmem>>, vector<16xf32>,
      %broadcast_in_dim3A_55 = arith.constant 0.000000e+00 : f32
      %broadcast_in_dim3A_56 = vector.broadcast %broadcast_in_dim3A_55 : f32 to vector<16xf32>
      %mul3A_57 = arith.constant 4 : i32
      %mul3A_58 = arith.muli %scan3A_26, %mul3A_57 : i32
      %add3A_59 = arith.constant 3 : i32
      %add3A_60 = arith.addi %mul3A_58, %add3A_59 : i32
      %mul3A_61 = arith.constant 16 : i32
      %mul3A_62 = arith.muli %add3A_60, %mul3A_61 : i32
      %swap3A_63 = arith.index_cast %mul3A_62 : i32 to index
      %swap3A_64 = tpu.vector_load %arg12[%swap3A_63] {strides = array<i32>} : memref<82176xf32, #tpu.memory_space<vmem>>, vector<16xf32>,
      tpu.vector_store %arg12[%swap3A_63], %broadcast_in_dim3A_56 {strides = array<i32>} : memref<82176xf32, #tpu.memory_space<vmem>>, vector<16xf32>,
    }
    %scan3A_12 = arith.constant 1284 : i32
    %dma_wait3A = arith.constant 0 : i32
    %dma_wait3A_13 = tpu.memref_slice %arg3[%add3A, %dma_wait3A] : memref<32x10880xi32, #tpu.memory_space<hbm>> -> memref<1x10880xi32, #tpu.memory_space<hbm>>
    %dma_wait3A_14 = tpu.memref_squeeze %dma_wait3A_13 : memref<1x10880xi32, #tpu.memory_space<hbm>> -> memref<10880xi32, #tpu.memory_space<hbm>>
    %dma_wait3A_15 = arith.constant 0 : i32
    %dma_wait3A_16 = tpu.memref_slice %arg3[%add3A, %dma_wait3A_15] : memref<32x10880xi32, #tpu.memory_space<hbm>> -> memref<1x10880xi32, #tpu.memory_space<hbm>>
    %dma_wait3A_17 = tpu.memref_squeeze %dma_wait3A_16 : memref<1x10880xi32, #tpu.memory_space<hbm>> -> memref<10880xi32, #tpu.memory_space<hbm>>
    tpu.wait_dma2 semaphore(%arg14 : memref<!tpu.dma_semaphore, #tpu.memory_space<semaphore_mem>>) src(%dma_wait3A_17 : memref<10880xi32, #tpu.memory_space<hbm>>) dst(%arg5 : memref<10880xi32, #tpu.memory_space<vmem>>)
    %scan3A_18 = arith.constant 0 : i32
    %scan3A_19 = arith.constant 0 : i32
    %scan3A_20 = arith.constant 85 : i32
    %scan3A_21 = arith.addi %scan3A_19, %scan3A_20 : i32
    %scan3A_22 = arith.constant 1 : i32
    scf.for %scan3A_26 = %scan3A_19 to %scan3A_21 step %scan3A_22  : i32 {
      %mul3A_27 = arith.constant 2 : i32
      %mul3A_28 = arith.muli %mul3A_27, %scan3A_26 : i32
      %mul3A_29 = arith.constant 64 : i32
      %mul3A_30 = arith.muli %mul3A_28, %mul3A_29 : i32
      %add3A_31 = arith.constant 0 : i32
      %add3A_32 = arith.addi %mul3A_30, %add3A_31 : i32
      %get3A = arith.index_cast %add3A_32 : i32 to index
      %get3A_33 = tpu.vector_load %arg5[%get3A] {strides = array<i32>} : memref<10880xi32, #tpu.memory_space<vmem>>, vector<16xi32>,
      %and3A = arith.constant 524287 : i32
      %and3A_34 = vector.broadcast %and3A : i32 to vector<16xi32>
      %and3A_35 = arith.andi %get3A_33, %and3A_34 : vector<16xi32>
      %swap3A = arith.constant 0 : index
      %swap3A_36 = tpu.vector_load %arg6[%swap3A] {strides = array<i32>} : memref<64xi32, #tpu.memory_space<vmem>>, vector<16xi32>,
      tpu.vector_store %arg6[%swap3A], %and3A_35 {strides = array<i32>} : memref<64xi32, #tpu.memory_space<vmem>>, vector<16xi32>,
      %shift_right_arithmetic3A = arith.constant 19 : i32
      %shift_right_arithmetic3A_37 = vector.broadcast %shift_right_arithmetic3A : i32 to vector<16xi32>
      %shift_right_arithmetic3A_38 = arith.shrsi %get3A_33, %shift_right_arithmetic3A_37 : vector<16xi32>
      %swap3A_39 = arith.constant 0 : index
      %swap3A_40 = tpu.vector_load %arg8[%swap3A_39] {strides = array<i32>} : memref<64xi32, #tpu.memory_space<vmem>>, vector<16xi32>,
      tpu.vector_store %arg8[%swap3A_39], %shift_right_arithmetic3A_38 {strides = array<i32>} : memref<64xi32, #tpu.memory_space<vmem>>, vector<16xi32>,
      %mul3A_41 = arith.constant 64 : i32
      %mul3A_42 = arith.muli %mul3A_28, %mul3A_41 : i32
      %add3A_43 = arith.constant 16 : i32
      %add3A_44 = arith.addi %mul3A_42, %add3A_43 : i32
      %get3A_45 = arith.index_cast %add3A_44 : i32 to index
      %get3A_46 = tpu.vector_load %arg5[%get3A_45] {strides = array<i32>} : memref<10880xi32, #tpu.memory_space<vmem>>, vector<16xi32>,
      %and3A_47 = arith.constant 524287 : i32
      %and3A_48 = vector.broadcast %and3A_47 : i32 to vector<16xi32>
      %and3A_49 = arith.andi %get3A_46, %and3A_48 : vector<16xi32>
      %swap3A_50 = arith.constant 16 : index
      %swap3A_51 = tpu.vector_load %arg6[%swap3A_50] {strides = array<i32>} : memref<64xi32, #tpu.memory_space<vmem>>, vector<16xi32>,
      tpu.vector_store %arg6[%swap3A_50], %and3A_49 {strides = array<i32>} : memref<64xi32, #tpu.memory_space<vmem>>, vector<16xi32>,
      %shift_right_arithmetic3A_52 = arith.constant 19 : i32
      %shift_right_arithmetic3A_53 = vector.broadcast %shift_right_arithmetic3A_52 : i32 to vector<16xi32>
      %shift_right_arithmetic3A_54 = arith.shrsi %get3A_46, %shift_right_arithmetic3A_53 : vector<16xi32>
      %swap3A_55 = arith.constant 16 : index
      %swap3A_56 = tpu.vector_load %arg8[%swap3A_55] {strides = array<i32>} : memref<64xi32, #tpu.memory_space<vmem>>, vector<16xi32>,
      tpu.vector_store %arg8[%swap3A_55], %shift_right_arithmetic3A_54 {strides = array<i32>} : memref<64xi32, #tpu.memory_space<vmem>>, vector<16xi32>,
      %mul3A_57 = arith.constant 64 : i32
      %mul3A_58 = arith.muli %mul3A_28, %mul3A_57 : i32
      %add3A_59 = arith.constant 32 : i32
      %add3A_60 = arith.addi %mul3A_58, %add3A_59 : i32
      %get3A_61 = arith.index_cast %add3A_60 : i32 to index
      %get3A_62 = tpu.vector_load %arg5[%get3A_61] {strides = array<i32>} : memref<10880xi32, #tpu.memory_space<vmem>>, vector<16xi32>,
      %and3A_63 = arith.constant 524287 : i32
      %and3A_64 = vector.broadcast %and3A_63 : i32 to vector<16xi32>
      %and3A_65 = arith.andi %get3A_62, %and3A_64 : vector<16xi32>
      %swap3A_66 = arith.constant 32 : index
      %swap3A_67 = tpu.vector_load %arg6[%swap3A_66] {strides = array<i32>} : memref<64xi32, #tpu.memory_space<vmem>>, vector<16xi32>,
      tpu.vector_store %arg6[%swap3A_66], %and3A_65 {strides = array<i32>} : memref<64xi32, #tpu.memory_space<vmem>>, vector<16xi32>,
      %shift_right_arithmetic3A_68 = arith.constant 19 : i32
      %shift_right_arithmetic3A_69 = vector.broadcast %shift_right_arithmetic3A_68 : i32 to vector<16xi32>
      %shift_right_arithmetic3A_70 = arith.shrsi %get3A_62, %shift_right_arithmetic3A_69 : vector<16xi32>
      %swap3A_71 = arith.constant 32 : index
      %swap3A_72 = tpu.vector_load %arg8[%swap3A_71] {strides = array<i32>} : memref<64xi32, #tpu.memory_space<vmem>>, vector<16xi32>,
      tpu.vector_store %arg8[%swap3A_71], %shift_right_arithmetic3A_70 {strides = array<i32>} : memref<64xi32, #tpu.memory_space<vmem>>, vector<16xi32>,
      %mul3A_73 = arith.constant 64 : i32
      %mul3A_74 = arith.muli %mul3A_28, %mul3A_73 : i32
      %add3A_75 = arith.constant 48 : i32
      %add3A_76 = arith.addi %mul3A_74, %add3A_75 : i32
      %get3A_77 = arith.index_cast %add3A_76 : i32 to index
      %get3A_78 = tpu.vector_load %arg5[%get3A_77] {strides = array<i32>} : memref<10880xi32, #tpu.memory_space<vmem>>, vector<16xi32>,
      %and3A_79 = arith.constant 524287 : i32
      %and3A_80 = vector.broadcast %and3A_79 : i32 to vector<16xi32>
      %and3A_81 = arith.andi %get3A_78, %and3A_80 : vector<16xi32>
      %swap3A_82 = arith.constant 48 : index
      %swap3A_83 = tpu.vector_load %arg6[%swap3A_82] {strides = array<i32>} : memref<64xi32, #tpu.memory_space<vmem>>, vector<16xi32>,
      tpu.vector_store %arg6[%swap3A_82], %and3A_81 {strides = array<i32>} : memref<64xi32, #tpu.memory_space<vmem>>, vector<16xi32>,
      %shift_right_arithmetic3A_84 = arith.constant 19 : i32
      %shift_right_arithmetic3A_85 = vector.broadcast %shift_right_arithmetic3A_84 : i32 to vector<16xi32>
      %shift_right_arithmetic3A_86 = arith.shrsi %get3A_78, %shift_right_arithmetic3A_85 : vector<16xi32>
      %swap3A_87 = arith.constant 48 : index
      %swap3A_88 = tpu.vector_load %arg8[%swap3A_87] {strides = array<i32>} : memref<64xi32, #tpu.memory_space<vmem>>, vector<16xi32>,
      tpu.vector_store %arg8[%swap3A_87], %shift_right_arithmetic3A_86 {strides = array<i32>} : memref<64xi32, #tpu.memory_space<vmem>>, vector<16xi32>,
      %dma_start3A_89 = arith.constant 0 : i32
      %dma_start3A_90 = arith.constant 0 : i32
      %dma_start3A_91 = tpu.memref_slice %arg2[%dma_start3A_89, %dma_start3A_90] : memref<320000x256xf32, #tpu.memory_space<hbm>> -> memref<320000x256xf32, #tpu.memory_space<hbm>>
      tpu.enqueue_indirect_dma source(%dma_start3A_91 : memref<320000x256xf32, #tpu.memory_space<hbm>>) target(%arg10 : memref<64x256xf32, #tpu.memory_space<vmem>>) offsets(%arg6 : memref<64xi32, #tpu.memory_space<vmem>>) semaphore(%arg13 : memref<!tpu.dma_semaphore, #tpu.memory_space<semaphore_mem>>)
      %mul3A_92 = arith.constant 2 : i32
      %mul3A_93 = arith.muli %mul3A_92, %scan3A_26 : i32
      %add3A_94 = arith.constant 1 : i32
      %add3A_95 = arith.addi %mul3A_93, %add3A_94 : i32
      %mul3A_96 = arith.constant 64 : i32
      %mul3A_97 = arith.muli %add3A_95, %mul3A_96 : i32
      %add3A_98 = arith.constant 0 : i32
      %add3A_99 = arith.addi %mul3A_97, %add3A_98 : i32
      %get3A_100 = arith.index_cast %add3A_99 : i32 to index
      %get3A_101 = tpu.vector_load %arg5[%get3A_100] {strides = array<i32>} : memref<10880xi32, #tpu.memory_space<vmem>>, vector<16xi32>,
      %and3A_102 = arith.constant 524287 : i32
      %and3A_103 = vector.broadcast %and3A_102 : i32 to vector<16xi32>
      %and3A_104 = arith.andi %get3A_101, %and3A_103 : vector<16xi32>
      %swap3A_105 = arith.constant 0 : index
      %swap3A_106 = tpu.vector_load %arg7[%swap3A_105] {strides = array<i32>} : memref<64xi32, #tpu.memory_space<vmem>>, vector<16xi32>,
      tpu.vector_store %arg7[%swap3A_105], %and3A_104 {strides = array<i32>} : memref<64xi32, #tpu.memory_space<vmem>>, vector<16xi32>,
      %shift_right_arithmetic3A_107 = arith.constant 19 : i32
      %shift_right_arithmetic3A_108 = vector.broadcast %shift_right_arithmetic3A_107 : i32 to vector<16xi32>
      %shift_right_arithmetic3A_109 = arith.shrsi %get3A_101, %shift_right_arithmetic3A_108 : vector<16xi32>
      %swap3A_110 = arith.constant 0 : index
      %swap3A_111 = tpu.vector_load %arg9[%swap3A_110] {strides = array<i32>} : memref<64xi32, #tpu.memory_space<vmem>>, vector<16xi32>,
      tpu.vector_store %arg9[%swap3A_110], %shift_right_arithmetic3A_109 {strides = array<i32>} : memref<64xi32, #tpu.memory_space<vmem>>, vector<16xi32>,
      %mul3A_112 = arith.constant 64 : i32
      %mul3A_113 = arith.muli %add3A_95, %mul3A_112 : i32
      %add3A_114 = arith.constant 16 : i32
      %add3A_115 = arith.addi %mul3A_113, %add3A_114 : i32
      %get3A_116 = arith.index_cast %add3A_115 : i32 to index
      %get3A_117 = tpu.vector_load %arg5[%get3A_116] {strides = array<i32>} : memref<10880xi32, #tpu.memory_space<vmem>>, vector<16xi32>,
      %and3A_118 = arith.constant 524287 : i32
      %and3A_119 = vector.broadcast %and3A_118 : i32 to vector<16xi32>
      %and3A_120 = arith.andi %get3A_117, %and3A_119 : vector<16xi32>
      %swap3A_121 = arith.constant 16 : index
      %swap3A_122 = tpu.vector_load %arg7[%swap3A_121] {strides = array<i32>} : memref<64xi32, #tpu.memory_space<vmem>>, vector<16xi32>,
      tpu.vector_store %arg7[%swap3A_121], %and3A_120 {strides = array<i32>} : memref<64xi32, #tpu.memory_space<vmem>>, vector<16xi32>,
      %shift_right_arithmetic3A_123 = arith.constant 19 : i32
      %shift_right_arithmetic3A_124 = vector.broadcast %shift_right_arithmetic3A_123 : i32 to vector<16xi32>
      %shift_right_arithmetic3A_125 = arith.shrsi %get3A_117, %shift_right_arithmetic3A_124 : vector<16xi32>
      %swap3A_126 = arith.constant 16 : index
      %swap3A_127 = tpu.vector_load %arg9[%swap3A_126] {strides = array<i32>} : memref<64xi32, #tpu.memory_space<vmem>>, vector<16xi32>,
      tpu.vector_store %arg9[%swap3A_126], %shift_right_arithmetic3A_125 {strides = array<i32>} : memref<64xi32, #tpu.memory_space<vmem>>, vector<16xi32>,
      %mul3A_128 = arith.constant 64 : i32
      %mul3A_129 = arith.muli %add3A_95, %mul3A_128 : i32
      %add3A_130 = arith.constant 32 : i32
      %add3A_131 = arith.addi %mul3A_129, %add3A_130 : i32
      %get3A_132 = arith.index_cast %add3A_131 : i32 to index
      %get3A_133 = tpu.vector_load %arg5[%get3A_132] {strides = array<i32>} : memref<10880xi32, #tpu.memory_space<vmem>>, vector<16xi32>,
      %and3A_134 = arith.constant 524287 : i32
      %and3A_135 = vector.broadcast %and3A_134 : i32 to vector<16xi32>
      %and3A_136 = arith.andi %get3A_133, %and3A_135 : vector<16xi32>
      %swap3A_137 = arith.constant 32 : index
      %swap3A_138 = tpu.vector_load %arg7[%swap3A_137] {strides = array<i32>} : memref<64xi32, #tpu.memory_space<vmem>>, vector<16xi32>,
      tpu.vector_store %arg7[%swap3A_137], %and3A_136 {strides = array<i32>} : memref<64xi32, #tpu.memory_space<vmem>>, vector<16xi32>,
      %shift_right_arithmetic3A_139 = arith.constant 19 : i32
      %shift_right_arithmetic3A_140 = vector.broadcast %shift_right_arithmetic3A_139 : i32 to vector<16xi32>
      %shift_right_arithmetic3A_141 = arith.shrsi %get3A_133, %shift_right_arithmetic3A_140 : vector<16xi32>
      %swap3A_142 = arith.constant 32 : index
      %swap3A_143 = tpu.vector_load %arg9[%swap3A_142] {strides = array<i32>} : memref<64xi32, #tpu.memory_space<vmem>>, vector<16xi32>,
      tpu.vector_store %arg9[%swap3A_142], %shift_right_arithmetic3A_141 {strides = array<i32>} : memref<64xi32, #tpu.memory_space<vmem>>, vector<16xi32>,
      %mul3A_144 = arith.constant 64 : i32
      %mul3A_145 = arith.muli %add3A_95, %mul3A_144 : i32
      %add3A_146 = arith.constant 48 : i32
      %add3A_147 = arith.addi %mul3A_145, %add3A_146 : i32
      %get3A_148 = arith.index_cast %add3A_147 : i32 to index
      %get3A_149 = tpu.vector_load %arg5[%get3A_148] {strides = array<i32>} : memref<10880xi32, #tpu.memory_space<vmem>>, vector<16xi32>,
      %and3A_150 = arith.constant 524287 : i32
      %and3A_151 = vector.broadcast %and3A_150 : i32 to vector<16xi32>
      %and3A_152 = arith.andi %get3A_149, %and3A_151 : vector<16xi32>
      %swap3A_153 = arith.constant 48 : index
      %swap3A_154 = tpu.vector_load %arg7[%swap3A_153] {strides = array<i32>} : memref<64xi32, #tpu.memory_space<vmem>>, vector<16xi32>,
      tpu.vector_store %arg7[%swap3A_153], %and3A_152 {strides = array<i32>} : memref<64xi32, #tpu.memory_space<vmem>>, vector<16xi32>,
      %shift_right_arithmetic3A_155 = arith.constant 19 : i32
      %shift_right_arithmetic3A_156 = vector.broadcast %shift_right_arithmetic3A_155 : i32 to vector<16xi32>
      %shift_right_arithmetic3A_157 = arith.shrsi %get3A_149, %shift_right_arithmetic3A_156 : vector<16xi32>
      %swap3A_158 = arith.constant 48 : index
      %swap3A_159 = tpu.vector_load %arg9[%swap3A_158] {strides = array<i32>} : memref<64xi32, #tpu.memory_space<vmem>>, vector<16xi32>,
      tpu.vector_store %arg9[%swap3A_158], %shift_right_arithmetic3A_157 {strides = array<i32>} : memref<64xi32, #tpu.memory_space<vmem>>, vector<16xi32>,
      %dma_start3A_160 = arith.constant 0 : i32
      %dma_start3A_161 = arith.constant 0 : i32
      %dma_start3A_162 = tpu.memref_slice %arg2[%dma_start3A_160, %dma_start3A_161] : memref<320000x256xf32, #tpu.memory_space<hbm>> -> memref<320000x256xf32, #tpu.memory_space<hbm>>
      tpu.enqueue_indirect_dma source(%dma_start3A_162 : memref<320000x256xf32, #tpu.memory_space<hbm>>) target(%arg11 : memref<64x256xf32, #tpu.memory_space<vmem>>) offsets(%arg7 : memref<64xi32, #tpu.memory_space<vmem>>) semaphore(%arg14 : memref<!tpu.dma_semaphore, #tpu.memory_space<semaphore_mem>>)
      %dma_wait3A_163 = arith.constant 0 : i32
      %dma_wait3A_164 = arith.constant 0 : i32
      %dma_wait3A_165 = tpu.memref_slice %arg2[%dma_wait3A_163, %dma_wait3A_164] : memref<320000x256xf32, #tpu.memory_space<hbm>> -> memref<320000x256xf32, #tpu.memory_space<hbm>>
      tpu.wait_indirect_dma semaphore(%arg13 : memref<!tpu.dma_semaphore, #tpu.memory_space<semaphore_mem>>) src(%dma_wait3A_165 : memref<320000x256xf32, #tpu.memory_space<hbm>>) dst(%arg10 : memref<64x256xf32, #tpu.memory_space<vmem>>)
      %scan3A_166 = arith.constant 0 : i32
      %scan3A_167 = arith.constant 0 : i32
      %scan3A_168 = arith.constant 32 : i32
      %scan3A_169 = arith.addi %scan3A_167, %scan3A_168 : i32
      %scan3A_170 = arith.constant 1 : i32
      scf.for %scan3A_181 = %scan3A_167 to %scan3A_169 step %scan3A_170  : i32 {
        %mul3A_182 = arith.constant 2 : i32
        %mul3A_183 = arith.muli %mul3A_182, %scan3A_181 : i32
        %mul3A_184 = arith.constant 2 : i32
        %mul3A_185 = arith.muli %mul3A_184, %scan3A_181 : i32
        %add3A_186 = arith.constant 1 : i32
        %add3A_187 = arith.addi %mul3A_185, %add3A_186 : i32
        %broadcast_in_dim3A = vector.broadcast %mul3A_183 : i32 to vector<16xi32>
        %gather3A = tpu.vector_load_idx %arg8[%broadcast_in_dim3A] : memref<64xi32, #tpu.memory_space<vmem>>[vector<16xi32>], vector<16xi32>,
        %mul3A_188 = arith.constant 256 : i32
        %mul3A_189 = vector.broadcast %mul3A_188 : i32 to vector<16xi32>
        %mul3A_190 = arith.muli %gather3A, %mul3A_189 : vector<16xi32>
        %iota3A = tpu.iota {dimensions = array<i32: 0>} : vector<16xi32>
        %add3A_191 = arith.addi %mul3A_190, %iota3A : vector<16xi32>
        %get3A_192 = arith.index_cast %mul3A_183 : i32 to index
        %get3A_193 = arith.constant 0 : index
        %get3A_194 = tpu.vector_load %arg10[%get3A_192, %get3A_193] {strides = array<i32>} : memref<64x256xf32, #tpu.memory_space<vmem>>, vector<16xf32>,
        %add3A_195 = arith.constant 0 : i32
        %add3A_196 = vector.broadcast %add3A_195 : i32 to vector<16xi32>
        %add3A_197 = arith.addi %add3A_191, %add3A_196 : vector<16xi32>
        tpu.vector_store_idx %arg12[%add3A_197], %get3A_194 {add = true} : memref<82176xf32, #tpu.memory_space<vmem>>[vector<16xi32>], vector<16xf32>,
        %get3A_198 = arith.index_cast %mul3A_183 : i32 to index
        %get3A_199 = arith.constant 16 : index
        %get3A_200 = tpu.vector_load %arg10[%get3A_198, %get3A_199] {strides = array<i32>} : memref<64x256xf32, #tpu.memory_space<vmem>>, vector<16xf32>,
        %add3A_201 = arith.constant 16 : i32
        %add3A_202 = vector.broadcast %add3A_201 : i32 to vector<16xi32>
        %add3A_203 = arith.addi %add3A_191, %add3A_202 : vector<16xi32>
        tpu.vector_store_idx %arg12[%add3A_203], %get3A_200 {add = true} : memref<82176xf32, #tpu.memory_space<vmem>>[vector<16xi32>], vector<16xf32>,
        %get3A_204 = arith.index_cast %mul3A_183 : i32 to index
        %get3A_205 = arith.constant 32 : index
        %get3A_206 = tpu.vector_load %arg10[%get3A_204, %get3A_205] {strides = array<i32>} : memref<64x256xf32, #tpu.memory_space<vmem>>, vector<16xf32>,
        %add3A_207 = arith.constant 32 : i32
        %add3A_208 = vector.broadcast %add3A_207 : i32 to vector<16xi32>
        %add3A_209 = arith.addi %add3A_191, %add3A_208 : vector<16xi32>
        tpu.vector_store_idx %arg12[%add3A_209], %get3A_206 {add = true} : memref<82176xf32, #tpu.memory_space<vmem>>[vector<16xi32>], vector<16xf32>,
        %get3A_210 = arith.index_cast %mul3A_183 : i32 to index
        %get3A_211 = arith.constant 48 : index
        %get3A_212 = tpu.vector_load %arg10[%get3A_210, %get3A_211] {strides = array<i32>} : memref<64x256xf32, #tpu.memory_space<vmem>>, vector<16xf32>,
        %add3A_213 = arith.constant 48 : i32
        %add3A_214 = vector.broadcast %add3A_213 : i32 to vector<16xi32>
        %add3A_215 = arith.addi %add3A_191, %add3A_214 : vector<16xi32>
        tpu.vector_store_idx %arg12[%add3A_215], %get3A_212 {add = true} : memref<82176xf32, #tpu.memory_space<vmem>>[vector<16xi32>], vector<16xf32>,
        %get3A_216 = arith.index_cast %mul3A_183 : i32 to index
        %get3A_217 = arith.constant 64 : index
        %get3A_218 = tpu.vector_load %arg10[%get3A_216, %get3A_217] {strides = array<i32>} : memref<64x256xf32, #tpu.memory_space<vmem>>, vector<16xf32>,
        %add3A_219 = arith.constant 64 : i32
        %add3A_220 = vector.broadcast %add3A_219 : i32 to vector<16xi32>
        %add3A_221 = arith.addi %add3A_191, %add3A_220 : vector<16xi32>
        tpu.vector_store_idx %arg12[%add3A_221], %get3A_218 {add = true} : memref<82176xf32, #tpu.memory_space<vmem>>[vector<16xi32>], vector<16xf32>,
        %get3A_222 = arith.index_cast %mul3A_183 : i32 to index
        %get3A_223 = arith.constant 80 : index
        %get3A_224 = tpu.vector_load %arg10[%get3A_222, %get3A_223] {strides = array<i32>} : memref<64x256xf32, #tpu.memory_space<vmem>>, vector<16xf32>,
        %add3A_225 = arith.constant 80 : i32
        %add3A_226 = vector.broadcast %add3A_225 : i32 to vector<16xi32>
        %add3A_227 = arith.addi %add3A_191, %add3A_226 : vector<16xi32>
        tpu.vector_store_idx %arg12[%add3A_227], %get3A_224 {add = true} : memref<82176xf32, #tpu.memory_space<vmem>>[vector<16xi32>], vector<16xf32>,
        %get3A_228 = arith.index_cast %mul3A_183 : i32 to index
        %get3A_229 = arith.constant 96 : index
        %get3A_230 = tpu.vector_load %arg10[%get3A_228, %get3A_229] {strides = array<i32>} : memref<64x256xf32, #tpu.memory_space<vmem>>, vector<16xf32>,
        %add3A_231 = arith.constant 96 : i32
        %add3A_232 = vector.broadcast %add3A_231 : i32 to vector<16xi32>
        %add3A_233 = arith.addi %add3A_191, %add3A_232 : vector<16xi32>
        tpu.vector_store_idx %arg12[%add3A_233], %get3A_230 {add = true} : memref<82176xf32, #tpu.memory_space<vmem>>[vector<16xi32>], vector<16xf32>,
        %get3A_234 = arith.index_cast %mul3A_183 : i32 to index
        %get3A_235 = arith.constant 112 : index
        %get3A_236 = tpu.vector_load %arg10[%get3A_234, %get3A_235] {strides = array<i32>} : memref<64x256xf32, #tpu.memory_space<vmem>>, vector<16xf32>,
        %add3A_237 = arith.constant 112 : i32
        %add3A_238 = vector.broadcast %add3A_237 : i32 to vector<16xi32>
        %add3A_239 = arith.addi %add3A_191, %add3A_238 : vector<16xi32>
        tpu.vector_store_idx %arg12[%add3A_239], %get3A_236 {add = true} : memref<82176xf32, #tpu.memory_space<vmem>>[vector<16xi32>], vector<16xf32>,
        %get3A_240 = arith.index_cast %mul3A_183 : i32 to index
        %get3A_241 = arith.constant 128 : index
        %get3A_242 = tpu.vector_load %arg10[%get3A_240, %get3A_241] {strides = array<i32>} : memref<64x256xf32, #tpu.memory_space<vmem>>, vector<16xf32>,
        %add3A_243 = arith.constant 128 : i32
        %add3A_244 = vector.broadcast %add3A_243 : i32 to vector<16xi32>
        %add3A_245 = arith.addi %add3A_191, %add3A_244 : vector<16xi32>
        tpu.vector_store_idx %arg12[%add3A_245], %get3A_242 {add = true} : memref<82176xf32, #tpu.memory_space<vmem>>[vector<16xi32>], vector<16xf32>,
        %broadcast_in_dim3A_246 = vector.broadcast %add3A_187 : i32 to vector<16xi32>
        %gather3A_247 = tpu.vector_load_idx %arg8[%broadcast_in_dim3A_246] : memref<64xi32, #tpu.memory_space<vmem>>[vector<16xi32>], vector<16xi32>,
        %mul3A_248 = arith.constant 256 : i32
        %mul3A_249 = vector.broadcast %mul3A_248 : i32 to vector<16xi32>
        %mul3A_250 = arith.muli %gather3A_247, %mul3A_249 : vector<16xi32>
        %iota3A_251 = tpu.iota {dimensions = array<i32: 0>} : vector<16xi32>
        %add3A_252 = arith.addi %mul3A_250, %iota3A_251 : vector<16xi32>
        %get3A_253 = arith.index_cast %add3A_187 : i32 to index
        %get3A_254 = arith.constant 0 : index
        %get3A_255 = tpu.vector_load %arg10[%get3A_253, %get3A_254] {strides = array<i32>} : memref<64x256xf32, #tpu.memory_space<vmem>>, vector<16xf32>,
        %add3A_256 = arith.constant 0 : i32
        %add3A_257 = vector.broadcast %add3A_256 : i32 to vector<16xi32>
        %add3A_258 = arith.addi %add3A_252, %add3A_257 : vector<16xi32>
        tpu.vector_store_idx %arg12[%add3A_258], %get3A_255 {add = true} : memref<82176xf32, #tpu.memory_space<vmem>>[vector<16xi32>], vector<16xf32>,
        %get3A_259 = arith.index_cast %add3A_187 : i32 to index
        %get3A_260 = arith.constant 16 : index
        %get3A_261 = tpu.vector_load %arg10[%get3A_259, %get3A_260] {strides = array<i32>} : memref<64x256xf32, #tpu.memory_space<vmem>>, vector<16xf32>,
        %add3A_262 = arith.constant 16 : i32
        %add3A_263 = vector.broadcast %add3A_262 : i32 to vector<16xi32>
        %add3A_264 = arith.addi %add3A_252, %add3A_263 : vector<16xi32>
        tpu.vector_store_idx %arg12[%add3A_264], %get3A_261 {add = true} : memref<82176xf32, #tpu.memory_space<vmem>>[vector<16xi32>], vector<16xf32>,
        %get3A_265 = arith.index_cast %add3A_187 : i32 to index
        %get3A_266 = arith.constant 32 : index
        %get3A_267 = tpu.vector_load %arg10[%get3A_265, %get3A_266] {strides = array<i32>} : memref<64x256xf32, #tpu.memory_space<vmem>>, vector<16xf32>,
        %add3A_268 = arith.constant 32 : i32
        %add3A_269 = vector.broadcast %add3A_268 : i32 to vector<16xi32>
        %add3A_270 = arith.addi %add3A_252, %add3A_269 : vector<16xi32>
        tpu.vector_store_idx %arg12[%add3A_270], %get3A_267 {add = true} : memref<82176xf32, #tpu.memory_space<vmem>>[vector<16xi32>], vector<16xf32>,
        %get3A_271 = arith.index_cast %add3A_187 : i32 to index
        %get3A_272 = arith.constant 48 : index
        %get3A_273 = tpu.vector_load %arg10[%get3A_271, %get3A_272] {strides = array<i32>} : memref<64x256xf32, #tpu.memory_space<vmem>>, vector<16xf32>,
        %add3A_274 = arith.constant 48 : i32
        %add3A_275 = vector.broadcast %add3A_274 : i32 to vector<16xi32>
        %add3A_276 = arith.addi %add3A_252, %add3A_275 : vector<16xi32>
        tpu.vector_store_idx %arg12[%add3A_276], %get3A_273 {add = true} : memref<82176xf32, #tpu.memory_space<vmem>>[vector<16xi32>], vector<16xf32>,
        %get3A_277 = arith.index_cast %add3A_187 : i32 to index
        %get3A_278 = arith.constant 64 : index
        %get3A_279 = tpu.vector_load %arg10[%get3A_277, %get3A_278] {strides = array<i32>} : memref<64x256xf32, #tpu.memory_space<vmem>>, vector<16xf32>,
        %add3A_280 = arith.constant 64 : i32
        %add3A_281 = vector.broadcast %add3A_280 : i32 to vector<16xi32>
        %add3A_282 = arith.addi %add3A_252, %add3A_281 : vector<16xi32>
        tpu.vector_store_idx %arg12[%add3A_282], %get3A_279 {add = true} : memref<82176xf32, #tpu.memory_space<vmem>>[vector<16xi32>], vector<16xf32>,
        %get3A_283 = arith.index_cast %add3A_187 : i32 to index
        %get3A_284 = arith.constant 80 : index
        %get3A_285 = tpu.vector_load %arg10[%get3A_283, %get3A_284] {strides = array<i32>} : memref<64x256xf32, #tpu.memory_space<vmem>>, vector<16xf32>,
        %add3A_286 = arith.constant 80 : i32
        %add3A_287 = vector.broadcast %add3A_286 : i32 to vector<16xi32>
        %add3A_288 = arith.addi %add3A_252, %add3A_287 : vector<16xi32>
        tpu.vector_store_idx %arg12[%add3A_288], %get3A_285 {add = true} : memref<82176xf32, #tpu.memory_space<vmem>>[vector<16xi32>], vector<16xf32>,
        %get3A_289 = arith.index_cast %add3A_187 : i32 to index
        %get3A_290 = arith.constant 96 : index
        %get3A_291 = tpu.vector_load %arg10[%get3A_289, %get3A_290] {strides = array<i32>} : memref<64x256xf32, #tpu.memory_space<vmem>>, vector<16xf32>,
        %add3A_292 = arith.constant 96 : i32
        %add3A_293 = vector.broadcast %add3A_292 : i32 to vector<16xi32>
        %add3A_294 = arith.addi %add3A_252, %add3A_293 : vector<16xi32>
        tpu.vector_store_idx %arg12[%add3A_294], %get3A_291 {add = true} : memref<82176xf32, #tpu.memory_space<vmem>>[vector<16xi32>], vector<16xf32>,
        %get3A_295 = arith.index_cast %add3A_187 : i32 to index
        %get3A_296 = arith.constant 112 : index
        %get3A_297 = tpu.vector_load %arg10[%get3A_295, %get3A_296] {strides = array<i32>} : memref<64x256xf32, #tpu.memory_space<vmem>>, vector<16xf32>,
        %add3A_298 = arith.constant 112 : i32
        %add3A_299 = vector.broadcast %add3A_298 : i32 to vector<16xi32>
        %add3A_300 = arith.addi %add3A_252, %add3A_299 : vector<16xi32>
        tpu.vector_store_idx %arg12[%add3A_300], %get3A_297 {add = true} : memref<82176xf32, #tpu.memory_space<vmem>>[vector<16xi32>], vector<16xf32>,
        %get3A_301 = arith.index_cast %add3A_187 : i32 to index
        %get3A_302 = arith.constant 128 : index
        %get3A_303 = tpu.vector_load %arg10[%get3A_301, %get3A_302] {strides = array<i32>} : memref<64x256xf32, #tpu.memory_space<vmem>>, vector<16xf32>,
        %add3A_304 = arith.constant 128 : i32
        %add3A_305 = vector.broadcast %add3A_304 : i32 to vector<16xi32>
        %add3A_306 = arith.addi %add3A_252, %add3A_305 : vector<16xi32>
        tpu.vector_store_idx %arg12[%add3A_306], %get3A_303 {add = true} : memref<82176xf32, #tpu.memory_space<vmem>>[vector<16xi32>], vector<16xf32>,
      }
      %scan3A_171 = arith.constant 32 : i32
      %dma_wait3A_172 = arith.constant 0 : i32
      %dma_wait3A_173 = arith.constant 0 : i32
      %dma_wait3A_174 = tpu.memref_slice %arg2[%dma_wait3A_172, %dma_wait3A_173] : memref<320000x256xf32, #tpu.memory_space<hbm>> -> memref<320000x256xf32, #tpu.memory_space<hbm>>
      tpu.wait_indirect_dma semaphore(%arg14 : memref<!tpu.dma_semaphore, #tpu.memory_space<semaphore_mem>>) src(%dma_wait3A_174 : memref<320000x256xf32, #tpu.memory_space<hbm>>) dst(%arg11 : memref<64x256xf32, #tpu.memory_space<vmem>>)
      %scan3A_175 = arith.constant 0 : i32
      %scan3A_176 = arith.constant 0 : i32
      %scan3A_177 = arith.constant 32 : i32
      %scan3A_178 = arith.addi %scan3A_176, %scan3A_177 : i32
      %scan3A_179 = arith.constant 1 : i32
      scf.for %scan3A_181 = %scan3A_176 to %scan3A_178 step %scan3A_179  : i32 {
        %mul3A_182 = arith.constant 2 : i32
        %mul3A_183 = arith.muli %mul3A_182, %scan3A_181 : i32
        %mul3A_184 = arith.constant 2 : i32
        %mul3A_185 = arith.muli %mul3A_184, %scan3A_181 : i32
        %add3A_186 = arith.constant 1 : i32
        %add3A_187 = arith.addi %mul3A_185, %add3A_186 : i32
        %broadcast_in_dim3A = vector.broadcast %mul3A_183 : i32 to vector<16xi32>
        %gather3A = tpu.vector_load_idx %arg9[%broadcast_in_dim3A] : memref<64xi32, #tpu.memory_space<vmem>>[vector<16xi32>], vector<16xi32>,
        %mul3A_188 = arith.constant 256 : i32
        %mul3A_189 = vector.broadcast %mul3A_188 : i32 to vector<16xi32>
        %mul3A_190 = arith.muli %gather3A, %mul3A_189 : vector<16xi32>
        %iota3A = tpu.iota {dimensions = array<i32: 0>} : vector<16xi32>
        %add3A_191 = arith.addi %mul3A_190, %iota3A : vector<16xi32>
        %get3A_192 = arith.index_cast %mul3A_183 : i32 to index
        %get3A_193 = arith.constant 0 : index
        %get3A_194 = tpu.vector_load %arg11[%get3A_192, %get3A_193] {strides = array<i32>} : memref<64x256xf32, #tpu.memory_space<vmem>>, vector<16xf32>,
        %add3A_195 = arith.constant 0 : i32
        %add3A_196 = vector.broadcast %add3A_195 : i32 to vector<16xi32>
        %add3A_197 = arith.addi %add3A_191, %add3A_196 : vector<16xi32>
        tpu.vector_store_idx %arg12[%add3A_197], %get3A_194 {add = true} : memref<82176xf32, #tpu.memory_space<vmem>>[vector<16xi32>], vector<16xf32>,
        %get3A_198 = arith.index_cast %mul3A_183 : i32 to index
        %get3A_199 = arith.constant 16 : index
        %get3A_200 = tpu.vector_load %arg11[%get3A_198, %get3A_199] {strides = array<i32>} : memref<64x256xf32, #tpu.memory_space<vmem>>, vector<16xf32>,
        %add3A_201 = arith.constant 16 : i32
        %add3A_202 = vector.broadcast %add3A_201 : i32 to vector<16xi32>
        %add3A_203 = arith.addi %add3A_191, %add3A_202 : vector<16xi32>
        tpu.vector_store_idx %arg12[%add3A_203], %get3A_200 {add = true} : memref<82176xf32, #tpu.memory_space<vmem>>[vector<16xi32>], vector<16xf32>,
        %get3A_204 = arith.index_cast %mul3A_183 : i32 to index
        %get3A_205 = arith.constant 32 : index
        %get3A_206 = tpu.vector_load %arg11[%get3A_204, %get3A_205] {strides = array<i32>} : memref<64x256xf32, #tpu.memory_space<vmem>>, vector<16xf32>,
        %add3A_207 = arith.constant 32 : i32
        %add3A_208 = vector.broadcast %add3A_207 : i32 to vector<16xi32>
        %add3A_209 = arith.addi %add3A_191, %add3A_208 : vector<16xi32>
        tpu.vector_store_idx %arg12[%add3A_209], %get3A_206 {add = true} : memref<82176xf32, #tpu.memory_space<vmem>>[vector<16xi32>], vector<16xf32>,
        %get3A_210 = arith.index_cast %mul3A_183 : i32 to index
        %get3A_211 = arith.constant 48 : index
        %get3A_212 = tpu.vector_load %arg11[%get3A_210, %get3A_211] {strides = array<i32>} : memref<64x256xf32, #tpu.memory_space<vmem>>, vector<16xf32>,
        %add3A_213 = arith.constant 48 : i32
        %add3A_214 = vector.broadcast %add3A_213 : i32 to vector<16xi32>
        %add3A_215 = arith.addi %add3A_191, %add3A_214 : vector<16xi32>
        tpu.vector_store_idx %arg12[%add3A_215], %get3A_212 {add = true} : memref<82176xf32, #tpu.memory_space<vmem>>[vector<16xi32>], vector<16xf32>,
        %get3A_216 = arith.index_cast %mul3A_183 : i32 to index
        %get3A_217 = arith.constant 64 : index
        %get3A_218 = tpu.vector_load %arg11[%get3A_216, %get3A_217] {strides = array<i32>} : memref<64x256xf32, #tpu.memory_space<vmem>>, vector<16xf32>,
        %add3A_219 = arith.constant 64 : i32
        %add3A_220 = vector.broadcast %add3A_219 : i32 to vector<16xi32>
        %add3A_221 = arith.addi %add3A_191, %add3A_220 : vector<16xi32>
        tpu.vector_store_idx %arg12[%add3A_221], %get3A_218 {add = true} : memref<82176xf32, #tpu.memory_space<vmem>>[vector<16xi32>], vector<16xf32>,
        %get3A_222 = arith.index_cast %mul3A_183 : i32 to index
        %get3A_223 = arith.constant 80 : index
        %get3A_224 = tpu.vector_load %arg11[%get3A_222, %get3A_223] {strides = array<i32>} : memref<64x256xf32, #tpu.memory_space<vmem>>, vector<16xf32>,
        %add3A_225 = arith.constant 80 : i32
        %add3A_226 = vector.broadcast %add3A_225 : i32 to vector<16xi32>
        %add3A_227 = arith.addi %add3A_191, %add3A_226 : vector<16xi32>
        tpu.vector_store_idx %arg12[%add3A_227], %get3A_224 {add = true} : memref<82176xf32, #tpu.memory_space<vmem>>[vector<16xi32>], vector<16xf32>,
        %get3A_228 = arith.index_cast %mul3A_183 : i32 to index
        %get3A_229 = arith.constant 96 : index
        %get3A_230 = tpu.vector_load %arg11[%get3A_228, %get3A_229] {strides = array<i32>} : memref<64x256xf32, #tpu.memory_space<vmem>>, vector<16xf32>,
        %add3A_231 = arith.constant 96 : i32
        %add3A_232 = vector.broadcast %add3A_231 : i32 to vector<16xi32>
        %add3A_233 = arith.addi %add3A_191, %add3A_232 : vector<16xi32>
        tpu.vector_store_idx %arg12[%add3A_233], %get3A_230 {add = true} : memref<82176xf32, #tpu.memory_space<vmem>>[vector<16xi32>], vector<16xf32>,
        %get3A_234 = arith.index_cast %mul3A_183 : i32 to index
        %get3A_235 = arith.constant 112 : index
        %get3A_236 = tpu.vector_load %arg11[%get3A_234, %get3A_235] {strides = array<i32>} : memref<64x256xf32, #tpu.memory_space<vmem>>, vector<16xf32>,
        %add3A_237 = arith.constant 112 : i32
        %add3A_238 = vector.broadcast %add3A_237 : i32 to vector<16xi32>
        %add3A_239 = arith.addi %add3A_191, %add3A_238 : vector<16xi32>
        tpu.vector_store_idx %arg12[%add3A_239], %get3A_236 {add = true} : memref<82176xf32, #tpu.memory_space<vmem>>[vector<16xi32>], vector<16xf32>,
        %get3A_240 = arith.index_cast %mul3A_183 : i32 to index
        %get3A_241 = arith.constant 128 : index
        %get3A_242 = tpu.vector_load %arg11[%get3A_240, %get3A_241] {strides = array<i32>} : memref<64x256xf32, #tpu.memory_space<vmem>>, vector<16xf32>,
        %add3A_243 = arith.constant 128 : i32
        %add3A_244 = vector.broadcast %add3A_243 : i32 to vector<16xi32>
        %add3A_245 = arith.addi %add3A_191, %add3A_244 : vector<16xi32>
        tpu.vector_store_idx %arg12[%add3A_245], %get3A_242 {add = true} : memref<82176xf32, #tpu.memory_space<vmem>>[vector<16xi32>], vector<16xf32>,
        %broadcast_in_dim3A_246 = vector.broadcast %add3A_187 : i32 to vector<16xi32>
        %gather3A_247 = tpu.vector_load_idx %arg9[%broadcast_in_dim3A_246] : memref<64xi32, #tpu.memory_space<vmem>>[vector<16xi32>], vector<16xi32>,
        %mul3A_248 = arith.constant 256 : i32
        %mul3A_249 = vector.broadcast %mul3A_248 : i32 to vector<16xi32>
        %mul3A_250 = arith.muli %gather3A_247, %mul3A_249 : vector<16xi32>
        %iota3A_251 = tpu.iota {dimensions = array<i32: 0>} : vector<16xi32>
        %add3A_252 = arith.addi %mul3A_250, %iota3A_251 : vector<16xi32>
        %get3A_253 = arith.index_cast %add3A_187 : i32 to index
        %get3A_254 = arith.constant 0 : index
        %get3A_255 = tpu.vector_load %arg11[%get3A_253, %get3A_254] {strides = array<i32>} : memref<64x256xf32, #tpu.memory_space<vmem>>, vector<16xf32>,
        %add3A_256 = arith.constant 0 : i32
        %add3A_257 = vector.broadcast %add3A_256 : i32 to vector<16xi32>
        %add3A_258 = arith.addi %add3A_252, %add3A_257 : vector<16xi32>
        tpu.vector_store_idx %arg12[%add3A_258], %get3A_255 {add = true} : memref<82176xf32, #tpu.memory_space<vmem>>[vector<16xi32>], vector<16xf32>,
        %get3A_259 = arith.index_cast %add3A_187 : i32 to index
        %get3A_260 = arith.constant 16 : index
        %get3A_261 = tpu.vector_load %arg11[%get3A_259, %get3A_260] {strides = array<i32>} : memref<64x256xf32, #tpu.memory_space<vmem>>, vector<16xf32>,
        %add3A_262 = arith.constant 16 : i32
        %add3A_263 = vector.broadcast %add3A_262 : i32 to vector<16xi32>
        %add3A_264 = arith.addi %add3A_252, %add3A_263 : vector<16xi32>
        tpu.vector_store_idx %arg12[%add3A_264], %get3A_261 {add = true} : memref<82176xf32, #tpu.memory_space<vmem>>[vector<16xi32>], vector<16xf32>,
        %get3A_265 = arith.index_cast %add3A_187 : i32 to index
        %get3A_266 = arith.constant 32 : index
        %get3A_267 = tpu.vector_load %arg11[%get3A_265, %get3A_266] {strides = array<i32>} : memref<64x256xf32, #tpu.memory_space<vmem>>, vector<16xf32>,
        %add3A_268 = arith.constant 32 : i32
        %add3A_269 = vector.broadcast %add3A_268 : i32 to vector<16xi32>
        %add3A_270 = arith.addi %add3A_252, %add3A_269 : vector<16xi32>
        tpu.vector_store_idx %arg12[%add3A_270], %get3A_267 {add = true} : memref<82176xf32, #tpu.memory_space<vmem>>[vector<16xi32>], vector<16xf32>,
        %get3A_271 = arith.index_cast %add3A_187 : i32 to index
        %get3A_272 = arith.constant 48 : index
        %get3A_273 = tpu.vector_load %arg11[%get3A_271, %get3A_272] {strides = array<i32>} : memref<64x256xf32, #tpu.memory_space<vmem>>, vector<16xf32>,
        %add3A_274 = arith.constant 48 : i32
        %add3A_275 = vector.broadcast %add3A_274 : i32 to vector<16xi32>
        %add3A_276 = arith.addi %add3A_252, %add3A_275 : vector<16xi32>
        tpu.vector_store_idx %arg12[%add3A_276], %get3A_273 {add = true} : memref<82176xf32, #tpu.memory_space<vmem>>[vector<16xi32>], vector<16xf32>,
        %get3A_277 = arith.index_cast %add3A_187 : i32 to index
        %get3A_278 = arith.constant 64 : index
        %get3A_279 = tpu.vector_load %arg11[%get3A_277, %get3A_278] {strides = array<i32>} : memref<64x256xf32, #tpu.memory_space<vmem>>, vector<16xf32>,
        %add3A_280 = arith.constant 64 : i32
        %add3A_281 = vector.broadcast %add3A_280 : i32 to vector<16xi32>
        %add3A_282 = arith.addi %add3A_252, %add3A_281 : vector<16xi32>
        tpu.vector_store_idx %arg12[%add3A_282], %get3A_279 {add = true} : memref<82176xf32, #tpu.memory_space<vmem>>[vector<16xi32>], vector<16xf32>,
        %get3A_283 = arith.index_cast %add3A_187 : i32 to index
        %get3A_284 = arith.constant 80 : index
        %get3A_285 = tpu.vector_load %arg11[%get3A_283, %get3A_284] {strides = array<i32>} : memref<64x256xf32, #tpu.memory_space<vmem>>, vector<16xf32>,
        %add3A_286 = arith.constant 80 : i32
        %add3A_287 = vector.broadcast %add3A_286 : i32 to vector<16xi32>
        %add3A_288 = arith.addi %add3A_252, %add3A_287 : vector<16xi32>
        tpu.vector_store_idx %arg12[%add3A_288], %get3A_285 {add = true} : memref<82176xf32, #tpu.memory_space<vmem>>[vector<16xi32>], vector<16xf32>,
        %get3A_289 = arith.index_cast %add3A_187 : i32 to index
        %get3A_290 = arith.constant 96 : index
        %get3A_291 = tpu.vector_load %arg11[%get3A_289, %get3A_290] {strides = array<i32>} : memref<64x256xf32, #tpu.memory_space<vmem>>, vector<16xf32>,
        %add3A_292 = arith.constant 96 : i32
        %add3A_293 = vector.broadcast %add3A_292 : i32 to vector<16xi32>
        %add3A_294 = arith.addi %add3A_252, %add3A_293 : vector<16xi32>
        tpu.vector_store_idx %arg12[%add3A_294], %get3A_291 {add = true} : memref<82176xf32, #tpu.memory_space<vmem>>[vector<16xi32>], vector<16xf32>,
        %get3A_295 = arith.index_cast %add3A_187 : i32 to index
        %get3A_296 = arith.constant 112 : index
        %get3A_297 = tpu.vector_load %arg11[%get3A_295, %get3A_296] {strides = array<i32>} : memref<64x256xf32, #tpu.memory_space<vmem>>, vector<16xf32>,
        %add3A_298 = arith.constant 112 : i32
        %add3A_299 = vector.broadcast %add3A_298 : i32 to vector<16xi32>
        %add3A_300 = arith.addi %add3A_252, %add3A_299 : vector<16xi32>
        tpu.vector_store_idx %arg12[%add3A_300], %get3A_297 {add = true} : memref<82176xf32, #tpu.memory_space<vmem>>[vector<16xi32>], vector<16xf32>,
        %get3A_301 = arith.index_cast %add3A_187 : i32 to index
        %get3A_302 = arith.constant 128 : index
        %get3A_303 = tpu.vector_load %arg11[%get3A_301, %get3A_302] {strides = array<i32>} : memref<64x256xf32, #tpu.memory_space<vmem>>, vector<16xf32>,
        %add3A_304 = arith.constant 128 : i32
        %add3A_305 = vector.broadcast %add3A_304 : i32 to vector<16xi32>
        %add3A_306 = arith.addi %add3A_252, %add3A_305 : vector<16xi32>
        tpu.vector_store_idx %arg12[%add3A_306], %get3A_303 {add = true} : memref<82176xf32, #tpu.memory_space<vmem>>[vector<16xi32>], vector<16xf32>,
      }
      %scan3A_180 = arith.constant 32 : i32
    }
    %scan3A_23 = arith.constant 85 : i32
    %mul3A_24 = arith.constant 256 : i32
    %mul3A_25 = arith.muli %mul3A_2, %mul3A_24 : i32
    "tpu.region"() ({
      %run_scoped3A = tpu.sem_alloc : memref<!tpu.dma_semaphore, #tpu.memory_space<semaphore_mem>>
      %dma_start3A_26 = arith.constant 0 : i32
      %dma_start3A_27 = tpu.memref_slice %arg12[%dma_start3A_26] : memref<82176xf32, #tpu.memory_space<vmem>> -> memref<81920xf32, #tpu.memory_space<vmem>>
      %dma_start3A_28 = tpu.memref_slice %arg4[%mul3A_25] : memref<2621440xf32, #tpu.memory_space<hbm>> -> memref<81920xf32, #tpu.memory_space<hbm>>
      %dma_start3A_29 = tpu.memref_slice %arg4[%mul3A_25] : memref<2621440xf32, #tpu.memory_space<hbm>> -> memref<81920xf32, #tpu.memory_space<hbm>>
      %dma_start3A_30 = arith.constant 0 : i32
      %dma_start3A_31 = tpu.memref_slice %arg12[%dma_start3A_30] : memref<82176xf32, #tpu.memory_space<vmem>> -> memref<81920xf32, #tpu.memory_space<vmem>>
      tpu.enqueue_dma source(%dma_start3A_31 : memref<81920xf32, #tpu.memory_space<vmem>>) target(%dma_start3A_29 : memref<81920xf32, #tpu.memory_space<hbm>>) target_semaphore(%run_scoped3A : memref<!tpu.dma_semaphore, #tpu.memory_space<semaphore_mem>>)
      %dma_wait3A_32 = arith.constant 0 : i32
      %dma_wait3A_33 = tpu.memref_slice %arg12[%dma_wait3A_32] : memref<82176xf32, #tpu.memory_space<vmem>> -> memref<81920xf32, #tpu.memory_space<vmem>>
      %dma_wait3A_34 = tpu.memref_slice %arg4[%mul3A_25] : memref<2621440xf32, #tpu.memory_space<hbm>> -> memref<81920xf32, #tpu.memory_space<hbm>>
      %dma_wait3A_35 = tpu.memref_slice %arg4[%mul3A_25] : memref<2621440xf32, #tpu.memory_space<hbm>> -> memref<81920xf32, #tpu.memory_space<hbm>>
      %dma_wait3A_36 = arith.constant 0 : i32
      %dma_wait3A_37 = tpu.memref_slice %arg12[%dma_wait3A_36] : memref<82176xf32, #tpu.memory_space<vmem>> -> memref<81920xf32, #tpu.memory_space<vmem>>
      tpu.wait_dma2 semaphore(%run_scoped3A : memref<!tpu.dma_semaphore, #tpu.memory_space<semaphore_mem>>) src(%dma_wait3A_37 : memref<81920xf32, #tpu.memory_space<vmem>>) dst(%dma_wait3A_35 : memref<81920xf32, #tpu.memory_space<hbm>>)
      tpu.yield
    }) : () -> ()
    return
  }
}

#map = affine_map<(d0, d1) -> (0, 0)>
#map1 = affine_map<(d0, d1) -> (0)>
module attributes {stable_mosaic.version = 14 : i64} {
  func.func @sc_gather(%arg0: i32, %arg1: i32, %arg2: memref<10000x128xf32, #tpu.memory_space<hbm>>, %arg3: memref<10000x128xf32, #tpu.memory_space<hbm>>, %arg4: memref<40000xf32, #tpu.memory_space<hbm>>, %arg5: memref<320000xi32, #tpu.memory_space<hbm>>, %arg6: memref<320000xi32, #tpu.memory_space<hbm>>, %arg7: memref<320000x128xf32, #tpu.memory_space<hbm>>, %arg8: memref<320000x128xf32, #tpu.memory_space<hbm>>, %arg9: memref<1280000xf32, #tpu.memory_space<hbm>>, %arg10: memref<10000xi32, #tpu.memory_space<vmem>>, %arg11: memref<10000xi32, #tpu.memory_space<vmem>>, %arg12: memref<80x128xf32, #tpu.memory_space<vmem>>, %arg13: memref<80x128xf32, #tpu.memory_space<vmem>>, %arg14: memref<80x128xf32, #tpu.memory_space<vmem>>, %arg15: memref<80x128xf32, #tpu.memory_space<vmem>>, %arg16: memref<320xf32, #tpu.memory_space<vmem>>, %arg17: memref<320xf32, #tpu.memory_space<vmem>>, %arg18: memref<40000xf32, #tpu.memory_space<vmem>>, %arg19: memref<!tpu.dma_semaphore, #tpu.memory_space<semaphore_mem>>, %arg20: memref<!tpu.dma_semaphore, #tpu.memory_space<semaphore_mem>>, %arg21: memref<!tpu.dma_semaphore, #tpu.memory_space<semaphore_mem>>) attributes {dimension_semantics = [#tpu.dimension_semantics<core_parallel>, #tpu.dimension_semantics<subcore_parallel>], iteration_bounds = array<i64: 2, 16>, scalar_prefetch = 0 : i64, scratch_operands = 12 : i64, tpu.core_type = #tpu.core_type<sc_vector_subcore>, window_params = [{transform_indices = #map}, {transform_indices = #map}, {transform_indices = #map1}, {transform_indices = #map1}, {transform_indices = #map1}, {transform_indices = #map}, {transform_indices = #map}, {transform_indices = #map1}]} {
    %mul3A = arith.constant 2 : i32
    %mul3A_0 = arith.muli %arg1, %mul3A : i32
    %add3A = arith.addi %mul3A_0, %arg0 : i32
    %mul3A_1 = arith.constant 10000 : i32
    %mul3A_2 = arith.muli %add3A, %mul3A_1 : i32
    "tpu.region"() ({
      %run_scoped3A = tpu.sem_alloc : memref<!tpu.dma_semaphore, #tpu.memory_space<semaphore_mem>>
      tpu.enqueue_dma source(%arg4 : memref<40000xf32, #tpu.memory_space<hbm>>) target(%arg18 : memref<40000xf32, #tpu.memory_space<vmem>>) target_semaphore(%run_scoped3A : memref<!tpu.dma_semaphore, #tpu.memory_space<semaphore_mem>>)
      tpu.wait_dma2 semaphore(%run_scoped3A : memref<!tpu.dma_semaphore, #tpu.memory_space<semaphore_mem>>) src(%arg4 : memref<40000xf32, #tpu.memory_space<hbm>>) dst(%arg18 : memref<40000xf32, #tpu.memory_space<vmem>>)
      tpu.yield
    }) : () -> ()
    "tpu.region"() ({
      %run_scoped3A = tpu.sem_alloc : memref<!tpu.dma_semaphore, #tpu.memory_space<semaphore_mem>>
      %dma_start3A_351 = tpu.memref_slice %arg5[%mul3A_2] : memref<320000xi32, #tpu.memory_space<hbm>> -> memref<10000xi32, #tpu.memory_space<hbm>>
      %dma_start3A_352 = tpu.memref_slice %arg5[%mul3A_2] : memref<320000xi32, #tpu.memory_space<hbm>> -> memref<10000xi32, #tpu.memory_space<hbm>>
      tpu.enqueue_dma source(%dma_start3A_352 : memref<10000xi32, #tpu.memory_space<hbm>>) target(%arg10 : memref<10000xi32, #tpu.memory_space<vmem>>) target_semaphore(%run_scoped3A : memref<!tpu.dma_semaphore, #tpu.memory_space<semaphore_mem>>)
      %dma_wait3A_353 = tpu.memref_slice %arg5[%mul3A_2] : memref<320000xi32, #tpu.memory_space<hbm>> -> memref<10000xi32, #tpu.memory_space<hbm>>
      %dma_wait3A_354 = tpu.memref_slice %arg5[%mul3A_2] : memref<320000xi32, #tpu.memory_space<hbm>> -> memref<10000xi32, #tpu.memory_space<hbm>>
      tpu.wait_dma2 semaphore(%run_scoped3A : memref<!tpu.dma_semaphore, #tpu.memory_space<semaphore_mem>>) src(%dma_wait3A_354 : memref<10000xi32, #tpu.memory_space<hbm>>) dst(%arg10 : memref<10000xi32, #tpu.memory_space<vmem>>)
      tpu.yield
    }) : () -> ()
    "tpu.region"() ({
      %run_scoped3A = tpu.sem_alloc : memref<!tpu.dma_semaphore, #tpu.memory_space<semaphore_mem>>
      %dma_start3A_351 = tpu.memref_slice %arg6[%mul3A_2] : memref<320000xi32, #tpu.memory_space<hbm>> -> memref<10000xi32, #tpu.memory_space<hbm>>
      %dma_start3A_352 = tpu.memref_slice %arg6[%mul3A_2] : memref<320000xi32, #tpu.memory_space<hbm>> -> memref<10000xi32, #tpu.memory_space<hbm>>
      tpu.enqueue_dma source(%dma_start3A_352 : memref<10000xi32, #tpu.memory_space<hbm>>) target(%arg11 : memref<10000xi32, #tpu.memory_space<vmem>>) target_semaphore(%run_scoped3A : memref<!tpu.dma_semaphore, #tpu.memory_space<semaphore_mem>>)
      %dma_wait3A_353 = tpu.memref_slice %arg6[%mul3A_2] : memref<320000xi32, #tpu.memory_space<hbm>> -> memref<10000xi32, #tpu.memory_space<hbm>>
      %dma_wait3A_354 = tpu.memref_slice %arg6[%mul3A_2] : memref<320000xi32, #tpu.memory_space<hbm>> -> memref<10000xi32, #tpu.memory_space<hbm>>
      tpu.wait_dma2 semaphore(%run_scoped3A : memref<!tpu.dma_semaphore, #tpu.memory_space<semaphore_mem>>) src(%dma_wait3A_354 : memref<10000xi32, #tpu.memory_space<hbm>>) dst(%arg11 : memref<10000xi32, #tpu.memory_space<vmem>>)
      tpu.yield
    }) : () -> ()
    %scan3A = arith.constant 0 : i32
    %scan3A_3 = arith.constant 0 : i32
    %scan3A_4 = arith.constant 62 : i32
    %scan3A_5 = arith.addi %scan3A_3, %scan3A_4 : i32
    %scan3A_6 = arith.constant 1 : i32
    scf.for %scan3A_351 = %scan3A_3 to %scan3A_5 step %scan3A_6  : i32 {
      %mul3A_352 = arith.constant 2 : i32
      %mul3A_353 = arith.muli %mul3A_352, %scan3A_351 : i32
      %mul3A_354 = arith.constant 80 : i32
      %mul3A_355 = arith.muli %mul3A_353, %mul3A_354 : i32
      %add3A_356 = arith.addi %mul3A_2, %mul3A_355 : i32
      %mul3A_357 = arith.constant 80 : i32
      %mul3A_358 = arith.muli %mul3A_353, %mul3A_357 : i32
      %dma_start3A_359 = tpu.memref_slice %arg10[%mul3A_358] : memref<10000xi32, #tpu.memory_space<vmem>> -> memref<80xi32, #tpu.memory_space<vmem>>
      %dma_start3A_360 = arith.constant 0 : i32
      %dma_start3A_361 = arith.constant 0 : i32
      %dma_start3A_362 = tpu.memref_slice %arg2[%dma_start3A_360, %dma_start3A_361] : memref<10000x128xf32, #tpu.memory_space<hbm>> -> memref<10000x128xf32, #tpu.memory_space<hbm>>
      tpu.enqueue_indirect_dma source(%dma_start3A_362 : memref<10000x128xf32, #tpu.memory_space<hbm>>) target(%arg12 : memref<80x128xf32, #tpu.memory_space<vmem>>) offsets(%dma_start3A_359 : memref<80xi32, #tpu.memory_space<vmem>>) semaphore(%arg19 : memref<!tpu.dma_semaphore, #tpu.memory_space<semaphore_mem>>)
      %mul3A_363 = arith.constant 80 : i32
      %mul3A_364 = arith.muli %mul3A_353, %mul3A_363 : i32
      %dma_start3A_365 = tpu.memref_slice %arg11[%mul3A_364] : memref<10000xi32, #tpu.memory_space<vmem>> -> memref<80xi32, #tpu.memory_space<vmem>>
      %dma_start3A_366 = arith.constant 0 : i32
      %dma_start3A_367 = arith.constant 0 : i32
      %dma_start3A_368 = tpu.memref_slice %arg3[%dma_start3A_366, %dma_start3A_367] : memref<10000x128xf32, #tpu.memory_space<hbm>> -> memref<10000x128xf32, #tpu.memory_space<hbm>>
      tpu.enqueue_indirect_dma source(%dma_start3A_368 : memref<10000x128xf32, #tpu.memory_space<hbm>>) target(%arg14 : memref<80x128xf32, #tpu.memory_space<vmem>>) offsets(%dma_start3A_365 : memref<80xi32, #tpu.memory_space<vmem>>) semaphore(%arg19 : memref<!tpu.dma_semaphore, #tpu.memory_space<semaphore_mem>>)
      %mul3A_369 = arith.constant 2 : i32
      %mul3A_370 = arith.muli %mul3A_369, %scan3A_351 : i32
      %add3A_371 = arith.constant 1 : i32
      %add3A_372 = arith.addi %mul3A_370, %add3A_371 : i32
      %mul3A_373 = arith.constant 80 : i32
      %mul3A_374 = arith.muli %add3A_372, %mul3A_373 : i32
      %add3A_375 = arith.addi %mul3A_2, %mul3A_374 : i32
      %mul3A_376 = arith.constant 80 : i32
      %mul3A_377 = arith.muli %add3A_372, %mul3A_376 : i32
      %dma_start3A_378 = tpu.memref_slice %arg10[%mul3A_377] : memref<10000xi32, #tpu.memory_space<vmem>> -> memref<80xi32, #tpu.memory_space<vmem>>
      %dma_start3A_379 = arith.constant 0 : i32
      %dma_start3A_380 = arith.constant 0 : i32
      %dma_start3A_381 = tpu.memref_slice %arg2[%dma_start3A_379, %dma_start3A_380] : memref<10000x128xf32, #tpu.memory_space<hbm>> -> memref<10000x128xf32, #tpu.memory_space<hbm>>
      tpu.enqueue_indirect_dma source(%dma_start3A_381 : memref<10000x128xf32, #tpu.memory_space<hbm>>) target(%arg13 : memref<80x128xf32, #tpu.memory_space<vmem>>) offsets(%dma_start3A_378 : memref<80xi32, #tpu.memory_space<vmem>>) semaphore(%arg20 : memref<!tpu.dma_semaphore, #tpu.memory_space<semaphore_mem>>)
      %mul3A_382 = arith.constant 80 : i32
      %mul3A_383 = arith.muli %add3A_372, %mul3A_382 : i32
      %dma_start3A_384 = tpu.memref_slice %arg11[%mul3A_383] : memref<10000xi32, #tpu.memory_space<vmem>> -> memref<80xi32, #tpu.memory_space<vmem>>
      %dma_start3A_385 = arith.constant 0 : i32
      %dma_start3A_386 = arith.constant 0 : i32
      %dma_start3A_387 = tpu.memref_slice %arg3[%dma_start3A_385, %dma_start3A_386] : memref<10000x128xf32, #tpu.memory_space<hbm>> -> memref<10000x128xf32, #tpu.memory_space<hbm>>
      tpu.enqueue_indirect_dma source(%dma_start3A_387 : memref<10000x128xf32, #tpu.memory_space<hbm>>) target(%arg15 : memref<80x128xf32, #tpu.memory_space<vmem>>) offsets(%dma_start3A_384 : memref<80xi32, #tpu.memory_space<vmem>>) semaphore(%arg20 : memref<!tpu.dma_semaphore, #tpu.memory_space<semaphore_mem>>)
      %mul3A_388 = arith.constant 2 : i32
      %mul3A_389 = arith.muli %mul3A_388, %scan3A_351 : i32
      %mul3A_390 = arith.constant 80 : i32
      %mul3A_391 = arith.muli %mul3A_389, %mul3A_390 : i32
      %add3A_392 = arith.constant 0 : i32
      %add3A_393 = arith.addi %mul3A_391, %add3A_392 : i32
      %get3A_394 = arith.index_cast %add3A_393 : i32 to index
      %get3A_395 = tpu.vector_load %arg10[%get3A_394] {strides = array<i32>} : memref<10000xi32, #tpu.memory_space<vmem>>, vector<16xi32>,
      %mul3A_396 = arith.constant 4 : i32
      %mul3A_397 = vector.broadcast %mul3A_396 : i32 to vector<16xi32>
      %mul3A_398 = arith.muli %get3A_395, %mul3A_397 : vector<16xi32>
      %mul3A_399 = arith.constant 80 : i32
      %mul3A_400 = arith.muli %mul3A_389, %mul3A_399 : i32
      %add3A_401 = arith.constant 0 : i32
      %add3A_402 = arith.addi %mul3A_400, %add3A_401 : i32
      %get3A_403 = arith.index_cast %add3A_402 : i32 to index
      %get3A_404 = tpu.vector_load %arg11[%get3A_403] {strides = array<i32>} : memref<10000xi32, #tpu.memory_space<vmem>>, vector<16xi32>,
      %mul3A_405 = arith.constant 4 : i32
      %mul3A_406 = vector.broadcast %mul3A_405 : i32 to vector<16xi32>
      %mul3A_407 = arith.muli %get3A_404, %mul3A_406 : vector<16xi32>
      %iota3A_408 = tpu.iota {dimensions = array<i32: 0>} : vector<16xi32>
      %add3A_409 = arith.constant 0 : i32
      %add3A_410 = vector.broadcast %add3A_409 : i32 to vector<16xi32>
      %add3A_411 = arith.addi %add3A_410, %iota3A_408 : vector<16xi32>
      %mul3A_412 = arith.constant 4 : i32
      %mul3A_413 = vector.broadcast %mul3A_412 : i32 to vector<16xi32>
      %mul3A_414 = arith.muli %add3A_411, %mul3A_413 : vector<16xi32>
      %add3A_415 = arith.constant 0 : i32
      %add3A_416 = vector.broadcast %add3A_415 : i32 to vector<16xi32>
      %add3A_417 = arith.addi %mul3A_398, %add3A_416 : vector<16xi32>
      %gather3A_418 = tpu.vector_load_idx %arg18[%add3A_417] : memref<40000xf32, #tpu.memory_space<vmem>>[vector<16xi32>], vector<16xf32>,
      %add3A_419 = arith.constant 0 : i32
      %add3A_420 = vector.broadcast %add3A_419 : i32 to vector<16xi32>
      %add3A_421 = arith.addi %mul3A_407, %add3A_420 : vector<16xi32>
      %gather3A_422 = tpu.vector_load_idx %arg18[%add3A_421] : memref<40000xf32, #tpu.memory_space<vmem>>[vector<16xi32>], vector<16xf32>,
      %sub3A_423 = arith.subf %gather3A_418, %gather3A_422 : vector<16xf32>
      %add3A_424 = arith.constant 0 : i32
      %add3A_425 = vector.broadcast %add3A_424 : i32 to vector<16xi32>
      %add3A_426 = arith.addi %mul3A_414, %add3A_425 : vector<16xi32>
      tpu.vector_store_idx %arg16[%add3A_426], %sub3A_423 : memref<320xf32, #tpu.memory_space<vmem>>[vector<16xi32>], vector<16xf32>,
      %add3A_427 = arith.constant 1 : i32
      %add3A_428 = vector.broadcast %add3A_427 : i32 to vector<16xi32>
      %add3A_429 = arith.addi %mul3A_398, %add3A_428 : vector<16xi32>
      %gather3A_430 = tpu.vector_load_idx %arg18[%add3A_429] : memref<40000xf32, #tpu.memory_space<vmem>>[vector<16xi32>], vector<16xf32>,
      %add3A_431 = arith.constant 1 : i32
      %add3A_432 = vector.broadcast %add3A_431 : i32 to vector<16xi32>
      %add3A_433 = arith.addi %mul3A_407, %add3A_432 : vector<16xi32>
      %gather3A_434 = tpu.vector_load_idx %arg18[%add3A_433] : memref<40000xf32, #tpu.memory_space<vmem>>[vector<16xi32>], vector<16xf32>,
      %sub3A_435 = arith.subf %gather3A_430, %gather3A_434 : vector<16xf32>
      %add3A_436 = arith.constant 1 : i32
      %add3A_437 = vector.broadcast %add3A_436 : i32 to vector<16xi32>
      %add3A_438 = arith.addi %mul3A_414, %add3A_437 : vector<16xi32>
      tpu.vector_store_idx %arg16[%add3A_438], %sub3A_435 : memref<320xf32, #tpu.memory_space<vmem>>[vector<16xi32>], vector<16xf32>,
      %add3A_439 = arith.constant 2 : i32
      %add3A_440 = vector.broadcast %add3A_439 : i32 to vector<16xi32>
      %add3A_441 = arith.addi %mul3A_398, %add3A_440 : vector<16xi32>
      %gather3A_442 = tpu.vector_load_idx %arg18[%add3A_441] : memref<40000xf32, #tpu.memory_space<vmem>>[vector<16xi32>], vector<16xf32>,
      %add3A_443 = arith.constant 2 : i32
      %add3A_444 = vector.broadcast %add3A_443 : i32 to vector<16xi32>
      %add3A_445 = arith.addi %mul3A_407, %add3A_444 : vector<16xi32>
      %gather3A_446 = tpu.vector_load_idx %arg18[%add3A_445] : memref<40000xf32, #tpu.memory_space<vmem>>[vector<16xi32>], vector<16xf32>,
      %sub3A_447 = arith.subf %gather3A_442, %gather3A_446 : vector<16xf32>
      %add3A_448 = arith.constant 2 : i32
      %add3A_449 = vector.broadcast %add3A_448 : i32 to vector<16xi32>
      %add3A_450 = arith.addi %mul3A_414, %add3A_449 : vector<16xi32>
      tpu.vector_store_idx %arg16[%add3A_450], %sub3A_447 : memref<320xf32, #tpu.memory_space<vmem>>[vector<16xi32>], vector<16xf32>,
      %mul3A_451 = arith.mulf %sub3A_423, %sub3A_423 : vector<16xf32>
      %mul3A_452 = arith.mulf %sub3A_435, %sub3A_435 : vector<16xf32>
      %add3A_453 = arith.addf %mul3A_451, %mul3A_452 : vector<16xf32>
      %mul3A_454 = arith.mulf %sub3A_447, %sub3A_447 : vector<16xf32>
      %add3A_455 = arith.addf %add3A_453, %mul3A_454 : vector<16xf32>
      %add3A_456 = arith.constant 3 : i32
      %add3A_457 = vector.broadcast %add3A_456 : i32 to vector<16xi32>
      %add3A_458 = arith.addi %mul3A_414, %add3A_457 : vector<16xi32>
      tpu.vector_store_idx %arg16[%add3A_458], %add3A_455 : memref<320xf32, #tpu.memory_space<vmem>>[vector<16xi32>], vector<16xf32>,
      %mul3A_459 = arith.constant 80 : i32
      %mul3A_460 = arith.muli %mul3A_389, %mul3A_459 : i32
      %add3A_461 = arith.constant 16 : i32
      %add3A_462 = arith.addi %mul3A_460, %add3A_461 : i32
      %get3A_463 = arith.index_cast %add3A_462 : i32 to index
      %get3A_464 = tpu.vector_load %arg10[%get3A_463] {strides = array<i32>} : memref<10000xi32, #tpu.memory_space<vmem>>, vector<16xi32>,
      %mul3A_465 = arith.constant 4 : i32
      %mul3A_466 = vector.broadcast %mul3A_465 : i32 to vector<16xi32>
      %mul3A_467 = arith.muli %get3A_464, %mul3A_466 : vector<16xi32>
      %mul3A_468 = arith.constant 80 : i32
      %mul3A_469 = arith.muli %mul3A_389, %mul3A_468 : i32
      %add3A_470 = arith.constant 16 : i32
      %add3A_471 = arith.addi %mul3A_469, %add3A_470 : i32
      %get3A_472 = arith.index_cast %add3A_471 : i32 to index
      %get3A_473 = tpu.vector_load %arg11[%get3A_472] {strides = array<i32>} : memref<10000xi32, #tpu.memory_space<vmem>>, vector<16xi32>,
      %mul3A_474 = arith.constant 4 : i32
      %mul3A_475 = vector.broadcast %mul3A_474 : i32 to vector<16xi32>
      %mul3A_476 = arith.muli %get3A_473, %mul3A_475 : vector<16xi32>
      %iota3A_477 = tpu.iota {dimensions = array<i32: 0>} : vector<16xi32>
      %add3A_478 = arith.constant 16 : i32
      %add3A_479 = vector.broadcast %add3A_478 : i32 to vector<16xi32>
      %add3A_480 = arith.addi %add3A_479, %iota3A_477 : vector<16xi32>
      %mul3A_481 = arith.constant 4 : i32
      %mul3A_482 = vector.broadcast %mul3A_481 : i32 to vector<16xi32>
      %mul3A_483 = arith.muli %add3A_480, %mul3A_482 : vector<16xi32>
      %add3A_484 = arith.constant 0 : i32
      %add3A_485 = vector.broadcast %add3A_484 : i32 to vector<16xi32>
      %add3A_486 = arith.addi %mul3A_467, %add3A_485 : vector<16xi32>
      %gather3A_487 = tpu.vector_load_idx %arg18[%add3A_486] : memref<40000xf32, #tpu.memory_space<vmem>>[vector<16xi32>], vector<16xf32>,
      %add3A_488 = arith.constant 0 : i32
      %add3A_489 = vector.broadcast %add3A_488 : i32 to vector<16xi32>
      %add3A_490 = arith.addi %mul3A_476, %add3A_489 : vector<16xi32>
      %gather3A_491 = tpu.vector_load_idx %arg18[%add3A_490] : memref<40000xf32, #tpu.memory_space<vmem>>[vector<16xi32>], vector<16xf32>,
      %sub3A_492 = arith.subf %gather3A_487, %gather3A_491 : vector<16xf32>
      %add3A_493 = arith.constant 0 : i32
      %add3A_494 = vector.broadcast %add3A_493 : i32 to vector<16xi32>
      %add3A_495 = arith.addi %mul3A_483, %add3A_494 : vector<16xi32>
      tpu.vector_store_idx %arg16[%add3A_495], %sub3A_492 : memref<320xf32, #tpu.memory_space<vmem>>[vector<16xi32>], vector<16xf32>,
      %add3A_496 = arith.constant 1 : i32
      %add3A_497 = vector.broadcast %add3A_496 : i32 to vector<16xi32>
      %add3A_498 = arith.addi %mul3A_467, %add3A_497 : vector<16xi32>
      %gather3A_499 = tpu.vector_load_idx %arg18[%add3A_498] : memref<40000xf32, #tpu.memory_space<vmem>>[vector<16xi32>], vector<16xf32>,
      %add3A_500 = arith.constant 1 : i32
      %add3A_501 = vector.broadcast %add3A_500 : i32 to vector<16xi32>
      %add3A_502 = arith.addi %mul3A_476, %add3A_501 : vector<16xi32>
      %gather3A_503 = tpu.vector_load_idx %arg18[%add3A_502] : memref<40000xf32, #tpu.memory_space<vmem>>[vector<16xi32>], vector<16xf32>,
      %sub3A_504 = arith.subf %gather3A_499, %gather3A_503 : vector<16xf32>
      %add3A_505 = arith.constant 1 : i32
      %add3A_506 = vector.broadcast %add3A_505 : i32 to vector<16xi32>
      %add3A_507 = arith.addi %mul3A_483, %add3A_506 : vector<16xi32>
      tpu.vector_store_idx %arg16[%add3A_507], %sub3A_504 : memref<320xf32, #tpu.memory_space<vmem>>[vector<16xi32>], vector<16xf32>,
      %add3A_508 = arith.constant 2 : i32
      %add3A_509 = vector.broadcast %add3A_508 : i32 to vector<16xi32>
      %add3A_510 = arith.addi %mul3A_467, %add3A_509 : vector<16xi32>
      %gather3A_511 = tpu.vector_load_idx %arg18[%add3A_510] : memref<40000xf32, #tpu.memory_space<vmem>>[vector<16xi32>], vector<16xf32>,
      %add3A_512 = arith.constant 2 : i32
      %add3A_513 = vector.broadcast %add3A_512 : i32 to vector<16xi32>
      %add3A_514 = arith.addi %mul3A_476, %add3A_513 : vector<16xi32>
      %gather3A_515 = tpu.vector_load_idx %arg18[%add3A_514] : memref<40000xf32, #tpu.memory_space<vmem>>[vector<16xi32>], vector<16xf32>,
      %sub3A_516 = arith.subf %gather3A_511, %gather3A_515 : vector<16xf32>
      %add3A_517 = arith.constant 2 : i32
      %add3A_518 = vector.broadcast %add3A_517 : i32 to vector<16xi32>
      %add3A_519 = arith.addi %mul3A_483, %add3A_518 : vector<16xi32>
      tpu.vector_store_idx %arg16[%add3A_519], %sub3A_516 : memref<320xf32, #tpu.memory_space<vmem>>[vector<16xi32>], vector<16xf32>,
      %mul3A_520 = arith.mulf %sub3A_492, %sub3A_492 : vector<16xf32>
      %mul3A_521 = arith.mulf %sub3A_504, %sub3A_504 : vector<16xf32>
      %add3A_522 = arith.addf %mul3A_520, %mul3A_521 : vector<16xf32>
      %mul3A_523 = arith.mulf %sub3A_516, %sub3A_516 : vector<16xf32>
      %add3A_524 = arith.addf %add3A_522, %mul3A_523 : vector<16xf32>
      %add3A_525 = arith.constant 3 : i32
      %add3A_526 = vector.broadcast %add3A_525 : i32 to vector<16xi32>
      %add3A_527 = arith.addi %mul3A_483, %add3A_526 : vector<16xi32>
      tpu.vector_store_idx %arg16[%add3A_527], %add3A_524 : memref<320xf32, #tpu.memory_space<vmem>>[vector<16xi32>], vector<16xf32>,
      %mul3A_528 = arith.constant 80 : i32
      %mul3A_529 = arith.muli %mul3A_389, %mul3A_528 : i32
      %add3A_530 = arith.constant 32 : i32
      %add3A_531 = arith.addi %mul3A_529, %add3A_530 : i32
      %get3A_532 = arith.index_cast %add3A_531 : i32 to index
      %get3A_533 = tpu.vector_load %arg10[%get3A_532] {strides = array<i32>} : memref<10000xi32, #tpu.memory_space<vmem>>, vector<16xi32>,
      %mul3A_534 = arith.constant 4 : i32
      %mul3A_535 = vector.broadcast %mul3A_534 : i32 to vector<16xi32>
      %mul3A_536 = arith.muli %get3A_533, %mul3A_535 : vector<16xi32>
      %mul3A_537 = arith.constant 80 : i32
      %mul3A_538 = arith.muli %mul3A_389, %mul3A_537 : i32
      %add3A_539 = arith.constant 32 : i32
      %add3A_540 = arith.addi %mul3A_538, %add3A_539 : i32
      %get3A_541 = arith.index_cast %add3A_540 : i32 to index
      %get3A_542 = tpu.vector_load %arg11[%get3A_541] {strides = array<i32>} : memref<10000xi32, #tpu.memory_space<vmem>>, vector<16xi32>,
      %mul3A_543 = arith.constant 4 : i32
      %mul3A_544 = vector.broadcast %mul3A_543 : i32 to vector<16xi32>
      %mul3A_545 = arith.muli %get3A_542, %mul3A_544 : vector<16xi32>
      %iota3A_546 = tpu.iota {dimensions = array<i32: 0>} : vector<16xi32>
      %add3A_547 = arith.constant 32 : i32
      %add3A_548 = vector.broadcast %add3A_547 : i32 to vector<16xi32>
      %add3A_549 = arith.addi %add3A_548, %iota3A_546 : vector<16xi32>
      %mul3A_550 = arith.constant 4 : i32
      %mul3A_551 = vector.broadcast %mul3A_550 : i32 to vector<16xi32>
      %mul3A_552 = arith.muli %add3A_549, %mul3A_551 : vector<16xi32>
      %add3A_553 = arith.constant 0 : i32
      %add3A_554 = vector.broadcast %add3A_553 : i32 to vector<16xi32>
      %add3A_555 = arith.addi %mul3A_536, %add3A_554 : vector<16xi32>
      %gather3A_556 = tpu.vector_load_idx %arg18[%add3A_555] : memref<40000xf32, #tpu.memory_space<vmem>>[vector<16xi32>], vector<16xf32>,
      %add3A_557 = arith.constant 0 : i32
      %add3A_558 = vector.broadcast %add3A_557 : i32 to vector<16xi32>
      %add3A_559 = arith.addi %mul3A_545, %add3A_558 : vector<16xi32>
      %gather3A_560 = tpu.vector_load_idx %arg18[%add3A_559] : memref<40000xf32, #tpu.memory_space<vmem>>[vector<16xi32>], vector<16xf32>,
      %sub3A_561 = arith.subf %gather3A_556, %gather3A_560 : vector<16xf32>
      %add3A_562 = arith.constant 0 : i32
      %add3A_563 = vector.broadcast %add3A_562 : i32 to vector<16xi32>
      %add3A_564 = arith.addi %mul3A_552, %add3A_563 : vector<16xi32>
      tpu.vector_store_idx %arg16[%add3A_564], %sub3A_561 : memref<320xf32, #tpu.memory_space<vmem>>[vector<16xi32>], vector<16xf32>,
      %add3A_565 = arith.constant 1 : i32
      %add3A_566 = vector.broadcast %add3A_565 : i32 to vector<16xi32>
      %add3A_567 = arith.addi %mul3A_536, %add3A_566 : vector<16xi32>
      %gather3A_568 = tpu.vector_load_idx %arg18[%add3A_567] : memref<40000xf32, #tpu.memory_space<vmem>>[vector<16xi32>], vector<16xf32>,
      %add3A_569 = arith.constant 1 : i32
      %add3A_570 = vector.broadcast %add3A_569 : i32 to vector<16xi32>
      %add3A_571 = arith.addi %mul3A_545, %add3A_570 : vector<16xi32>
      %gather3A_572 = tpu.vector_load_idx %arg18[%add3A_571] : memref<40000xf32, #tpu.memory_space<vmem>>[vector<16xi32>], vector<16xf32>,
      %sub3A_573 = arith.subf %gather3A_568, %gather3A_572 : vector<16xf32>
      %add3A_574 = arith.constant 1 : i32
      %add3A_575 = vector.broadcast %add3A_574 : i32 to vector<16xi32>
      %add3A_576 = arith.addi %mul3A_552, %add3A_575 : vector<16xi32>
      tpu.vector_store_idx %arg16[%add3A_576], %sub3A_573 : memref<320xf32, #tpu.memory_space<vmem>>[vector<16xi32>], vector<16xf32>,
      %add3A_577 = arith.constant 2 : i32
      %add3A_578 = vector.broadcast %add3A_577 : i32 to vector<16xi32>
      %add3A_579 = arith.addi %mul3A_536, %add3A_578 : vector<16xi32>
      %gather3A_580 = tpu.vector_load_idx %arg18[%add3A_579] : memref<40000xf32, #tpu.memory_space<vmem>>[vector<16xi32>], vector<16xf32>,
      %add3A_581 = arith.constant 2 : i32
      %add3A_582 = vector.broadcast %add3A_581 : i32 to vector<16xi32>
      %add3A_583 = arith.addi %mul3A_545, %add3A_582 : vector<16xi32>
      %gather3A_584 = tpu.vector_load_idx %arg18[%add3A_583] : memref<40000xf32, #tpu.memory_space<vmem>>[vector<16xi32>], vector<16xf32>,
      %sub3A_585 = arith.subf %gather3A_580, %gather3A_584 : vector<16xf32>
      %add3A_586 = arith.constant 2 : i32
      %add3A_587 = vector.broadcast %add3A_586 : i32 to vector<16xi32>
      %add3A_588 = arith.addi %mul3A_552, %add3A_587 : vector<16xi32>
      tpu.vector_store_idx %arg16[%add3A_588], %sub3A_585 : memref<320xf32, #tpu.memory_space<vmem>>[vector<16xi32>], vector<16xf32>,
      %mul3A_589 = arith.mulf %sub3A_561, %sub3A_561 : vector<16xf32>
      %mul3A_590 = arith.mulf %sub3A_573, %sub3A_573 : vector<16xf32>
      %add3A_591 = arith.addf %mul3A_589, %mul3A_590 : vector<16xf32>
      %mul3A_592 = arith.mulf %sub3A_585, %sub3A_585 : vector<16xf32>
      %add3A_593 = arith.addf %add3A_591, %mul3A_592 : vector<16xf32>
      %add3A_594 = arith.constant 3 : i32
      %add3A_595 = vector.broadcast %add3A_594 : i32 to vector<16xi32>
      %add3A_596 = arith.addi %mul3A_552, %add3A_595 : vector<16xi32>
      tpu.vector_store_idx %arg16[%add3A_596], %add3A_593 : memref<320xf32, #tpu.memory_space<vmem>>[vector<16xi32>], vector<16xf32>,
      %mul3A_597 = arith.constant 80 : i32
      %mul3A_598 = arith.muli %mul3A_389, %mul3A_597 : i32
      %add3A_599 = arith.constant 48 : i32
      %add3A_600 = arith.addi %mul3A_598, %add3A_599 : i32
      %get3A_601 = arith.index_cast %add3A_600 : i32 to index
      %get3A_602 = tpu.vector_load %arg10[%get3A_601] {strides = array<i32>} : memref<10000xi32, #tpu.memory_space<vmem>>, vector<16xi32>,
      %mul3A_603 = arith.constant 4 : i32
      %mul3A_604 = vector.broadcast %mul3A_603 : i32 to vector<16xi32>
      %mul3A_605 = arith.muli %get3A_602, %mul3A_604 : vector<16xi32>
      %mul3A_606 = arith.constant 80 : i32
      %mul3A_607 = arith.muli %mul3A_389, %mul3A_606 : i32
      %add3A_608 = arith.constant 48 : i32
      %add3A_609 = arith.addi %mul3A_607, %add3A_608 : i32
      %get3A_610 = arith.index_cast %add3A_609 : i32 to index
      %get3A_611 = tpu.vector_load %arg11[%get3A_610] {strides = array<i32>} : memref<10000xi32, #tpu.memory_space<vmem>>, vector<16xi32>,
      %mul3A_612 = arith.constant 4 : i32
      %mul3A_613 = vector.broadcast %mul3A_612 : i32 to vector<16xi32>
      %mul3A_614 = arith.muli %get3A_611, %mul3A_613 : vector<16xi32>
      %iota3A_615 = tpu.iota {dimensions = array<i32: 0>} : vector<16xi32>
      %add3A_616 = arith.constant 48 : i32
      %add3A_617 = vector.broadcast %add3A_616 : i32 to vector<16xi32>
      %add3A_618 = arith.addi %add3A_617, %iota3A_615 : vector<16xi32>
      %mul3A_619 = arith.constant 4 : i32
      %mul3A_620 = vector.broadcast %mul3A_619 : i32 to vector<16xi32>
      %mul3A_621 = arith.muli %add3A_618, %mul3A_620 : vector<16xi32>
      %add3A_622 = arith.constant 0 : i32
      %add3A_623 = vector.broadcast %add3A_622 : i32 to vector<16xi32>
      %add3A_624 = arith.addi %mul3A_605, %add3A_623 : vector<16xi32>
      %gather3A_625 = tpu.vector_load_idx %arg18[%add3A_624] : memref<40000xf32, #tpu.memory_space<vmem>>[vector<16xi32>], vector<16xf32>,
      %add3A_626 = arith.constant 0 : i32
      %add3A_627 = vector.broadcast %add3A_626 : i32 to vector<16xi32>
      %add3A_628 = arith.addi %mul3A_614, %add3A_627 : vector<16xi32>
      %gather3A_629 = tpu.vector_load_idx %arg18[%add3A_628] : memref<40000xf32, #tpu.memory_space<vmem>>[vector<16xi32>], vector<16xf32>,
      %sub3A_630 = arith.subf %gather3A_625, %gather3A_629 : vector<16xf32>
      %add3A_631 = arith.constant 0 : i32
      %add3A_632 = vector.broadcast %add3A_631 : i32 to vector<16xi32>
      %add3A_633 = arith.addi %mul3A_621, %add3A_632 : vector<16xi32>
      tpu.vector_store_idx %arg16[%add3A_633], %sub3A_630 : memref<320xf32, #tpu.memory_space<vmem>>[vector<16xi32>], vector<16xf32>,
      %add3A_634 = arith.constant 1 : i32
      %add3A_635 = vector.broadcast %add3A_634 : i32 to vector<16xi32>
      %add3A_636 = arith.addi %mul3A_605, %add3A_635 : vector<16xi32>
      %gather3A_637 = tpu.vector_load_idx %arg18[%add3A_636] : memref<40000xf32, #tpu.memory_space<vmem>>[vector<16xi32>], vector<16xf32>,
      %add3A_638 = arith.constant 1 : i32
      %add3A_639 = vector.broadcast %add3A_638 : i32 to vector<16xi32>
      %add3A_640 = arith.addi %mul3A_614, %add3A_639 : vector<16xi32>
      %gather3A_641 = tpu.vector_load_idx %arg18[%add3A_640] : memref<40000xf32, #tpu.memory_space<vmem>>[vector<16xi32>], vector<16xf32>,
      %sub3A_642 = arith.subf %gather3A_637, %gather3A_641 : vector<16xf32>
      %add3A_643 = arith.constant 1 : i32
      %add3A_644 = vector.broadcast %add3A_643 : i32 to vector<16xi32>
      %add3A_645 = arith.addi %mul3A_621, %add3A_644 : vector<16xi32>
      tpu.vector_store_idx %arg16[%add3A_645], %sub3A_642 : memref<320xf32, #tpu.memory_space<vmem>>[vector<16xi32>], vector<16xf32>,
      %add3A_646 = arith.constant 2 : i32
      %add3A_647 = vector.broadcast %add3A_646 : i32 to vector<16xi32>
      %add3A_648 = arith.addi %mul3A_605, %add3A_647 : vector<16xi32>
      %gather3A_649 = tpu.vector_load_idx %arg18[%add3A_648] : memref<40000xf32, #tpu.memory_space<vmem>>[vector<16xi32>], vector<16xf32>,
      %add3A_650 = arith.constant 2 : i32
      %add3A_651 = vector.broadcast %add3A_650 : i32 to vector<16xi32>
      %add3A_652 = arith.addi %mul3A_614, %add3A_651 : vector<16xi32>
      %gather3A_653 = tpu.vector_load_idx %arg18[%add3A_652] : memref<40000xf32, #tpu.memory_space<vmem>>[vector<16xi32>], vector<16xf32>,
      %sub3A_654 = arith.subf %gather3A_649, %gather3A_653 : vector<16xf32>
      %add3A_655 = arith.constant 2 : i32
      %add3A_656 = vector.broadcast %add3A_655 : i32 to vector<16xi32>
      %add3A_657 = arith.addi %mul3A_621, %add3A_656 : vector<16xi32>
      tpu.vector_store_idx %arg16[%add3A_657], %sub3A_654 : memref<320xf32, #tpu.memory_space<vmem>>[vector<16xi32>], vector<16xf32>,
      %mul3A_658 = arith.mulf %sub3A_630, %sub3A_630 : vector<16xf32>
      %mul3A_659 = arith.mulf %sub3A_642, %sub3A_642 : vector<16xf32>
      %add3A_660 = arith.addf %mul3A_658, %mul3A_659 : vector<16xf32>
      %mul3A_661 = arith.mulf %sub3A_654, %sub3A_654 : vector<16xf32>
      %add3A_662 = arith.addf %add3A_660, %mul3A_661 : vector<16xf32>
      %add3A_663 = arith.constant 3 : i32
      %add3A_664 = vector.broadcast %add3A_663 : i32 to vector<16xi32>
      %add3A_665 = arith.addi %mul3A_621, %add3A_664 : vector<16xi32>
      tpu.vector_store_idx %arg16[%add3A_665], %add3A_662 : memref<320xf32, #tpu.memory_space<vmem>>[vector<16xi32>], vector<16xf32>,
      %mul3A_666 = arith.constant 80 : i32
      %mul3A_667 = arith.muli %mul3A_389, %mul3A_666 : i32
      %add3A_668 = arith.constant 64 : i32
      %add3A_669 = arith.addi %mul3A_667, %add3A_668 : i32
      %get3A_670 = arith.index_cast %add3A_669 : i32 to index
      %get3A_671 = tpu.vector_load %arg10[%get3A_670] {strides = array<i32>} : memref<10000xi32, #tpu.memory_space<vmem>>, vector<16xi32>,
      %mul3A_672 = arith.constant 4 : i32
      %mul3A_673 = vector.broadcast %mul3A_672 : i32 to vector<16xi32>
      %mul3A_674 = arith.muli %get3A_671, %mul3A_673 : vector<16xi32>
      %mul3A_675 = arith.constant 80 : i32
      %mul3A_676 = arith.muli %mul3A_389, %mul3A_675 : i32
      %add3A_677 = arith.constant 64 : i32
      %add3A_678 = arith.addi %mul3A_676, %add3A_677 : i32
      %get3A_679 = arith.index_cast %add3A_678 : i32 to index
      %get3A_680 = tpu.vector_load %arg11[%get3A_679] {strides = array<i32>} : memref<10000xi32, #tpu.memory_space<vmem>>, vector<16xi32>,
      %mul3A_681 = arith.constant 4 : i32
      %mul3A_682 = vector.broadcast %mul3A_681 : i32 to vector<16xi32>
      %mul3A_683 = arith.muli %get3A_680, %mul3A_682 : vector<16xi32>
      %iota3A_684 = tpu.iota {dimensions = array<i32: 0>} : vector<16xi32>
      %add3A_685 = arith.constant 64 : i32
      %add3A_686 = vector.broadcast %add3A_685 : i32 to vector<16xi32>
      %add3A_687 = arith.addi %add3A_686, %iota3A_684 : vector<16xi32>
      %mul3A_688 = arith.constant 4 : i32
      %mul3A_689 = vector.broadcast %mul3A_688 : i32 to vector<16xi32>
      %mul3A_690 = arith.muli %add3A_687, %mul3A_689 : vector<16xi32>
      %add3A_691 = arith.constant 0 : i32
      %add3A_692 = vector.broadcast %add3A_691 : i32 to vector<16xi32>
      %add3A_693 = arith.addi %mul3A_674, %add3A_692 : vector<16xi32>
      %gather3A_694 = tpu.vector_load_idx %arg18[%add3A_693] : memref<40000xf32, #tpu.memory_space<vmem>>[vector<16xi32>], vector<16xf32>,
      %add3A_695 = arith.constant 0 : i32
      %add3A_696 = vector.broadcast %add3A_695 : i32 to vector<16xi32>
      %add3A_697 = arith.addi %mul3A_683, %add3A_696 : vector<16xi32>
      %gather3A_698 = tpu.vector_load_idx %arg18[%add3A_697] : memref<40000xf32, #tpu.memory_space<vmem>>[vector<16xi32>], vector<16xf32>,
      %sub3A_699 = arith.subf %gather3A_694, %gather3A_698 : vector<16xf32>
      %add3A_700 = arith.constant 0 : i32
      %add3A_701 = vector.broadcast %add3A_700 : i32 to vector<16xi32>
      %add3A_702 = arith.addi %mul3A_690, %add3A_701 : vector<16xi32>
      tpu.vector_store_idx %arg16[%add3A_702], %sub3A_699 : memref<320xf32, #tpu.memory_space<vmem>>[vector<16xi32>], vector<16xf32>,
      %add3A_703 = arith.constant 1 : i32
      %add3A_704 = vector.broadcast %add3A_703 : i32 to vector<16xi32>
      %add3A_705 = arith.addi %mul3A_674, %add3A_704 : vector<16xi32>
      %gather3A_706 = tpu.vector_load_idx %arg18[%add3A_705] : memref<40000xf32, #tpu.memory_space<vmem>>[vector<16xi32>], vector<16xf32>,
      %add3A_707 = arith.constant 1 : i32
      %add3A_708 = vector.broadcast %add3A_707 : i32 to vector<16xi32>
      %add3A_709 = arith.addi %mul3A_683, %add3A_708 : vector<16xi32>
      %gather3A_710 = tpu.vector_load_idx %arg18[%add3A_709] : memref<40000xf32, #tpu.memory_space<vmem>>[vector<16xi32>], vector<16xf32>,
      %sub3A_711 = arith.subf %gather3A_706, %gather3A_710 : vector<16xf32>
      %add3A_712 = arith.constant 1 : i32
      %add3A_713 = vector.broadcast %add3A_712 : i32 to vector<16xi32>
      %add3A_714 = arith.addi %mul3A_690, %add3A_713 : vector<16xi32>
      tpu.vector_store_idx %arg16[%add3A_714], %sub3A_711 : memref<320xf32, #tpu.memory_space<vmem>>[vector<16xi32>], vector<16xf32>,
      %add3A_715 = arith.constant 2 : i32
      %add3A_716 = vector.broadcast %add3A_715 : i32 to vector<16xi32>
      %add3A_717 = arith.addi %mul3A_674, %add3A_716 : vector<16xi32>
      %gather3A_718 = tpu.vector_load_idx %arg18[%add3A_717] : memref<40000xf32, #tpu.memory_space<vmem>>[vector<16xi32>], vector<16xf32>,
      %add3A_719 = arith.constant 2 : i32
      %add3A_720 = vector.broadcast %add3A_719 : i32 to vector<16xi32>
      %add3A_721 = arith.addi %mul3A_683, %add3A_720 : vector<16xi32>
      %gather3A_722 = tpu.vector_load_idx %arg18[%add3A_721] : memref<40000xf32, #tpu.memory_space<vmem>>[vector<16xi32>], vector<16xf32>,
      %sub3A_723 = arith.subf %gather3A_718, %gather3A_722 : vector<16xf32>
      %add3A_724 = arith.constant 2 : i32
      %add3A_725 = vector.broadcast %add3A_724 : i32 to vector<16xi32>
      %add3A_726 = arith.addi %mul3A_690, %add3A_725 : vector<16xi32>
      tpu.vector_store_idx %arg16[%add3A_726], %sub3A_723 : memref<320xf32, #tpu.memory_space<vmem>>[vector<16xi32>], vector<16xf32>,
      %mul3A_727 = arith.mulf %sub3A_699, %sub3A_699 : vector<16xf32>
      %mul3A_728 = arith.mulf %sub3A_711, %sub3A_711 : vector<16xf32>
      %add3A_729 = arith.addf %mul3A_727, %mul3A_728 : vector<16xf32>
      %mul3A_730 = arith.mulf %sub3A_723, %sub3A_723 : vector<16xf32>
      %add3A_731 = arith.addf %add3A_729, %mul3A_730 : vector<16xf32>
      %add3A_732 = arith.constant 3 : i32
      %add3A_733 = vector.broadcast %add3A_732 : i32 to vector<16xi32>
      %add3A_734 = arith.addi %mul3A_690, %add3A_733 : vector<16xi32>
      tpu.vector_store_idx %arg16[%add3A_734], %add3A_731 : memref<320xf32, #tpu.memory_space<vmem>>[vector<16xi32>], vector<16xf32>,
      %dma_wait3A_735 = tpu.memref_slice %arg10[%mul3A_358] : memref<10000xi32, #tpu.memory_space<vmem>> -> memref<80xi32, #tpu.memory_space<vmem>>
      %dma_wait3A_736 = arith.constant 0 : i32
      %dma_wait3A_737 = arith.constant 0 : i32
      %dma_wait3A_738 = tpu.memref_slice %arg2[%dma_wait3A_736, %dma_wait3A_737] : memref<10000x128xf32, #tpu.memory_space<hbm>> -> memref<10000x128xf32, #tpu.memory_space<hbm>>
      tpu.wait_indirect_dma semaphore(%arg19 : memref<!tpu.dma_semaphore, #tpu.memory_space<semaphore_mem>>) src(%dma_wait3A_738 : memref<10000x128xf32, #tpu.memory_space<hbm>>) dst(%arg12 : memref<80x128xf32, #tpu.memory_space<vmem>>)
      %dma_wait3A_739 = tpu.memref_slice %arg11[%mul3A_364] : memref<10000xi32, #tpu.memory_space<vmem>> -> memref<80xi32, #tpu.memory_space<vmem>>
      %dma_wait3A_740 = arith.constant 0 : i32
      %dma_wait3A_741 = arith.constant 0 : i32
      %dma_wait3A_742 = tpu.memref_slice %arg3[%dma_wait3A_740, %dma_wait3A_741] : memref<10000x128xf32, #tpu.memory_space<hbm>> -> memref<10000x128xf32, #tpu.memory_space<hbm>>
      tpu.wait_indirect_dma semaphore(%arg19 : memref<!tpu.dma_semaphore, #tpu.memory_space<semaphore_mem>>) src(%dma_wait3A_742 : memref<10000x128xf32, #tpu.memory_space<hbm>>) dst(%arg14 : memref<80x128xf32, #tpu.memory_space<vmem>>)
      %dma_start3A_743 = arith.constant 0 : i32
      %dma_start3A_744 = tpu.memref_slice %arg7[%add3A_356, %dma_start3A_743] : memref<320000x128xf32, #tpu.memory_space<hbm>> -> memref<80x128xf32, #tpu.memory_space<hbm>>
      %dma_start3A_745 = arith.constant 0 : i32
      %dma_start3A_746 = tpu.memref_slice %arg7[%add3A_356, %dma_start3A_745] : memref<320000x128xf32, #tpu.memory_space<hbm>> -> memref<80x128xf32, #tpu.memory_space<hbm>>
      tpu.enqueue_dma source(%arg12 : memref<80x128xf32, #tpu.memory_space<vmem>>) target(%dma_start3A_746 : memref<80x128xf32, #tpu.memory_space<hbm>>) target_semaphore(%arg21 : memref<!tpu.dma_semaphore, #tpu.memory_space<semaphore_mem>>)
      %dma_start3A_747 = arith.constant 0 : i32
      %dma_start3A_748 = tpu.memref_slice %arg8[%add3A_356, %dma_start3A_747] : memref<320000x128xf32, #tpu.memory_space<hbm>> -> memref<80x128xf32, #tpu.memory_space<hbm>>
      %dma_start3A_749 = arith.constant 0 : i32
      %dma_start3A_750 = tpu.memref_slice %arg8[%add3A_356, %dma_start3A_749] : memref<320000x128xf32, #tpu.memory_space<hbm>> -> memref<80x128xf32, #tpu.memory_space<hbm>>
      tpu.enqueue_dma source(%arg14 : memref<80x128xf32, #tpu.memory_space<vmem>>) target(%dma_start3A_750 : memref<80x128xf32, #tpu.memory_space<hbm>>) target_semaphore(%arg21 : memref<!tpu.dma_semaphore, #tpu.memory_space<semaphore_mem>>)
      %mul3A_751 = arith.constant 4 : i32
      %mul3A_752 = arith.muli %add3A_356, %mul3A_751 : i32
      %dma_start3A_753 = tpu.memref_slice %arg9[%mul3A_752] : memref<1280000xf32, #tpu.memory_space<hbm>> -> memref<320xf32, #tpu.memory_space<hbm>>
      %dma_start3A_754 = tpu.memref_slice %arg9[%mul3A_752] : memref<1280000xf32, #tpu.memory_space<hbm>> -> memref<320xf32, #tpu.memory_space<hbm>>
      tpu.enqueue_dma source(%arg16 : memref<320xf32, #tpu.memory_space<vmem>>) target(%dma_start3A_754 : memref<320xf32, #tpu.memory_space<hbm>>) target_semaphore(%arg21 : memref<!tpu.dma_semaphore, #tpu.memory_space<semaphore_mem>>)
      %mul3A_755 = arith.constant 2 : i32
      %mul3A_756 = arith.muli %mul3A_755, %scan3A_351 : i32
      %add3A_757 = arith.constant 1 : i32
      %add3A_758 = arith.addi %mul3A_756, %add3A_757 : i32
      %mul3A_759 = arith.constant 80 : i32
      %mul3A_760 = arith.muli %add3A_758, %mul3A_759 : i32
      %add3A_761 = arith.constant 0 : i32
      %add3A_762 = arith.addi %mul3A_760, %add3A_761 : i32
      %get3A_763 = arith.index_cast %add3A_762 : i32 to index
      %get3A_764 = tpu.vector_load %arg10[%get3A_763] {strides = array<i32>} : memref<10000xi32, #tpu.memory_space<vmem>>, vector<16xi32>,
      %mul3A_765 = arith.constant 4 : i32
      %mul3A_766 = vector.broadcast %mul3A_765 : i32 to vector<16xi32>
      %mul3A_767 = arith.muli %get3A_764, %mul3A_766 : vector<16xi32>
      %mul3A_768 = arith.constant 80 : i32
      %mul3A_769 = arith.muli %add3A_758, %mul3A_768 : i32
      %add3A_770 = arith.constant 0 : i32
      %add3A_771 = arith.addi %mul3A_769, %add3A_770 : i32
      %get3A_772 = arith.index_cast %add3A_771 : i32 to index
      %get3A_773 = tpu.vector_load %arg11[%get3A_772] {strides = array<i32>} : memref<10000xi32, #tpu.memory_space<vmem>>, vector<16xi32>,
      %mul3A_774 = arith.constant 4 : i32
      %mul3A_775 = vector.broadcast %mul3A_774 : i32 to vector<16xi32>
      %mul3A_776 = arith.muli %get3A_773, %mul3A_775 : vector<16xi32>
      %iota3A_777 = tpu.iota {dimensions = array<i32: 0>} : vector<16xi32>
      %add3A_778 = arith.constant 0 : i32
      %add3A_779 = vector.broadcast %add3A_778 : i32 to vector<16xi32>
      %add3A_780 = arith.addi %add3A_779, %iota3A_777 : vector<16xi32>
      %mul3A_781 = arith.constant 4 : i32
      %mul3A_782 = vector.broadcast %mul3A_781 : i32 to vector<16xi32>
      %mul3A_783 = arith.muli %add3A_780, %mul3A_782 : vector<16xi32>
      %add3A_784 = arith.constant 0 : i32
      %add3A_785 = vector.broadcast %add3A_784 : i32 to vector<16xi32>
      %add3A_786 = arith.addi %mul3A_767, %add3A_785 : vector<16xi32>
      %gather3A_787 = tpu.vector_load_idx %arg18[%add3A_786] : memref<40000xf32, #tpu.memory_space<vmem>>[vector<16xi32>], vector<16xf32>,
      %add3A_788 = arith.constant 0 : i32
      %add3A_789 = vector.broadcast %add3A_788 : i32 to vector<16xi32>
      %add3A_790 = arith.addi %mul3A_776, %add3A_789 : vector<16xi32>
      %gather3A_791 = tpu.vector_load_idx %arg18[%add3A_790] : memref<40000xf32, #tpu.memory_space<vmem>>[vector<16xi32>], vector<16xf32>,
      %sub3A_792 = arith.subf %gather3A_787, %gather3A_791 : vector<16xf32>
      %add3A_793 = arith.constant 0 : i32
      %add3A_794 = vector.broadcast %add3A_793 : i32 to vector<16xi32>
      %add3A_795 = arith.addi %mul3A_783, %add3A_794 : vector<16xi32>
      tpu.vector_store_idx %arg17[%add3A_795], %sub3A_792 : memref<320xf32, #tpu.memory_space<vmem>>[vector<16xi32>], vector<16xf32>,
      %add3A_796 = arith.constant 1 : i32
      %add3A_797 = vector.broadcast %add3A_796 : i32 to vector<16xi32>
      %add3A_798 = arith.addi %mul3A_767, %add3A_797 : vector<16xi32>
      %gather3A_799 = tpu.vector_load_idx %arg18[%add3A_798] : memref<40000xf32, #tpu.memory_space<vmem>>[vector<16xi32>], vector<16xf32>,
      %add3A_800 = arith.constant 1 : i32
      %add3A_801 = vector.broadcast %add3A_800 : i32 to vector<16xi32>
      %add3A_802 = arith.addi %mul3A_776, %add3A_801 : vector<16xi32>
      %gather3A_803 = tpu.vector_load_idx %arg18[%add3A_802] : memref<40000xf32, #tpu.memory_space<vmem>>[vector<16xi32>], vector<16xf32>,
      %sub3A_804 = arith.subf %gather3A_799, %gather3A_803 : vector<16xf32>
      %add3A_805 = arith.constant 1 : i32
      %add3A_806 = vector.broadcast %add3A_805 : i32 to vector<16xi32>
      %add3A_807 = arith.addi %mul3A_783, %add3A_806 : vector<16xi32>
      tpu.vector_store_idx %arg17[%add3A_807], %sub3A_804 : memref<320xf32, #tpu.memory_space<vmem>>[vector<16xi32>], vector<16xf32>,
      %add3A_808 = arith.constant 2 : i32
      %add3A_809 = vector.broadcast %add3A_808 : i32 to vector<16xi32>
      %add3A_810 = arith.addi %mul3A_767, %add3A_809 : vector<16xi32>
      %gather3A_811 = tpu.vector_load_idx %arg18[%add3A_810] : memref<40000xf32, #tpu.memory_space<vmem>>[vector<16xi32>], vector<16xf32>,
      %add3A_812 = arith.constant 2 : i32
      %add3A_813 = vector.broadcast %add3A_812 : i32 to vector<16xi32>
      %add3A_814 = arith.addi %mul3A_776, %add3A_813 : vector<16xi32>
      %gather3A_815 = tpu.vector_load_idx %arg18[%add3A_814] : memref<40000xf32, #tpu.memory_space<vmem>>[vector<16xi32>], vector<16xf32>,
      %sub3A_816 = arith.subf %gather3A_811, %gather3A_815 : vector<16xf32>
      %add3A_817 = arith.constant 2 : i32
      %add3A_818 = vector.broadcast %add3A_817 : i32 to vector<16xi32>
      %add3A_819 = arith.addi %mul3A_783, %add3A_818 : vector<16xi32>
      tpu.vector_store_idx %arg17[%add3A_819], %sub3A_816 : memref<320xf32, #tpu.memory_space<vmem>>[vector<16xi32>], vector<16xf32>,
      %mul3A_820 = arith.mulf %sub3A_792, %sub3A_792 : vector<16xf32>
      %mul3A_821 = arith.mulf %sub3A_804, %sub3A_804 : vector<16xf32>
      %add3A_822 = arith.addf %mul3A_820, %mul3A_821 : vector<16xf32>
      %mul3A_823 = arith.mulf %sub3A_816, %sub3A_816 : vector<16xf32>
      %add3A_824 = arith.addf %add3A_822, %mul3A_823 : vector<16xf32>
      %add3A_825 = arith.constant 3 : i32
      %add3A_826 = vector.broadcast %add3A_825 : i32 to vector<16xi32>
      %add3A_827 = arith.addi %mul3A_783, %add3A_826 : vector<16xi32>
      tpu.vector_store_idx %arg17[%add3A_827], %add3A_824 : memref<320xf32, #tpu.memory_space<vmem>>[vector<16xi32>], vector<16xf32>,
      %mul3A_828 = arith.constant 80 : i32
      %mul3A_829 = arith.muli %add3A_758, %mul3A_828 : i32
      %add3A_830 = arith.constant 16 : i32
      %add3A_831 = arith.addi %mul3A_829, %add3A_830 : i32
      %get3A_832 = arith.index_cast %add3A_831 : i32 to index
      %get3A_833 = tpu.vector_load %arg10[%get3A_832] {strides = array<i32>} : memref<10000xi32, #tpu.memory_space<vmem>>, vector<16xi32>,
      %mul3A_834 = arith.constant 4 : i32
      %mul3A_835 = vector.broadcast %mul3A_834 : i32 to vector<16xi32>
      %mul3A_836 = arith.muli %get3A_833, %mul3A_835 : vector<16xi32>
      %mul3A_837 = arith.constant 80 : i32
      %mul3A_838 = arith.muli %add3A_758, %mul3A_837 : i32
      %add3A_839 = arith.constant 16 : i32
      %add3A_840 = arith.addi %mul3A_838, %add3A_839 : i32
      %get3A_841 = arith.index_cast %add3A_840 : i32 to index
      %get3A_842 = tpu.vector_load %arg11[%get3A_841] {strides = array<i32>} : memref<10000xi32, #tpu.memory_space<vmem>>, vector<16xi32>,
      %mul3A_843 = arith.constant 4 : i32
      %mul3A_844 = vector.broadcast %mul3A_843 : i32 to vector<16xi32>
      %mul3A_845 = arith.muli %get3A_842, %mul3A_844 : vector<16xi32>
      %iota3A_846 = tpu.iota {dimensions = array<i32: 0>} : vector<16xi32>
      %add3A_847 = arith.constant 16 : i32
      %add3A_848 = vector.broadcast %add3A_847 : i32 to vector<16xi32>
      %add3A_849 = arith.addi %add3A_848, %iota3A_846 : vector<16xi32>
      %mul3A_850 = arith.constant 4 : i32
      %mul3A_851 = vector.broadcast %mul3A_850 : i32 to vector<16xi32>
      %mul3A_852 = arith.muli %add3A_849, %mul3A_851 : vector<16xi32>
      %add3A_853 = arith.constant 0 : i32
      %add3A_854 = vector.broadcast %add3A_853 : i32 to vector<16xi32>
      %add3A_855 = arith.addi %mul3A_836, %add3A_854 : vector<16xi32>
      %gather3A_856 = tpu.vector_load_idx %arg18[%add3A_855] : memref<40000xf32, #tpu.memory_space<vmem>>[vector<16xi32>], vector<16xf32>,
      %add3A_857 = arith.constant 0 : i32
      %add3A_858 = vector.broadcast %add3A_857 : i32 to vector<16xi32>
      %add3A_859 = arith.addi %mul3A_845, %add3A_858 : vector<16xi32>
      %gather3A_860 = tpu.vector_load_idx %arg18[%add3A_859] : memref<40000xf32, #tpu.memory_space<vmem>>[vector<16xi32>], vector<16xf32>,
      %sub3A_861 = arith.subf %gather3A_856, %gather3A_860 : vector<16xf32>
      %add3A_862 = arith.constant 0 : i32
      %add3A_863 = vector.broadcast %add3A_862 : i32 to vector<16xi32>
      %add3A_864 = arith.addi %mul3A_852, %add3A_863 : vector<16xi32>
      tpu.vector_store_idx %arg17[%add3A_864], %sub3A_861 : memref<320xf32, #tpu.memory_space<vmem>>[vector<16xi32>], vector<16xf32>,
      %add3A_865 = arith.constant 1 : i32
      %add3A_866 = vector.broadcast %add3A_865 : i32 to vector<16xi32>
      %add3A_867 = arith.addi %mul3A_836, %add3A_866 : vector<16xi32>
      %gather3A_868 = tpu.vector_load_idx %arg18[%add3A_867] : memref<40000xf32, #tpu.memory_space<vmem>>[vector<16xi32>], vector<16xf32>,
      %add3A_869 = arith.constant 1 : i32
      %add3A_870 = vector.broadcast %add3A_869 : i32 to vector<16xi32>
      %add3A_871 = arith.addi %mul3A_845, %add3A_870 : vector<16xi32>
      %gather3A_872 = tpu.vector_load_idx %arg18[%add3A_871] : memref<40000xf32, #tpu.memory_space<vmem>>[vector<16xi32>], vector<16xf32>,
      %sub3A_873 = arith.subf %gather3A_868, %gather3A_872 : vector<16xf32>
      %add3A_874 = arith.constant 1 : i32
      %add3A_875 = vector.broadcast %add3A_874 : i32 to vector<16xi32>
      %add3A_876 = arith.addi %mul3A_852, %add3A_875 : vector<16xi32>
      tpu.vector_store_idx %arg17[%add3A_876], %sub3A_873 : memref<320xf32, #tpu.memory_space<vmem>>[vector<16xi32>], vector<16xf32>,
      %add3A_877 = arith.constant 2 : i32
      %add3A_878 = vector.broadcast %add3A_877 : i32 to vector<16xi32>
      %add3A_879 = arith.addi %mul3A_836, %add3A_878 : vector<16xi32>
      %gather3A_880 = tpu.vector_load_idx %arg18[%add3A_879] : memref<40000xf32, #tpu.memory_space<vmem>>[vector<16xi32>], vector<16xf32>,
      %add3A_881 = arith.constant 2 : i32
      %add3A_882 = vector.broadcast %add3A_881 : i32 to vector<16xi32>
      %add3A_883 = arith.addi %mul3A_845, %add3A_882 : vector<16xi32>
      %gather3A_884 = tpu.vector_load_idx %arg18[%add3A_883] : memref<40000xf32, #tpu.memory_space<vmem>>[vector<16xi32>], vector<16xf32>,
      %sub3A_885 = arith.subf %gather3A_880, %gather3A_884 : vector<16xf32>
      %add3A_886 = arith.constant 2 : i32
      %add3A_887 = vector.broadcast %add3A_886 : i32 to vector<16xi32>
      %add3A_888 = arith.addi %mul3A_852, %add3A_887 : vector<16xi32>
      tpu.vector_store_idx %arg17[%add3A_888], %sub3A_885 : memref<320xf32, #tpu.memory_space<vmem>>[vector<16xi32>], vector<16xf32>,
      %mul3A_889 = arith.mulf %sub3A_861, %sub3A_861 : vector<16xf32>
      %mul3A_890 = arith.mulf %sub3A_873, %sub3A_873 : vector<16xf32>
      %add3A_891 = arith.addf %mul3A_889, %mul3A_890 : vector<16xf32>
      %mul3A_892 = arith.mulf %sub3A_885, %sub3A_885 : vector<16xf32>
      %add3A_893 = arith.addf %add3A_891, %mul3A_892 : vector<16xf32>
      %add3A_894 = arith.constant 3 : i32
      %add3A_895 = vector.broadcast %add3A_894 : i32 to vector<16xi32>
      %add3A_896 = arith.addi %mul3A_852, %add3A_895 : vector<16xi32>
      tpu.vector_store_idx %arg17[%add3A_896], %add3A_893 : memref<320xf32, #tpu.memory_space<vmem>>[vector<16xi32>], vector<16xf32>,
      %mul3A_897 = arith.constant 80 : i32
      %mul3A_898 = arith.muli %add3A_758, %mul3A_897 : i32
      %add3A_899 = arith.constant 32 : i32
      %add3A_900 = arith.addi %mul3A_898, %add3A_899 : i32
      %get3A_901 = arith.index_cast %add3A_900 : i32 to index
      %get3A_902 = tpu.vector_load %arg10[%get3A_901] {strides = array<i32>} : memref<10000xi32, #tpu.memory_space<vmem>>, vector<16xi32>,
      %mul3A_903 = arith.constant 4 : i32
      %mul3A_904 = vector.broadcast %mul3A_903 : i32 to vector<16xi32>
      %mul3A_905 = arith.muli %get3A_902, %mul3A_904 : vector<16xi32>
      %mul3A_906 = arith.constant 80 : i32
      %mul3A_907 = arith.muli %add3A_758, %mul3A_906 : i32
      %add3A_908 = arith.constant 32 : i32
      %add3A_909 = arith.addi %mul3A_907, %add3A_908 : i32
      %get3A_910 = arith.index_cast %add3A_909 : i32 to index
      %get3A_911 = tpu.vector_load %arg11[%get3A_910] {strides = array<i32>} : memref<10000xi32, #tpu.memory_space<vmem>>, vector<16xi32>,
      %mul3A_912 = arith.constant 4 : i32
      %mul3A_913 = vector.broadcast %mul3A_912 : i32 to vector<16xi32>
      %mul3A_914 = arith.muli %get3A_911, %mul3A_913 : vector<16xi32>
      %iota3A_915 = tpu.iota {dimensions = array<i32: 0>} : vector<16xi32>
      %add3A_916 = arith.constant 32 : i32
      %add3A_917 = vector.broadcast %add3A_916 : i32 to vector<16xi32>
      %add3A_918 = arith.addi %add3A_917, %iota3A_915 : vector<16xi32>
      %mul3A_919 = arith.constant 4 : i32
      %mul3A_920 = vector.broadcast %mul3A_919 : i32 to vector<16xi32>
      %mul3A_921 = arith.muli %add3A_918, %mul3A_920 : vector<16xi32>
      %add3A_922 = arith.constant 0 : i32
      %add3A_923 = vector.broadcast %add3A_922 : i32 to vector<16xi32>
      %add3A_924 = arith.addi %mul3A_905, %add3A_923 : vector<16xi32>
      %gather3A_925 = tpu.vector_load_idx %arg18[%add3A_924] : memref<40000xf32, #tpu.memory_space<vmem>>[vector<16xi32>], vector<16xf32>,
      %add3A_926 = arith.constant 0 : i32
      %add3A_927 = vector.broadcast %add3A_926 : i32 to vector<16xi32>
      %add3A_928 = arith.addi %mul3A_914, %add3A_927 : vector<16xi32>
      %gather3A_929 = tpu.vector_load_idx %arg18[%add3A_928] : memref<40000xf32, #tpu.memory_space<vmem>>[vector<16xi32>], vector<16xf32>,
      %sub3A_930 = arith.subf %gather3A_925, %gather3A_929 : vector<16xf32>
      %add3A_931 = arith.constant 0 : i32
      %add3A_932 = vector.broadcast %add3A_931 : i32 to vector<16xi32>
      %add3A_933 = arith.addi %mul3A_921, %add3A_932 : vector<16xi32>
      tpu.vector_store_idx %arg17[%add3A_933], %sub3A_930 : memref<320xf32, #tpu.memory_space<vmem>>[vector<16xi32>], vector<16xf32>,
      %add3A_934 = arith.constant 1 : i32
      %add3A_935 = vector.broadcast %add3A_934 : i32 to vector<16xi32>
      %add3A_936 = arith.addi %mul3A_905, %add3A_935 : vector<16xi32>
      %gather3A_937 = tpu.vector_load_idx %arg18[%add3A_936] : memref<40000xf32, #tpu.memory_space<vmem>>[vector<16xi32>], vector<16xf32>,
      %add3A_938 = arith.constant 1 : i32
      %add3A_939 = vector.broadcast %add3A_938 : i32 to vector<16xi32>
      %add3A_940 = arith.addi %mul3A_914, %add3A_939 : vector<16xi32>
      %gather3A_941 = tpu.vector_load_idx %arg18[%add3A_940] : memref<40000xf32, #tpu.memory_space<vmem>>[vector<16xi32>], vector<16xf32>,
      %sub3A_942 = arith.subf %gather3A_937, %gather3A_941 : vector<16xf32>
      %add3A_943 = arith.constant 1 : i32
      %add3A_944 = vector.broadcast %add3A_943 : i32 to vector<16xi32>
      %add3A_945 = arith.addi %mul3A_921, %add3A_944 : vector<16xi32>
      tpu.vector_store_idx %arg17[%add3A_945], %sub3A_942 : memref<320xf32, #tpu.memory_space<vmem>>[vector<16xi32>], vector<16xf32>,
      %add3A_946 = arith.constant 2 : i32
      %add3A_947 = vector.broadcast %add3A_946 : i32 to vector<16xi32>
      %add3A_948 = arith.addi %mul3A_905, %add3A_947 : vector<16xi32>
      %gather3A_949 = tpu.vector_load_idx %arg18[%add3A_948] : memref<40000xf32, #tpu.memory_space<vmem>>[vector<16xi32>], vector<16xf32>,
      %add3A_950 = arith.constant 2 : i32
      %add3A_951 = vector.broadcast %add3A_950 : i32 to vector<16xi32>
      %add3A_952 = arith.addi %mul3A_914, %add3A_951 : vector<16xi32>
      %gather3A_953 = tpu.vector_load_idx %arg18[%add3A_952] : memref<40000xf32, #tpu.memory_space<vmem>>[vector<16xi32>], vector<16xf32>,
      %sub3A_954 = arith.subf %gather3A_949, %gather3A_953 : vector<16xf32>
      %add3A_955 = arith.constant 2 : i32
      %add3A_956 = vector.broadcast %add3A_955 : i32 to vector<16xi32>
      %add3A_957 = arith.addi %mul3A_921, %add3A_956 : vector<16xi32>
      tpu.vector_store_idx %arg17[%add3A_957], %sub3A_954 : memref<320xf32, #tpu.memory_space<vmem>>[vector<16xi32>], vector<16xf32>,
      %mul3A_958 = arith.mulf %sub3A_930, %sub3A_930 : vector<16xf32>
      %mul3A_959 = arith.mulf %sub3A_942, %sub3A_942 : vector<16xf32>
      %add3A_960 = arith.addf %mul3A_958, %mul3A_959 : vector<16xf32>
      %mul3A_961 = arith.mulf %sub3A_954, %sub3A_954 : vector<16xf32>
      %add3A_962 = arith.addf %add3A_960, %mul3A_961 : vector<16xf32>
      %add3A_963 = arith.constant 3 : i32
      %add3A_964 = vector.broadcast %add3A_963 : i32 to vector<16xi32>
      %add3A_965 = arith.addi %mul3A_921, %add3A_964 : vector<16xi32>
      tpu.vector_store_idx %arg17[%add3A_965], %add3A_962 : memref<320xf32, #tpu.memory_space<vmem>>[vector<16xi32>], vector<16xf32>,
      %mul3A_966 = arith.constant 80 : i32
      %mul3A_967 = arith.muli %add3A_758, %mul3A_966 : i32
      %add3A_968 = arith.constant 48 : i32
      %add3A_969 = arith.addi %mul3A_967, %add3A_968 : i32
      %get3A_970 = arith.index_cast %add3A_969 : i32 to index
      %get3A_971 = tpu.vector_load %arg10[%get3A_970] {strides = array<i32>} : memref<10000xi32, #tpu.memory_space<vmem>>, vector<16xi32>,
      %mul3A_972 = arith.constant 4 : i32
      %mul3A_973 = vector.broadcast %mul3A_972 : i32 to vector<16xi32>
      %mul3A_974 = arith.muli %get3A_971, %mul3A_973 : vector<16xi32>
      %mul3A_975 = arith.constant 80 : i32
      %mul3A_976 = arith.muli %add3A_758, %mul3A_975 : i32
      %add3A_977 = arith.constant 48 : i32
      %add3A_978 = arith.addi %mul3A_976, %add3A_977 : i32
      %get3A_979 = arith.index_cast %add3A_978 : i32 to index
      %get3A_980 = tpu.vector_load %arg11[%get3A_979] {strides = array<i32>} : memref<10000xi32, #tpu.memory_space<vmem>>, vector<16xi32>,
      %mul3A_981 = arith.constant 4 : i32
      %mul3A_982 = vector.broadcast %mul3A_981 : i32 to vector<16xi32>
      %mul3A_983 = arith.muli %get3A_980, %mul3A_982 : vector<16xi32>
      %iota3A_984 = tpu.iota {dimensions = array<i32: 0>} : vector<16xi32>
      %add3A_985 = arith.constant 48 : i32
      %add3A_986 = vector.broadcast %add3A_985 : i32 to vector<16xi32>
      %add3A_987 = arith.addi %add3A_986, %iota3A_984 : vector<16xi32>
      %mul3A_988 = arith.constant 4 : i32
      %mul3A_989 = vector.broadcast %mul3A_988 : i32 to vector<16xi32>
      %mul3A_990 = arith.muli %add3A_987, %mul3A_989 : vector<16xi32>
      %add3A_991 = arith.constant 0 : i32
      %add3A_992 = vector.broadcast %add3A_991 : i32 to vector<16xi32>
      %add3A_993 = arith.addi %mul3A_974, %add3A_992 : vector<16xi32>
      %gather3A_994 = tpu.vector_load_idx %arg18[%add3A_993] : memref<40000xf32, #tpu.memory_space<vmem>>[vector<16xi32>], vector<16xf32>,
      %add3A_995 = arith.constant 0 : i32
      %add3A_996 = vector.broadcast %add3A_995 : i32 to vector<16xi32>
      %add3A_997 = arith.addi %mul3A_983, %add3A_996 : vector<16xi32>
      %gather3A_998 = tpu.vector_load_idx %arg18[%add3A_997] : memref<40000xf32, #tpu.memory_space<vmem>>[vector<16xi32>], vector<16xf32>,
      %sub3A_999 = arith.subf %gather3A_994, %gather3A_998 : vector<16xf32>
      %add3A_1000 = arith.constant 0 : i32
      %add3A_1001 = vector.broadcast %add3A_1000 : i32 to vector<16xi32>
      %add3A_1002 = arith.addi %mul3A_990, %add3A_1001 : vector<16xi32>
      tpu.vector_store_idx %arg17[%add3A_1002], %sub3A_999 : memref<320xf32, #tpu.memory_space<vmem>>[vector<16xi32>], vector<16xf32>,
      %add3A_1003 = arith.constant 1 : i32
      %add3A_1004 = vector.broadcast %add3A_1003 : i32 to vector<16xi32>
      %add3A_1005 = arith.addi %mul3A_974, %add3A_1004 : vector<16xi32>
      %gather3A_1006 = tpu.vector_load_idx %arg18[%add3A_1005] : memref<40000xf32, #tpu.memory_space<vmem>>[vector<16xi32>], vector<16xf32>,
      %add3A_1007 = arith.constant 1 : i32
      %add3A_1008 = vector.broadcast %add3A_1007 : i32 to vector<16xi32>
      %add3A_1009 = arith.addi %mul3A_983, %add3A_1008 : vector<16xi32>
      %gather3A_1010 = tpu.vector_load_idx %arg18[%add3A_1009] : memref<40000xf32, #tpu.memory_space<vmem>>[vector<16xi32>], vector<16xf32>,
      %sub3A_1011 = arith.subf %gather3A_1006, %gather3A_1010 : vector<16xf32>
      %add3A_1012 = arith.constant 1 : i32
      %add3A_1013 = vector.broadcast %add3A_1012 : i32 to vector<16xi32>
      %add3A_1014 = arith.addi %mul3A_990, %add3A_1013 : vector<16xi32>
      tpu.vector_store_idx %arg17[%add3A_1014], %sub3A_1011 : memref<320xf32, #tpu.memory_space<vmem>>[vector<16xi32>], vector<16xf32>,
      %add3A_1015 = arith.constant 2 : i32
      %add3A_1016 = vector.broadcast %add3A_1015 : i32 to vector<16xi32>
      %add3A_1017 = arith.addi %mul3A_974, %add3A_1016 : vector<16xi32>
      %gather3A_1018 = tpu.vector_load_idx %arg18[%add3A_1017] : memref<40000xf32, #tpu.memory_space<vmem>>[vector<16xi32>], vector<16xf32>,
      %add3A_1019 = arith.constant 2 : i32
      %add3A_1020 = vector.broadcast %add3A_1019 : i32 to vector<16xi32>
      %add3A_1021 = arith.addi %mul3A_983, %add3A_1020 : vector<16xi32>
      %gather3A_1022 = tpu.vector_load_idx %arg18[%add3A_1021] : memref<40000xf32, #tpu.memory_space<vmem>>[vector<16xi32>], vector<16xf32>,
      %sub3A_1023 = arith.subf %gather3A_1018, %gather3A_1022 : vector<16xf32>
      %add3A_1024 = arith.constant 2 : i32
      %add3A_1025 = vector.broadcast %add3A_1024 : i32 to vector<16xi32>
      %add3A_1026 = arith.addi %mul3A_990, %add3A_1025 : vector<16xi32>
      tpu.vector_store_idx %arg17[%add3A_1026], %sub3A_1023 : memref<320xf32, #tpu.memory_space<vmem>>[vector<16xi32>], vector<16xf32>,
      %mul3A_1027 = arith.mulf %sub3A_999, %sub3A_999 : vector<16xf32>
      %mul3A_1028 = arith.mulf %sub3A_1011, %sub3A_1011 : vector<16xf32>
      %add3A_1029 = arith.addf %mul3A_1027, %mul3A_1028 : vector<16xf32>
      %mul3A_1030 = arith.mulf %sub3A_1023, %sub3A_1023 : vector<16xf32>
      %add3A_1031 = arith.addf %add3A_1029, %mul3A_1030 : vector<16xf32>
      %add3A_1032 = arith.constant 3 : i32
      %add3A_1033 = vector.broadcast %add3A_1032 : i32 to vector<16xi32>
      %add3A_1034 = arith.addi %mul3A_990, %add3A_1033 : vector<16xi32>
      tpu.vector_store_idx %arg17[%add3A_1034], %add3A_1031 : memref<320xf32, #tpu.memory_space<vmem>>[vector<16xi32>], vector<16xf32>,
      %mul3A_1035 = arith.constant 80 : i32
      %mul3A_1036 = arith.muli %add3A_758, %mul3A_1035 : i32
      %add3A_1037 = arith.constant 64 : i32
      %add3A_1038 = arith.addi %mul3A_1036, %add3A_1037 : i32
      %get3A_1039 = arith.index_cast %add3A_1038 : i32 to index
      %get3A_1040 = tpu.vector_load %arg10[%get3A_1039] {strides = array<i32>} : memref<10000xi32, #tpu.memory_space<vmem>>, vector<16xi32>,
      %mul3A_1041 = arith.constant 4 : i32
      %mul3A_1042 = vector.broadcast %mul3A_1041 : i32 to vector<16xi32>
      %mul3A_1043 = arith.muli %get3A_1040, %mul3A_1042 : vector<16xi32>
      %mul3A_1044 = arith.constant 80 : i32
      %mul3A_1045 = arith.muli %add3A_758, %mul3A_1044 : i32
      %add3A_1046 = arith.constant 64 : i32
      %add3A_1047 = arith.addi %mul3A_1045, %add3A_1046 : i32
      %get3A_1048 = arith.index_cast %add3A_1047 : i32 to index
      %get3A_1049 = tpu.vector_load %arg11[%get3A_1048] {strides = array<i32>} : memref<10000xi32, #tpu.memory_space<vmem>>, vector<16xi32>,
      %mul3A_1050 = arith.constant 4 : i32
      %mul3A_1051 = vector.broadcast %mul3A_1050 : i32 to vector<16xi32>
      %mul3A_1052 = arith.muli %get3A_1049, %mul3A_1051 : vector<16xi32>
      %iota3A_1053 = tpu.iota {dimensions = array<i32: 0>} : vector<16xi32>
      %add3A_1054 = arith.constant 64 : i32
      %add3A_1055 = vector.broadcast %add3A_1054 : i32 to vector<16xi32>
      %add3A_1056 = arith.addi %add3A_1055, %iota3A_1053 : vector<16xi32>
      %mul3A_1057 = arith.constant 4 : i32
      %mul3A_1058 = vector.broadcast %mul3A_1057 : i32 to vector<16xi32>
      %mul3A_1059 = arith.muli %add3A_1056, %mul3A_1058 : vector<16xi32>
      %add3A_1060 = arith.constant 0 : i32
      %add3A_1061 = vector.broadcast %add3A_1060 : i32 to vector<16xi32>
      %add3A_1062 = arith.addi %mul3A_1043, %add3A_1061 : vector<16xi32>
      %gather3A_1063 = tpu.vector_load_idx %arg18[%add3A_1062] : memref<40000xf32, #tpu.memory_space<vmem>>[vector<16xi32>], vector<16xf32>,
      %add3A_1064 = arith.constant 0 : i32
      %add3A_1065 = vector.broadcast %add3A_1064 : i32 to vector<16xi32>
      %add3A_1066 = arith.addi %mul3A_1052, %add3A_1065 : vector<16xi32>
      %gather3A_1067 = tpu.vector_load_idx %arg18[%add3A_1066] : memref<40000xf32, #tpu.memory_space<vmem>>[vector<16xi32>], vector<16xf32>,
      %sub3A_1068 = arith.subf %gather3A_1063, %gather3A_1067 : vector<16xf32>
      %add3A_1069 = arith.constant 0 : i32
      %add3A_1070 = vector.broadcast %add3A_1069 : i32 to vector<16xi32>
      %add3A_1071 = arith.addi %mul3A_1059, %add3A_1070 : vector<16xi32>
      tpu.vector_store_idx %arg17[%add3A_1071], %sub3A_1068 : memref<320xf32, #tpu.memory_space<vmem>>[vector<16xi32>], vector<16xf32>,
      %add3A_1072 = arith.constant 1 : i32
      %add3A_1073 = vector.broadcast %add3A_1072 : i32 to vector<16xi32>
      %add3A_1074 = arith.addi %mul3A_1043, %add3A_1073 : vector<16xi32>
      %gather3A_1075 = tpu.vector_load_idx %arg18[%add3A_1074] : memref<40000xf32, #tpu.memory_space<vmem>>[vector<16xi32>], vector<16xf32>,
      %add3A_1076 = arith.constant 1 : i32
      %add3A_1077 = vector.broadcast %add3A_1076 : i32 to vector<16xi32>
      %add3A_1078 = arith.addi %mul3A_1052, %add3A_1077 : vector<16xi32>
      %gather3A_1079 = tpu.vector_load_idx %arg18[%add3A_1078] : memref<40000xf32, #tpu.memory_space<vmem>>[vector<16xi32>], vector<16xf32>,
      %sub3A_1080 = arith.subf %gather3A_1075, %gather3A_1079 : vector<16xf32>
      %add3A_1081 = arith.constant 1 : i32
      %add3A_1082 = vector.broadcast %add3A_1081 : i32 to vector<16xi32>
      %add3A_1083 = arith.addi %mul3A_1059, %add3A_1082 : vector<16xi32>
      tpu.vector_store_idx %arg17[%add3A_1083], %sub3A_1080 : memref<320xf32, #tpu.memory_space<vmem>>[vector<16xi32>], vector<16xf32>,
      %add3A_1084 = arith.constant 2 : i32
      %add3A_1085 = vector.broadcast %add3A_1084 : i32 to vector<16xi32>
      %add3A_1086 = arith.addi %mul3A_1043, %add3A_1085 : vector<16xi32>
      %gather3A_1087 = tpu.vector_load_idx %arg18[%add3A_1086] : memref<40000xf32, #tpu.memory_space<vmem>>[vector<16xi32>], vector<16xf32>,
      %add3A_1088 = arith.constant 2 : i32
      %add3A_1089 = vector.broadcast %add3A_1088 : i32 to vector<16xi32>
      %add3A_1090 = arith.addi %mul3A_1052, %add3A_1089 : vector<16xi32>
      %gather3A_1091 = tpu.vector_load_idx %arg18[%add3A_1090] : memref<40000xf32, #tpu.memory_space<vmem>>[vector<16xi32>], vector<16xf32>,
      %sub3A_1092 = arith.subf %gather3A_1087, %gather3A_1091 : vector<16xf32>
      %add3A_1093 = arith.constant 2 : i32
      %add3A_1094 = vector.broadcast %add3A_1093 : i32 to vector<16xi32>
      %add3A_1095 = arith.addi %mul3A_1059, %add3A_1094 : vector<16xi32>
      tpu.vector_store_idx %arg17[%add3A_1095], %sub3A_1092 : memref<320xf32, #tpu.memory_space<vmem>>[vector<16xi32>], vector<16xf32>,
      %mul3A_1096 = arith.mulf %sub3A_1068, %sub3A_1068 : vector<16xf32>
      %mul3A_1097 = arith.mulf %sub3A_1080, %sub3A_1080 : vector<16xf32>
      %add3A_1098 = arith.addf %mul3A_1096, %mul3A_1097 : vector<16xf32>
      %mul3A_1099 = arith.mulf %sub3A_1092, %sub3A_1092 : vector<16xf32>
      %add3A_1100 = arith.addf %add3A_1098, %mul3A_1099 : vector<16xf32>
      %add3A_1101 = arith.constant 3 : i32
      %add3A_1102 = vector.broadcast %add3A_1101 : i32 to vector<16xi32>
      %add3A_1103 = arith.addi %mul3A_1059, %add3A_1102 : vector<16xi32>
      tpu.vector_store_idx %arg17[%add3A_1103], %add3A_1100 : memref<320xf32, #tpu.memory_space<vmem>>[vector<16xi32>], vector<16xf32>,
      %dma_wait3A_1104 = tpu.memref_slice %arg10[%mul3A_377] : memref<10000xi32, #tpu.memory_space<vmem>> -> memref<80xi32, #tpu.memory_space<vmem>>
      %dma_wait3A_1105 = arith.constant 0 : i32
      %dma_wait3A_1106 = arith.constant 0 : i32
      %dma_wait3A_1107 = tpu.memref_slice %arg2[%dma_wait3A_1105, %dma_wait3A_1106] : memref<10000x128xf32, #tpu.memory_space<hbm>> -> memref<10000x128xf32, #tpu.memory_space<hbm>>
      tpu.wait_indirect_dma semaphore(%arg20 : memref<!tpu.dma_semaphore, #tpu.memory_space<semaphore_mem>>) src(%dma_wait3A_1107 : memref<10000x128xf32, #tpu.memory_space<hbm>>) dst(%arg13 : memref<80x128xf32, #tpu.memory_space<vmem>>)
      %dma_wait3A_1108 = tpu.memref_slice %arg11[%mul3A_383] : memref<10000xi32, #tpu.memory_space<vmem>> -> memref<80xi32, #tpu.memory_space<vmem>>
      %dma_wait3A_1109 = arith.constant 0 : i32
      %dma_wait3A_1110 = arith.constant 0 : i32
      %dma_wait3A_1111 = tpu.memref_slice %arg3[%dma_wait3A_1109, %dma_wait3A_1110] : memref<10000x128xf32, #tpu.memory_space<hbm>> -> memref<10000x128xf32, #tpu.memory_space<hbm>>
      tpu.wait_indirect_dma semaphore(%arg20 : memref<!tpu.dma_semaphore, #tpu.memory_space<semaphore_mem>>) src(%dma_wait3A_1111 : memref<10000x128xf32, #tpu.memory_space<hbm>>) dst(%arg15 : memref<80x128xf32, #tpu.memory_space<vmem>>)
      %dma_start3A_1112 = arith.constant 0 : i32
      %dma_start3A_1113 = tpu.memref_slice %arg7[%add3A_375, %dma_start3A_1112] : memref<320000x128xf32, #tpu.memory_space<hbm>> -> memref<80x128xf32, #tpu.memory_space<hbm>>
      %dma_start3A_1114 = arith.constant 0 : i32
      %dma_start3A_1115 = tpu.memref_slice %arg7[%add3A_375, %dma_start3A_1114] : memref<320000x128xf32, #tpu.memory_space<hbm>> -> memref<80x128xf32, #tpu.memory_space<hbm>>
      tpu.enqueue_dma source(%arg13 : memref<80x128xf32, #tpu.memory_space<vmem>>) target(%dma_start3A_1115 : memref<80x128xf32, #tpu.memory_space<hbm>>) target_semaphore(%arg21 : memref<!tpu.dma_semaphore, #tpu.memory_space<semaphore_mem>>)
      %dma_start3A_1116 = arith.constant 0 : i32
      %dma_start3A_1117 = tpu.memref_slice %arg8[%add3A_375, %dma_start3A_1116] : memref<320000x128xf32, #tpu.memory_space<hbm>> -> memref<80x128xf32, #tpu.memory_space<hbm>>
      %dma_start3A_1118 = arith.constant 0 : i32
      %dma_start3A_1119 = tpu.memref_slice %arg8[%add3A_375, %dma_start3A_1118] : memref<320000x128xf32, #tpu.memory_space<hbm>> -> memref<80x128xf32, #tpu.memory_space<hbm>>
      tpu.enqueue_dma source(%arg15 : memref<80x128xf32, #tpu.memory_space<vmem>>) target(%dma_start3A_1119 : memref<80x128xf32, #tpu.memory_space<hbm>>) target_semaphore(%arg21 : memref<!tpu.dma_semaphore, #tpu.memory_space<semaphore_mem>>)
      %mul3A_1120 = arith.constant 4 : i32
      %mul3A_1121 = arith.muli %add3A_375, %mul3A_1120 : i32
      %dma_start3A_1122 = tpu.memref_slice %arg9[%mul3A_1121] : memref<1280000xf32, #tpu.memory_space<hbm>> -> memref<320xf32, #tpu.memory_space<hbm>>
      %dma_start3A_1123 = tpu.memref_slice %arg9[%mul3A_1121] : memref<1280000xf32, #tpu.memory_space<hbm>> -> memref<320xf32, #tpu.memory_space<hbm>>
      tpu.enqueue_dma source(%arg17 : memref<320xf32, #tpu.memory_space<vmem>>) target(%dma_start3A_1123 : memref<320xf32, #tpu.memory_space<hbm>>) target_semaphore(%arg21 : memref<!tpu.dma_semaphore, #tpu.memory_space<semaphore_mem>>)
      %dma_wait3A_1124 = arith.constant 0 : i32
      %dma_wait3A_1125 = tpu.memref_slice %arg7[%add3A_356, %dma_wait3A_1124] : memref<320000x128xf32, #tpu.memory_space<hbm>> -> memref<80x128xf32, #tpu.memory_space<hbm>>
      %dma_wait3A_1126 = arith.constant 0 : i32
      %dma_wait3A_1127 = tpu.memref_slice %arg7[%add3A_356, %dma_wait3A_1126] : memref<320000x128xf32, #tpu.memory_space<hbm>> -> memref<80x128xf32, #tpu.memory_space<hbm>>
      tpu.wait_dma2 semaphore(%arg21 : memref<!tpu.dma_semaphore, #tpu.memory_space<semaphore_mem>>) src(%arg12 : memref<80x128xf32, #tpu.memory_space<vmem>>) dst(%dma_wait3A_1127 : memref<80x128xf32, #tpu.memory_space<hbm>>)
      %dma_wait3A_1128 = arith.constant 0 : i32
      %dma_wait3A_1129 = tpu.memref_slice %arg8[%add3A_356, %dma_wait3A_1128] : memref<320000x128xf32, #tpu.memory_space<hbm>> -> memref<80x128xf32, #tpu.memory_space<hbm>>
      %dma_wait3A_1130 = arith.constant 0 : i32
      %dma_wait3A_1131 = tpu.memref_slice %arg8[%add3A_356, %dma_wait3A_1130] : memref<320000x128xf32, #tpu.memory_space<hbm>> -> memref<80x128xf32, #tpu.memory_space<hbm>>
      tpu.wait_dma2 semaphore(%arg21 : memref<!tpu.dma_semaphore, #tpu.memory_space<semaphore_mem>>) src(%arg14 : memref<80x128xf32, #tpu.memory_space<vmem>>) dst(%dma_wait3A_1131 : memref<80x128xf32, #tpu.memory_space<hbm>>)
      %dma_wait3A_1132 = tpu.memref_slice %arg9[%mul3A_752] : memref<1280000xf32, #tpu.memory_space<hbm>> -> memref<320xf32, #tpu.memory_space<hbm>>
      %dma_wait3A_1133 = tpu.memref_slice %arg9[%mul3A_752] : memref<1280000xf32, #tpu.memory_space<hbm>> -> memref<320xf32, #tpu.memory_space<hbm>>
      tpu.wait_dma2 semaphore(%arg21 : memref<!tpu.dma_semaphore, #tpu.memory_space<semaphore_mem>>) src(%arg16 : memref<320xf32, #tpu.memory_space<vmem>>) dst(%dma_wait3A_1133 : memref<320xf32, #tpu.memory_space<hbm>>)
      %dma_wait3A_1134 = arith.constant 0 : i32
      %dma_wait3A_1135 = tpu.memref_slice %arg7[%add3A_375, %dma_wait3A_1134] : memref<320000x128xf32, #tpu.memory_space<hbm>> -> memref<80x128xf32, #tpu.memory_space<hbm>>
      %dma_wait3A_1136 = arith.constant 0 : i32
      %dma_wait3A_1137 = tpu.memref_slice %arg7[%add3A_375, %dma_wait3A_1136] : memref<320000x128xf32, #tpu.memory_space<hbm>> -> memref<80x128xf32, #tpu.memory_space<hbm>>
      tpu.wait_dma2 semaphore(%arg21 : memref<!tpu.dma_semaphore, #tpu.memory_space<semaphore_mem>>) src(%arg13 : memref<80x128xf32, #tpu.memory_space<vmem>>) dst(%dma_wait3A_1137 : memref<80x128xf32, #tpu.memory_space<hbm>>)
      %dma_wait3A_1138 = arith.constant 0 : i32
      %dma_wait3A_1139 = tpu.memref_slice %arg8[%add3A_375, %dma_wait3A_1138] : memref<320000x128xf32, #tpu.memory_space<hbm>> -> memref<80x128xf32, #tpu.memory_space<hbm>>
      %dma_wait3A_1140 = arith.constant 0 : i32
      %dma_wait3A_1141 = tpu.memref_slice %arg8[%add3A_375, %dma_wait3A_1140] : memref<320000x128xf32, #tpu.memory_space<hbm>> -> memref<80x128xf32, #tpu.memory_space<hbm>>
      tpu.wait_dma2 semaphore(%arg21 : memref<!tpu.dma_semaphore, #tpu.memory_space<semaphore_mem>>) src(%arg15 : memref<80x128xf32, #tpu.memory_space<vmem>>) dst(%dma_wait3A_1141 : memref<80x128xf32, #tpu.memory_space<hbm>>)
      %dma_wait3A_1142 = tpu.memref_slice %arg9[%mul3A_1121] : memref<1280000xf32, #tpu.memory_space<hbm>> -> memref<320xf32, #tpu.memory_space<hbm>>
      %dma_wait3A_1143 = tpu.memref_slice %arg9[%mul3A_1121] : memref<1280000xf32, #tpu.memory_space<hbm>> -> memref<320xf32, #tpu.memory_space<hbm>>
      tpu.wait_dma2 semaphore(%arg21 : memref<!tpu.dma_semaphore, #tpu.memory_space<semaphore_mem>>) src(%arg17 : memref<320xf32, #tpu.memory_space<vmem>>) dst(%dma_wait3A_1143 : memref<320xf32, #tpu.memory_space<hbm>>)
    }
    %scan3A_7 = arith.constant 62 : i32
    %add3A_8 = arith.constant 9920 : i32
    %add3A_9 = arith.addi %mul3A_2, %add3A_8 : i32
    %dma_start3A = arith.constant 9920 : i32
    %dma_start3A_10 = tpu.memref_slice %arg10[%dma_start3A] : memref<10000xi32, #tpu.memory_space<vmem>> -> memref<80xi32, #tpu.memory_space<vmem>>
    %dma_start3A_11 = arith.constant 0 : i32
    %dma_start3A_12 = arith.constant 0 : i32
    %dma_start3A_13 = tpu.memref_slice %arg2[%dma_start3A_11, %dma_start3A_12] : memref<10000x128xf32, #tpu.memory_space<hbm>> -> memref<10000x128xf32, #tpu.memory_space<hbm>>
    tpu.enqueue_indirect_dma source(%dma_start3A_13 : memref<10000x128xf32, #tpu.memory_space<hbm>>) target(%arg12 : memref<80x128xf32, #tpu.memory_space<vmem>>) offsets(%dma_start3A_10 : memref<80xi32, #tpu.memory_space<vmem>>) semaphore(%arg19 : memref<!tpu.dma_semaphore, #tpu.memory_space<semaphore_mem>>)
    %dma_start3A_14 = arith.constant 9920 : i32
    %dma_start3A_15 = tpu.memref_slice %arg11[%dma_start3A_14] : memref<10000xi32, #tpu.memory_space<vmem>> -> memref<80xi32, #tpu.memory_space<vmem>>
    %dma_start3A_16 = arith.constant 0 : i32
    %dma_start3A_17 = arith.constant 0 : i32
    %dma_start3A_18 = tpu.memref_slice %arg3[%dma_start3A_16, %dma_start3A_17] : memref<10000x128xf32, #tpu.memory_space<hbm>> -> memref<10000x128xf32, #tpu.memory_space<hbm>>
    tpu.enqueue_indirect_dma source(%dma_start3A_18 : memref<10000x128xf32, #tpu.memory_space<hbm>>) target(%arg14 : memref<80x128xf32, #tpu.memory_space<vmem>>) offsets(%dma_start3A_15 : memref<80xi32, #tpu.memory_space<vmem>>) semaphore(%arg19 : memref<!tpu.dma_semaphore, #tpu.memory_space<semaphore_mem>>)
    %get3A = arith.constant 9920 : index
    %get3A_19 = tpu.vector_load %arg10[%get3A] {strides = array<i32>} : memref<10000xi32, #tpu.memory_space<vmem>>, vector<16xi32>,
    %mul3A_20 = arith.constant 4 : i32
    %mul3A_21 = vector.broadcast %mul3A_20 : i32 to vector<16xi32>
    %mul3A_22 = arith.muli %get3A_19, %mul3A_21 : vector<16xi32>
    %get3A_23 = arith.constant 9920 : index
    %get3A_24 = tpu.vector_load %arg11[%get3A_23] {strides = array<i32>} : memref<10000xi32, #tpu.memory_space<vmem>>, vector<16xi32>,
    %mul3A_25 = arith.constant 4 : i32
    %mul3A_26 = vector.broadcast %mul3A_25 : i32 to vector<16xi32>
    %mul3A_27 = arith.muli %get3A_24, %mul3A_26 : vector<16xi32>
    %iota3A = tpu.iota {dimensions = array<i32: 0>} : vector<16xi32>
    %add3A_28 = arith.constant 0 : i32
    %add3A_29 = vector.broadcast %add3A_28 : i32 to vector<16xi32>
    %add3A_30 = arith.addi %add3A_29, %iota3A : vector<16xi32>
    %mul3A_31 = arith.constant 4 : i32
    %mul3A_32 = vector.broadcast %mul3A_31 : i32 to vector<16xi32>
    %mul3A_33 = arith.muli %add3A_30, %mul3A_32 : vector<16xi32>
    %add3A_34 = arith.constant 0 : i32
    %add3A_35 = vector.broadcast %add3A_34 : i32 to vector<16xi32>
    %add3A_36 = arith.addi %mul3A_22, %add3A_35 : vector<16xi32>
    %gather3A = tpu.vector_load_idx %arg18[%add3A_36] : memref<40000xf32, #tpu.memory_space<vmem>>[vector<16xi32>], vector<16xf32>,
    %add3A_37 = arith.constant 0 : i32
    %add3A_38 = vector.broadcast %add3A_37 : i32 to vector<16xi32>
    %add3A_39 = arith.addi %mul3A_27, %add3A_38 : vector<16xi32>
    %gather3A_40 = tpu.vector_load_idx %arg18[%add3A_39] : memref<40000xf32, #tpu.memory_space<vmem>>[vector<16xi32>], vector<16xf32>,
    %sub3A = arith.subf %gather3A, %gather3A_40 : vector<16xf32>
    %add3A_41 = arith.constant 0 : i32
    %add3A_42 = vector.broadcast %add3A_41 : i32 to vector<16xi32>
    %add3A_43 = arith.addi %mul3A_33, %add3A_42 : vector<16xi32>
    tpu.vector_store_idx %arg16[%add3A_43], %sub3A : memref<320xf32, #tpu.memory_space<vmem>>[vector<16xi32>], vector<16xf32>,
    %add3A_44 = arith.constant 1 : i32
    %add3A_45 = vector.broadcast %add3A_44 : i32 to vector<16xi32>
    %add3A_46 = arith.addi %mul3A_22, %add3A_45 : vector<16xi32>
    %gather3A_47 = tpu.vector_load_idx %arg18[%add3A_46] : memref<40000xf32, #tpu.memory_space<vmem>>[vector<16xi32>], vector<16xf32>,
    %add3A_48 = arith.constant 1 : i32
    %add3A_49 = vector.broadcast %add3A_48 : i32 to vector<16xi32>
    %add3A_50 = arith.addi %mul3A_27, %add3A_49 : vector<16xi32>
    %gather3A_51 = tpu.vector_load_idx %arg18[%add3A_50] : memref<40000xf32, #tpu.memory_space<vmem>>[vector<16xi32>], vector<16xf32>,
    %sub3A_52 = arith.subf %gather3A_47, %gather3A_51 : vector<16xf32>
    %add3A_53 = arith.constant 1 : i32
    %add3A_54 = vector.broadcast %add3A_53 : i32 to vector<16xi32>
    %add3A_55 = arith.addi %mul3A_33, %add3A_54 : vector<16xi32>
    tpu.vector_store_idx %arg16[%add3A_55], %sub3A_52 : memref<320xf32, #tpu.memory_space<vmem>>[vector<16xi32>], vector<16xf32>,
    %add3A_56 = arith.constant 2 : i32
    %add3A_57 = vector.broadcast %add3A_56 : i32 to vector<16xi32>
    %add3A_58 = arith.addi %mul3A_22, %add3A_57 : vector<16xi32>
    %gather3A_59 = tpu.vector_load_idx %arg18[%add3A_58] : memref<40000xf32, #tpu.memory_space<vmem>>[vector<16xi32>], vector<16xf32>,
    %add3A_60 = arith.constant 2 : i32
    %add3A_61 = vector.broadcast %add3A_60 : i32 to vector<16xi32>
    %add3A_62 = arith.addi %mul3A_27, %add3A_61 : vector<16xi32>
    %gather3A_63 = tpu.vector_load_idx %arg18[%add3A_62] : memref<40000xf32, #tpu.memory_space<vmem>>[vector<16xi32>], vector<16xf32>,
    %sub3A_64 = arith.subf %gather3A_59, %gather3A_63 : vector<16xf32>
    %add3A_65 = arith.constant 2 : i32
    %add3A_66 = vector.broadcast %add3A_65 : i32 to vector<16xi32>
    %add3A_67 = arith.addi %mul3A_33, %add3A_66 : vector<16xi32>
    tpu.vector_store_idx %arg16[%add3A_67], %sub3A_64 : memref<320xf32, #tpu.memory_space<vmem>>[vector<16xi32>], vector<16xf32>,
    %mul3A_68 = arith.mulf %sub3A, %sub3A : vector<16xf32>
    %mul3A_69 = arith.mulf %sub3A_52, %sub3A_52 : vector<16xf32>
    %add3A_70 = arith.addf %mul3A_68, %mul3A_69 : vector<16xf32>
    %mul3A_71 = arith.mulf %sub3A_64, %sub3A_64 : vector<16xf32>
    %add3A_72 = arith.addf %add3A_70, %mul3A_71 : vector<16xf32>
    %add3A_73 = arith.constant 3 : i32
    %add3A_74 = vector.broadcast %add3A_73 : i32 to vector<16xi32>
    %add3A_75 = arith.addi %mul3A_33, %add3A_74 : vector<16xi32>
    tpu.vector_store_idx %arg16[%add3A_75], %add3A_72 : memref<320xf32, #tpu.memory_space<vmem>>[vector<16xi32>], vector<16xf32>,
    %get3A_76 = arith.constant 9936 : index
    %get3A_77 = tpu.vector_load %arg10[%get3A_76] {strides = array<i32>} : memref<10000xi32, #tpu.memory_space<vmem>>, vector<16xi32>,
    %mul3A_78 = arith.constant 4 : i32
    %mul3A_79 = vector.broadcast %mul3A_78 : i32 to vector<16xi32>
    %mul3A_80 = arith.muli %get3A_77, %mul3A_79 : vector<16xi32>
    %get3A_81 = arith.constant 9936 : index
    %get3A_82 = tpu.vector_load %arg11[%get3A_81] {strides = array<i32>} : memref<10000xi32, #tpu.memory_space<vmem>>, vector<16xi32>,
    %mul3A_83 = arith.constant 4 : i32
    %mul3A_84 = vector.broadcast %mul3A_83 : i32 to vector<16xi32>
    %mul3A_85 = arith.muli %get3A_82, %mul3A_84 : vector<16xi32>
    %iota3A_86 = tpu.iota {dimensions = array<i32: 0>} : vector<16xi32>
    %add3A_87 = arith.constant 16 : i32
    %add3A_88 = vector.broadcast %add3A_87 : i32 to vector<16xi32>
    %add3A_89 = arith.addi %add3A_88, %iota3A_86 : vector<16xi32>
    %mul3A_90 = arith.constant 4 : i32
    %mul3A_91 = vector.broadcast %mul3A_90 : i32 to vector<16xi32>
    %mul3A_92 = arith.muli %add3A_89, %mul3A_91 : vector<16xi32>
    %add3A_93 = arith.constant 0 : i32
    %add3A_94 = vector.broadcast %add3A_93 : i32 to vector<16xi32>
    %add3A_95 = arith.addi %mul3A_80, %add3A_94 : vector<16xi32>
    %gather3A_96 = tpu.vector_load_idx %arg18[%add3A_95] : memref<40000xf32, #tpu.memory_space<vmem>>[vector<16xi32>], vector<16xf32>,
    %add3A_97 = arith.constant 0 : i32
    %add3A_98 = vector.broadcast %add3A_97 : i32 to vector<16xi32>
    %add3A_99 = arith.addi %mul3A_85, %add3A_98 : vector<16xi32>
    %gather3A_100 = tpu.vector_load_idx %arg18[%add3A_99] : memref<40000xf32, #tpu.memory_space<vmem>>[vector<16xi32>], vector<16xf32>,
    %sub3A_101 = arith.subf %gather3A_96, %gather3A_100 : vector<16xf32>
    %add3A_102 = arith.constant 0 : i32
    %add3A_103 = vector.broadcast %add3A_102 : i32 to vector<16xi32>
    %add3A_104 = arith.addi %mul3A_92, %add3A_103 : vector<16xi32>
    tpu.vector_store_idx %arg16[%add3A_104], %sub3A_101 : memref<320xf32, #tpu.memory_space<vmem>>[vector<16xi32>], vector<16xf32>,
    %add3A_105 = arith.constant 1 : i32
    %add3A_106 = vector.broadcast %add3A_105 : i32 to vector<16xi32>
    %add3A_107 = arith.addi %mul3A_80, %add3A_106 : vector<16xi32>
    %gather3A_108 = tpu.vector_load_idx %arg18[%add3A_107] : memref<40000xf32, #tpu.memory_space<vmem>>[vector<16xi32>], vector<16xf32>,
    %add3A_109 = arith.constant 1 : i32
    %add3A_110 = vector.broadcast %add3A_109 : i32 to vector<16xi32>
    %add3A_111 = arith.addi %mul3A_85, %add3A_110 : vector<16xi32>
    %gather3A_112 = tpu.vector_load_idx %arg18[%add3A_111] : memref<40000xf32, #tpu.memory_space<vmem>>[vector<16xi32>], vector<16xf32>,
    %sub3A_113 = arith.subf %gather3A_108, %gather3A_112 : vector<16xf32>
    %add3A_114 = arith.constant 1 : i32
    %add3A_115 = vector.broadcast %add3A_114 : i32 to vector<16xi32>
    %add3A_116 = arith.addi %mul3A_92, %add3A_115 : vector<16xi32>
    tpu.vector_store_idx %arg16[%add3A_116], %sub3A_113 : memref<320xf32, #tpu.memory_space<vmem>>[vector<16xi32>], vector<16xf32>,
    %add3A_117 = arith.constant 2 : i32
    %add3A_118 = vector.broadcast %add3A_117 : i32 to vector<16xi32>
    %add3A_119 = arith.addi %mul3A_80, %add3A_118 : vector<16xi32>
    %gather3A_120 = tpu.vector_load_idx %arg18[%add3A_119] : memref<40000xf32, #tpu.memory_space<vmem>>[vector<16xi32>], vector<16xf32>,
    %add3A_121 = arith.constant 2 : i32
    %add3A_122 = vector.broadcast %add3A_121 : i32 to vector<16xi32>
    %add3A_123 = arith.addi %mul3A_85, %add3A_122 : vector<16xi32>
    %gather3A_124 = tpu.vector_load_idx %arg18[%add3A_123] : memref<40000xf32, #tpu.memory_space<vmem>>[vector<16xi32>], vector<16xf32>,
    %sub3A_125 = arith.subf %gather3A_120, %gather3A_124 : vector<16xf32>
    %add3A_126 = arith.constant 2 : i32
    %add3A_127 = vector.broadcast %add3A_126 : i32 to vector<16xi32>
    %add3A_128 = arith.addi %mul3A_92, %add3A_127 : vector<16xi32>
    tpu.vector_store_idx %arg16[%add3A_128], %sub3A_125 : memref<320xf32, #tpu.memory_space<vmem>>[vector<16xi32>], vector<16xf32>,
    %mul3A_129 = arith.mulf %sub3A_101, %sub3A_101 : vector<16xf32>
    %mul3A_130 = arith.mulf %sub3A_113, %sub3A_113 : vector<16xf32>
    %add3A_131 = arith.addf %mul3A_129, %mul3A_130 : vector<16xf32>
    %mul3A_132 = arith.mulf %sub3A_125, %sub3A_125 : vector<16xf32>
    %add3A_133 = arith.addf %add3A_131, %mul3A_132 : vector<16xf32>
    %add3A_134 = arith.constant 3 : i32
    %add3A_135 = vector.broadcast %add3A_134 : i32 to vector<16xi32>
    %add3A_136 = arith.addi %mul3A_92, %add3A_135 : vector<16xi32>
    tpu.vector_store_idx %arg16[%add3A_136], %add3A_133 : memref<320xf32, #tpu.memory_space<vmem>>[vector<16xi32>], vector<16xf32>,
    %get3A_137 = arith.constant 9952 : index
    %get3A_138 = tpu.vector_load %arg10[%get3A_137] {strides = array<i32>} : memref<10000xi32, #tpu.memory_space<vmem>>, vector<16xi32>,
    %mul3A_139 = arith.constant 4 : i32
    %mul3A_140 = vector.broadcast %mul3A_139 : i32 to vector<16xi32>
    %mul3A_141 = arith.muli %get3A_138, %mul3A_140 : vector<16xi32>
    %get3A_142 = arith.constant 9952 : index
    %get3A_143 = tpu.vector_load %arg11[%get3A_142] {strides = array<i32>} : memref<10000xi32, #tpu.memory_space<vmem>>, vector<16xi32>,
    %mul3A_144 = arith.constant 4 : i32
    %mul3A_145 = vector.broadcast %mul3A_144 : i32 to vector<16xi32>
    %mul3A_146 = arith.muli %get3A_143, %mul3A_145 : vector<16xi32>
    %iota3A_147 = tpu.iota {dimensions = array<i32: 0>} : vector<16xi32>
    %add3A_148 = arith.constant 32 : i32
    %add3A_149 = vector.broadcast %add3A_148 : i32 to vector<16xi32>
    %add3A_150 = arith.addi %add3A_149, %iota3A_147 : vector<16xi32>
    %mul3A_151 = arith.constant 4 : i32
    %mul3A_152 = vector.broadcast %mul3A_151 : i32 to vector<16xi32>
    %mul3A_153 = arith.muli %add3A_150, %mul3A_152 : vector<16xi32>
    %add3A_154 = arith.constant 0 : i32
    %add3A_155 = vector.broadcast %add3A_154 : i32 to vector<16xi32>
    %add3A_156 = arith.addi %mul3A_141, %add3A_155 : vector<16xi32>
    %gather3A_157 = tpu.vector_load_idx %arg18[%add3A_156] : memref<40000xf32, #tpu.memory_space<vmem>>[vector<16xi32>], vector<16xf32>,
    %add3A_158 = arith.constant 0 : i32
    %add3A_159 = vector.broadcast %add3A_158 : i32 to vector<16xi32>
    %add3A_160 = arith.addi %mul3A_146, %add3A_159 : vector<16xi32>
    %gather3A_161 = tpu.vector_load_idx %arg18[%add3A_160] : memref<40000xf32, #tpu.memory_space<vmem>>[vector<16xi32>], vector<16xf32>,
    %sub3A_162 = arith.subf %gather3A_157, %gather3A_161 : vector<16xf32>
    %add3A_163 = arith.constant 0 : i32
    %add3A_164 = vector.broadcast %add3A_163 : i32 to vector<16xi32>
    %add3A_165 = arith.addi %mul3A_153, %add3A_164 : vector<16xi32>
    tpu.vector_store_idx %arg16[%add3A_165], %sub3A_162 : memref<320xf32, #tpu.memory_space<vmem>>[vector<16xi32>], vector<16xf32>,
    %add3A_166 = arith.constant 1 : i32
    %add3A_167 = vector.broadcast %add3A_166 : i32 to vector<16xi32>
    %add3A_168 = arith.addi %mul3A_141, %add3A_167 : vector<16xi32>
    %gather3A_169 = tpu.vector_load_idx %arg18[%add3A_168] : memref<40000xf32, #tpu.memory_space<vmem>>[vector<16xi32>], vector<16xf32>,
    %add3A_170 = arith.constant 1 : i32
    %add3A_171 = vector.broadcast %add3A_170 : i32 to vector<16xi32>
    %add3A_172 = arith.addi %mul3A_146, %add3A_171 : vector<16xi32>
    %gather3A_173 = tpu.vector_load_idx %arg18[%add3A_172] : memref<40000xf32, #tpu.memory_space<vmem>>[vector<16xi32>], vector<16xf32>,
    %sub3A_174 = arith.subf %gather3A_169, %gather3A_173 : vector<16xf32>
    %add3A_175 = arith.constant 1 : i32
    %add3A_176 = vector.broadcast %add3A_175 : i32 to vector<16xi32>
    %add3A_177 = arith.addi %mul3A_153, %add3A_176 : vector<16xi32>
    tpu.vector_store_idx %arg16[%add3A_177], %sub3A_174 : memref<320xf32, #tpu.memory_space<vmem>>[vector<16xi32>], vector<16xf32>,
    %add3A_178 = arith.constant 2 : i32
    %add3A_179 = vector.broadcast %add3A_178 : i32 to vector<16xi32>
    %add3A_180 = arith.addi %mul3A_141, %add3A_179 : vector<16xi32>
    %gather3A_181 = tpu.vector_load_idx %arg18[%add3A_180] : memref<40000xf32, #tpu.memory_space<vmem>>[vector<16xi32>], vector<16xf32>,
    %add3A_182 = arith.constant 2 : i32
    %add3A_183 = vector.broadcast %add3A_182 : i32 to vector<16xi32>
    %add3A_184 = arith.addi %mul3A_146, %add3A_183 : vector<16xi32>
    %gather3A_185 = tpu.vector_load_idx %arg18[%add3A_184] : memref<40000xf32, #tpu.memory_space<vmem>>[vector<16xi32>], vector<16xf32>,
    %sub3A_186 = arith.subf %gather3A_181, %gather3A_185 : vector<16xf32>
    %add3A_187 = arith.constant 2 : i32
    %add3A_188 = vector.broadcast %add3A_187 : i32 to vector<16xi32>
    %add3A_189 = arith.addi %mul3A_153, %add3A_188 : vector<16xi32>
    tpu.vector_store_idx %arg16[%add3A_189], %sub3A_186 : memref<320xf32, #tpu.memory_space<vmem>>[vector<16xi32>], vector<16xf32>,
    %mul3A_190 = arith.mulf %sub3A_162, %sub3A_162 : vector<16xf32>
    %mul3A_191 = arith.mulf %sub3A_174, %sub3A_174 : vector<16xf32>
    %add3A_192 = arith.addf %mul3A_190, %mul3A_191 : vector<16xf32>
    %mul3A_193 = arith.mulf %sub3A_186, %sub3A_186 : vector<16xf32>
    %add3A_194 = arith.addf %add3A_192, %mul3A_193 : vector<16xf32>
    %add3A_195 = arith.constant 3 : i32
    %add3A_196 = vector.broadcast %add3A_195 : i32 to vector<16xi32>
    %add3A_197 = arith.addi %mul3A_153, %add3A_196 : vector<16xi32>
    tpu.vector_store_idx %arg16[%add3A_197], %add3A_194 : memref<320xf32, #tpu.memory_space<vmem>>[vector<16xi32>], vector<16xf32>,
    %get3A_198 = arith.constant 9968 : index
    %get3A_199 = tpu.vector_load %arg10[%get3A_198] {strides = array<i32>} : memref<10000xi32, #tpu.memory_space<vmem>>, vector<16xi32>,
    %mul3A_200 = arith.constant 4 : i32
    %mul3A_201 = vector.broadcast %mul3A_200 : i32 to vector<16xi32>
    %mul3A_202 = arith.muli %get3A_199, %mul3A_201 : vector<16xi32>
    %get3A_203 = arith.constant 9968 : index
    %get3A_204 = tpu.vector_load %arg11[%get3A_203] {strides = array<i32>} : memref<10000xi32, #tpu.memory_space<vmem>>, vector<16xi32>,
    %mul3A_205 = arith.constant 4 : i32
    %mul3A_206 = vector.broadcast %mul3A_205 : i32 to vector<16xi32>
    %mul3A_207 = arith.muli %get3A_204, %mul3A_206 : vector<16xi32>
    %iota3A_208 = tpu.iota {dimensions = array<i32: 0>} : vector<16xi32>
    %add3A_209 = arith.constant 48 : i32
    %add3A_210 = vector.broadcast %add3A_209 : i32 to vector<16xi32>
    %add3A_211 = arith.addi %add3A_210, %iota3A_208 : vector<16xi32>
    %mul3A_212 = arith.constant 4 : i32
    %mul3A_213 = vector.broadcast %mul3A_212 : i32 to vector<16xi32>
    %mul3A_214 = arith.muli %add3A_211, %mul3A_213 : vector<16xi32>
    %add3A_215 = arith.constant 0 : i32
    %add3A_216 = vector.broadcast %add3A_215 : i32 to vector<16xi32>
    %add3A_217 = arith.addi %mul3A_202, %add3A_216 : vector<16xi32>
    %gather3A_218 = tpu.vector_load_idx %arg18[%add3A_217] : memref<40000xf32, #tpu.memory_space<vmem>>[vector<16xi32>], vector<16xf32>,
    %add3A_219 = arith.constant 0 : i32
    %add3A_220 = vector.broadcast %add3A_219 : i32 to vector<16xi32>
    %add3A_221 = arith.addi %mul3A_207, %add3A_220 : vector<16xi32>
    %gather3A_222 = tpu.vector_load_idx %arg18[%add3A_221] : memref<40000xf32, #tpu.memory_space<vmem>>[vector<16xi32>], vector<16xf32>,
    %sub3A_223 = arith.subf %gather3A_218, %gather3A_222 : vector<16xf32>
    %add3A_224 = arith.constant 0 : i32
    %add3A_225 = vector.broadcast %add3A_224 : i32 to vector<16xi32>
    %add3A_226 = arith.addi %mul3A_214, %add3A_225 : vector<16xi32>
    tpu.vector_store_idx %arg16[%add3A_226], %sub3A_223 : memref<320xf32, #tpu.memory_space<vmem>>[vector<16xi32>], vector<16xf32>,
    %add3A_227 = arith.constant 1 : i32
    %add3A_228 = vector.broadcast %add3A_227 : i32 to vector<16xi32>
    %add3A_229 = arith.addi %mul3A_202, %add3A_228 : vector<16xi32>
    %gather3A_230 = tpu.vector_load_idx %arg18[%add3A_229] : memref<40000xf32, #tpu.memory_space<vmem>>[vector<16xi32>], vector<16xf32>,
    %add3A_231 = arith.constant 1 : i32
    %add3A_232 = vector.broadcast %add3A_231 : i32 to vector<16xi32>
    %add3A_233 = arith.addi %mul3A_207, %add3A_232 : vector<16xi32>
    %gather3A_234 = tpu.vector_load_idx %arg18[%add3A_233] : memref<40000xf32, #tpu.memory_space<vmem>>[vector<16xi32>], vector<16xf32>,
    %sub3A_235 = arith.subf %gather3A_230, %gather3A_234 : vector<16xf32>
    %add3A_236 = arith.constant 1 : i32
    %add3A_237 = vector.broadcast %add3A_236 : i32 to vector<16xi32>
    %add3A_238 = arith.addi %mul3A_214, %add3A_237 : vector<16xi32>
    tpu.vector_store_idx %arg16[%add3A_238], %sub3A_235 : memref<320xf32, #tpu.memory_space<vmem>>[vector<16xi32>], vector<16xf32>,
    %add3A_239 = arith.constant 2 : i32
    %add3A_240 = vector.broadcast %add3A_239 : i32 to vector<16xi32>
    %add3A_241 = arith.addi %mul3A_202, %add3A_240 : vector<16xi32>
    %gather3A_242 = tpu.vector_load_idx %arg18[%add3A_241] : memref<40000xf32, #tpu.memory_space<vmem>>[vector<16xi32>], vector<16xf32>,
    %add3A_243 = arith.constant 2 : i32
    %add3A_244 = vector.broadcast %add3A_243 : i32 to vector<16xi32>
    %add3A_245 = arith.addi %mul3A_207, %add3A_244 : vector<16xi32>
    %gather3A_246 = tpu.vector_load_idx %arg18[%add3A_245] : memref<40000xf32, #tpu.memory_space<vmem>>[vector<16xi32>], vector<16xf32>,
    %sub3A_247 = arith.subf %gather3A_242, %gather3A_246 : vector<16xf32>
    %add3A_248 = arith.constant 2 : i32
    %add3A_249 = vector.broadcast %add3A_248 : i32 to vector<16xi32>
    %add3A_250 = arith.addi %mul3A_214, %add3A_249 : vector<16xi32>
    tpu.vector_store_idx %arg16[%add3A_250], %sub3A_247 : memref<320xf32, #tpu.memory_space<vmem>>[vector<16xi32>], vector<16xf32>,
    %mul3A_251 = arith.mulf %sub3A_223, %sub3A_223 : vector<16xf32>
    %mul3A_252 = arith.mulf %sub3A_235, %sub3A_235 : vector<16xf32>
    %add3A_253 = arith.addf %mul3A_251, %mul3A_252 : vector<16xf32>
    %mul3A_254 = arith.mulf %sub3A_247, %sub3A_247 : vector<16xf32>
    %add3A_255 = arith.addf %add3A_253, %mul3A_254 : vector<16xf32>
    %add3A_256 = arith.constant 3 : i32
    %add3A_257 = vector.broadcast %add3A_256 : i32 to vector<16xi32>
    %add3A_258 = arith.addi %mul3A_214, %add3A_257 : vector<16xi32>
    tpu.vector_store_idx %arg16[%add3A_258], %add3A_255 : memref<320xf32, #tpu.memory_space<vmem>>[vector<16xi32>], vector<16xf32>,
    %get3A_259 = arith.constant 9984 : index
    %get3A_260 = tpu.vector_load %arg10[%get3A_259] {strides = array<i32>} : memref<10000xi32, #tpu.memory_space<vmem>>, vector<16xi32>,
    %mul3A_261 = arith.constant 4 : i32
    %mul3A_262 = vector.broadcast %mul3A_261 : i32 to vector<16xi32>
    %mul3A_263 = arith.muli %get3A_260, %mul3A_262 : vector<16xi32>
    %get3A_264 = arith.constant 9984 : index
    %get3A_265 = tpu.vector_load %arg11[%get3A_264] {strides = array<i32>} : memref<10000xi32, #tpu.memory_space<vmem>>, vector<16xi32>,
    %mul3A_266 = arith.constant 4 : i32
    %mul3A_267 = vector.broadcast %mul3A_266 : i32 to vector<16xi32>
    %mul3A_268 = arith.muli %get3A_265, %mul3A_267 : vector<16xi32>
    %iota3A_269 = tpu.iota {dimensions = array<i32: 0>} : vector<16xi32>
    %add3A_270 = arith.constant 64 : i32
    %add3A_271 = vector.broadcast %add3A_270 : i32 to vector<16xi32>
    %add3A_272 = arith.addi %add3A_271, %iota3A_269 : vector<16xi32>
    %mul3A_273 = arith.constant 4 : i32
    %mul3A_274 = vector.broadcast %mul3A_273 : i32 to vector<16xi32>
    %mul3A_275 = arith.muli %add3A_272, %mul3A_274 : vector<16xi32>
    %add3A_276 = arith.constant 0 : i32
    %add3A_277 = vector.broadcast %add3A_276 : i32 to vector<16xi32>
    %add3A_278 = arith.addi %mul3A_263, %add3A_277 : vector<16xi32>
    %gather3A_279 = tpu.vector_load_idx %arg18[%add3A_278] : memref<40000xf32, #tpu.memory_space<vmem>>[vector<16xi32>], vector<16xf32>,
    %add3A_280 = arith.constant 0 : i32
    %add3A_281 = vector.broadcast %add3A_280 : i32 to vector<16xi32>
    %add3A_282 = arith.addi %mul3A_268, %add3A_281 : vector<16xi32>
    %gather3A_283 = tpu.vector_load_idx %arg18[%add3A_282] : memref<40000xf32, #tpu.memory_space<vmem>>[vector<16xi32>], vector<16xf32>,
    %sub3A_284 = arith.subf %gather3A_279, %gather3A_283 : vector<16xf32>
    %add3A_285 = arith.constant 0 : i32
    %add3A_286 = vector.broadcast %add3A_285 : i32 to vector<16xi32>
    %add3A_287 = arith.addi %mul3A_275, %add3A_286 : vector<16xi32>
    tpu.vector_store_idx %arg16[%add3A_287], %sub3A_284 : memref<320xf32, #tpu.memory_space<vmem>>[vector<16xi32>], vector<16xf32>,
    %add3A_288 = arith.constant 1 : i32
    %add3A_289 = vector.broadcast %add3A_288 : i32 to vector<16xi32>
    %add3A_290 = arith.addi %mul3A_263, %add3A_289 : vector<16xi32>
    %gather3A_291 = tpu.vector_load_idx %arg18[%add3A_290] : memref<40000xf32, #tpu.memory_space<vmem>>[vector<16xi32>], vector<16xf32>,
    %add3A_292 = arith.constant 1 : i32
    %add3A_293 = vector.broadcast %add3A_292 : i32 to vector<16xi32>
    %add3A_294 = arith.addi %mul3A_268, %add3A_293 : vector<16xi32>
    %gather3A_295 = tpu.vector_load_idx %arg18[%add3A_294] : memref<40000xf32, #tpu.memory_space<vmem>>[vector<16xi32>], vector<16xf32>,
    %sub3A_296 = arith.subf %gather3A_291, %gather3A_295 : vector<16xf32>
    %add3A_297 = arith.constant 1 : i32
    %add3A_298 = vector.broadcast %add3A_297 : i32 to vector<16xi32>
    %add3A_299 = arith.addi %mul3A_275, %add3A_298 : vector<16xi32>
    tpu.vector_store_idx %arg16[%add3A_299], %sub3A_296 : memref<320xf32, #tpu.memory_space<vmem>>[vector<16xi32>], vector<16xf32>,
    %add3A_300 = arith.constant 2 : i32
    %add3A_301 = vector.broadcast %add3A_300 : i32 to vector<16xi32>
    %add3A_302 = arith.addi %mul3A_263, %add3A_301 : vector<16xi32>
    %gather3A_303 = tpu.vector_load_idx %arg18[%add3A_302] : memref<40000xf32, #tpu.memory_space<vmem>>[vector<16xi32>], vector<16xf32>,
    %add3A_304 = arith.constant 2 : i32
    %add3A_305 = vector.broadcast %add3A_304 : i32 to vector<16xi32>
    %add3A_306 = arith.addi %mul3A_268, %add3A_305 : vector<16xi32>
    %gather3A_307 = tpu.vector_load_idx %arg18[%add3A_306] : memref<40000xf32, #tpu.memory_space<vmem>>[vector<16xi32>], vector<16xf32>,
    %sub3A_308 = arith.subf %gather3A_303, %gather3A_307 : vector<16xf32>
    %add3A_309 = arith.constant 2 : i32
    %add3A_310 = vector.broadcast %add3A_309 : i32 to vector<16xi32>
    %add3A_311 = arith.addi %mul3A_275, %add3A_310 : vector<16xi32>
    tpu.vector_store_idx %arg16[%add3A_311], %sub3A_308 : memref<320xf32, #tpu.memory_space<vmem>>[vector<16xi32>], vector<16xf32>,
    %mul3A_312 = arith.mulf %sub3A_284, %sub3A_284 : vector<16xf32>
    %mul3A_313 = arith.mulf %sub3A_296, %sub3A_296 : vector<16xf32>
    %add3A_314 = arith.addf %mul3A_312, %mul3A_313 : vector<16xf32>
    %mul3A_315 = arith.mulf %sub3A_308, %sub3A_308 : vector<16xf32>
    %add3A_316 = arith.addf %add3A_314, %mul3A_315 : vector<16xf32>
    %add3A_317 = arith.constant 3 : i32
    %add3A_318 = vector.broadcast %add3A_317 : i32 to vector<16xi32>
    %add3A_319 = arith.addi %mul3A_275, %add3A_318 : vector<16xi32>
    tpu.vector_store_idx %arg16[%add3A_319], %add3A_316 : memref<320xf32, #tpu.memory_space<vmem>>[vector<16xi32>], vector<16xf32>,
    %dma_wait3A = arith.constant 9920 : i32
    %dma_wait3A_320 = tpu.memref_slice %arg10[%dma_wait3A] : memref<10000xi32, #tpu.memory_space<vmem>> -> memref<80xi32, #tpu.memory_space<vmem>>
    %dma_wait3A_321 = arith.constant 0 : i32
    %dma_wait3A_322 = arith.constant 0 : i32
    %dma_wait3A_323 = tpu.memref_slice %arg2[%dma_wait3A_321, %dma_wait3A_322] : memref<10000x128xf32, #tpu.memory_space<hbm>> -> memref<10000x128xf32, #tpu.memory_space<hbm>>
    tpu.wait_indirect_dma semaphore(%arg19 : memref<!tpu.dma_semaphore, #tpu.memory_space<semaphore_mem>>) src(%dma_wait3A_323 : memref<10000x128xf32, #tpu.memory_space<hbm>>) dst(%arg12 : memref<80x128xf32, #tpu.memory_space<vmem>>)
    %dma_wait3A_324 = arith.constant 9920 : i32
    %dma_wait3A_325 = tpu.memref_slice %arg11[%dma_wait3A_324] : memref<10000xi32, #tpu.memory_space<vmem>> -> memref<80xi32, #tpu.memory_space<vmem>>
    %dma_wait3A_326 = arith.constant 0 : i32
    %dma_wait3A_327 = arith.constant 0 : i32
    %dma_wait3A_328 = tpu.memref_slice %arg3[%dma_wait3A_326, %dma_wait3A_327] : memref<10000x128xf32, #tpu.memory_space<hbm>> -> memref<10000x128xf32, #tpu.memory_space<hbm>>
    tpu.wait_indirect_dma semaphore(%arg19 : memref<!tpu.dma_semaphore, #tpu.memory_space<semaphore_mem>>) src(%dma_wait3A_328 : memref<10000x128xf32, #tpu.memory_space<hbm>>) dst(%arg14 : memref<80x128xf32, #tpu.memory_space<vmem>>)
    %dma_start3A_329 = arith.constant 0 : i32
    %dma_start3A_330 = tpu.memref_slice %arg7[%add3A_9, %dma_start3A_329] : memref<320000x128xf32, #tpu.memory_space<hbm>> -> memref<80x128xf32, #tpu.memory_space<hbm>>
    %dma_start3A_331 = arith.constant 0 : i32
    %dma_start3A_332 = tpu.memref_slice %arg7[%add3A_9, %dma_start3A_331] : memref<320000x128xf32, #tpu.memory_space<hbm>> -> memref<80x128xf32, #tpu.memory_space<hbm>>
    tpu.enqueue_dma source(%arg12 : memref<80x128xf32, #tpu.memory_space<vmem>>) target(%dma_start3A_332 : memref<80x128xf32, #tpu.memory_space<hbm>>) target_semaphore(%arg21 : memref<!tpu.dma_semaphore, #tpu.memory_space<semaphore_mem>>)
    %dma_start3A_333 = arith.constant 0 : i32
    %dma_start3A_334 = tpu.memref_slice %arg8[%add3A_9, %dma_start3A_333] : memref<320000x128xf32, #tpu.memory_space<hbm>> -> memref<80x128xf32, #tpu.memory_space<hbm>>
    %dma_start3A_335 = arith.constant 0 : i32
    %dma_start3A_336 = tpu.memref_slice %arg8[%add3A_9, %dma_start3A_335] : memref<320000x128xf32, #tpu.memory_space<hbm>> -> memref<80x128xf32, #tpu.memory_space<hbm>>
    tpu.enqueue_dma source(%arg14 : memref<80x128xf32, #tpu.memory_space<vmem>>) target(%dma_start3A_336 : memref<80x128xf32, #tpu.memory_space<hbm>>) target_semaphore(%arg21 : memref<!tpu.dma_semaphore, #tpu.memory_space<semaphore_mem>>)
    %mul3A_337 = arith.constant 4 : i32
    %mul3A_338 = arith.muli %add3A_9, %mul3A_337 : i32
    %dma_start3A_339 = tpu.memref_slice %arg9[%mul3A_338] : memref<1280000xf32, #tpu.memory_space<hbm>> -> memref<320xf32, #tpu.memory_space<hbm>>
    %dma_start3A_340 = tpu.memref_slice %arg9[%mul3A_338] : memref<1280000xf32, #tpu.memory_space<hbm>> -> memref<320xf32, #tpu.memory_space<hbm>>
    tpu.enqueue_dma source(%arg16 : memref<320xf32, #tpu.memory_space<vmem>>) target(%dma_start3A_340 : memref<320xf32, #tpu.memory_space<hbm>>) target_semaphore(%arg21 : memref<!tpu.dma_semaphore, #tpu.memory_space<semaphore_mem>>)
    %dma_wait3A_341 = arith.constant 0 : i32
    %dma_wait3A_342 = tpu.memref_slice %arg7[%add3A_9, %dma_wait3A_341] : memref<320000x128xf32, #tpu.memory_space<hbm>> -> memref<80x128xf32, #tpu.memory_space<hbm>>
    %dma_wait3A_343 = arith.constant 0 : i32
    %dma_wait3A_344 = tpu.memref_slice %arg7[%add3A_9, %dma_wait3A_343] : memref<320000x128xf32, #tpu.memory_space<hbm>> -> memref<80x128xf32, #tpu.memory_space<hbm>>
    tpu.wait_dma2 semaphore(%arg21 : memref<!tpu.dma_semaphore, #tpu.memory_space<semaphore_mem>>) src(%arg12 : memref<80x128xf32, #tpu.memory_space<vmem>>) dst(%dma_wait3A_344 : memref<80x128xf32, #tpu.memory_space<hbm>>)
    %dma_wait3A_345 = arith.constant 0 : i32
    %dma_wait3A_346 = tpu.memref_slice %arg8[%add3A_9, %dma_wait3A_345] : memref<320000x128xf32, #tpu.memory_space<hbm>> -> memref<80x128xf32, #tpu.memory_space<hbm>>
    %dma_wait3A_347 = arith.constant 0 : i32
    %dma_wait3A_348 = tpu.memref_slice %arg8[%add3A_9, %dma_wait3A_347] : memref<320000x128xf32, #tpu.memory_space<hbm>> -> memref<80x128xf32, #tpu.memory_space<hbm>>
    tpu.wait_dma2 semaphore(%arg21 : memref<!tpu.dma_semaphore, #tpu.memory_space<semaphore_mem>>) src(%arg14 : memref<80x128xf32, #tpu.memory_space<vmem>>) dst(%dma_wait3A_348 : memref<80x128xf32, #tpu.memory_space<hbm>>)
    %dma_wait3A_349 = tpu.memref_slice %arg9[%mul3A_338] : memref<1280000xf32, #tpu.memory_space<hbm>> -> memref<320xf32, #tpu.memory_space<hbm>>
    %dma_wait3A_350 = tpu.memref_slice %arg9[%mul3A_338] : memref<1280000xf32, #tpu.memory_space<hbm>> -> memref<320xf32, #tpu.memory_space<hbm>>
    tpu.wait_dma2 semaphore(%arg21 : memref<!tpu.dma_semaphore, #tpu.memory_space<semaphore_mem>>) src(%arg16 : memref<320xf32, #tpu.memory_space<vmem>>) dst(%dma_wait3A_350 : memref<320xf32, #tpu.memory_space<hbm>>)
    return
  }
}

module attributes {stable_mosaic.version = 14 : i64} {
  func.func @_prep_body(%arg0: i32, %arg1: memref<2000x128xf32, #tpu.memory_space<vmem>>, %arg2: memref<128x128xf32, #tpu.memory_space<vmem>>, %arg3: memref<128x128xf32, #tpu.memory_space<vmem>>, %arg4: memref<1x128xf32, #tpu.memory_space<vmem>>, %arg5: memref<2000x128xf32, #tpu.memory_space<vmem>>, %arg6: memref<2000x128xf32, #tpu.memory_space<vmem>>) attributes {dimension_semantics = [#tpu.dimension_semantics<arbitrary>], iteration_bounds = array<i64: 5>, scalar_prefetch = 0 : i64, scratch_operands = 0 : i64, tpu.core_type = #tpu.core_type<tc>, window_params = [{transform_indices = @transform_0, window_bounds = array<i64: 2000, 128>}, {pipeline_mode = #tpu.pipeline_mode<synchronous>, transform_indices = @transform_1, window_bounds = array<i64: 128, 128>}, {pipeline_mode = #tpu.pipeline_mode<synchronous>, transform_indices = @transform_2, window_bounds = array<i64: 128, 128>}, {pipeline_mode = #tpu.pipeline_mode<synchronous>, transform_indices = @transform_3, window_bounds = array<i64: 1, 128>}, {transform_indices = @transform_4, window_bounds = array<i64: 2000, 128>}, {transform_indices = @transform_5, window_bounds = array<i64: 2000, 128>}]} {
    %get3A = arith.constant 0 : index
    %get3A_0 = arith.constant 0 : index
    %get3A_1 = vector.load %arg1[%get3A, %get3A_0] : memref<2000x128xf32, #tpu.memory_space<vmem>>, vector<2000x128xf32>
    %get3A_2 = arith.constant 0 : index
    %get3A_3 = arith.constant 0 : index
    %get3A_4 = vector.load %arg2[%get3A_2, %get3A_3] : memref<128x128xf32, #tpu.memory_space<vmem>>, vector<128x128xf32>
    %dot_general3A = arith.constant dense<0.000000e+00> : vector<2000x128xf32>
    %dot_general3A_5 = tpu.matmul %get3A_1, %get3A_4, %dot_general3A {dimension_numbers = #tpu.dot_dimension_numbers<[1], [0], [0], [1], [0, 0, 1, 1], [], []>, transpose_lhs_hint = false} : vector<2000x128xf32>, vector<128x128xf32>, vector<2000x128xf32> -> vector<2000x128xf32>
    %get3A_6 = arith.constant 0 : index
    %get3A_7 = arith.constant 0 : index
    %get3A_8 = vector.load %arg4[%get3A_6, %get3A_7] : memref<1x128xf32, #tpu.memory_space<vmem>>, vector<1x128xf32>
    %add3A = vector.broadcast %get3A_8 : vector<1x128xf32> to vector<2000x128xf32>
    %add3A_9 = arith.addf %dot_general3A_5, %add3A : vector<2000x128xf32>
    %swap3A = arith.constant 0 : index
    %swap3A_10 = arith.constant 0 : index
    %swap3A_11 = vector.load %arg5[%swap3A, %swap3A_10] : memref<2000x128xf32, #tpu.memory_space<vmem>>, vector<2000x128xf32>
    tpu.vector_store %arg5[%swap3A, %swap3A_10], %add3A_9 {strides = array<i32>} : memref<2000x128xf32, #tpu.memory_space<vmem>>, vector<2000x128xf32>,
    %get3A_12 = arith.constant 0 : index
    %get3A_13 = arith.constant 0 : index
    %get3A_14 = vector.load %arg3[%get3A_12, %get3A_13] : memref<128x128xf32, #tpu.memory_space<vmem>>, vector<128x128xf32>
    %dot_general3A_15 = arith.constant dense<0.000000e+00> : vector<2000x128xf32>
    %dot_general3A_16 = tpu.matmul %get3A_1, %get3A_14, %dot_general3A_15 {dimension_numbers = #tpu.dot_dimension_numbers<[1], [0], [0], [1], [0, 0, 1, 1], [], []>, transpose_lhs_hint = false} : vector<2000x128xf32>, vector<128x128xf32>, vector<2000x128xf32> -> vector<2000x128xf32>
    %swap3A_17 = arith.constant 0 : index
    %swap3A_18 = arith.constant 0 : index
    %swap3A_19 = vector.load %arg6[%swap3A_17, %swap3A_18] : memref<2000x128xf32, #tpu.memory_space<vmem>>, vector<2000x128xf32>
    tpu.vector_store %arg6[%swap3A_17, %swap3A_18], %dot_general3A_16 {strides = array<i32>} : memref<2000x128xf32, #tpu.memory_space<vmem>>, vector<2000x128xf32>,
    return
  }
  func.func @transform_0(%arg0: i32) -> (i32, i32) {
    %c0_i32 = arith.constant 0 : i32
    %c0_i32_0 = arith.constant 0 : i32
    return %arg0, %c0_i32 : i32, i32
  }
  func.func @transform_1(%arg0: i32) -> (i32, i32) {
    %c0_i32 = arith.constant 0 : i32
    %c0_i32_0 = arith.constant 0 : i32
    %c0_i32_1 = arith.constant 0 : i32
    return %c0_i32, %c0_i32_0 : i32, i32
  }
  func.func @transform_2(%arg0: i32) -> (i32, i32) {
    %c0_i32 = arith.constant 0 : i32
    %c0_i32_0 = arith.constant 0 : i32
    %c0_i32_1 = arith.constant 0 : i32
    return %c0_i32, %c0_i32_0 : i32, i32
  }
  func.func @transform_3(%arg0: i32) -> (i32, i32) {
    %c0_i32 = arith.constant 0 : i32
    %c0_i32_0 = arith.constant 0 : i32
    %c0_i32_1 = arith.constant 0 : i32
    return %c0_i32, %c0_i32_0 : i32, i32
  }
  func.func @transform_4(%arg0: i32) -> (i32, i32) {
    %c0_i32 = arith.constant 0 : i32
    %c0_i32_0 = arith.constant 0 : i32
    return %arg0, %c0_i32 : i32, i32
  }
  func.func @transform_5(%arg0: i32) -> (i32, i32) {
    %c0_i32 = arith.constant 0 : i32
    %c0_i32_0 = arith.constant 0 : i32
    return %arg0, %c0_i32 : i32, i32
  }
}

module attributes {stable_mosaic.version = 14 : i64} {
  func.func @_edge_body(%arg0: i32, %arg1: memref<2000x128xf32, #tpu.memory_space<vmem>>, %arg2: memref<2000x128xf32, #tpu.memory_space<vmem>>, %arg3: memref<2000x4xf32, #tpu.memory_space<vmem>>, %arg4: memref<128x128xf32, #tpu.memory_space<vmem>>, %arg5: memref<1x128xf32, #tpu.memory_space<vmem>>, %arg6: memref<1x128xf32, #tpu.memory_space<vmem>>, %arg7: memref<1x128xf32, #tpu.memory_space<vmem>>, %arg8: memref<2000x256xf32, #tpu.memory_space<vmem>>) attributes {dimension_semantics = [#tpu.dimension_semantics<arbitrary>], iteration_bounds = array<i64: 160>, scalar_prefetch = 0 : i64, scratch_operands = 0 : i64, tpu.core_type = #tpu.core_type<tc>, window_params = [{transform_indices = @transform_0, window_bounds = array<i64: 2000, 128>}, {transform_indices = @transform_1, window_bounds = array<i64: 2000, 128>}, {transform_indices = @transform_2, window_bounds = array<i64: 2000, 4>}, {pipeline_mode = #tpu.pipeline_mode<synchronous>, transform_indices = @transform_3, window_bounds = array<i64: 128, 128>}, {pipeline_mode = #tpu.pipeline_mode<synchronous>, transform_indices = @transform_4, window_bounds = array<i64: 1, 128>}, {pipeline_mode = #tpu.pipeline_mode<synchronous>, transform_indices = @transform_5, window_bounds = array<i64: 1, 128>}, {pipeline_mode = #tpu.pipeline_mode<synchronous>, transform_indices = @transform_6, window_bounds = array<i64: 1, 128>}, {transform_indices = @transform_7, window_bounds = array<i64: 2000, 256>}]} {
    %get3A = arith.constant 0 : index
    %get3A_0 = arith.constant 0 : index
    %get3A_1 = vector.load %arg3[%get3A, %get3A_0] : memref<2000x4xf32, #tpu.memory_space<vmem>>, vector<2000x4xf32>
    %slice3A = vector.extract_strided_slice %get3A_1 {offsets = [0, 3], sizes = [2000, 1], strides = [1, 1]} : vector<2000x4xf32> to vector<2000x1xf32>
    %get3A_2 = arith.constant 0 : index
    %get3A_3 = arith.constant 0 : index
    %get3A_4 = vector.load %arg1[%get3A_2, %get3A_3] : memref<2000x128xf32, #tpu.memory_space<vmem>>, vector<2000x128xf32>
    %get3A_5 = arith.constant 0 : index
    %get3A_6 = arith.constant 0 : index
    %get3A_7 = vector.load %arg2[%get3A_5, %get3A_6] : memref<2000x128xf32, #tpu.memory_space<vmem>>, vector<2000x128xf32>
    %add3A = arith.addf %get3A_4, %get3A_7 : vector<2000x128xf32>
    %get3A_8 = arith.constant 0 : index
    %get3A_9 = arith.constant 0 : index
    %get3A_10 = vector.load %arg7[%get3A_8, %get3A_9] : memref<1x128xf32, #tpu.memory_space<vmem>>, vector<1x128xf32>
    %mul3A = vector.broadcast %slice3A : vector<2000x1xf32> to vector<2000x128xf32>
    %mul3A_11 = vector.broadcast %get3A_10 : vector<1x128xf32> to vector<2000x128xf32>
    %mul3A_12 = arith.mulf %mul3A, %mul3A_11 : vector<2000x128xf32>
    %add3A_13 = arith.addf %add3A, %mul3A_12 : vector<2000x128xf32>
    %logistic3A = arith.negf %add3A_13 : vector<2000x128xf32>
    %logistic3A_14 = math.exp %logistic3A : vector<2000x128xf32>
    %logistic3A_15 = arith.constant 1.000000e+00 : f32
    %logistic3A_16 = vector.broadcast %logistic3A_15 : f32 to vector<2000x128xf32>
    %logistic3A_17 = arith.addf %logistic3A_16, %logistic3A_14 : vector<2000x128xf32>
    %logistic3A_18 = arith.divf %logistic3A_16, %logistic3A_17 : vector<2000x128xf32>
    %mul3A_19 = arith.mulf %add3A_13, %logistic3A_18 : vector<2000x128xf32>
    %get3A_20 = arith.constant 0 : index
    %get3A_21 = arith.constant 0 : index
    %get3A_22 = vector.load %arg4[%get3A_20, %get3A_21] : memref<128x128xf32, #tpu.memory_space<vmem>>, vector<128x128xf32>
    %dot_general3A = arith.constant dense<0.000000e+00> : vector<2000x128xf32>
    %dot_general3A_23 = tpu.matmul %mul3A_19, %get3A_22, %dot_general3A {dimension_numbers = #tpu.dot_dimension_numbers<[1], [0], [0], [1], [0, 0, 1, 1], [], []>, transpose_lhs_hint = false} : vector<2000x128xf32>, vector<128x128xf32>, vector<2000x128xf32> -> vector<2000x128xf32>
    %get3A_24 = arith.constant 0 : index
    %get3A_25 = arith.constant 0 : index
    %get3A_26 = vector.load %arg5[%get3A_24, %get3A_25] : memref<1x128xf32, #tpu.memory_space<vmem>>, vector<1x128xf32>
    %add3A_27 = vector.broadcast %get3A_26 : vector<1x128xf32> to vector<2000x128xf32>
    %add3A_28 = arith.addf %dot_general3A_23, %add3A_27 : vector<2000x128xf32>
    %logistic3A_29 = arith.negf %add3A_28 : vector<2000x128xf32>
    %logistic3A_30 = math.exp %logistic3A_29 : vector<2000x128xf32>
    %logistic3A_31 = arith.constant 1.000000e+00 : f32
    %logistic3A_32 = vector.broadcast %logistic3A_31 : f32 to vector<2000x128xf32>
    %logistic3A_33 = arith.addf %logistic3A_32, %logistic3A_30 : vector<2000x128xf32>
    %logistic3A_34 = arith.divf %logistic3A_32, %logistic3A_33 : vector<2000x128xf32>
    %mul3A_35 = arith.mulf %add3A_28, %logistic3A_34 : vector<2000x128xf32>
    %get3A_36 = arith.constant 0 : index
    %get3A_37 = arith.constant 0 : index
    %get3A_38 = vector.load %arg6[%get3A_36, %get3A_37] : memref<1x128xf32, #tpu.memory_space<vmem>>, vector<1x128xf32>
    %mul3A_39 = vector.broadcast %get3A_38 : vector<1x128xf32> to vector<2000x128xf32>
    %mul3A_40 = arith.mulf %mul3A_35, %mul3A_39 : vector<2000x128xf32>
    %reduce_sum3A = arith.constant dense<0.000000e+00> : vector<2000xf32>
    %reduce_sum3A_41 = vector.multi_reduction <add>, %mul3A_40, %reduce_sum3A [1] : vector<2000x128xf32> to vector<2000xf32>
    %broadcast_in_dim3A = vector.shape_cast %reduce_sum3A_41 : vector<2000xf32> to vector<2000x1xf32>
    %swap3A = arith.constant 0 : index
    %swap3A_42 = arith.constant 0 : index
    %swap3A_43 = vector.load %arg8[%swap3A, %swap3A_42] : memref<2000x256xf32, #tpu.memory_space<vmem>>, vector<2000x128xf32>
    tpu.vector_store %arg8[%swap3A, %swap3A_42], %mul3A_35 {strides = array<i32>} : memref<2000x256xf32, #tpu.memory_space<vmem>>, vector<2000x128xf32>,
    %mul3A_44 = vector.broadcast %broadcast_in_dim3A : vector<2000x1xf32> to vector<2000x4xf32>
    %mul3A_45 = arith.mulf %get3A_1, %mul3A_44 : vector<2000x4xf32>
    %swap3A_46 = arith.constant 0 : index
    %swap3A_47 = arith.constant 128 : index
    %swap3A_48 = vector.load %arg8[%swap3A_46, %swap3A_47] : memref<2000x256xf32, #tpu.memory_space<vmem>>, vector<2000x4xf32>
    tpu.vector_store %arg8[%swap3A_46, %swap3A_47], %mul3A_45 {strides = array<i32>} : memref<2000x256xf32, #tpu.memory_space<vmem>>, vector<2000x4xf32>,
    return
  }
  func.func @transform_0(%arg0: i32) -> (i32, i32) {
    %c0_i32 = arith.constant 0 : i32
    %c0_i32_0 = arith.constant 0 : i32
    return %arg0, %c0_i32 : i32, i32
  }
  func.func @transform_1(%arg0: i32) -> (i32, i32) {
    %c0_i32 = arith.constant 0 : i32
    %c0_i32_0 = arith.constant 0 : i32
    return %arg0, %c0_i32 : i32, i32
  }
  func.func @transform_2(%arg0: i32) -> (i32, i32) {
    %c0_i32 = arith.constant 0 : i32
    %c0_i32_0 = arith.constant 0 : i32
    return %arg0, %c0_i32 : i32, i32
  }
  func.func @transform_3(%arg0: i32) -> (i32, i32) {
    %c0_i32 = arith.constant 0 : i32
    %c0_i32_0 = arith.constant 0 : i32
    %c0_i32_1 = arith.constant 0 : i32
    return %c0_i32, %c0_i32_0 : i32, i32
  }
  func.func @transform_4(%arg0: i32) -> (i32, i32) {
    %c0_i32 = arith.constant 0 : i32
    %c0_i32_0 = arith.constant 0 : i32
    %c0_i32_1 = arith.constant 0 : i32
    return %c0_i32, %c0_i32_0 : i32, i32
  }
  func.func @transform_5(%arg0: i32) -> (i32, i32) {
    %c0_i32 = arith.constant 0 : i32
    %c0_i32_0 = arith.constant 0 : i32
    %c0_i32_1 = arith.constant 0 : i32
    return %c0_i32, %c0_i32_0 : i32, i32
  }
  func.func @transform_6(%arg0: i32) -> (i32, i32) {
    %c0_i32 = arith.constant 0 : i32
    %c0_i32_0 = arith.constant 0 : i32
    %c0_i32_1 = arith.constant 0 : i32
    return %c0_i32, %c0_i32_0 : i32, i32
  }
  func.func @transform_7(%arg0: i32) -> (i32, i32) {
    %c0_i32 = arith.constant 0 : i32
    %c0_i32_0 = arith.constant 0 : i32
    return %arg0, %c0_i32 : i32, i32
  }
}

module attributes {stable_mosaic.version = 14 : i64} {
  func.func @_node_body(%arg0: i32, %arg1: memref<2000x128xf32, #tpu.memory_space<vmem>>, %arg2: memref<2000x4xf32, #tpu.memory_space<vmem>>, %arg3: memref<2000x256xf32, #tpu.memory_space<vmem>>, %arg4: memref<128x128xf32, #tpu.memory_space<vmem>>, %arg5: memref<128x128xf32, #tpu.memory_space<vmem>>, %arg6: memref<1x128xf32, #tpu.memory_space<vmem>>, %arg7: memref<128x128xf32, #tpu.memory_space<vmem>>, %arg8: memref<1x128xf32, #tpu.memory_space<vmem>>, %arg9: memref<2000x4xf32, #tpu.memory_space<vmem>>, %arg10: memref<2000x128xf32, #tpu.memory_space<vmem>>) attributes {dimension_semantics = [#tpu.dimension_semantics<arbitrary>], iteration_bounds = array<i64: 5>, scalar_prefetch = 0 : i64, scratch_operands = 0 : i64, tpu.core_type = #tpu.core_type<tc>, window_params = [{transform_indices = @transform_0, window_bounds = array<i64: 2000, 128>}, {transform_indices = @transform_1, window_bounds = array<i64: 2000, 4>}, {transform_indices = @transform_2, window_bounds = array<i64: 2000, 256>}, {pipeline_mode = #tpu.pipeline_mode<synchronous>, transform_indices = @transform_3, window_bounds = array<i64: 128, 128>}, {pipeline_mode = #tpu.pipeline_mode<synchronous>, transform_indices = @transform_4, window_bounds = array<i64: 128, 128>}, {pipeline_mode = #tpu.pipeline_mode<synchronous>, transform_indices = @transform_5, window_bounds = array<i64: 1, 128>}, {pipeline_mode = #tpu.pipeline_mode<synchronous>, transform_indices = @transform_6, window_bounds = array<i64: 128, 128>}, {pipeline_mode = #tpu.pipeline_mode<synchronous>, transform_indices = @transform_7, window_bounds = array<i64: 1, 128>}, {transform_indices = @transform_8, window_bounds = array<i64: 2000, 4>}, {transform_indices = @transform_9, window_bounds = array<i64: 2000, 128>}]} {
    %get3A = arith.constant 0 : index
    %get3A_0 = arith.constant 0 : index
    %get3A_1 = vector.load %arg3[%get3A, %get3A_0] : memref<2000x256xf32, #tpu.memory_space<vmem>>, vector<2000x128xf32>
    %get3A_2 = arith.constant 0 : index
    %get3A_3 = arith.constant 128 : index
    %get3A_4 = vector.load %arg3[%get3A_2, %get3A_3] : memref<2000x256xf32, #tpu.memory_space<vmem>>, vector<2000x4xf32>
    %get3A_5 = arith.constant 0 : index
    %get3A_6 = arith.constant 0 : index
    %get3A_7 = vector.load %arg1[%get3A_5, %get3A_6] : memref<2000x128xf32, #tpu.memory_space<vmem>>, vector<2000x128xf32>
    %get3A_8 = arith.constant 0 : index
    %get3A_9 = arith.constant 0 : index
    %get3A_10 = vector.load %arg4[%get3A_8, %get3A_9] : memref<128x128xf32, #tpu.memory_space<vmem>>, vector<128x128xf32>
    %dot_general3A = arith.constant dense<0.000000e+00> : vector<2000x128xf32>
    %dot_general3A_11 = tpu.matmul %get3A_7, %get3A_10, %dot_general3A {dimension_numbers = #tpu.dot_dimension_numbers<[1], [0], [0], [1], [0, 0, 1, 1], [], []>, transpose_lhs_hint = false} : vector<2000x128xf32>, vector<128x128xf32>, vector<2000x128xf32> -> vector<2000x128xf32>
    %get3A_12 = arith.constant 0 : index
    %get3A_13 = arith.constant 0 : index
    %get3A_14 = vector.load %arg5[%get3A_12, %get3A_13] : memref<128x128xf32, #tpu.memory_space<vmem>>, vector<128x128xf32>
    %dot_general3A_15 = arith.constant dense<0.000000e+00> : vector<2000x128xf32>
    %dot_general3A_16 = tpu.matmul %get3A_1, %get3A_14, %dot_general3A_15 {dimension_numbers = #tpu.dot_dimension_numbers<[1], [0], [0], [1], [0, 0, 1, 1], [], []>, transpose_lhs_hint = false} : vector<2000x128xf32>, vector<128x128xf32>, vector<2000x128xf32> -> vector<2000x128xf32>
    %add3A = arith.addf %dot_general3A_11, %dot_general3A_16 : vector<2000x128xf32>
    %get3A_17 = arith.constant 0 : index
    %get3A_18 = arith.constant 0 : index
    %get3A_19 = vector.load %arg6[%get3A_17, %get3A_18] : memref<1x128xf32, #tpu.memory_space<vmem>>, vector<1x128xf32>
    %add3A_20 = vector.broadcast %get3A_19 : vector<1x128xf32> to vector<2000x128xf32>
    %add3A_21 = arith.addf %add3A, %add3A_20 : vector<2000x128xf32>
    %logistic3A = arith.negf %add3A_21 : vector<2000x128xf32>
    %logistic3A_22 = math.exp %logistic3A : vector<2000x128xf32>
    %logistic3A_23 = arith.constant 1.000000e+00 : f32
    %logistic3A_24 = vector.broadcast %logistic3A_23 : f32 to vector<2000x128xf32>
    %logistic3A_25 = arith.addf %logistic3A_24, %logistic3A_22 : vector<2000x128xf32>
    %logistic3A_26 = arith.divf %logistic3A_24, %logistic3A_25 : vector<2000x128xf32>
    %mul3A = arith.mulf %add3A_21, %logistic3A_26 : vector<2000x128xf32>
    %get3A_27 = arith.constant 0 : index
    %get3A_28 = arith.constant 0 : index
    %get3A_29 = vector.load %arg1[%get3A_27, %get3A_28] : memref<2000x128xf32, #tpu.memory_space<vmem>>, vector<2000x128xf32>
    %get3A_30 = arith.constant 0 : index
    %get3A_31 = arith.constant 0 : index
    %get3A_32 = vector.load %arg7[%get3A_30, %get3A_31] : memref<128x128xf32, #tpu.memory_space<vmem>>, vector<128x128xf32>
    %dot_general3A_33 = arith.constant dense<0.000000e+00> : vector<2000x128xf32>
    %dot_general3A_34 = tpu.matmul %mul3A, %get3A_32, %dot_general3A_33 {dimension_numbers = #tpu.dot_dimension_numbers<[1], [0], [0], [1], [0, 0, 1, 1], [], []>, transpose_lhs_hint = false} : vector<2000x128xf32>, vector<128x128xf32>, vector<2000x128xf32> -> vector<2000x128xf32>
    %add3A_35 = arith.addf %get3A_29, %dot_general3A_34 : vector<2000x128xf32>
    %get3A_36 = arith.constant 0 : index
    %get3A_37 = arith.constant 0 : index
    %get3A_38 = vector.load %arg8[%get3A_36, %get3A_37] : memref<1x128xf32, #tpu.memory_space<vmem>>, vector<1x128xf32>
    %add3A_39 = vector.broadcast %get3A_38 : vector<1x128xf32> to vector<2000x128xf32>
    %add3A_40 = arith.addf %add3A_35, %add3A_39 : vector<2000x128xf32>
    %swap3A = arith.constant 0 : index
    %swap3A_41 = arith.constant 0 : index
    %swap3A_42 = vector.load %arg10[%swap3A, %swap3A_41] : memref<2000x128xf32, #tpu.memory_space<vmem>>, vector<2000x128xf32>
    tpu.vector_store %arg10[%swap3A, %swap3A_41], %add3A_40 {strides = array<i32>} : memref<2000x128xf32, #tpu.memory_space<vmem>>, vector<2000x128xf32>,
    %get3A_43 = arith.constant 0 : index
    %get3A_44 = arith.constant 0 : index
    %get3A_45 = vector.load %arg2[%get3A_43, %get3A_44] : memref<2000x4xf32, #tpu.memory_space<vmem>>, vector<2000x4xf32>
    %mul3A_46 = arith.constant 3.125000e-02 : f32
    %mul3A_47 = vector.broadcast %mul3A_46 : f32 to vector<2000x4xf32>
    %mul3A_48 = arith.mulf %get3A_4, %mul3A_47 : vector<2000x4xf32>
    %add3A_49 = arith.addf %get3A_45, %mul3A_48 : vector<2000x4xf32>
    %swap3A_50 = arith.constant 0 : index
    %swap3A_51 = arith.constant 0 : index
    %swap3A_52 = vector.load %arg9[%swap3A_50, %swap3A_51] : memref<2000x4xf32, #tpu.memory_space<vmem>>, vector<2000x4xf32>
    tpu.vector_store %arg9[%swap3A_50, %swap3A_51], %add3A_49 {strides = array<i32>} : memref<2000x4xf32, #tpu.memory_space<vmem>>, vector<2000x4xf32>,
    return
  }
  func.func @transform_0(%arg0: i32) -> (i32, i32) {
    %c0_i32 = arith.constant 0 : i32
    %c0_i32_0 = arith.constant 0 : i32
    return %arg0, %c0_i32 : i32, i32
  }
  func.func @transform_1(%arg0: i32) -> (i32, i32) {
    %c0_i32 = arith.constant 0 : i32
    %c0_i32_0 = arith.constant 0 : i32
    return %arg0, %c0_i32 : i32, i32
  }
  func.func @transform_2(%arg0: i32) -> (i32, i32) {
    %c0_i32 = arith.constant 0 : i32
    %c0_i32_0 = arith.constant 0 : i32
    return %arg0, %c0_i32 : i32, i32
  }
  func.func @transform_3(%arg0: i32) -> (i32, i32) {
    %c0_i32 = arith.constant 0 : i32
    %c0_i32_0 = arith.constant 0 : i32
    %c0_i32_1 = arith.constant 0 : i32
    return %c0_i32, %c0_i32_0 : i32, i32
  }
  func.func @transform_4(%arg0: i32) -> (i32, i32) {
    %c0_i32 = arith.constant 0 : i32
    %c0_i32_0 = arith.constant 0 : i32
    %c0_i32_1 = arith.constant 0 : i32
    return %c0_i32, %c0_i32_0 : i32, i32
  }
  func.func @transform_5(%arg0: i32) -> (i32, i32) {
    %c0_i32 = arith.constant 0 : i32
    %c0_i32_0 = arith.constant 0 : i32
    %c0_i32_1 = arith.constant 0 : i32
    return %c0_i32, %c0_i32_0 : i32, i32
  }
  func.func @transform_6(%arg0: i32) -> (i32, i32) {
    %c0_i32 = arith.constant 0 : i32
    %c0_i32_0 = arith.constant 0 : i32
    %c0_i32_1 = arith.constant 0 : i32
    return %c0_i32, %c0_i32_0 : i32, i32
  }
  func.func @transform_7(%arg0: i32) -> (i32, i32) {
    %c0_i32 = arith.constant 0 : i32
    %c0_i32_0 = arith.constant 0 : i32
    %c0_i32_1 = arith.constant 0 : i32
    return %c0_i32, %c0_i32_0 : i32, i32
  }
  func.func @transform_8(%arg0: i32) -> (i32, i32) {
    %c0_i32 = arith.constant 0 : i32
    %c0_i32_0 = arith.constant 0 : i32
    return %arg0, %c0_i32 : i32, i32
  }
  func.func @transform_9(%arg0: i32) -> (i32, i32) {
    %c0_i32 = arith.constant 0 : i32
    %c0_i32_0 = arith.constant 0 : i32
    return %arg0, %c0_i32 : i32, i32
  }
}

</mosaic_0001>

<sc_bundles>
// kernel: kernel.11.cloned.1.call-start
scs
__scs_entry_jumppad:
0x0: {  	(pc) =	sbr.rel $0x88, $3  }
0x1: {  	(tag) =	ssettag $0x0;
	lr =	simm.s32 $0x1  }
0x2: {  	[smem:$0x3F95] =	sst lr;
	_ =	strace $0xD0000000  }
0x3: {  	_ = 	snop  }
0x4: {  	_ = 	snop  }
0x5: {  	_ = 	snop  }
0x6: {  	_ = 	snop  }
0x7: {  	_ = 	snop  }
__scs_overlays_trampoline_lowered:
0x8: {  	[smem:$0x3FA4] =	sst s0  }
0x9: {  	[smem:$0x3FA5] =	sst s1  }
0xa: {  	[smem:$0x3FA6] =	sst s2  }
0xb: {  	[smem:$0x3FA7] =	sst s3  }
0xc: {  	[smem:$0x3FA8] =	sst s4  }
0xd: {  	[smem:$0x3FA9] =	sst s5  }
0xe: {  	[smem:$0x3FAA] =	sst s6  }
0xf: {  	[smem:$0x3FAB] =	sst s7  }
0x10: {  	[smem:$0x3FAC] =	sst s8  }
0x11: {  	[smem:$0x3FAD] =	sst s9;
	s0 =	simm.s32 @!p0 $0x0  }
0x12: {  	s1 =	sld [smem:$0x3F93];
	s0 =	simm.s32 @p0 $0x1  }
0x13: {  	[smem:$0x3FAE] =	sst s0;
	s0 =	simm.s32 @!p1 $0x0  }
0x14: {  	s2 =	sld [smem:$0x3F92];
	s0 =	simm.s32 @p1 $0x1  }
0x15: {  	[smem:$0x3FAF] =	sst s0;
	s0 =	simm.s32 @!p2 $0x0  }
0x16: {  	s3 =	sld [smem:$0x3FDB];
	s0 =	simm.s32 @p2 $0x1  }
0x17: {  	s4 =	simm.s32 $0x1BF5;
	[smem:$0x3FB1] =	sst s0  }
0x18: {  	s0 =	sld [smem:$0x3F94];
	_ =	swait.ge [sflag:s4], $0x0  }
0x19: {  	s7 =	sld [smem:$0x3F95]  }
0x1a: {  	s8 =	sadd.s32 $0xFFFFE003, lr  }
0x1b: {  	s9 =	sadd.s32 $0xFFFFFEF7, lr;
	s5 =	simm.s32 $0xFFFFFFFF;
	p2 =	slt.u32 s8, $0xFFFFF086  }
0x1c: {  	p1 =	slt.u32 s9, $0xF7A;
	s5 =	simm.s32 @!p2 $0x0  }
0x1d: {  	s5 =	simm.s32 @p1 $0x1;
	p0 =	seq.s32 s7, s2  }
0x1e: {  	s7 =	smul.u32 @!p0 $0xF7A, s2;
	p2 =	seq.s32 @!p0 s5, $0x0  }
0x1f: {  	s9 =	smul.u32 $0xF7A, s1;
	s8 =	simm.s32 @!p0 $0x1BF5;
	p2 =	por !p2, p0  }
0x20: {  	[sflag:s8] =	ssyncset.s32 @!p0 $0xFFFFF086;
	s6 =	sadd.s32 @!p0 s3, s7;
	s7 =	simm.s32 @!p0 $0x108  }
0x21: {  	s3 =	sadd.s32 s3, s9;
	s6 =	sadd.s32 @!p0 $0x88, s6;
	s7 =	simm.s32 @p2 $0x1082  }
0x22: {  	[simem:s7], [sflag:s8] =	dma.local @!p0 [hbm:s6], $0xF7A  }
0x23: {  	s9 =	sor.u32 $0xD0000000, s2;
	s6 =	simm.s32 $0x108;
	_ =	swait.ge @!p0 [sflag:s8], $0x0  }
0x24: {  	s3 =	sadd.s32 $0x88, s3;
	s6 =	simm.s32 @!p1 $0x1082;
	[sflag:s4] =	ssyncset.s32 $0xFFFFF086  }
0x25: {  	[simem:s6], [sflag:s4] =	dma.local [hbm:s3], $0xF7A  }
0x26: {  	[smem:$0x3F95] =	sst s1;
	(tag) =	ssettag s2;
	_ =	strace s9  }
0x27: {  	s1 =	sld [smem:$0x3FA5]  }
0x28: {  	s2 =	sld [smem:$0x3FA6]  }
0x29: {  	s4 =	sld [smem:$0x3FA8]  }
0x2a: {  	p0 =	seq.s32 s5, $0x0;
	s5 =	sld [smem:$0x3FA9]  }
0x2b: {  	s6 =	sld [smem:$0x3FAA]  }
0x2c: {  	s7 =	sld [smem:$0x3FAB]  }
0x2d: {  	s3 =	simm.s32 $0x108;
	s8 =	sld [smem:$0x3FAC]  }
0x2e: {  	s3 =	simm.s32 @!p0 $0x1082;
	s9 =	sld [smem:$0x3FAD]  }
0x2f: {  	lr =	sadd.s32 s0, s3;
	s0 =	sld [smem:$0x3FA4]  }
0x30: {  	s3 =	sld [smem:$0x3FA7]  }
0x31: {  	[smem:$0x3FB0] =	sst s10  }
0x32: {  	s10 =	sld [smem:$0x3FAE];
	_ =	sdelay $0x3  }
0x33: {  	p0 =	seq.s32 s10, $0x1;
	s10 =	sld [smem:$0x3FB0];
	_ =	sdelay $0x3  }
0x34: {  	[smem:$0x3FB0] =	sst s10  }
0x35: {  	s10 =	sld [smem:$0x3FAF];
	_ =	sdelay $0x3  }
0x36: {  	p1 =	seq.s32 s10, $0x1;
	s10 =	sld [smem:$0x3FB0];
	_ =	sdelay $0x3  }
0x37: {  	[smem:$0x3FB0] =	sst s10  }
0x38: {  	s10 =	sld [smem:$0x3FB1]  }
0x39: {  	_ = 	snop;
	(pc) =	sbr.ind lr, $3  }
0x3a: {  	_ = 	snop  }
0x3b: {  	_ = 	snop  }
0x3c: {  	p2 =	seq.s32 s10, $0x1;
	s10 =	sld [smem:$0x3FB0]  }
0x3d: {  	_ =	shalt  }
0x3e: {  	_ =	shalt  }
0x3f: {  	_ =	shalt  }
0x40: {  	_ =	shalt  }
0x41: {  	_ =	shalt  }
0x42: {  	_ =	shalt  }
0x43: {  	_ =	shalt  }
0x44: {  	_ =	shalt  }
0x45: {  	_ =	shalt  }
0x46: {  	_ =	shalt  }
0x47: {  	_ =	shalt  }
0x48: {  	_ =	shalt  }
0x49: {  	_ =	shalt  }
0x4a: {  	_ =	shalt  }
0x4b: {  	_ =	shalt  }
0x4c: {  	_ =	shalt  }
0x4d: {  	_ =	shalt  }
0x4e: {  	_ =	shalt  }
0x4f: {  	_ =	shalt  }
0x50: {  	_ =	shalt  }
0x51: {  	_ =	shalt  }
0x52: {  	_ =	shalt  }
0x53: {  	_ =	shalt  }
0x54: {  	_ =	shalt  }
0x55: {  	_ =	shalt  }
0x56: {  	_ =	shalt  }
0x57: {  	_ =	shalt  }
0x58: {  	_ =	shalt  }
0x59: {  	_ =	shalt  }
0x5a: {  	_ =	shalt  }
0x5b: {  	_ =	shalt  }
0x5c: {  	_ =	shalt  }
0x5d: {  	_ =	shalt  }
0x5e: {  	_ =	shalt  }
0x5f: {  	_ =	shalt  }
0x60: {  	_ =	shalt  }
0x61: {  	_ =	shalt  }
0x62: {  	_ =	shalt  }
0x63: {  	_ =	shalt  }
0x64: {  	_ =	shalt  }
0x65: {  	_ =	shalt  }
0x66: {  	_ =	shalt  }
0x67: {  	_ =	shalt  }
0x68: {  	_ =	shalt  }
0x69: {  	_ =	shalt  }
0x6a: {  	_ =	shalt  }
0x6b: {  	_ =	shalt  }
0x6c: {  	_ =	shalt  }
0x6d: {  	_ =	shalt  }
0x6e: {  	_ =	shalt  }
0x6f: {  	_ =	shalt  }
0x70: {  	_ =	shalt  }
0x71: {  	_ =	shalt  }
0x72: {  	_ =	shalt  }
0x73: {  	_ =	shalt  }
0x74: {  	_ =	shalt  }
0x75: {  	_ =	shalt  }
0x76: {  	_ =	shalt  }
0x77: {  	_ =	shalt  }
0x78: {  	_ =	shalt  }
0x79: {  	_ =	shalt  }
0x7a: {  	_ =	shalt  }
0x7b: {  	_ =	shalt  }
0x7c: {  	_ =	shalt  }
0x7d: {  	_ =	shalt  }
0x7e: {  	_ =	shalt  }
0x7f: {  	_ =	shalt  }
0x80: {  	_ =	shalt  }
0x81: {  	_ =	shalt  }
0x82: {  	_ =	shalt  }
0x83: {  	_ =	shalt  }
0x84: {  	_ =	shalt  }
0x85: {  	_ =	shalt  }
0x86: {  	_ =	shalt  }
0x87: {  	_ =	shalt  }
.Lfunc_end0:
.L_simem_size_0:
called_computation.1_lowered:
.L_overlay_start_0:
0x88: {  	s2 =	sld [smem:$0x3FD9]  }
0x89: {  	s3 =	sld [smem:$0x3FFE];
	_ =	sdelay $0x1  }
0x8a: {  	s1 =	srdreg.scid  }
0x8b: {  	s0 =	sand.u32 $0x1, s1  }
0x8c: {  	s16 =	sshll.u32 s0, $0xA;
	s2 =	sadd.s32 s3, s2  }
0x8d: {  	s2 =	sadd.s32 s2, s16  }
0x8e: {  	[smem:$0x3FBC] =	sst s2  }
0x8f: {  	_ = 	snop  }
0x90: {  	(tm) =	ssettm $0x1  }
0x91: {  	s17 =	sld [smem:$0x3FFB];
	_ =	sdelay $0x3  }
0x92: {  	_ =	strace s17  }
0x93: {  	s2 =	sld [smem:$0x3FFC];
	_ =	sdelay $0x3  }
0x94: {  	_ =	strace s2  }
0x95: {  	s2 =	sld [smem:$0x3FFD];
	_ =	sdelay $0x3  }
0x96: {  	_ =	strace s2  }
0x97: {  	_ =	strace $0x8FFFFFFF  }
0x98: {  	s18 =	sld [smem:$0x3FDB];
	_ =	sdelay $0x1  }
0x99: {  	s19 =	simm.s32 $_scs_section_size  }
0x9a: {  	s4 =	simm.s32 $_size__tile_overlayer_lowered;
	s5 =	simm.s32 $_tile_overlayer_lowered  }
0x9b: {  	s22 =	simm.s32 $0x1BFF;
	s21 =	sshll.u32 s5, $0x1;
	s2 =	sadd.s32 s19, s18  }
0x9c: {  	s6 =	simm.s32 $0x0;
	s20 =	sshll.u32 s4, $0x1;
	s4 =	sadd.s32 s21, s2  }
0x9d: {  	[timem:s6], [sflag:s22] =	dma.local [hbm:s4], s20  }
0x9e: {  	_ =	swait.ge [sflag:s22], s20  }
0x9f: {  	s3 =	ssub.s32 $0x0, s20;
	[sflag:s22] =	ssyncset.done $0x0  }
0xa0: {  	[sflag:s22] =	ssyncadd.s32 s3;
	_ =	sdelay $0x1  }
0xa1: {  	s23 =	simm.s32 $0x1B8B  }
0xa2: {  	_ =	swait.ge [sflag:s23], $0x1  }
0xa3: {  	[sflag:s23] =	ssyncset.done $0x0  }
0xa4: {  	s25 =	simm.s32 $0x1B8E;
	s24 =	sld [smem:$0x3FFE];
	[sflag:s23] =	ssyncadd.s32 $0xFFFFFFFF  }
0xa5: {  	s26 =	simm.s32 $execute0_lowered;
	[smem:$0x3FD2] =	sst s25  }
0xa6: {  	s4 =	sshll.u32 s26, $0x1;
	_ =	strace $0x80000046;
	[dreg:$0x1] =	wrdreg $0xFFFFFFFF  }
0xa7: {  	s28 =	simm.s32 $_size_execute0_lowered;
	s2 =	sadd.s32 s2, s4;
	[dreg:$0x0] =	wrdreg $0x0  }
0xa8: {  	s4 =	sshll.u32 s28, $0x1;
	[dreg:$0x2] =	wrdreg s2  }
0xa9: {  	[dreg:$0x3] =	wrdreg s4  }
0xaa: {  	[dreg:$0x4] =	wrdreg $0xC0  }
0xab: {  	_ =	task [dreg:s6], $0x5FFFF  }
0xac: {  	[dreg:$0x1] =	wrdreg $0xFFFFFFFF  }
0xad: {  	[dreg:$0x0] =	wrdreg $0x60  }
0xae: {  	[dreg:$0x2] =	wrdreg s24  }
0xaf: {  	[dreg:$0x3] =	wrdreg $0xA  }
0xb0: {  	_ =	task.clear_ibuf [dreg:s6], $0x4FFFF;
	_ =	strace $0x90000046  }
0xb1: {  	s29 =	simm.s32 $0xA;
	_ =	strace $0x80000048  }
0xb2: {  	_ =	swait.ge [sflag:s29], $0x1  }
0xb3: {  	[sflag:s29] =	ssyncadd.s32 $0xFFFFFFFF  }
0xb4: {  	_ =	strace $0x90000048  }
0xb5: {  	_ =	sfence  }
0xb6: {  	s30 =	sld [smem:$0x0];
	_ =	sdelay $0x2  }
0xb7: {  	s31 =	sshll.u32 s1, $0xD;
	s1 =	sshrl.u32 s1, $0x2  }
0xb8: {  	s3 =	sand.u32 $0x4000, s31;
	s1 =	sadd.s32 s1, s30  }
0xb9: {  	s0 =	sor.u32 s3, s0;
	s1 =	sshll.u32 s1, $0x11  }
0xba: {  	s0 =	sor.u32 s1, s0  }
0xbb: {  	s0 =	sadd.s32 $0x8F2B, s0  }
0xbc: {  	[sflag:s0] =	ssyncadd.remote.s32 $0x1  }
0xbd: {  	_ =	sfence.sel $0xFFFF  }
0xbe: {  	[dreg:$0x0] =	wrdreg $0xFFFFFFFF;
	(pc) =	sbr.abs _section_cstart, $3  }
0xbf: {  	[dreg:$0x1] =	wrdreg $0xFFFFFFFF  }
0xc0: {  	_ =	task.clear_ibuf [dreg:s6], $0x2FFFF;
	_ =	strace $0x9FFFFFFF  }
0xc1: {  	(tm) =	ssettm $0x7FFFFFFF  }
tec
execute0_lowered:
.L_overlay_start_1:
0x0: {  	(tag) =	ssettag $0x1  }
0x1: {  	s0 =	srdreg.scid;
	s13 =	stileid.u32  }
0x2: {  	s1 =	rddreg [dreg:$0x0];
	s2 =	simm.s32 $0x0;
	s17 =	simm.s32 $0xF200  }
0x3: {  	s28 =	simm.s32 $0xF080;
	s29 =	simm.s32 $0x2;
	s30 =	simm.s32 $0x3  }
0x4: {  	s0 =	sand.u32 $0x1, s0;
	s3 =	sshll.u32 s13, $0x1;
	[smem:$0x7FF] =	sst s2  }
0x5: {  	s4 =	sadd.s32 $0x40600, s1;
	s7 =	sadd.s32 $0x18000, s1;
	s10 =	smul.u32 $0x4E20, s13  }
0x6: {  	s18 =	sadd.s32 $0x8EA00, s1;
	s8 =	sadd.s32 $0x570A00, s1;
	s25 =	smul.u32 $0x4E200, s13  }
0x7: {  	s12 =	sadd.s32 $0x67800, s1;
	s3 =	sor.u32 s0, s3;
	s11 =	smul.u32 $0x2710, s0  }
0x8: {  	_ =	strace $0x80000047;
	[dreg:$0x2] =	wrdreg s7;
	s13 =	smul.u32 $0x27100, s0  }
0x9: {  	s9 =	ssub.s32 $0x2, s0;
	s0 =	simm.s32 $0x0;
	s5 =	smul.u32 $0x2710, s3  }
0xa: {  	s3 =	sadd.s32 $0x19400, s1;
	s19 =	sshrl.u32 s9, $0x1;
	s22 =	sadd.s32 s11, s10  }
0xb: {  	s6 =	sshrl.u32 s5, $0x3;
	s5 =	sadd.s32 $0x26C0, s5;
	s24 =	sadd.s32 $0x50, s22  }
0xc: {  	v0 =	vlaneseq.u32;
	s26 =	sshrl.u32 s22, $0x1;
	s22 =	simm.s32 $0x9F00;
	s6 =	sadd.s32 s6, s1  }
0xd: {  	v0 =	vmul.u32 $0x4, v0;
	s1 =	ssub.s32 s9, s19;
	s21 =	sshll.u32 s5, $0x4;
	s20 =	sadd.s32 $0xE200, s6  }
0xe: {  	s5 =	sshrl.u32 s5, $0x1;
	s6 =	sadd.s32 $0x4400, s6;
	[dreg:$0x3] =	wrdreg s20  }
0xf: {  	v1 =	vor.u32 $0x1, v0;
	s31 =	sadd.s32 s26, s12;
	s23 =	sadd.s32 s18, s21;
	[dreg:$0x4] =	wrdreg s6  }
0x10: {  	v2 =	vor.u32 $0x2, v0;
	v3 =	vor.u32 $0x3, v0;
	v4 =	vor.u32 $0x40, v0;
	s26 =	simm.s32 $0x1;
	s5 =	sadd.s32 s12, s5;
	[dreg:$0x5] =	wrdreg s23  }
0x11: {  	v5 =	vor.u32 $0x41, v0;
	v6 =	vor.u32 $0x42, v0;
	v7 =	vor.u32 $0x43, v0;
	s1 =	smax.u32 s1, $0x1;
	s6 =	sadd.s32 s8, s21;
	[dreg:$0x7] =	wrdreg s5  }
0x12: {  	v8 =	vor.u32 $0x80, v0;
	v9 =	vor.u32 $0x81, v0;
	v10 =	vor.u32 $0x82, v0;
	[dreg:$0x8] =	wrdreg s1;
	s5 =	sadd.s32 s25, s18;
	s1 =	sadd.s32 s25, s8  }
0x13: {  	v11 =	vor.u32 $0x83, v0;
	v12 =	vor.u32 $0xC0, v0;
	v13 =	vor.u32 $0xC1, v0;
	s18 =	simm.s32 $0x4;
	s20 =	simm.s32 $0x50;
	s21 =	simm.s32 $0x4F00  }
0x14: {  	v14 =	vor.u32 $0xC2, v0;
	v15 =	vor.u32 $0xC3, v0;
	v16 =	vor.u32 $0x100, v0;
	s23 =	simm.s32 $0x7700;
	[dreg:$0x6] =	wrdreg s6;
	s6 =	sshrl.u32 s24, $0x1  }
0x15: {  	v17 =	vor.u32 $0x101, v0;
	v18 =	vor.u32 $0x102, v0;
	v19 =	vor.u32 $0x103, v0;
	s25 =	simm.s32 $0xEF00;
	s24 =	simm.s32 $0xC700;
	s6 =	sadd.s32 s6, s12  }
.LBB2_1:
0x16: {  	s7 =	rddreg [dreg:$0x2]  }
0x17: {  	[tilespmem:s17], [sflag:$0x4] =	stream.linear.gather [hbm4b:s7+s2], $0x9C80, $0x38;
	[tilespmem:$0x18E80] =	vst v63  }
0x18: {  	_ =	swait.ge [sflag:s18], $0x9C80  }
0x19: {  	[sflag:s18] =	ssyncset.done $0x0  }
0x1a: {  	s16 =	rddreg [dreg:$0x3];
	[sflag:s18] =	ssyncadd.s32 $0xFFFF6380  }
0x1b: {  	[tilespmem:s2], [sflag:$0x4] =	stream.linear.gather [hbm4b:s16+s2], $0x2710, $0x38;
	[tilespmem:$0x18E80] =	vst v63  }
0x1c: {  	_ =	swait.ge [sflag:s18], $0x2710  }
0x1d: {  	[sflag:s18] =	ssyncset.done $0x0  }
0x1e: {  	s8 =	simm.s32 $0x2780;
	s19 =	rddreg [dreg:$0x4];
	[sflag:s18] =	ssyncadd.s32 $0xFFFFD8F0  }
0x1f: {  	[tilespmem:s8], [sflag:$0x4] =	stream.linear.gather [hbm4b:s19+s2], $0x2710, $0x38;
	[tilespmem:$0x18E80] =	vst v63  }
0x20: {  	s15 =	smov.u32 s1;
	s14 =	smov.u32 s5;
	_ =	swait.ge [sflag:s18], $0x2710  }
0x21: {  	s12 =	smov.u32 s6;
	s7 =	simm.s32 $0x0;
	[sflag:s18] =	ssyncset.done $0x0  }
0x22: {  	s16 =	smov.u32 s31;
	s19 =	simm.s32 $0x0;
	[sflag:s18] =	ssyncadd.s32 $0xFFFFD8F0  }
.LBB2_2:
0x23: {  	s8 =	sshra.s32 s7, $0x2  }
0x24: {  	[tilespmem:s21], [sflag:$0x1] =	stream.indirect.gather [hbm4b:s3+s20], $0x80, s8, s20, $0xb8;
	[tilespmem:$0x18E80] =	vst v63  }
0x25: {  	s9 =	sadd.s32 $0x2780, s8  }
0x26: {  	[tilespmem:s22], [sflag:$0x1] =	stream.indirect.gather [hbm4b:s4+s20], $0x80, s9, s20, $0xb8;
	[tilespmem:$0x18E80] =	vst v63  }
0x27: {  	s10 =	sadd.s32 $0x50, s8  }
0x28: {  	[tilespmem:s23], [sflag:$0x2] =	stream.indirect.gather [hbm4b:s3+s20], $0x80, s10, s20, $0xb8;
	[tilespmem:$0x18E80] =	vst v63  }
0x29: {  	s11 =	sadd.s32 $0x27D0, s8  }
0x2a: {  	[tilespmem:s24], [sflag:$0x2] =	stream.indirect.gather [hbm4b:s4+s20], $0x80, s11, s20, $0xb8;
	[tilespmem:$0x18E80] =	vst v63  }
0x2b: {  	v20 =	vld [tilespmem:s8+$0x0]  }
0x2c: {  	v21 =	vld [tilespmem:s8+$0x2780];
	_ =	sdelay $0x3  }
0x2d: {  	v20 =	vshll.u32 v20, $0x2  }
0x2e: {  	v21 =	vshll.u32 v21, $0x2;
	_ =	sdelay $0x3  }
0x2f: {  	v22 =	vld.idx.msk [tilespmem:v20+s17+$0x0], $0xffff  }
0x30: {  	v23 =	vld.idx.msk [tilespmem:v21+s17+$0x0], $0xffff;
	_ =	sdelay $0x2  }
0x31: {  	v24 =	vor.u32 $0x1, v20  }
0x32: {  	v25 =	vor.u32 $0x1, v21  }
0x33: {  	v22 =	vsub.f32 v22, v23;
	_ =	sdelay $0x1  }
0x34: {  	[tilespmem:v0+s25+$0x0] =	vst.idx.msk $0xffff, v22  }
0x35: {  	v53 =	vld.idx.msk [tilespmem:v24+s17+$0x0], $0xffff  }
0x36: {  	v54 =	vld.idx.msk [tilespmem:v25+s17+$0x0], $0xffff;
	_ =	sdelay $0x2  }
0x37: {  	v20 =	vor.u32 $0x2, v20  }
0x38: {  	v21 =	vor.u32 $0x2, v21  }
0x39: {  	v23 =	vsub.f32 v53, v54;
	_ =	sdelay $0x1  }
0x3a: {  	[tilespmem:v1+s25+$0x0] =	vst.idx.msk $0xffff, v23  }
0x3b: {  	v20 =	vld.idx.msk [tilespmem:v20+s17+$0x0], $0xffff  }
0x3c: {  	v21 =	vld.idx.msk [tilespmem:v21+s17+$0x0], $0xffff;
	_ =	sdelay $0x4  }
0x3d: {  	v55 =	vmul.f32 v22, v22;
	v56 =	vmul.f32 v23, v23;
	v20 =	vsub.f32 v20, v21;
	_ =	sdelay $0x1  }
0x3e: {  	v21 =	vadd.f32 v56, v55;
	v57 =	vmul.f32 v20, v20;
	_ =	sdelay $0x1  }
0x3f: {  	v21 =	vadd.f32 v57, v21  }
0x40: {  	[tilespmem:v2+s25+$0x0] =	vst.idx.msk $0xffff, v20  }
0x41: {  	[tilespmem:v3+s25+$0x0] =	vst.idx.msk $0xffff, v21  }
0x42: {  	v20 =	vld [tilespmem:s8+$0x10]  }
0x43: {  	v21 =	vld [tilespmem:s8+$0x2790];
	_ =	sdelay $0x3  }
0x44: {  	v20 =	vshll.u32 v20, $0x2  }
0x45: {  	v21 =	vshll.u32 v21, $0x2;
	_ =	sdelay $0x3  }
0x46: {  	v58 =	vld.idx.msk [tilespmem:v20+s17+$0x0], $0xffff  }
0x47: {  	v59 =	vld.idx.msk [tilespmem:v21+s17+$0x0], $0xffff;
	_ =	sdelay $0x2  }
0x48: {  	v60 =	vor.u32 $0x1, v20  }
0x49: {  	v61 =	vor.u32 $0x1, v21  }
0x4a: {  	v22 =	vsub.f32 v58, v59;
	_ =	sdelay $0x1  }
0x4b: {  	[tilespmem:v4+s25+$0x0] =	vst.idx.msk $0xffff, v22  }
0x4c: {  	v62 =	vld.idx.msk [tilespmem:v60+s17+$0x0], $0xffff  }
0x4d: {  	v63 =	vld.idx.msk [tilespmem:v61+s17+$0x0], $0xffff;
	_ =	sdelay $0x2  }
0x4e: {  	v20 =	vor.u32 $0x2, v20  }
0x4f: {  	v21 =	vor.u32 $0x2, v21  }
0x50: {  	v23 =	vsub.f32 v62, v63;
	_ =	sdelay $0x1  }
0x51: {  	[tilespmem:v5+s25+$0x0] =	vst.idx.msk $0xffff, v23  }
0x52: {  	v20 =	vld.idx.msk [tilespmem:v20+s17+$0x0], $0xffff  }
0x53: {  	v21 =	vld.idx.msk [tilespmem:v21+s17+$0x0], $0xffff;
	_ =	sdelay $0x4  }
0x54: {  	v27 =	vmul.f32 v22, v22;
	v28 =	vmul.f32 v23, v23;
	v20 =	vsub.f32 v20, v21;
	_ =	sdelay $0x1  }
0x55: {  	v21 =	vadd.f32 v28, v27;
	v29 =	vmul.f32 v20, v20;
	_ =	sdelay $0x1  }
0x56: {  	v21 =	vadd.f32 v29, v21  }
0x57: {  	[tilespmem:v6+s25+$0x0] =	vst.idx.msk $0xffff, v20  }
0x58: {  	[tilespmem:v7+s25+$0x0] =	vst.idx.msk $0xffff, v21  }
0x59: {  	v20 =	vld [tilespmem:s8+$0x20]  }
0x5a: {  	v21 =	vld [tilespmem:s8+$0x27A0];
	_ =	sdelay $0x3  }
0x5b: {  	v20 =	vshll.u32 v20, $0x2  }
0x5c: {  	v21 =	vshll.u32 v21, $0x2;
	_ =	sdelay $0x3  }
0x5d: {  	v30 =	vld.idx.msk [tilespmem:v20+s17+$0x0], $0xffff  }
0x5e: {  	v31 =	vld.idx.msk [tilespmem:v21+s17+$0x0], $0xffff;
	_ =	sdelay $0x2  }
0x5f: {  	v32 =	vor.u32 $0x1, v20  }
0x60: {  	v33 =	vor.u32 $0x1, v21  }
0x61: {  	v22 =	vsub.f32 v30, v31;
	_ =	sdelay $0x1  }
0x62: {  	[tilespmem:v8+s25+$0x0] =	vst.idx.msk $0xffff, v22  }
0x63: {  	v34 =	vld.idx.msk [tilespmem:v32+s17+$0x0], $0xffff  }
0x64: {  	v35 =	vld.idx.msk [tilespmem:v33+s17+$0x0], $0xffff;
	_ =	sdelay $0x2  }
0x65: {  	v20 =	vor.u32 $0x2, v20  }
0x66: {  	v21 =	vor.u32 $0x2, v21  }
0x67: {  	v23 =	vsub.f32 v34, v35;
	_ =	sdelay $0x1  }
0x68: {  	[tilespmem:v9+s25+$0x0] =	vst.idx.msk $0xffff, v23  }
0x69: {  	v20 =	vld.idx.msk [tilespmem:v20+s17+$0x0], $0xffff  }
0x6a: {  	v21 =	vld.idx.msk [tilespmem:v21+s17+$0x0], $0xffff;
	_ =	sdelay $0x4  }
0x6b: {  	v36 =	vmul.f32 v22, v22;
	v37 =	vmul.f32 v23, v23;
	v20 =	vsub.f32 v20, v21;
	_ =	sdelay $0x1  }
0x6c: {  	v21 =	vadd.f32 v37, v36;
	v38 =	vmul.f32 v20, v20;
	_ =	sdelay $0x1  }
0x6d: {  	v21 =	vadd.f32 v38, v21  }
0x6e: {  	[tilespmem:v10+s25+$0x0] =	vst.idx.msk $0xffff, v20  }
0x6f: {  	[tilespmem:v11+s25+$0x0] =	vst.idx.msk $0xffff, v21  }
0x70: {  	v20 =	vld [tilespmem:s8+$0x30]  }
0x71: {  	v21 =	vld [tilespmem:s8+$0x27B0];
	_ =	sdelay $0x3  }
0x72: {  	v20 =	vshll.u32 v20, $0x2  }
0x73: {  	v21 =	vshll.u32 v21, $0x2;
	_ =	sdelay $0x3  }
0x74: {  	v39 =	vld.idx.msk [tilespmem:v20+s17+$0x0], $0xffff  }
0x75: {  	v40 =	vld.idx.msk [tilespmem:v21+s17+$0x0], $0xffff;
	_ =	sdelay $0x2  }
0x76: {  	v41 =	vor.u32 $0x1, v20  }
0x77: {  	v42 =	vor.u32 $0x1, v21  }
0x78: {  	v22 =	vsub.f32 v39, v40;
	_ =	sdelay $0x1  }
0x79: {  	[tilespmem:v12+s25+$0x0] =	vst.idx.msk $0xffff, v22  }
0x7a: {  	v43 =	vld.idx.msk [tilespmem:v41+s17+$0x0], $0xffff  }
0x7b: {  	v44 =	vld.idx.msk [tilespmem:v42+s17+$0x0], $0xffff;
	_ =	sdelay $0x2  }
0x7c: {  	v20 =	vor.u32 $0x2, v20  }
0x7d: {  	v21 =	vor.u32 $0x2, v21  }
0x7e: {  	v23 =	vsub.f32 v43, v44;
	_ =	sdelay $0x1  }
0x7f: {  	[tilespmem:v13+s25+$0x0] =	vst.idx.msk $0xffff, v23  }
0x80: {  	v20 =	vld.idx.msk [tilespmem:v20+s17+$0x0], $0xffff  }
0x81: {  	v21 =	vld.idx.msk [tilespmem:v21+s17+$0x0], $0xffff;
	_ =	sdelay $0x4  }
0x82: {  	v45 =	vmul.f32 v22, v22;
	v46 =	vmul.f32 v23, v23;
	v20 =	vsub.f32 v20, v21;
	_ =	sdelay $0x1  }
0x83: {  	v21 =	vadd.f32 v46, v45;
	v47 =	vmul.f32 v20, v20;
	_ =	sdelay $0x1  }
0x84: {  	v21 =	vadd.f32 v47, v21  }
0x85: {  	[tilespmem:v14+s25+$0x0] =	vst.idx.msk $0xffff, v20  }
0x86: {  	[tilespmem:v15+s25+$0x0] =	vst.idx.msk $0xffff, v21  }
0x87: {  	v20 =	vld [tilespmem:s8+$0x40]  }
0x88: {  	v21 =	vld [tilespmem:s8+$0x27C0];
	_ =	sdelay $0x3  }
0x89: {  	v20 =	vshll.u32 v20, $0x2  }
0x8a: {  	v21 =	vshll.u32 v21, $0x2;
	_ =	sdelay $0x3  }
0x8b: {  	v48 =	vld.idx.msk [tilespmem:v20+s17+$0x0], $0xffff  }
0x8c: {  	v49 =	vld.idx.msk [tilespmem:v21+s17+$0x0], $0xffff;
	_ =	sdelay $0x2  }
0x8d: {  	v50 =	vor.u32 $0x1, v20  }
0x8e: {  	v51 =	vor.u32 $0x1, v21  }
0x8f: {  	v22 =	vsub.f32 v48, v49;
	_ =	sdelay $0x1  }
0x90: {  	[tilespmem:v16+s25+$0x0] =	vst.idx.msk $0xffff, v22  }
0x91: {  	v52 =	vld.idx.msk [tilespmem:v50+s17+$0x0], $0xffff  }
0x92: {  	v53 =	vld.idx.msk [tilespmem:v51+s17+$0x0], $0xffff;
	_ =	sdelay $0x2  }
0x93: {  	v20 =	vor.u32 $0x2, v20  }
0x94: {  	v21 =	vor.u32 $0x2, v21  }
0x95: {  	v23 =	vsub.f32 v52, v53;
	_ =	sdelay $0x1  }
0x96: {  	[tilespmem:v17+s25+$0x0] =	vst.idx.msk $0xffff, v23  }
0x97: {  	v20 =	vld.idx.msk [tilespmem:v20+s17+$0x0], $0xffff  }
0x98: {  	v21 =	vld.idx.msk [tilespmem:v21+s17+$0x0], $0xffff;
	_ =	sdelay $0x4  }
0x99: {  	v54 =	vmul.f32 v22, v22;
	v55 =	vmul.f32 v23, v23;
	v20 =	vsub.f32 v20, v21;
	_ =	sdelay $0x1  }
0x9a: {  	v21 =	vadd.f32 v55, v54;
	v56 =	vmul.f32 v20, v20;
	_ =	sdelay $0x1  }
0x9b: {  	v21 =	vadd.f32 v56, v21  }
0x9c: {  	[tilespmem:v18+s25+$0x0] =	vst.idx.msk $0xffff, v20  }
0x9d: {  	[tilespmem:v19+s25+$0x0] =	vst.idx.msk $0xffff, v21  }
0x9e: {  	_ =	swait.ge [sflag:s26], $0x2800  }
0x9f: {  	[sflag:s26] =	ssyncset.done $0x0  }
0xa0: {  	[sflag:s26] =	ssyncadd.s32 $0xFFFFD800  }
0xa1: {  	_ =	swait.ge [sflag:s26], $0x2800  }
0xa2: {  	[sflag:s26] =	ssyncset.done $0x0  }
0xa3: {  	s9 =	sadd.s32 s14, s13;
	[sflag:s26] =	ssyncadd.s32 $0xFFFFD800  }
0xa4: {  	[hbm4b:s9+s2] =	stream.linear.scatter [tilespmem:s21], [sflag:$0x3], $0x2800, $0x38;
	[tilespmem:$0x18E80] =	vst v63  }
0xa5: {  	s10 =	sadd.s32 s15, s13  }
0xa6: {  	[hbm4b:s10+s2] =	stream.linear.scatter [tilespmem:s22], [sflag:$0x3], $0x2800, $0x38;
	[tilespmem:$0x18E80] =	vst v63  }
0xa7: {  	_ = 	snop  }
0xa8: {  	[hbm4b:s16+s2] =	stream.linear.scatter [tilespmem:s25], [sflag:$0x3], $0x140, $0x38;
	[tilespmem:$0x18E80] =	vst v63  }
0xa9: {  	v20 =	vld [tilespmem:s8+$0x50]  }
0xaa: {  	v57 =	vld [tilespmem:s8+$0x27D0];
	_ =	sdelay $0x3  }
0xab: {  	v20 =	vshll.u32 v20, $0x2  }
0xac: {  	v21 =	vshll.u32 v57, $0x2;
	_ =	sdelay $0x3  }
0xad: {  	v58 =	vld.idx.msk [tilespmem:v20+s17+$0x0], $0xffff  }
0xae: {  	v59 =	vld.idx.msk [tilespmem:v21+s17+$0x0], $0xffff;
	_ =	sdelay $0x2  }
0xaf: {  	v60 =	vor.u32 $0x1, v20  }
0xb0: {  	v61 =	vor.u32 $0x1, v21  }
0xb1: {  	v22 =	vsub.f32 v58, v59;
	_ =	sdelay $0x1  }
0xb2: {  	[tilespmem:v0+s28+$0x0] =	vst.idx.msk $0xffff, v22  }
0xb3: {  	v62 =	vld.idx.msk [tilespmem:v60+s17+$0x0], $0xffff  }
0xb4: {  	v63 =	vld.idx.msk [tilespmem:v61+s17+$0x0], $0xffff;
	_ =	sdelay $0x2  }
0xb5: {  	v20 =	vor.u32 $0x2, v20  }
0xb6: {  	v21 =	vor.u32 $0x2, v21  }
0xb7: {  	v23 =	vsub.f32 v62, v63;
	_ =	sdelay $0x1  }
0xb8: {  	[tilespmem:v1+s28+$0x0] =	vst.idx.msk $0xffff, v23  }
0xb9: {  	v20 =	vld.idx.msk [tilespmem:v20+s17+$0x0], $0xffff  }
0xba: {  	v21 =	vld.idx.msk [tilespmem:v21+s17+$0x0], $0xffff;
	_ =	sdelay $0x4  }
0xbb: {  	v25 =	vmul.f32 v22, v22;
	v26 =	vmul.f32 v23, v23;
	v20 =	vsub.f32 v20, v21;
	_ =	sdelay $0x1  }
0xbc: {  	v21 =	vadd.f32 v26, v25;
	v27 =	vmul.f32 v20, v20;
	_ =	sdelay $0x1  }
0xbd: {  	v21 =	vadd.f32 v27, v21  }
0xbe: {  	[tilespmem:v2+s28+$0x0] =	vst.idx.msk $0xffff, v20  }
0xbf: {  	[tilespmem:v3+s28+$0x0] =	vst.idx.msk $0xffff, v21  }
0xc0: {  	v20 =	vld [tilespmem:s8+$0x60]  }
0xc1: {  	v21 =	vld [tilespmem:s8+$0x27E0];
	_ =	sdelay $0x3  }
0xc2: {  	v20 =	vshll.u32 v20, $0x2  }
0xc3: {  	v21 =	vshll.u32 v21, $0x2;
	_ =	sdelay $0x3  }
0xc4: {  	v28 =	vld.idx.msk [tilespmem:v20+s17+$0x0], $0xffff  }
0xc5: {  	v29 =	vld.idx.msk [tilespmem:v21+s17+$0x0], $0xffff;
	_ =	sdelay $0x2  }
0xc6: {  	v30 =	vor.u32 $0x1, v20  }
0xc7: {  	v31 =	vor.u32 $0x1, v21  }
0xc8: {  	v22 =	vsub.f32 v28, v29;
	_ =	sdelay $0x1  }
0xc9: {  	[tilespmem:v4+s28+$0x0] =	vst.idx.msk $0xffff, v22  }
0xca: {  	v32 =	vld.idx.msk [tilespmem:v30+s17+$0x0], $0xffff  }
0xcb: {  	v33 =	vld.idx.msk [tilespmem:v31+s17+$0x0], $0xffff;
	_ =	sdelay $0x2  }
0xcc: {  	v20 =	vor.u32 $0x2, v20  }
0xcd: {  	v21 =	vor.u32 $0x2, v21  }
0xce: {  	v23 =	vsub.f32 v32, v33;
	_ =	sdelay $0x1  }
0xcf: {  	[tilespmem:v5+s28+$0x0] =	vst.idx.msk $0xffff, v23  }
0xd0: {  	v20 =	vld.idx.msk [tilespmem:v20+s17+$0x0], $0xffff  }
0xd1: {  	v21 =	vld.idx.msk [tilespmem:v21+s17+$0x0], $0xffff;
	_ =	sdelay $0x4  }
0xd2: {  	v34 =	vmul.f32 v22, v22;
	v35 =	vmul.f32 v23, v23;
	v20 =	vsub.f32 v20, v21;
	_ =	sdelay $0x1  }
0xd3: {  	v21 =	vadd.f32 v35, v34;
	v36 =	vmul.f32 v20, v20;
	_ =	sdelay $0x1  }
0xd4: {  	v21 =	vadd.f32 v36, v21  }
0xd5: {  	[tilespmem:v6+s28+$0x0] =	vst.idx.msk $0xffff, v20  }
0xd6: {  	[tilespmem:v7+s28+$0x0] =	vst.idx.msk $0xffff, v21  }
0xd7: {  	v20 =	vld [tilespmem:s8+$0x70]  }
0xd8: {  	v21 =	vld [tilespmem:s8+$0x27F0];
	_ =	sdelay $0x3  }
0xd9: {  	v20 =	vshll.u32 v20, $0x2  }
0xda: {  	v21 =	vshll.u32 v21, $0x2;
	_ =	sdelay $0x3  }
0xdb: {  	v37 =	vld.idx.msk [tilespmem:v20+s17+$0x0], $0xffff  }
0xdc: {  	v38 =	vld.idx.msk [tilespmem:v21+s17+$0x0], $0xffff;
	_ =	sdelay $0x2  }
0xdd: {  	v39 =	vor.u32 $0x1, v20  }
0xde: {  	v40 =	vor.u32 $0x1, v21  }
0xdf: {  	v22 =	vsub.f32 v37, v38;
	_ =	sdelay $0x1  }
0xe0: {  	[tilespmem:v8+s28+$0x0] =	vst.idx.msk $0xffff, v22  }
0xe1: {  	v41 =	vld.idx.msk [tilespmem:v39+s17+$0x0], $0xffff  }
0xe2: {  	v42 =	vld.idx.msk [tilespmem:v40+s17+$0x0], $0xffff;
	_ =	sdelay $0x2  }
0xe3: {  	v20 =	vor.u32 $0x2, v20  }
0xe4: {  	v21 =	vor.u32 $0x2, v21  }
0xe5: {  	v23 =	vsub.f32 v41, v42;
	_ =	sdelay $0x1  }
0xe6: {  	[tilespmem:v9+s28+$0x0] =	vst.idx.msk $0xffff, v23  }
0xe7: {  	v20 =	vld.idx.msk [tilespmem:v20+s17+$0x0], $0xffff  }
0xe8: {  	v21 =	vld.idx.msk [tilespmem:v21+s17+$0x0], $0xffff;
	_ =	sdelay $0x4  }
0xe9: {  	v43 =	vmul.f32 v22, v22;
	v44 =	vmul.f32 v23, v23;
	v20 =	vsub.f32 v20, v21;
	_ =	sdelay $0x1  }
0xea: {  	v21 =	vadd.f32 v44, v43;
	v45 =	vmul.f32 v20, v20;
	_ =	sdelay $0x1  }
0xeb: {  	v21 =	vadd.f32 v45, v21  }
0xec: {  	[tilespmem:v10+s28+$0x0] =	vst.idx.msk $0xffff, v20  }
0xed: {  	s11 =	sand.u32 $0x3FE0, s19;
	[tilespmem:v11+s28+$0x0] =	vst.idx.msk $0xffff, v21  }
0xee: {  	v20 =	vld [tilespmem:s11+$0x80]  }
0xef: {  	v21 =	vld [tilespmem:s11+$0x2800];
	_ =	sdelay $0x3  }
0xf0: {  	v20 =	vshll.u32 v20, $0x2  }
0xf1: {  	v21 =	vshll.u32 v21, $0x2;
	_ =	sdelay $0x3  }
0xf2: {  	v46 =	vld.idx.msk [tilespmem:v20+s17+$0x0], $0xffff  }
0xf3: {  	v47 =	vld.idx.msk [tilespmem:v21+s17+$0x0], $0xffff;
	_ =	sdelay $0x2  }
0xf4: {  	v48 =	vor.u32 $0x1, v20  }
0xf5: {  	v49 =	vor.u32 $0x1, v21  }
0xf6: {  	v22 =	vsub.f32 v46, v47;
	_ =	sdelay $0x1  }
0xf7: {  	[tilespmem:v12+s28+$0x0] =	vst.idx.msk $0xffff, v22  }
0xf8: {  	v50 =	vld.idx.msk [tilespmem:v48+s17+$0x0], $0xffff  }
0xf9: {  	v51 =	vld.idx.msk [tilespmem:v49+s17+$0x0], $0xffff;
	_ =	sdelay $0x2  }
0xfa: {  	v20 =	vor.u32 $0x2, v20  }
0xfb: {  	v21 =	vor.u32 $0x2, v21  }
0xfc: {  	v23 =	vsub.f32 v50, v51;
	_ =	sdelay $0x1  }
0xfd: {  	[tilespmem:v13+s28+$0x0] =	vst.idx.msk $0xffff, v23  }
0xfe: {  	v20 =	vld.idx.msk [tilespmem:v20+s17+$0x0], $0xffff  }
0xff: {  	v21 =	vld.idx.msk [tilespmem:v21+s17+$0x0], $0xffff;
	_ =	sdelay $0x4  }
0x100: {  	v52 =	vmul.f32 v22, v22;
	v53 =	vmul.f32 v23, v23;
	v20 =	vsub.f32 v20, v21;
	_ =	sdelay $0x1  }
0x101: {  	v21 =	vadd.f32 v53, v52;
	v54 =	vmul.f32 v20, v20;
	_ =	sdelay $0x1  }
0x102: {  	v21 =	vadd.f32 v54, v21  }
0x103: {  	[tilespmem:v14+s28+$0x0] =	vst.idx.msk $0xffff, v20  }
0x104: {  	[tilespmem:v15+s28+$0x0] =	vst.idx.msk $0xffff, v21  }
0x105: {  	v20 =	vld [tilespmem:s8+$0x90]  }
0x106: {  	v21 =	vld [tilespmem:s8+$0x2810];
	_ =	sdelay $0x3  }
0x107: {  	v20 =	vshll.u32 v20, $0x2  }
0x108: {  	v21 =	vshll.u32 v21, $0x2;
	_ =	sdelay $0x3  }
0x109: {  	v55 =	vld.idx.msk [tilespmem:v20+s17+$0x0], $0xffff  }
0x10a: {  	v56 =	vld.idx.msk [tilespmem:v21+s17+$0x0], $0xffff;
	_ =	sdelay $0x2  }
0x10b: {  	v57 =	vor.u32 $0x1, v20  }
0x10c: {  	v58 =	vor.u32 $0x1, v21  }
0x10d: {  	v22 =	vsub.f32 v55, v56;
	_ =	sdelay $0x1  }
0x10e: {  	[tilespmem:v16+s28+$0x0] =	vst.idx.msk $0xffff, v22  }
0x10f: {  	v59 =	vld.idx.msk [tilespmem:v57+s17+$0x0], $0xffff  }
0x110: {  	v60 =	vld.idx.msk [tilespmem:v58+s17+$0x0], $0xffff;
	_ =	sdelay $0x2  }
0x111: {  	v20 =	vor.u32 $0x2, v20  }
0x112: {  	v21 =	vor.u32 $0x2, v21  }
0x113: {  	v23 =	vsub.f32 v59, v60;
	_ =	sdelay $0x1  }
0x114: {  	[tilespmem:v17+s28+$0x0] =	vst.idx.msk $0xffff, v23  }
0x115: {  	v20 =	vld.idx.msk [tilespmem:v20+s17+$0x0], $0xffff  }
0x116: {  	v21 =	vld.idx.msk [tilespmem:v21+s17+$0x0], $0xffff;
	_ =	sdelay $0x4  }
0x117: {  	v61 =	vmul.f32 v22, v22;
	v62 =	vmul.f32 v23, v23;
	v20 =	vsub.f32 v20, v21;
	_ =	sdelay $0x1  }
0x118: {  	v21 =	vadd.f32 v62, v61;
	v63 =	vmul.f32 v20, v20;
	_ =	sdelay $0x1  }
0x119: {  	v21 =	vadd.f32 v63, v21  }
0x11a: {  	[tilespmem:v18+s28+$0x0] =	vst.idx.msk $0xffff, v20  }
0x11b: {  	[tilespmem:v19+s28+$0x0] =	vst.idx.msk $0xffff, v21  }
0x11c: {  	_ =	swait.ge [sflag:s29], $0x2800  }
0x11d: {  	[sflag:s29] =	ssyncset.done $0x0  }
0x11e: {  	[sflag:s29] =	ssyncadd.s32 $0xFFFFD800  }
0x11f: {  	_ =	swait.ge [sflag:s29], $0x2800  }
0x120: {  	[sflag:s29] =	ssyncset.done $0x0  }
0x121: {  	s9 =	sadd.s32 $0x500, s9;
	[sflag:s29] =	ssyncadd.s32 $0xFFFFD800  }
0x122: {  	[hbm4b:s9+s2] =	stream.linear.scatter [tilespmem:s23], [sflag:$0x3], $0x2800, $0x38;
	[tilespmem:$0x18E80] =	vst v63  }
0x123: {  	s11 =	sadd.s32 $0x500, s10  }
0x124: {  	[hbm4b:s11+s2] =	stream.linear.scatter [tilespmem:s24], [sflag:$0x3], $0x2800, $0x38;
	[tilespmem:$0x18E80] =	vst v63  }
0x125: {  	_ = 	snop  }
0x126: {  	[hbm4b:s12+s2] =	stream.linear.scatter [tilespmem:s28], [sflag:$0x3], $0x140, $0x38;
	[tilespmem:$0x18E80] =	vst v63  }
0x127: {  	_ =	swait.ge [sflag:s30], $0x2800  }
0x128: {  	[sflag:s30] =	ssyncset.done $0x0  }
0x129: {  	[sflag:s30] =	ssyncadd.s32 $0xFFFFD800  }
0x12a: {  	_ =	swait.ge [sflag:s30], $0x2800  }
0x12b: {  	[sflag:s30] =	ssyncset.done $0x0  }
0x12c: {  	[sflag:s30] =	ssyncadd.s32 $0xFFFFD800  }
0x12d: {  	_ =	swait.ge [sflag:s30], $0x140  }
0x12e: {  	[sflag:s30] =	ssyncset.done $0x0  }
0x12f: {  	[sflag:s30] =	ssyncadd.s32 $0xFFFFFEC0  }
0x130: {  	_ =	swait.ge [sflag:s30], $0x2800  }
0x131: {  	[sflag:s30] =	ssyncset.done $0x0  }
0x132: {  	[sflag:s30] =	ssyncadd.s32 $0xFFFFD800  }
0x133: {  	p0 =	sne.s32 s7, $0x9880;
	_ =	swait.ge [sflag:s30], $0x2800  }
.Ltmp0:
0x134: {  	[sflag:s30] =	ssyncset.done $0x0;
	(pc) =	sbr.rel @p0 .LBB2_2-.Ltmp0, $4  }
0x135: {  	[sflag:s30] =	ssyncadd.s32 $0xFFFFD800  }
0x136: {  	s7 =	sadd.s32 $0x280, s7;
	s14 =	sadd.s32 $0xA00, s14;
	_ =	swait.ge [sflag:s30], $0x140  }
0x137: {  	s15 =	sadd.s32 $0xA00, s15;
	s19 =	sadd.s32 $0xA0, s19;
	[sflag:s30] =	ssyncset.done $0x0  }
0x138: {  	s16 =	sadd.s32 $0x50, s16;
	s12 =	sadd.s32 $0x50, s12;
	[sflag:s30] =	ssyncadd.s32 $0xFFFFFEC0  }
0x139: {  	s7 =	simm.s32 $0x26C0  }
0x13a: {  	[tilespmem:s21], [sflag:$0x1] =	stream.indirect.gather [hbm4b:s3+s20], $0x80, s7, s20, $0xb8;
	[tilespmem:$0x18E80] =	vst v63  }
0x13b: {  	s12 =	simm.s32 $0x4E40  }
0x13c: {  	[tilespmem:s22], [sflag:$0x1] =	stream.indirect.gather [hbm4b:s4+s20], $0x80, s12, s20, $0xb8;
	[tilespmem:$0x18E80] =	vst v63  }
0x13d: {  	v20 =	vld [tilespmem:$0x26C0]  }
0x13e: {  	v21 =	vld [tilespmem:$0x4E40];
	_ =	sdelay $0x3  }
0x13f: {  	v20 =	vshll.u32 v20, $0x2  }
0x140: {  	v21 =	vshll.u32 v21, $0x2;
	_ =	sdelay $0x3  }
0x141: {  	v22 =	vld.idx.msk [tilespmem:v20+s17+$0x0], $0xffff  }
0x142: {  	v23 =	vld.idx.msk [tilespmem:v21+s17+$0x0], $0xffff;
	_ =	sdelay $0x2  }
0x143: {  	v24 =	vor.u32 $0x1, v20  }
0x144: {  	v25 =	vor.u32 $0x1, v21  }
0x145: {  	v22 =	vsub.f32 v22, v23;
	_ =	sdelay $0x1  }
0x146: {  	[tilespmem:v0+s25+$0x0] =	vst.idx.msk $0xffff, v22  }
0x147: {  	v62 =	vld.idx.msk [tilespmem:v24+s17+$0x0], $0xffff  }
0x148: {  	v63 =	vld.idx.msk [tilespmem:v25+s17+$0x0], $0xffff;
	_ =	sdelay $0x2  }
0x149: {  	v20 =	vor.u32 $0x2, v20  }
0x14a: {  	v21 =	vor.u32 $0x2, v21  }
0x14b: {  	v23 =	vsub.f32 v62, v63;
	_ =	sdelay $0x1  }
0x14c: {  	[tilespmem:v1+s25+$0x0] =	vst.idx.msk $0xffff, v23  }
0x14d: {  	v20 =	vld.idx.msk [tilespmem:v20+s17+$0x0], $0xffff  }
0x14e: {  	v21 =	vld.idx.msk [tilespmem:v21+s17+$0x0], $0xffff;
	_ =	sdelay $0x4  }
0x14f: {  	v25 =	vmul.f32 v22, v22;
	v26 =	vmul.f32 v23, v23;
	v20 =	vsub.f32 v20, v21;
	_ =	sdelay $0x1  }
0x150: {  	v21 =	vadd.f32 v26, v25;
	v27 =	vmul.f32 v20, v20;
	_ =	sdelay $0x1  }
0x151: {  	v21 =	vadd.f32 v27, v21  }
0x152: {  	[tilespmem:v2+s25+$0x0] =	vst.idx.msk $0xffff, v20  }
0x153: {  	[tilespmem:v3+s25+$0x0] =	vst.idx.msk $0xffff, v21  }
0x154: {  	v20 =	vld [tilespmem:$0x26D0]  }
0x155: {  	v21 =	vld [tilespmem:$0x4E50];
	_ =	sdelay $0x3  }
0x156: {  	v20 =	vshll.u32 v20, $0x2  }
0x157: {  	v21 =	vshll.u32 v21, $0x2;
	_ =	sdelay $0x3  }
0x158: {  	v28 =	vld.idx.msk [tilespmem:v20+s17+$0x0], $0xffff  }
0x159: {  	v29 =	vld.idx.msk [tilespmem:v21+s17+$0x0], $0xffff;
	_ =	sdelay $0x2  }
0x15a: {  	v30 =	vor.u32 $0x1, v20  }
0x15b: {  	v31 =	vor.u32 $0x1, v21  }
0x15c: {  	v22 =	vsub.f32 v28, v29;
	_ =	sdelay $0x1  }
0x15d: {  	[tilespmem:v4+s25+$0x0] =	vst.idx.msk $0xffff, v22  }
0x15e: {  	v32 =	vld.idx.msk [tilespmem:v30+s17+$0x0], $0xffff  }
0x15f: {  	v33 =	vld.idx.msk [tilespmem:v31+s17+$0x0], $0xffff;
	_ =	sdelay $0x2  }
0x160: {  	v20 =	vor.u32 $0x2, v20  }
0x161: {  	v21 =	vor.u32 $0x2, v21  }
0x162: {  	v23 =	vsub.f32 v32, v33;
	_ =	sdelay $0x1  }
0x163: {  	[tilespmem:v5+s25+$0x0] =	vst.idx.msk $0xffff, v23  }
0x164: {  	v20 =	vld.idx.msk [tilespmem:v20+s17+$0x0], $0xffff  }
0x165: {  	v21 =	vld.idx.msk [tilespmem:v21+s17+$0x0], $0xffff;
	_ =	sdelay $0x4  }
0x166: {  	v34 =	vmul.f32 v22, v22;
	v35 =	vmul.f32 v23, v23;
	v20 =	vsub.f32 v20, v21;
	_ =	sdelay $0x1  }
0x167: {  	v21 =	vadd.f32 v35, v34;
	v36 =	vmul.f32 v20, v20;
	_ =	sdelay $0x1  }
0x168: {  	v21 =	vadd.f32 v36, v21  }
0x169: {  	[tilespmem:v6+s25+$0x0] =	vst.idx.msk $0xffff, v20  }
0x16a: {  	[tilespmem:v7+s25+$0x0] =	vst.idx.msk $0xffff, v21  }
0x16b: {  	v20 =	vld [tilespmem:$0x26E0]  }
0x16c: {  	v21 =	vld [tilespmem:$0x4E60];
	_ =	sdelay $0x3  }
0x16d: {  	v20 =	vshll.u32 v20, $0x2  }
0x16e: {  	v21 =	vshll.u32 v21, $0x2;
	_ =	sdelay $0x3  }
0x16f: {  	v37 =	vld.idx.msk [tilespmem:v20+s17+$0x0], $0xffff  }
0x170: {  	v38 =	vld.idx.msk [tilespmem:v21+s17+$0x0], $0xffff;
	_ =	sdelay $0x2  }
0x171: {  	v39 =	vor.u32 $0x1, v20  }
0x172: {  	v40 =	vor.u32 $0x1, v21  }
0x173: {  	v22 =	vsub.f32 v37, v38;
	_ =	sdelay $0x1  }
0x174: {  	[tilespmem:v8+s25+$0x0] =	vst.idx.msk $0xffff, v22  }
0x175: {  	v41 =	vld.idx.msk [tilespmem:v39+s17+$0x0], $0xffff  }
0x176: {  	v42 =	vld.idx.msk [tilespmem:v40+s17+$0x0], $0xffff;
	_ =	sdelay $0x2  }
0x177: {  	v20 =	vor.u32 $0x2, v20  }
0x178: {  	v21 =	vor.u32 $0x2, v21  }
0x179: {  	v23 =	vsub.f32 v41, v42;
	_ =	sdelay $0x1  }
0x17a: {  	[tilespmem:v9+s25+$0x0] =	vst.idx.msk $0xffff, v23  }
0x17b: {  	v20 =	vld.idx.msk [tilespmem:v20+s17+$0x0], $0xffff  }
0x17c: {  	v21 =	vld.idx.msk [tilespmem:v21+s17+$0x0], $0xffff;
	_ =	sdelay $0x4  }
0x17d: {  	v43 =	vmul.f32 v22, v22;
	v44 =	vmul.f32 v23, v23;
	v20 =	vsub.f32 v20, v21;
	_ =	sdelay $0x1  }
0x17e: {  	v21 =	vadd.f32 v44, v43;
	v45 =	vmul.f32 v20, v20;
	_ =	sdelay $0x1  }
0x17f: {  	v21 =	vadd.f32 v45, v21  }
0x180: {  	[tilespmem:v10+s25+$0x0] =	vst.idx.msk $0xffff, v20  }
0x181: {  	[tilespmem:v11+s25+$0x0] =	vst.idx.msk $0xffff, v21  }
0x182: {  	v20 =	vld [tilespmem:$0x26F0]  }
0x183: {  	v21 =	vld [tilespmem:$0x4E70];
	_ =	sdelay $0x3  }
0x184: {  	v20 =	vshll.u32 v20, $0x2  }
0x185: {  	v21 =	vshll.u32 v21, $0x2;
	_ =	sdelay $0x3  }
0x186: {  	v46 =	vld.idx.msk [tilespmem:v20+s17+$0x0], $0xffff  }
0x187: {  	v47 =	vld.idx.msk [tilespmem:v21+s17+$0x0], $0xffff;
	_ =	sdelay $0x2  }
0x188: {  	v48 =	vor.u32 $0x1, v20  }
0x189: {  	v49 =	vor.u32 $0x1, v21  }
0x18a: {  	v22 =	vsub.f32 v46, v47;
	_ =	sdelay $0x1  }
0x18b: {  	[tilespmem:v12+s25+$0x0] =	vst.idx.msk $0xffff, v22  }
0x18c: {  	v50 =	vld.idx.msk [tilespmem:v48+s17+$0x0], $0xffff  }
0x18d: {  	v51 =	vld.idx.msk [tilespmem:v49+s17+$0x0], $0xffff;
	_ =	sdelay $0x2  }
0x18e: {  	v20 =	vor.u32 $0x2, v20  }
0x18f: {  	v21 =	vor.u32 $0x2, v21  }
0x190: {  	v23 =	vsub.f32 v50, v51;
	_ =	sdelay $0x1  }
0x191: {  	[tilespmem:v13+s25+$0x0] =	vst.idx.msk $0xffff, v23  }
0x192: {  	v20 =	vld.idx.msk [tilespmem:v20+s17+$0x0], $0xffff  }
0x193: {  	v21 =	vld.idx.msk [tilespmem:v21+s17+$0x0], $0xffff;
	_ =	sdelay $0x4  }
0x194: {  	v52 =	vmul.f32 v22, v22;
	v53 =	vmul.f32 v23, v23;
	v20 =	vsub.f32 v20, v21;
	_ =	sdelay $0x1  }
0x195: {  	v21 =	vadd.f32 v53, v52;
	v54 =	vmul.f32 v20, v20;
	_ =	sdelay $0x1  }
0x196: {  	v21 =	vadd.f32 v54, v21  }
0x197: {  	[tilespmem:v14+s25+$0x0] =	vst.idx.msk $0xffff, v20  }
0x198: {  	[tilespmem:v15+s25+$0x0] =	vst.idx.msk $0xffff, v21  }
0x199: {  	v20 =	vld [tilespmem:$0x2700]  }
0x19a: {  	v21 =	vld [tilespmem:$0x4E80];
	_ =	sdelay $0x3  }
0x19b: {  	v20 =	vshll.u32 v20, $0x2  }
0x19c: {  	v21 =	vshll.u32 v21, $0x2;
	_ =	sdelay $0x3  }
0x19d: {  	v55 =	vld.idx.msk [tilespmem:v20+s17+$0x0], $0xffff  }
0x19e: {  	v56 =	vld.idx.msk [tilespmem:v21+s17+$0x0], $0xffff;
	_ =	sdelay $0x2  }
0x19f: {  	v57 =	vor.u32 $0x1, v20  }
0x1a0: {  	v58 =	vor.u32 $0x1, v21  }
0x1a1: {  	v22 =	vsub.f32 v55, v56;
	_ =	sdelay $0x1  }
0x1a2: {  	[tilespmem:v16+s25+$0x0] =	vst.idx.msk $0xffff, v22  }
0x1a3: {  	v59 =	vld.idx.msk [tilespmem:v57+s17+$0x0], $0xffff  }
0x1a4: {  	v60 =	vld.idx.msk [tilespmem:v58+s17+$0x0], $0xffff;
	_ =	sdelay $0x2  }
0x1a5: {  	v20 =	vor.u32 $0x2, v20  }
0x1a6: {  	v21 =	vor.u32 $0x2, v21  }
0x1a7: {  	v23 =	vsub.f32 v59, v60;
	_ =	sdelay $0x1  }
0x1a8: {  	[tilespmem:v17+s25+$0x0] =	vst.idx.msk $0xffff, v23  }
0x1a9: {  	v20 =	vld.idx.msk [tilespmem:v20+s17+$0x0], $0xffff  }
0x1aa: {  	v21 =	vld.idx.msk [tilespmem:v21+s17+$0x0], $0xffff;
	_ =	sdelay $0x4  }
0x1ab: {  	v61 =	vmul.f32 v22, v22;
	v62 =	vmul.f32 v23, v23;
	v20 =	vsub.f32 v20, v21;
	_ =	sdelay $0x1  }
0x1ac: {  	v21 =	vadd.f32 v62, v61;
	v63 =	vmul.f32 v20, v20;
	_ =	sdelay $0x1  }
0x1ad: {  	v21 =	vadd.f32 v63, v21  }
0x1ae: {  	[tilespmem:v18+s25+$0x0] =	vst.idx.msk $0xffff, v20  }
0x1af: {  	[tilespmem:v19+s25+$0x0] =	vst.idx.msk $0xffff, v21  }
0x1b0: {  	_ =	swait.ge [sflag:s26], $0x2800  }
0x1b1: {  	[sflag:s26] =	ssyncset.done $0x0  }
0x1b2: {  	[sflag:s26] =	ssyncadd.s32 $0xFFFFD800  }
0x1b3: {  	_ =	swait.ge [sflag:s26], $0x2800  }
0x1b4: {  	[sflag:s26] =	ssyncset.done $0x0  }
0x1b5: {  	s14 =	rddreg [dreg:$0x5];
	[sflag:s26] =	ssyncadd.s32 $0xFFFFD800  }
0x1b6: {  	[hbm4b:s14+s2] =	stream.linear.scatter [tilespmem:s21], [sflag:$0x3], $0x2800, $0x38;
	[tilespmem:$0x18E80] =	vst v63  }
0x1b7: {  	s15 =	rddreg [dreg:$0x6]  }
0x1b8: {  	[hbm4b:s15+s2] =	stream.linear.scatter [tilespmem:s22], [sflag:$0x3], $0x2800, $0x38;
	[tilespmem:$0x18E80] =	vst v63  }
0x1b9: {  	s16 =	rddreg [dreg:$0x7]  }
0x1ba: {  	[hbm4b:s16+s2] =	stream.linear.scatter [tilespmem:s25], [sflag:$0x3], $0x140, $0x38;
	[tilespmem:$0x18E80] =	vst v63  }
0x1bb: {  	_ =	swait.ge [sflag:s30], $0x2800  }
0x1bc: {  	[sflag:s30] =	ssyncset.done $0x0  }
0x1bd: {  	[sflag:s30] =	ssyncadd.s32 $0xFFFFD800  }
0x1be: {  	_ =	swait.ge [sflag:s30], $0x2800  }
0x1bf: {  	[sflag:s30] =	ssyncset.done $0x0  }
0x1c0: {  	[sflag:s30] =	ssyncadd.s32 $0xFFFFD800  }
0x1c1: {  	_ =	swait.ge [sflag:s30], $0x140  }
0x1c2: {  	s0 =	sadd.s32 $0x1, s0;
	s19 =	rddreg [dreg:$0x8]  }
0x1c3: {  	p0 =	sne.s32 s0, s19  }
.Ltmp1:
0x1c4: {  	_ = 	snop;
	(pc) =	sbr.rel @p0 .LBB2_1-.Ltmp1, $3  }
0x1c5: {  	_ =	sdelay $0x1  }
0x1c6: {  	[sflag:s30] =	ssyncset.done $0x0  }
0x1c7: {  	[sflag:s30] =	ssyncadd.s32 $0xFFFFFEC0  }
0x1c8: {  	_ =	sfence.sel $0x180000  }
0x1c9: {  	[bflag:$0x0] =	sbarrier.arrive $0xFFFF  }
0x1ca: {  	_ =	strace $0x90000047  }
0x1cb: {  	s0 =	stileid.u32;
	[bflag:$0x2] =	sbarrier.arrive $0xFFFF  }
0x1cc: {  	p0 =	sne.s32 s0, $0x0;
	s0 =	rddreg [dreg:$0x1]  }
0x1cd: {  	s0 =	sadd.s32 @!p0 $0x100000, s0  }
0x1ce: {  	[sflag:s0] =	ssyncadd.tile.s32 @!p0 $0x1;
	_ =	shalt  }
.Lfunc_end2:
_tile_overlayer_lowered:
.L_overlay_start_2:
0x1cf: {  	(tag) =	ssettag $0x2  }
0x1d0: {  	s0 =	rddreg [dreg:$0x0];
	s2 =	stileid.u32  }
0x1d1: {  	s1 =	rddreg [dreg:$0x1];
	p0 =	sne.s32 s2, $0x0  }
0x1d2: {  	s3 =	rddreg [dreg:$0x2];
	[bflag:$0x3] =	sbarrier.arrive $0xFFFF;
	s2 =	simm.s32 @!p0 $0x1C04  }
0x1d3: {  	[timem:s3], [sflag:s2] =	dma.local @!p0 [hbm:s0], s1  }
0x1d4: {  	s0 =	simm.s32 @!p0 $0x4  }
0x1d5: {  	_ =	swait.ge @!p0 [sflag:s0], s1  }
0x1d6: {  	s1 =	ssub.s32 @!p0 $0x0, s1;
	[sflag:s0] =	ssyncset.done @!p0 $0x0  }
0x1d7: {  	[sflag:s0] =	ssyncadd.s32 @!p0 s1  }
0x1d8: {  	[bflag:$0x3] =	sbarrier.arrive $0xFFFF  }
0x1d9: {  	_ =	shalt  }

// kernel: kernel.14.cloned.1.call-start
scs
__scs_entry_jumppad:
0x0: {  	(pc) =	sbr.rel $0x88, $3  }
0x1: {  	(tag) =	ssettag $0x0;
	lr =	simm.s32 $0x1  }
0x2: {  	[smem:$0x3F95] =	sst lr;
	_ =	strace $0xD0000000  }
0x3: {  	_ = 	snop  }
0x4: {  	_ = 	snop  }
0x5: {  	_ = 	snop  }
0x6: {  	_ = 	snop  }
0x7: {  	_ = 	snop  }
__scs_overlays_trampoline_lowered:
0x8: {  	[smem:$0x3FA4] =	sst s0  }
0x9: {  	[smem:$0x3FA5] =	sst s1  }
0xa: {  	[smem:$0x3FA6] =	sst s2  }
0xb: {  	[smem:$0x3FA7] =	sst s3  }
0xc: {  	[smem:$0x3FA8] =	sst s4  }
0xd: {  	[smem:$0x3FA9] =	sst s5  }
0xe: {  	[smem:$0x3FAA] =	sst s6  }
0xf: {  	[smem:$0x3FAB] =	sst s7  }
0x10: {  	[smem:$0x3FAC] =	sst s8  }
0x11: {  	[smem:$0x3FAD] =	sst s9;
	s0 =	simm.s32 @!p0 $0x0  }
0x12: {  	s1 =	sld [smem:$0x3F93];
	s0 =	simm.s32 @p0 $0x1  }
0x13: {  	[smem:$0x3FAE] =	sst s0;
	s0 =	simm.s32 @!p1 $0x0  }
0x14: {  	s2 =	sld [smem:$0x3F92];
	s0 =	simm.s32 @p1 $0x1  }
0x15: {  	[smem:$0x3FAF] =	sst s0;
	s0 =	simm.s32 @!p2 $0x0  }
0x16: {  	s3 =	sld [smem:$0x3FDB];
	s0 =	simm.s32 @p2 $0x1  }
0x17: {  	s4 =	simm.s32 $0x1BF5;
	[smem:$0x3FB1] =	sst s0  }
0x18: {  	s0 =	sld [smem:$0x3F94];
	_ =	swait.ge [sflag:s4], $0x0  }
0x19: {  	s7 =	sld [smem:$0x3F95]  }
0x1a: {  	s8 =	sadd.s32 $0xFFFFE003, lr  }
0x1b: {  	s9 =	sadd.s32 $0xFFFFFEF7, lr;
	s5 =	simm.s32 $0xFFFFFFFF;
	p2 =	slt.u32 s8, $0xFFFFF086  }
0x1c: {  	p1 =	slt.u32 s9, $0xF7A;
	s5 =	simm.s32 @!p2 $0x0  }
0x1d: {  	s5 =	simm.s32 @p1 $0x1;
	p0 =	seq.s32 s7, s2  }
0x1e: {  	s7 =	smul.u32 @!p0 $0xF7A, s2;
	p2 =	seq.s32 @!p0 s5, $0x0  }
0x1f: {  	s9 =	smul.u32 $0xF7A, s1;
	s8 =	simm.s32 @!p0 $0x1BF5;
	p2 =	por !p2, p0  }
0x20: {  	[sflag:s8] =	ssyncset.s32 @!p0 $0xFFFFF086;
	s6 =	sadd.s32 @!p0 s3, s7;
	s7 =	simm.s32 @!p0 $0x108  }
0x21: {  	s3 =	sadd.s32 s3, s9;
	s6 =	sadd.s32 @!p0 $0x88, s6;
	s7 =	simm.s32 @p2 $0x1082  }
0x22: {  	[simem:s7], [sflag:s8] =	dma.local @!p0 [hbm:s6], $0xF7A  }
0x23: {  	s9 =	sor.u32 $0xD0000000, s2;
	s6 =	simm.s32 $0x108;
	_ =	swait.ge @!p0 [sflag:s8], $0x0  }
0x24: {  	s3 =	sadd.s32 $0x88, s3;
	s6 =	simm.s32 @!p1 $0x1082;
	[sflag:s4] =	ssyncset.s32 $0xFFFFF086  }
0x25: {  	[simem:s6], [sflag:s4] =	dma.local [hbm:s3], $0xF7A  }
0x26: {  	[smem:$0x3F95] =	sst s1;
	(tag) =	ssettag s2;
	_ =	strace s9  }
0x27: {  	s1 =	sld [smem:$0x3FA5]  }
0x28: {  	s2 =	sld [smem:$0x3FA6]  }
0x29: {  	s4 =	sld [smem:$0x3FA8]  }
0x2a: {  	p0 =	seq.s32 s5, $0x0;
	s5 =	sld [smem:$0x3FA9]  }
0x2b: {  	s6 =	sld [smem:$0x3FAA]  }
0x2c: {  	s7 =	sld [smem:$0x3FAB]  }
0x2d: {  	s3 =	simm.s32 $0x108;
	s8 =	sld [smem:$0x3FAC]  }
0x2e: {  	s3 =	simm.s32 @!p0 $0x1082;
	s9 =	sld [smem:$0x3FAD]  }
0x2f: {  	lr =	sadd.s32 s0, s3;
	s0 =	sld [smem:$0x3FA4]  }
0x30: {  	s3 =	sld [smem:$0x3FA7]  }
0x31: {  	[smem:$0x3FB0] =	sst s10  }
0x32: {  	s10 =	sld [smem:$0x3FAE];
	_ =	sdelay $0x3  }
0x33: {  	p0 =	seq.s32 s10, $0x1;
	s10 =	sld [smem:$0x3FB0];
	_ =	sdelay $0x3  }
0x34: {  	[smem:$0x3FB0] =	sst s10  }
0x35: {  	s10 =	sld [smem:$0x3FAF];
	_ =	sdelay $0x3  }
0x36: {  	p1 =	seq.s32 s10, $0x1;
	s10 =	sld [smem:$0x3FB0];
	_ =	sdelay $0x3  }
0x37: {  	[smem:$0x3FB0] =	sst s10  }
0x38: {  	s10 =	sld [smem:$0x3FB1]  }
0x39: {  	_ = 	snop;
	(pc) =	sbr.ind lr, $3  }
0x3a: {  	_ = 	snop  }
0x3b: {  	_ = 	snop  }
0x3c: {  	p2 =	seq.s32 s10, $0x1;
	s10 =	sld [smem:$0x3FB0]  }
0x3d: {  	_ =	shalt  }
0x3e: {  	_ =	shalt  }
0x3f: {  	_ =	shalt  }
0x40: {  	_ =	shalt  }
0x41: {  	_ =	shalt  }
0x42: {  	_ =	shalt  }
0x43: {  	_ =	shalt  }
0x44: {  	_ =	shalt  }
0x45: {  	_ =	shalt  }
0x46: {  	_ =	shalt  }
0x47: {  	_ =	shalt  }
0x48: {  	_ =	shalt  }
0x49: {  	_ =	shalt  }
0x4a: {  	_ =	shalt  }
0x4b: {  	_ =	shalt  }
0x4c: {  	_ =	shalt  }
0x4d: {  	_ =	shalt  }
0x4e: {  	_ =	shalt  }
0x4f: {  	_ =	shalt  }
0x50: {  	_ =	shalt  }
0x51: {  	_ =	shalt  }
0x52: {  	_ =	shalt  }
0x53: {  	_ =	shalt  }
0x54: {  	_ =	shalt  }
0x55: {  	_ =	shalt  }
0x56: {  	_ =	shalt  }
0x57: {  	_ =	shalt  }
0x58: {  	_ =	shalt  }
0x59: {  	_ =	shalt  }
0x5a: {  	_ =	shalt  }
0x5b: {  	_ =	shalt  }
0x5c: {  	_ =	shalt  }
0x5d: {  	_ =	shalt  }
0x5e: {  	_ =	shalt  }
0x5f: {  	_ =	shalt  }
0x60: {  	_ =	shalt  }
0x61: {  	_ =	shalt  }
0x62: {  	_ =	shalt  }
0x63: {  	_ =	shalt  }
0x64: {  	_ =	shalt  }
0x65: {  	_ =	shalt  }
0x66: {  	_ =	shalt  }
0x67: {  	_ =	shalt  }
0x68: {  	_ =	shalt  }
0x69: {  	_ =	shalt  }
0x6a: {  	_ =	shalt  }
0x6b: {  	_ =	shalt  }
0x6c: {  	_ =	shalt  }
0x6d: {  	_ =	shalt  }
0x6e: {  	_ =	shalt  }
0x6f: {  	_ =	shalt  }
0x70: {  	_ =	shalt  }
0x71: {  	_ =	shalt  }
0x72: {  	_ =	shalt  }
0x73: {  	_ =	shalt  }
0x74: {  	_ =	shalt  }
0x75: {  	_ =	shalt  }
0x76: {  	_ =	shalt  }
0x77: {  	_ =	shalt  }
0x78: {  	_ =	shalt  }
0x79: {  	_ =	shalt  }
0x7a: {  	_ =	shalt  }
0x7b: {  	_ =	shalt  }
0x7c: {  	_ =	shalt  }
0x7d: {  	_ =	shalt  }
0x7e: {  	_ =	shalt  }
0x7f: {  	_ =	shalt  }
0x80: {  	_ =	shalt  }
0x81: {  	_ =	shalt  }
0x82: {  	_ =	shalt  }
0x83: {  	_ =	shalt  }
0x84: {  	_ =	shalt  }
0x85: {  	_ =	shalt  }
0x86: {  	_ =	shalt  }
0x87: {  	_ =	shalt  }
.Lfunc_end0:
.L_simem_size_0:
called_computation.2_lowered:
.L_overlay_start_0:
0x88: {  	s2 =	sld [smem:$0x3FD9]  }
0x89: {  	s3 =	sld [smem:$0x3FFE];
	_ =	sdelay $0x1  }
0x8a: {  	s1 =	srdreg.scid  }
0x8b: {  	s0 =	sand.u32 $0x1, s1  }
0x8c: {  	s16 =	sshll.u32 s0, $0xA;
	s2 =	sadd.s32 s3, s2  }
0x8d: {  	s2 =	sadd.s32 s2, s16  }
0x8e: {  	[smem:$0x3FBC] =	sst s2  }
0x8f: {  	_ = 	snop  }
0x90: {  	(tm) =	ssettm $0x1  }
0x91: {  	s17 =	sld [smem:$0x3FFB];
	_ =	sdelay $0x3  }
0x92: {  	_ =	strace s17  }
0x93: {  	s2 =	sld [smem:$0x3FFC];
	_ =	sdelay $0x3  }
0x94: {  	_ =	strace s2  }
0x95: {  	s2 =	sld [smem:$0x3FFD];
	_ =	sdelay $0x3  }
0x96: {  	_ =	strace s2  }
0x97: {  	_ =	strace $0x8FFFFFFF  }
0x98: {  	s18 =	sld [smem:$0x3FDB];
	_ =	sdelay $0x1  }
0x99: {  	s19 =	simm.s32 $_scs_section_size  }
0x9a: {  	s4 =	simm.s32 $_size__tile_overlayer_lowered;
	s5 =	simm.s32 $_tile_overlayer_lowered  }
0x9b: {  	s22 =	simm.s32 $0x1BFF;
	s21 =	sshll.u32 s5, $0x1;
	s2 =	sadd.s32 s19, s18  }
0x9c: {  	s6 =	simm.s32 $0x0;
	s20 =	sshll.u32 s4, $0x1;
	s4 =	sadd.s32 s21, s2  }
0x9d: {  	[timem:s6], [sflag:s22] =	dma.local [hbm:s4], s20  }
0x9e: {  	_ =	swait.ge [sflag:s22], s20  }
0x9f: {  	s3 =	ssub.s32 $0x0, s20;
	[sflag:s22] =	ssyncset.done $0x0  }
0xa0: {  	[sflag:s22] =	ssyncadd.s32 s3;
	_ =	sdelay $0x1  }
0xa1: {  	s23 =	simm.s32 $0x1B8B  }
0xa2: {  	_ =	swait.ge [sflag:s23], $0x1  }
0xa3: {  	[sflag:s23] =	ssyncset.done $0x0  }
0xa4: {  	s25 =	simm.s32 $0x1B8E;
	s24 =	sld [smem:$0x3FFE];
	[sflag:s23] =	ssyncadd.s32 $0xFFFFFFFF  }
0xa5: {  	s26 =	simm.s32 $execute0_lowered;
	[smem:$0x3FD2] =	sst s25  }
0xa6: {  	s4 =	sshll.u32 s26, $0x1;
	_ =	strace $0x8000004C;
	[dreg:$0x1] =	wrdreg $0xFFFFFFFF  }
0xa7: {  	s28 =	simm.s32 $_size_execute0_lowered;
	s2 =	sadd.s32 s2, s4;
	[dreg:$0x0] =	wrdreg $0x0  }
0xa8: {  	s4 =	sshll.u32 s28, $0x1;
	[dreg:$0x2] =	wrdreg s2  }
0xa9: {  	[dreg:$0x3] =	wrdreg s4  }
0xaa: {  	[dreg:$0x4] =	wrdreg $0xC0  }
0xab: {  	_ =	task [dreg:s6], $0x5FFFF  }
0xac: {  	[dreg:$0x1] =	wrdreg $0xFFFFFFFF  }
0xad: {  	[dreg:$0x0] =	wrdreg $0x60  }
0xae: {  	[dreg:$0x2] =	wrdreg s24  }
0xaf: {  	[dreg:$0x3] =	wrdreg $0x9  }
0xb0: {  	_ =	task.clear_ibuf [dreg:s6], $0x4FFFF;
	_ =	strace $0x9000004C  }
0xb1: {  	s29 =	simm.s32 $0x9;
	_ =	strace $0x8000004E  }
0xb2: {  	_ =	swait.ge [sflag:s29], $0x1  }
0xb3: {  	[sflag:s29] =	ssyncadd.s32 $0xFFFFFFFF  }
0xb4: {  	_ =	strace $0x9000004E  }
0xb5: {  	_ =	sfence  }
0xb6: {  	s30 =	sld [smem:$0x0];
	_ =	sdelay $0x2  }
0xb7: {  	s31 =	sshll.u32 s1, $0xD;
	s1 =	sshrl.u32 s1, $0x2  }
0xb8: {  	s3 =	sand.u32 $0x4000, s31;
	s1 =	sadd.s32 s1, s30  }
0xb9: {  	s0 =	sor.u32 s3, s0;
	s1 =	sshll.u32 s1, $0x11  }
0xba: {  	s0 =	sor.u32 s1, s0  }
0xbb: {  	s0 =	sadd.s32 $0x8F2B, s0  }
0xbc: {  	[sflag:s0] =	ssyncadd.remote.s32 $0x1  }
0xbd: {  	_ =	sfence.sel $0xFFFF  }
0xbe: {  	[dreg:$0x0] =	wrdreg $0xFFFFFFFF;
	(pc) =	sbr.abs _section_cstart, $3  }
0xbf: {  	[dreg:$0x1] =	wrdreg $0xFFFFFFFF  }
0xc0: {  	_ =	task.clear_ibuf [dreg:s6], $0x2FFFF;
	_ =	strace $0x9FFFFFFF  }
0xc1: {  	(tm) =	ssettm $0x7FFFFFFF  }
tec
execute0_lowered:
.L_overlay_start_1:
0x0: {  	(tag) =	ssettag $0x1  }
0x1: {  	s0 =	srdreg.scid  }
0x2: {  	s3 =	stileid.u32;
	s1 =	rddreg [dreg:$0x0];
	s6 =	simm.s32 $0x0  }
0x3: {  	s9 =	simm.s32 $0x2;
	s11 =	simm.s32 $0x3480;
	s12 =	simm.s32 $0x3C80  }
0x4: {  	s13 =	simm.s32 $0x4480;
	s14 =	simm.s32 $0x4C80;
	s15 =	simm.s32 $0x5480  }
0x5: {  	s16 =	simm.s32 $0x5C80;
	s17 =	simm.s32 $0x6480;
	s18 =	simm.s32 $0x6C80  }
0x6: {  	s19 =	simm.s32 $0x7480;
	s20 =	simm.s32 $0x7C80;
	s21 =	simm.s32 $0x8480  }
0x7: {  	s22 =	simm.s32 $0x8C80;
	s23 =	simm.s32 $0x9480;
	s24 =	simm.s32 $0x9C80  }
0x8: {  	s25 =	simm.s32 $0xA480;
	s0 =	sand.u32 $0x1, s0;
	s2 =	sshll.u32 s3, $0x1  }
0x9: {  	s26 =	simm.s32 $0x1;
	s3 =	sshrl.u32 s3, $0x2;
	s2 =	sor.u32 s0, s2  }
0xa: {  	s28 =	simm.s32 $0x2B80;
	s3 =	smul.u32 $0x15400, s3;
	s4 =	sshll.u32 s2, $0x7  }
0xb: {  	[smem:$0x7FF] =	sst s6;
	s0 =	ssub.s32 $0x2, s0;
	s4 =	sand.u32 $0x380, s4  }
0xc: {  	_ =	strace $0x8000004D;
	s5 =	sshrl.u32 s0, $0x1;
	s3 =	sor.u32 s3, s4  }
0xd: {  	v0 =	vlaneseq.u32;
	v1 =	vimm.f32 $0.0e+00;
	vm0 =	vmmov $0xffff;
	s2 =	smul.u32 $0x2800, s2;
	s0 =	ssub.s32 s0, s5;
	s4 =	sshrl.u32 s3, $0x3  }
0xe: {  	v3 =	vshrl.u32 v0, $0x3;
	v2 =	vand.u32 $0x7, v0;
	v4 =	vor.u32 $0x8, v0;
	s0 =	smax.u32 s0, $0x1;
	s3 =	sadd.s32 $0xF3F400, s1;
	s4 =	sadd.s32 s4, s1  }
0xf: {  	v5 =	vor.u32 $0x10, v0;
	v6 =	vor.u32 $0x20, v0;
	v7 =	vor.u32 $0x30, v0;
	[dreg:$0x4] =	wrdreg s0;
	s1 =	sadd.s32 s2, s1;
	s31 =	sadd.s32 $0xA52A00, s4  }
0x10: {  	s29 =	simm.s32 $0xAC80;
	v8 =	vor.u32 $0x40, v0;
	v9 =	vor.u32 $0x50, v0;
	v10 =	vor.u32 $0x60, v0;
	s1 =	sadd.s32 $0xA5D400, s1;
	[dreg:$0x2] =	wrdreg s31  }
0x11: {  	s30 =	simm.s32 $0x2C00;
	v11 =	vor.u32 $0x70, v0;
	v12 =	vor.u32 $0x80, v0;
	v3 =	vmul.u32 $0x8, v3;
	s2 =	simm.s32 $0x0;
	[dreg:$0x3] =	wrdreg s1  }
.LBB2_1:
0x12: {  	s0 =	rddreg [dreg:$0x2];
	s1 =	simm.s32 $0x80;
	s31 =	simm.s32 $0x400  }
0x13: {  	[tilespmem:s6], [sflag:$0x2] =	stream.strided.gather [hbm4b:s0+s1], $0x2A80, s31, s1, $0x38;
	[tilespmem:$0x1ED80] =	vst v63  }
0x14: {  	[dreg:$0x5] =	wrdreg s2;
	s1 =	simm.s32 $0x100;
	s0 =	simm.s32 $0x0  }
.LBB2_2:
0x15: {  	p0 =	sne.s32 s1, $0x50300;
	[tilespmem:s0+$0xACB0] =	vst v1;
	s2 =	smov.u32 s1;
	s1 =	sadd.s32 $0x100, s1  }
.Ltmp0:
0x16: {  	[tilespmem:s0+$0xACA0] =	vst v1;
	(pc) =	sbr.rel @p0 .LBB2_2-.Ltmp0, $3  }
0x17: {  	[tilespmem:s0+$0xAC80] =	vst v1  }
0x18: {  	[tilespmem:s0+$0xAC90] =	vst v1;
	_ =	sdelay $0x1  }
0x19: {  	s0 =	sshra.s32 s2, $0x2  }
0x1a: {  	[tilespmem:s0+$0xACB0] =	vst v1  }
0x1b: {  	[tilespmem:s0+$0xACA0] =	vst v1  }
0x1c: {  	[tilespmem:s0+$0xAC80] =	vst v1  }
0x1d: {  	[tilespmem:s0+$0xAC90] =	vst v1  }
0x1e: {  	_ =	swait.ge [sflag:s9], $0x2A80  }
0x1f: {  	[sflag:s9] =	ssyncset.done $0x0  }
0x20: {  	s0 =	simm.s32 $0x0;
	s7 =	simm.s32 $0x0;
	[sflag:s9] =	ssyncadd.s32 $0xFFFFD580  }
.LBB2_4:
0x21: {  	s1 =	sshll.u32 s7, $0x7  }
0x22: {  	s2 =	sand.u32 $0x3FFFFF80, s1  }
0x23: {  	v13 =	vld [tilespmem:s2+$0x0];
	_ =	sdelay $0x4  }
0x24: {  	v14 =	vand.u32 $0x7FFFF, v13  }
0x25: {  	v13 =	vshra.s32 v13, $0x13;
	[tilespmem:$0x2A80] =	vst v14  }
0x26: {  	[tilespmem:$0x2B80] =	vst v13  }
0x27: {  	v13 =	vld [tilespmem:s2+$0x10];
	_ =	sdelay $0x4  }
0x28: {  	v14 =	vand.u32 $0x7FFFF, v13  }
0x29: {  	v13 =	vshra.s32 v13, $0x13;
	[tilespmem:$0x2A90] =	vst v14  }
0x2a: {  	[tilespmem:$0x2B90] =	vst v13  }
0x2b: {  	v13 =	vld [tilespmem:s2+$0x20]  }
0x2c: {  	v14 =	vld [tilespmem:$0x2A80];
	_ =	sdelay $0x3  }
0x2d: {  	v15 =	vand.u32 $0x7FFFF, v13  }
0x2e: {  	v13 =	vshra.s32 v13, $0x13;
	[tilespmem:$0x2AA0] =	vst v15;
	v15 =	vshll.u32 v14, $0x1  }
0x2f: {  	[tilespmem:$0x2BA0] =	vst v13;
	v13 =	vand.u32 $0x7, v14;
	v14 =	vand.u32 $0xFFFFFFF0, v15  }
0x30: {  	v15 =	vld [tilespmem:s2+$0x30];
	v13 =	vor.u32 v13, v14  }
0x31: {  	v14 =	vperm.xlane v13, v2;
	_ =	sdelay $0x1  }
0x32: {  	v13 =	vperm.xlane v13, v4;
	v14 =	vadd.s32 v3, v14;
	_ =	sdelay $0x1  }
0x33: {  	v13 =	vadd.s32 v3, v13;
	v16 =	vand.u32 $0x7FFFF, v15  }
0x34: {  	v15 =	vshra.s32 v15, $0x13;
	[tilespmem:$0x2AB0] =	vst v16  }
0x35: {  	s6 =	simm.s32 $0x2C80;
	[tilespmem:$0x2BB0] =	vst v15  }
0x36: {  	[tilespmem:s6], [sflag:$0x1] =	stream.indirect_vreg.gather [hbm4b:s3+s0], $0x80, v14, vm0, $0xb8;
	[tilespmem:$0x1ED80] =	vst v63  }
0x37: {  	_ = 	snop  }
0x38: {  	[tilespmem:s11], [sflag:$0x1] =	stream.indirect_vreg.gather [hbm4b:s3+s0], $0x80, v13, vm0, $0xb8;
	[tilespmem:$0x1ED80] =	vst v63  }
0x39: {  	v13 =	vld [tilespmem:$0x2A90];
	_ =	sdelay $0x4  }
0x3a: {  	v14 =	vshll.u32 v13, $0x1  }
0x3b: {  	v13 =	vand.u32 $0x7, v13;
	v14 =	vand.u32 $0xFFFFFFF0, v14  }
0x3c: {  	v13 =	vor.u32 v13, v14  }
0x3d: {  	v14 =	vperm.xlane v13, v2;
	_ =	sdelay $0x1  }
0x3e: {  	v13 =	vperm.xlane v13, v4;
	v14 =	vadd.s32 v3, v14;
	_ =	sdelay $0x1  }
0x3f: {  	v13 =	vadd.s32 v3, v13;
	_ =	sdelay $0x2  }
0x40: {  	[tilespmem:s12], [sflag:$0x1] =	stream.indirect_vreg.gather [hbm4b:s3+s0], $0x80, v14, vm0, $0xb8;
	[tilespmem:$0x1ED80] =	vst v63  }
0x41: {  	_ = 	snop  }
0x42: {  	[tilespmem:s13], [sflag:$0x1] =	stream.indirect_vreg.gather [hbm4b:s3+s0], $0x80, v13, vm0, $0xb8;
	[tilespmem:$0x1ED80] =	vst v63  }
0x43: {  	v13 =	vld [tilespmem:$0x2AA0];
	_ =	sdelay $0x4  }
0x44: {  	v14 =	vshll.u32 v13, $0x1  }
0x45: {  	v13 =	vand.u32 $0x7, v13;
	v14 =	vand.u32 $0xFFFFFFF0, v14  }
0x46: {  	v13 =	vor.u32 v13, v14  }
0x47: {  	v14 =	vperm.xlane v13, v2;
	_ =	sdelay $0x1  }
0x48: {  	v13 =	vperm.xlane v13, v4;
	v14 =	vadd.s32 v3, v14;
	_ =	sdelay $0x1  }
0x49: {  	v13 =	vadd.s32 v3, v13;
	_ =	sdelay $0x2  }
0x4a: {  	[tilespmem:s14], [sflag:$0x1] =	stream.indirect_vreg.gather [hbm4b:s3+s0], $0x80, v14, vm0, $0xb8;
	[tilespmem:$0x1ED80] =	vst v63  }
0x4b: {  	_ = 	snop  }
0x4c: {  	[tilespmem:s15], [sflag:$0x1] =	stream.indirect_vreg.gather [hbm4b:s3+s0], $0x80, v13, vm0, $0xb8;
	[tilespmem:$0x1ED80] =	vst v63  }
0x4d: {  	v13 =	vld [tilespmem:$0x2AB0];
	_ =	sdelay $0x4  }
0x4e: {  	v14 =	vshll.u32 v13, $0x1  }
0x4f: {  	v13 =	vand.u32 $0x7, v13;
	v14 =	vand.u32 $0xFFFFFFF0, v14  }
0x50: {  	v13 =	vor.u32 v13, v14  }
0x51: {  	v14 =	vperm.xlane v13, v2;
	_ =	sdelay $0x1  }
0x52: {  	v13 =	vperm.xlane v13, v4;
	v14 =	vadd.s32 v3, v14;
	_ =	sdelay $0x1  }
0x53: {  	v13 =	vadd.s32 v3, v13;
	_ =	sdelay $0x2  }
0x54: {  	[tilespmem:s16], [sflag:$0x1] =	stream.indirect_vreg.gather [hbm4b:s3+s0], $0x80, v14, vm0, $0xb8;
	[tilespmem:$0x1ED80] =	vst v63  }
0x55: {  	_ = 	snop  }
0x56: {  	[tilespmem:s17], [sflag:$0x1] =	stream.indirect_vreg.gather [hbm4b:s3+s0], $0x80, v13, vm0, $0xb8;
	[tilespmem:$0x1ED80] =	vst v63  }
0x57: {  	v13 =	vld [tilespmem:s2+$0x40];
	_ =	sdelay $0x4  }
0x58: {  	v14 =	vand.u32 $0x7FFFF, v13  }
0x59: {  	v13 =	vshra.s32 v13, $0x13;
	[tilespmem:$0x2B00] =	vst v14  }
0x5a: {  	[tilespmem:$0x2C00] =	vst v13  }
0x5b: {  	v13 =	vld [tilespmem:s2+$0x50];
	_ =	sdelay $0x4  }
0x5c: {  	v14 =	vand.u32 $0x7FFFF, v13  }
0x5d: {  	v13 =	vshra.s32 v13, $0x13;
	[tilespmem:$0x2B10] =	vst v14  }
0x5e: {  	[tilespmem:$0x2C10] =	vst v13  }
0x5f: {  	v13 =	vld [tilespmem:s2+$0x60]  }
0x60: {  	v14 =	vld [tilespmem:$0x2B00];
	_ =	sdelay $0x3  }
0x61: {  	v15 =	vand.u32 $0x7FFFF, v13  }
0x62: {  	v13 =	vshra.s32 v13, $0x13;
	[tilespmem:$0x2B20] =	vst v15;
	v15 =	vshll.u32 v14, $0x1  }
0x63: {  	[tilespmem:$0x2C20] =	vst v13;
	v13 =	vand.u32 $0x7, v14;
	v14 =	vand.u32 $0xFFFFFFF0, v15  }
0x64: {  	v15 =	vld [tilespmem:s2+$0x70];
	v13 =	vor.u32 v13, v14  }
0x65: {  	v14 =	vperm.xlane v13, v2;
	_ =	sdelay $0x1  }
0x66: {  	v13 =	vperm.xlane v13, v4;
	v14 =	vadd.s32 v3, v14;
	_ =	sdelay $0x1  }
0x67: {  	v13 =	vadd.s32 v3, v13;
	v16 =	vand.u32 $0x7FFFF, v15  }
0x68: {  	v15 =	vshra.s32 v15, $0x13;
	[tilespmem:$0x2B30] =	vst v16  }
0x69: {  	[tilespmem:$0x2C30] =	vst v15  }
0x6a: {  	[tilespmem:s18], [sflag:$0x2] =	stream.indirect_vreg.gather [hbm4b:s3+s0], $0x80, v14, vm0, $0xb8;
	[tilespmem:$0x1ED80] =	vst v63  }
0x6b: {  	_ = 	snop  }
0x6c: {  	[tilespmem:s19], [sflag:$0x2] =	stream.indirect_vreg.gather [hbm4b:s3+s0], $0x80, v13, vm0, $0xb8;
	[tilespmem:$0x1ED80] =	vst v63  }
0x6d: {  	v13 =	vld [tilespmem:$0x2B10];
	_ =	sdelay $0x4  }
0x6e: {  	v14 =	vshll.u32 v13, $0x1  }
0x6f: {  	v13 =	vand.u32 $0x7, v13;
	v14 =	vand.u32 $0xFFFFFFF0, v14  }
0x70: {  	v13 =	vor.u32 v13, v14  }
0x71: {  	v14 =	vperm.xlane v13, v2;
	_ =	sdelay $0x1  }
0x72: {  	v13 =	vperm.xlane v13, v4;
	v14 =	vadd.s32 v3, v14;
	_ =	sdelay $0x1  }
0x73: {  	v13 =	vadd.s32 v3, v13;
	_ =	sdelay $0x2  }
0x74: {  	[tilespmem:s20], [sflag:$0x2] =	stream.indirect_vreg.gather [hbm4b:s3+s0], $0x80, v14, vm0, $0xb8;
	[tilespmem:$0x1ED80] =	vst v63  }
0x75: {  	_ = 	snop  }
0x76: {  	[tilespmem:s21], [sflag:$0x2] =	stream.indirect_vreg.gather [hbm4b:s3+s0], $0x80, v13, vm0, $0xb8;
	[tilespmem:$0x1ED80] =	vst v63  }
0x77: {  	v13 =	vld [tilespmem:$0x2B20];
	_ =	sdelay $0x4  }
0x78: {  	v14 =	vshll.u32 v13, $0x1  }
0x79: {  	v13 =	vand.u32 $0x7, v13;
	v14 =	vand.u32 $0xFFFFFFF0, v14  }
0x7a: {  	v13 =	vor.u32 v13, v14  }
0x7b: {  	v14 =	vperm.xlane v13, v2;
	_ =	sdelay $0x1  }
0x7c: {  	v13 =	vperm.xlane v13, v4;
	v14 =	vadd.s32 v3, v14;
	_ =	sdelay $0x1  }
0x7d: {  	v13 =	vadd.s32 v3, v13;
	_ =	sdelay $0x2  }
0x7e: {  	[tilespmem:s22], [sflag:$0x2] =	stream.indirect_vreg.gather [hbm4b:s3+s0], $0x80, v14, vm0, $0xb8;
	[tilespmem:$0x1ED80] =	vst v63  }
0x7f: {  	_ = 	snop  }
0x80: {  	[tilespmem:s23], [sflag:$0x2] =	stream.indirect_vreg.gather [hbm4b:s3+s0], $0x80, v13, vm0, $0xb8;
	[tilespmem:$0x1ED80] =	vst v63  }
0x81: {  	v13 =	vld [tilespmem:$0x2B30];
	_ =	sdelay $0x4  }
0x82: {  	v14 =	vshll.u32 v13, $0x1  }
0x83: {  	v13 =	vand.u32 $0x7, v13;
	v14 =	vand.u32 $0xFFFFFFF0, v14  }
0x84: {  	v13 =	vor.u32 v13, v14  }
0x85: {  	v14 =	vperm.xlane v13, v2;
	_ =	sdelay $0x1  }
0x86: {  	v13 =	vperm.xlane v13, v4;
	v14 =	vadd.s32 v3, v14;
	_ =	sdelay $0x1  }
0x87: {  	v13 =	vadd.s32 v3, v13  }
0x88: {  	v15 =	vmov s0  }
0x89: {  	v15 =	vand.u32 $0xFFFFFFFE, v15  }
0x8a: {  	[tilespmem:s24], [sflag:$0x2] =	stream.indirect_vreg.gather [hbm4b:s3+s0], $0x80, v14, vm0, $0xb8;
	v14 =	vbroadcast v15, $0x0;
	[tilespmem:$0x1ED80] =	vst v63  }
0x8b: {  	_ = 	snop  }
0x8c: {  	[tilespmem:s25], [sflag:$0x2] =	stream.indirect_vreg.gather [hbm4b:s3+s0], $0x80, v13, vm0, $0xb8;
	[tilespmem:$0x1ED80] =	vst v63  }
0x8d: {  	_ =	swait.ge [sflag:s26], $0x4000  }
0x8e: {  	[sflag:s26] =	ssyncset.done $0x0  }
0x8f: {  	[sflag:s26] =	ssyncadd.s32 $0xFFFFC000  }
0x90: {  	v13 =	vld.idx.msk [tilespmem:v14+s28+$0x0], $0xffff;
	_ =	sdelay $0x2  }
0x91: {  	s8 =	sand.u32 $0x3800, s0  }
0x92: {  	s10 =	sand.u32 $0x300, s0;
	s1 =	sadd.s32 $0x2C80, s8  }
0x93: {  	s2 =	sor.u32 s10, s1;
	v13 =	vshll.u32 v13, $0x8  }
0x94: {  	v14 =	vld [tilespmem:s2+$0x0];
	v15 =	vor.u32 v0, v13;
	_ =	sdelay $0x4  }
0x95: {  	[tilespmem:v15+s29+$0x0] =	vst.idx.add.f32.msk $0xffff, v14  }
0x96: {  	v15 =	vor.u32 v5, v13;
	v14 =	vld [tilespmem:s2+$0x10];
	_ =	sdelay $0x4  }
0x97: {  	[tilespmem:v15+s29+$0x0] =	vst.idx.add.f32.msk $0xffff, v14  }
0x98: {  	v15 =	vor.u32 v6, v13;
	v14 =	vld [tilespmem:s2+$0x20];
	_ =	sdelay $0x4  }
0x99: {  	[tilespmem:v15+s29+$0x0] =	vst.idx.add.f32.msk $0xffff, v14  }
0x9a: {  	v15 =	vor.u32 v7, v13;
	v14 =	vld [tilespmem:s2+$0x30];
	_ =	sdelay $0x4  }
0x9b: {  	[tilespmem:v15+s29+$0x0] =	vst.idx.add.f32.msk $0xffff, v14  }
0x9c: {  	v15 =	vor.u32 v8, v13;
	v14 =	vld [tilespmem:s2+$0x40];
	_ =	sdelay $0x4  }
0x9d: {  	[tilespmem:v15+s29+$0x0] =	vst.idx.add.f32.msk $0xffff, v14  }
0x9e: {  	v15 =	vor.u32 v9, v13;
	v14 =	vld [tilespmem:s2+$0x50];
	_ =	sdelay $0x4  }
0x9f: {  	[tilespmem:v15+s29+$0x0] =	vst.idx.add.f32.msk $0xffff, v14  }
0xa0: {  	v15 =	vor.u32 v10, v13;
	v14 =	vld [tilespmem:s2+$0x60];
	_ =	sdelay $0x4  }
0xa1: {  	[tilespmem:v15+s29+$0x0] =	vst.idx.add.f32.msk $0xffff, v14  }
0xa2: {  	v15 =	vor.u32 v11, v13;
	v14 =	vld [tilespmem:s2+$0x70];
	_ =	sdelay $0x4  }
0xa3: {  	[tilespmem:v15+s29+$0x0] =	vst.idx.add.f32.msk $0xffff, v14  }
0xa4: {  	s4 =	simm.s32 $0x1;
	v13 =	vor.u32 v12, v13;
	v14 =	vld [tilespmem:s2+$0x400]  }
0xa5: {  	v15 =	vmov s4;
	_ =	sdelay $0x3  }
0xa6: {  	[tilespmem:v13+s29+$0x0] =	vst.idx.add.f32.msk $0xffff, v14  }
0xa7: {  	v13 =	vld.idx.msk [tilespmem:v15+s28+$0x0], $0xffff;
	_ =	sdelay $0x2  }
0xa8: {  	s31 =	simm.s32 $0x80  }
0xa9: {  	s2 =	sand.u32 $0x380, s31  }
0xaa: {  	s2 =	sadd.s32 s2, s1;
	v15 =	vshll.u32 v13, $0x8  }
0xab: {  	v13 =	vld [tilespmem:s2+$0x0];
	v14 =	vor.u32 v0, v15;
	_ =	sdelay $0x4  }
0xac: {  	[tilespmem:v14+s29+$0x0] =	vst.idx.add.f32.msk $0xffff, v13  }
0xad: {  	v14 =	vor.u32 v5, v15;
	v13 =	vld [tilespmem:s2+$0x10];
	_ =	sdelay $0x4  }
0xae: {  	[tilespmem:v14+s29+$0x0] =	vst.idx.add.f32.msk $0xffff, v13  }
0xaf: {  	v14 =	vor.u32 v6, v15;
	v13 =	vld [tilespmem:s2+$0x20];
	_ =	sdelay $0x4  }
0xb0: {  	[tilespmem:v14+s29+$0x0] =	vst.idx.add.f32.msk $0xffff, v13  }
0xb1: {  	v14 =	vor.u32 v7, v15;
	v13 =	vld [tilespmem:s2+$0x30];
	_ =	sdelay $0x4  }
0xb2: {  	[tilespmem:v14+s29+$0x0] =	vst.idx.add.f32.msk $0xffff, v13  }
0xb3: {  	v14 =	vor.u32 v8, v15;
	v13 =	vld [tilespmem:s2+$0x40];
	_ =	sdelay $0x4  }
0xb4: {  	[tilespmem:v14+s29+$0x0] =	vst.idx.add.f32.msk $0xffff, v13  }
0xb5: {  	v14 =	vor.u32 v9, v15;
	v13 =	vld [tilespmem:s2+$0x50];
	_ =	sdelay $0x4  }
0xb6: {  	[tilespmem:v14+s29+$0x0] =	vst.idx.add.f32.msk $0xffff, v13  }
0xb7: {  	v14 =	vor.u32 v10, v15;
	v13 =	vld [tilespmem:s2+$0x60];
	_ =	sdelay $0x4  }
0xb8: {  	[tilespmem:v14+s29+$0x0] =	vst.idx.add.f32.msk $0xffff, v13  }
0xb9: {  	v14 =	vor.u32 v11, v15;
	v13 =	vld [tilespmem:s2+$0x70];
	_ =	sdelay $0x2  }
0xba: {  	s8 =	simm.s32 $0x2  }
0xbb: {  	v16 =	vmov s8  }
0xbc: {  	v16 =	vand.u32 $0xFFFFFFFE, v16;
	[tilespmem:v14+s29+$0x0] =	vst.idx.add.f32.msk $0xffff, v13  }
0xbd: {  	s4 =	simm.s32 $0x0;
	s1 =	simm.s32 $0x4;
	v15 =	vor.u32 v12, v15;
	v13 =	vbroadcast v16, $0x0;
	v14 =	vld [tilespmem:s2+$0x400];
	s2 =	simm.s32 $0x0  }
.LBB2_5:
0xbe: {  	_ =	sdelay $0x2  }
0xbf: {  	s2 =	sadd.s32 $0x100, s2  }
0xc0: {  	s4 =	sadd.s32 $0x200, s4;
	s31 =	smov.u32 s1;
	s5 =	sadd.s32 $0x2, s1;
	[tilespmem:v15+s29+$0x0] =	vst.idx.add.f32.msk $0xffff, v14  }
0xc1: {  	p0 =	sne.s32 s1, $0x3E;
	v13 =	vld.idx.msk [tilespmem:v13+s28+$0x0], $0xffff;
	_ =	sdelay $0x3  }
0xc2: {  	s1 =	sand.u32 $0x3800, s4  }
0xc3: {  	s10 =	sand.u32 $0x300, s2;
	s6 =	sadd.s32 $0x2C80, s1  }
0xc4: {  	s1 =	sor.u32 s10, s6;
	v13 =	vshll.u32 v13, $0x8  }
0xc5: {  	v15 =	vor.u32 v0, v13;
	v14 =	vld [tilespmem:s1+$0x0];
	_ =	sdelay $0x4  }
0xc6: {  	[tilespmem:v15+s29+$0x0] =	vst.idx.add.f32.msk $0xffff, v14  }
0xc7: {  	v15 =	vor.u32 v5, v13;
	v14 =	vld [tilespmem:s1+$0x10];
	_ =	sdelay $0x4  }
0xc8: {  	[tilespmem:v15+s29+$0x0] =	vst.idx.add.f32.msk $0xffff, v14  }
0xc9: {  	v15 =	vor.u32 v6, v13;
	v14 =	vld [tilespmem:s1+$0x20];
	_ =	sdelay $0x4  }
0xca: {  	[tilespmem:v15+s29+$0x0] =	vst.idx.add.f32.msk $0xffff, v14  }
0xcb: {  	v15 =	vor.u32 v7, v13;
	v14 =	vld [tilespmem:s1+$0x30];
	_ =	sdelay $0x4  }
0xcc: {  	[tilespmem:v15+s29+$0x0] =	vst.idx.add.f32.msk $0xffff, v14  }
0xcd: {  	v15 =	vor.u32 v8, v13;
	v14 =	vld [tilespmem:s1+$0x40];
	_ =	sdelay $0x4  }
0xce: {  	[tilespmem:v15+s29+$0x0] =	vst.idx.add.f32.msk $0xffff, v14  }
0xcf: {  	v15 =	vor.u32 v9, v13;
	v14 =	vld [tilespmem:s1+$0x50];
	_ =	sdelay $0x4  }
0xd0: {  	[tilespmem:v15+s29+$0x0] =	vst.idx.add.f32.msk $0xffff, v14  }
0xd1: {  	v15 =	vor.u32 v10, v13;
	v14 =	vld [tilespmem:s1+$0x60];
	_ =	sdelay $0x4  }
0xd2: {  	[tilespmem:v15+s29+$0x0] =	vst.idx.add.f32.msk $0xffff, v14  }
0xd3: {  	v15 =	vor.u32 v11, v13;
	v14 =	vld [tilespmem:s1+$0x70];
	_ =	sdelay $0x4  }
0xd4: {  	[tilespmem:v15+s29+$0x0] =	vst.idx.add.f32.msk $0xffff, v14  }
0xd5: {  	s10 =	sadd.s32 $0x1, s8;
	s8 =	smov.u32 s31;
	v13 =	vor.u32 v12, v13;
	v14 =	vld [tilespmem:s1+$0x400]  }
0xd6: {  	v15 =	vmov s10;
	_ =	sdelay $0x3  }
0xd7: {  	[tilespmem:v13+s29+$0x0] =	vst.idx.add.f32.msk $0xffff, v14  }
0xd8: {  	v13 =	vld.idx.msk [tilespmem:v15+s28+$0x0], $0xffff;
	_ =	sdelay $0x3  }
0xd9: {  	s1 =	sadd.s32 $0x80, s2  }
0xda: {  	s1 =	sand.u32 $0x380, s1  }
0xdb: {  	s6 =	sadd.s32 s1, s6;
	v15 =	vshll.u32 v13, $0x8  }
0xdc: {  	v14 =	vor.u32 v0, v15;
	v13 =	vld [tilespmem:s6+$0x0];
	_ =	sdelay $0x4  }
0xdd: {  	[tilespmem:v14+s29+$0x0] =	vst.idx.add.f32.msk $0xffff, v13  }
0xde: {  	v14 =	vor.u32 v5, v15;
	v13 =	vld [tilespmem:s6+$0x10];
	_ =	sdelay $0x4  }
0xdf: {  	[tilespmem:v14+s29+$0x0] =	vst.idx.add.f32.msk $0xffff, v13  }
0xe0: {  	v14 =	vor.u32 v6, v15;
	v13 =	vld [tilespmem:s6+$0x20];
	_ =	sdelay $0x4  }
0xe1: {  	[tilespmem:v14+s29+$0x0] =	vst.idx.add.f32.msk $0xffff, v13  }
0xe2: {  	v14 =	vor.u32 v7, v15;
	v13 =	vld [tilespmem:s6+$0x30];
	_ =	sdelay $0x4  }
0xe3: {  	[tilespmem:v14+s29+$0x0] =	vst.idx.add.f32.msk $0xffff, v13  }
0xe4: {  	v14 =	vor.u32 v8, v15;
	v13 =	vld [tilespmem:s6+$0x40];
	_ =	sdelay $0x4  }
0xe5: {  	[tilespmem:v14+s29+$0x0] =	vst.idx.add.f32.msk $0xffff, v13  }
0xe6: {  	v14 =	vor.u32 v9, v15;
	v13 =	vld [tilespmem:s6+$0x50];
	_ =	sdelay $0x4  }
0xe7: {  	[tilespmem:v14+s29+$0x0] =	vst.idx.add.f32.msk $0xffff, v13  }
0xe8: {  	v14 =	vor.u32 v10, v15;
	v13 =	vld [tilespmem:s6+$0x60];
	_ =	sdelay $0x4  }
0xe9: {  	[tilespmem:v14+s29+$0x0] =	vst.idx.add.f32.msk $0xffff, v13  }
0xea: {  	v14 =	vor.u32 v11, v15;
	v13 =	vld [tilespmem:s6+$0x70];
	_ =	sdelay $0x1  }
.Ltmp1:
0xeb: {  	(pc) =	sbr.rel @p0 .LBB2_5-.Ltmp1, $4  }
0xec: {  	_ = 	snop  }
0xed: {  	v16 =	vmov s8  }
0xee: {  	v16 =	vand.u32 $0xFFFFFFFE, v16;
	[tilespmem:v14+s29+$0x0] =	vst.idx.add.f32.msk $0xffff, v13  }
0xef: {  	s1 =	smov.u32 s5;
	v15 =	vor.u32 v12, v15;
	v13 =	vbroadcast v16, $0x0;
	v14 =	vld [tilespmem:s6+$0x400]  }
0xf0: {  	_ =	sdelay $0x3  }
0xf1: {  	[tilespmem:v15+s29+$0x0] =	vst.idx.add.f32.msk $0xffff, v14  }
0xf2: {  	v13 =	vld.idx.msk [tilespmem:v13+s28+$0x0], $0xffff;
	_ =	sdelay $0x1  }
0xf3: {  	s1 =	sadd.s32 $0x200, s4  }
0xf4: {  	s2 =	sadd.s32 $0x100, s2;
	s1 =	sand.u32 $0x3800, s1  }
0xf5: {  	s31 =	sand.u32 $0x300, s2;
	s1 =	sadd.s32 $0x2C80, s1  }
0xf6: {  	s4 =	sor.u32 s31, s1;
	v13 =	vshll.u32 v13, $0x8  }
0xf7: {  	v14 =	vld [tilespmem:s4+$0x0];
	v15 =	vor.u32 v0, v13;
	_ =	sdelay $0x4  }
0xf8: {  	[tilespmem:v15+s29+$0x0] =	vst.idx.add.f32.msk $0xffff, v14  }
0xf9: {  	v15 =	vor.u32 v5, v13;
	v14 =	vld [tilespmem:s4+$0x10];
	_ =	sdelay $0x4  }
0xfa: {  	[tilespmem:v15+s29+$0x0] =	vst.idx.add.f32.msk $0xffff, v14  }
0xfb: {  	v15 =	vor.u32 v6, v13;
	v14 =	vld [tilespmem:s4+$0x20];
	_ =	sdelay $0x4  }
0xfc: {  	[tilespmem:v15+s29+$0x0] =	vst.idx.add.f32.msk $0xffff, v14  }
0xfd: {  	v15 =	vor.u32 v7, v13;
	v14 =	vld [tilespmem:s4+$0x30];
	_ =	sdelay $0x4  }
0xfe: {  	[tilespmem:v15+s29+$0x0] =	vst.idx.add.f32.msk $0xffff, v14  }
0xff: {  	v15 =	vor.u32 v8, v13;
	v14 =	vld [tilespmem:s4+$0x40];
	_ =	sdelay $0x4  }
0x100: {  	[tilespmem:v15+s29+$0x0] =	vst.idx.add.f32.msk $0xffff, v14  }
0x101: {  	v15 =	vor.u32 v9, v13;
	v14 =	vld [tilespmem:s4+$0x50];
	_ =	sdelay $0x4  }
0x102: {  	[tilespmem:v15+s29+$0x0] =	vst.idx.add.f32.msk $0xffff, v14  }
0x103: {  	v15 =	vor.u32 v10, v13;
	v14 =	vld [tilespmem:s4+$0x60];
	_ =	sdelay $0x4  }
0x104: {  	[tilespmem:v15+s29+$0x0] =	vst.idx.add.f32.msk $0xffff, v14  }
0x105: {  	v15 =	vor.u32 v11, v13;
	v14 =	vld [tilespmem:s4+$0x70];
	_ =	sdelay $0x4  }
0x106: {  	[tilespmem:v15+s29+$0x0] =	vst.idx.add.f32.msk $0xffff, v14  }
0x107: {  	s5 =	sadd.s32 $0x1, s8;
	v13 =	vor.u32 v12, v13;
	v14 =	vld [tilespmem:s4+$0x400]  }
0x108: {  	v15 =	vmov s5;
	_ =	sdelay $0x3  }
0x109: {  	[tilespmem:v13+s29+$0x0] =	vst.idx.add.f32.msk $0xffff, v14  }
0x10a: {  	v13 =	vld.idx.msk [tilespmem:v15+s28+$0x0], $0xffff;
	_ =	sdelay $0x2  }
0x10b: {  	s2 =	sadd.s32 $0x80, s2  }
0x10c: {  	s2 =	sand.u32 $0x380, s2  }
0x10d: {  	s1 =	sadd.s32 s2, s1;
	v13 =	vshll.u32 v13, $0x8  }
0x10e: {  	v14 =	vld [tilespmem:s1+$0x0];
	v15 =	vor.u32 v0, v13;
	_ =	sdelay $0x4  }
0x10f: {  	[tilespmem:v15+s29+$0x0] =	vst.idx.add.f32.msk $0xffff, v14  }
0x110: {  	v15 =	vor.u32 v5, v13;
	v14 =	vld [tilespmem:s1+$0x10];
	_ =	sdelay $0x4  }
0x111: {  	[tilespmem:v15+s29+$0x0] =	vst.idx.add.f32.msk $0xffff, v14  }
0x112: {  	v15 =	vor.u32 v6, v13;
	v14 =	vld [tilespmem:s1+$0x20];
	_ =	sdelay $0x4  }
0x113: {  	[tilespmem:v15+s29+$0x0] =	vst.idx.add.f32.msk $0xffff, v14  }
0x114: {  	v15 =	vor.u32 v7, v13;
	v14 =	vld [tilespmem:s1+$0x30];
	_ =	sdelay $0x4  }
0x115: {  	[tilespmem:v15+s29+$0x0] =	vst.idx.add.f32.msk $0xffff, v14  }
0x116: {  	v15 =	vor.u32 v8, v13;
	v14 =	vld [tilespmem:s1+$0x40];
	_ =	sdelay $0x4  }
0x117: {  	[tilespmem:v15+s29+$0x0] =	vst.idx.add.f32.msk $0xffff, v14  }
0x118: {  	v15 =	vor.u32 v9, v13;
	v14 =	vld [tilespmem:s1+$0x50];
	_ =	sdelay $0x4  }
0x119: {  	[tilespmem:v15+s29+$0x0] =	vst.idx.add.f32.msk $0xffff, v14  }
0x11a: {  	v15 =	vor.u32 v10, v13;
	v14 =	vld [tilespmem:s1+$0x60];
	_ =	sdelay $0x4  }
0x11b: {  	[tilespmem:v15+s29+$0x0] =	vst.idx.add.f32.msk $0xffff, v14  }
0x11c: {  	v15 =	vor.u32 v11, v13;
	v14 =	vld [tilespmem:s1+$0x70];
	_ =	sdelay $0x4  }
0x11d: {  	[tilespmem:v15+s29+$0x0] =	vst.idx.add.f32.msk $0xffff, v14  }
0x11e: {  	s8 =	simm.s32 $0x0;
	v13 =	vor.u32 v12, v13;
	v14 =	vld [tilespmem:s1+$0x400]  }
0x11f: {  	v15 =	vmov s8  }
0x120: {  	v15 =	vand.u32 $0xFFFFFFFE, v15  }
0x121: {  	v15 =	vbroadcast v15, $0x0;
	_ =	sdelay $0x1  }
0x122: {  	[tilespmem:v13+s29+$0x0] =	vst.idx.add.f32.msk $0xffff, v14  }
0x123: {  	_ =	swait.ge [sflag:s9], $0x4000  }
0x124: {  	[sflag:s9] =	ssyncset.done $0x0  }
0x125: {  	[sflag:s9] =	ssyncadd.s32 $0xFFFFC000  }
0x126: {  	v13 =	vld.idx.msk [tilespmem:v15+s30+$0x0], $0xffff;
	_ =	sdelay $0x2  }
0x127: {  	s4 =	sand.u32 $0x3800, s8  }
0x128: {  	s5 =	sand.u32 $0x300, s8;
	s1 =	sadd.s32 $0x6C80, s4  }
0x129: {  	s2 =	sor.u32 s5, s1;
	v13 =	vshll.u32 v13, $0x8  }
0x12a: {  	v14 =	vld [tilespmem:s2+$0x0];
	v15 =	vor.u32 v0, v13;
	_ =	sdelay $0x4  }
0x12b: {  	[tilespmem:v15+s29+$0x0] =	vst.idx.add.f32.msk $0xffff, v14  }
0x12c: {  	v15 =	vor.u32 v5, v13;
	v14 =	vld [tilespmem:s2+$0x10];
	_ =	sdelay $0x4  }
0x12d: {  	[tilespmem:v15+s29+$0x0] =	vst.idx.add.f32.msk $0xffff, v14  }
0x12e: {  	v15 =	vor.u32 v6, v13;
	v14 =	vld [tilespmem:s2+$0x20];
	_ =	sdelay $0x4  }
0x12f: {  	[tilespmem:v15+s29+$0x0] =	vst.idx.add.f32.msk $0xffff, v14  }
0x130: {  	v15 =	vor.u32 v7, v13;
	v14 =	vld [tilespmem:s2+$0x30];
	_ =	sdelay $0x4  }
0x131: {  	[tilespmem:v15+s29+$0x0] =	vst.idx.add.f32.msk $0xffff, v14  }
0x132: {  	v15 =	vor.u32 v8, v13;
	v14 =	vld [tilespmem:s2+$0x40];
	_ =	sdelay $0x4  }
0x133: {  	[tilespmem:v15+s29+$0x0] =	vst.idx.add.f32.msk $0xffff, v14  }
0x134: {  	v15 =	vor.u32 v9, v13;
	v14 =	vld [tilespmem:s2+$0x50];
	_ =	sdelay $0x4  }
0x135: {  	[tilespmem:v15+s29+$0x0] =	vst.idx.add.f32.msk $0xffff, v14  }
0x136: {  	v15 =	vor.u32 v10, v13;
	v14 =	vld [tilespmem:s2+$0x60];
	_ =	sdelay $0x4  }
0x137: {  	[tilespmem:v15+s29+$0x0] =	vst.idx.add.f32.msk $0xffff, v14  }
0x138: {  	v15 =	vor.u32 v11, v13;
	v14 =	vld [tilespmem:s2+$0x70];
	_ =	sdelay $0x4  }
0x139: {  	[tilespmem:v15+s29+$0x0] =	vst.idx.add.f32.msk $0xffff, v14  }
0x13a: {  	s6 =	simm.s32 $0x1;
	v13 =	vor.u32 v12, v13;
	v14 =	vld [tilespmem:s2+$0x400]  }
0x13b: {  	v15 =	vmov s6;
	_ =	sdelay $0x3  }
0x13c: {  	[tilespmem:v13+s29+$0x0] =	vst.idx.add.f32.msk $0xffff, v14  }
0x13d: {  	v13 =	vld.idx.msk [tilespmem:v15+s30+$0x0], $0xffff;
	_ =	sdelay $0x2  }
0x13e: {  	s10 =	simm.s32 $0x80  }
0x13f: {  	s2 =	sand.u32 $0x380, s10  }
0x140: {  	s31 =	sadd.s32 s2, s1;
	v15 =	vshll.u32 v13, $0x8  }
0x141: {  	v13 =	vld [tilespmem:s31+$0x0];
	v14 =	vor.u32 v0, v15;
	_ =	sdelay $0x4  }
0x142: {  	[tilespmem:v14+s29+$0x0] =	vst.idx.add.f32.msk $0xffff, v13  }
0x143: {  	v14 =	vor.u32 v5, v15;
	v13 =	vld [tilespmem:s31+$0x10];
	_ =	sdelay $0x4  }
0x144: {  	[tilespmem:v14+s29+$0x0] =	vst.idx.add.f32.msk $0xffff, v13  }
0x145: {  	v14 =	vor.u32 v6, v15;
	v13 =	vld [tilespmem:s31+$0x20];
	_ =	sdelay $0x4  }
0x146: {  	[tilespmem:v14+s29+$0x0] =	vst.idx.add.f32.msk $0xffff, v13  }
0x147: {  	v14 =	vor.u32 v7, v15;
	v13 =	vld [tilespmem:s31+$0x30];
	_ =	sdelay $0x4  }
0x148: {  	[tilespmem:v14+s29+$0x0] =	vst.idx.add.f32.msk $0xffff, v13  }
0x149: {  	v14 =	vor.u32 v8, v15;
	v13 =	vld [tilespmem:s31+$0x40];
	_ =	sdelay $0x4  }
0x14a: {  	[tilespmem:v14+s29+$0x0] =	vst.idx.add.f32.msk $0xffff, v13  }
0x14b: {  	v14 =	vor.u32 v9, v15;
	v13 =	vld [tilespmem:s31+$0x50];
	_ =	sdelay $0x4  }
0x14c: {  	[tilespmem:v14+s29+$0x0] =	vst.idx.add.f32.msk $0xffff, v13  }
0x14d: {  	v14 =	vor.u32 v10, v15;
	v13 =	vld [tilespmem:s31+$0x60];
	_ =	sdelay $0x4  }
0x14e: {  	[tilespmem:v14+s29+$0x0] =	vst.idx.add.f32.msk $0xffff, v13  }
0x14f: {  	v14 =	vor.u32 v11, v15;
	v13 =	vld [tilespmem:s31+$0x70];
	_ =	sdelay $0x2  }
0x150: {  	s2 =	simm.s32 $0x2  }
0x151: {  	v16 =	vmov s2  }
0x152: {  	v16 =	vand.u32 $0xFFFFFFFE, v16;
	[tilespmem:v14+s29+$0x0] =	vst.idx.add.f32.msk $0xffff, v13  }
0x153: {  	s4 =	simm.s32 $0x0;
	s1 =	simm.s32 $0x4;
	v15 =	vor.u32 v12, v15;
	v13 =	vbroadcast v16, $0x0;
	v14 =	vld [tilespmem:s31+$0x400]  }
.LBB2_7:
0x154: {  	_ =	sdelay $0x2  }
0x155: {  	s8 =	sadd.s32 $0x100, s8  }
0x156: {  	s4 =	sadd.s32 $0x200, s4;
	s31 =	smov.u32 s1;
	s5 =	sadd.s32 $0x2, s1;
	[tilespmem:v15+s29+$0x0] =	vst.idx.add.f32.msk $0xffff, v14  }
0x157: {  	p0 =	sne.s32 s1, $0x3E;
	v13 =	vld.idx.msk [tilespmem:v13+s30+$0x0], $0xffff;
	_ =	sdelay $0x3  }
0x158: {  	s1 =	sand.u32 $0x3800, s4  }
0x159: {  	s10 =	sand.u32 $0x300, s8;
	s6 =	sadd.s32 $0x6C80, s1  }
0x15a: {  	s1 =	sor.u32 s10, s6;
	v13 =	vshll.u32 v13, $0x8  }
0x15b: {  	v15 =	vor.u32 v0, v13;
	v14 =	vld [tilespmem:s1+$0x0];
	_ =	sdelay $0x4  }
0x15c: {  	[tilespmem:v15+s29+$0x0] =	vst.idx.add.f32.msk $0xffff, v14  }
0x15d: {  	v15 =	vor.u32 v5, v13;
	v14 =	vld [tilespmem:s1+$0x10];
	_ =	sdelay $0x4  }
0x15e: {  	[tilespmem:v15+s29+$0x0] =	vst.idx.add.f32.msk $0xffff, v14  }
0x15f: {  	v15 =	vor.u32 v6, v13;
	v14 =	vld [tilespmem:s1+$0x20];
	_ =	sdelay $0x4  }
0x160: {  	[tilespmem:v15+s29+$0x0] =	vst.idx.add.f32.msk $0xffff, v14  }
0x161: {  	v15 =	vor.u32 v7, v13;
	v14 =	vld [tilespmem:s1+$0x30];
	_ =	sdelay $0x4  }
0x162: {  	[tilespmem:v15+s29+$0x0] =	vst.idx.add.f32.msk $0xffff, v14  }
0x163: {  	v15 =	vor.u32 v8, v13;
	v14 =	vld [tilespmem:s1+$0x40];
	_ =	sdelay $0x4  }
0x164: {  	[tilespmem:v15+s29+$0x0] =	vst.idx.add.f32.msk $0xffff, v14  }
0x165: {  	v15 =	vor.u32 v9, v13;
	v14 =	vld [tilespmem:s1+$0x50];
	_ =	sdelay $0x4  }
0x166: {  	[tilespmem:v15+s29+$0x0] =	vst.idx.add.f32.msk $0xffff, v14  }
0x167: {  	v15 =	vor.u32 v10, v13;
	v14 =	vld [tilespmem:s1+$0x60];
	_ =	sdelay $0x4  }
0x168: {  	[tilespmem:v15+s29+$0x0] =	vst.idx.add.f32.msk $0xffff, v14  }
0x169: {  	v15 =	vor.u32 v11, v13;
	v14 =	vld [tilespmem:s1+$0x70];
	_ =	sdelay $0x4  }
0x16a: {  	[tilespmem:v15+s29+$0x0] =	vst.idx.add.f32.msk $0xffff, v14  }
0x16b: {  	s10 =	sadd.s32 $0x1, s2;
	s2 =	smov.u32 s31;
	v13 =	vor.u32 v12, v13;
	v14 =	vld [tilespmem:s1+$0x400]  }
0x16c: {  	v15 =	vmov s10;
	_ =	sdelay $0x3  }
0x16d: {  	[tilespmem:v13+s29+$0x0] =	vst.idx.add.f32.msk $0xffff, v14  }
0x16e: {  	v13 =	vld.idx.msk [tilespmem:v15+s30+$0x0], $0xffff;
	_ =	sdelay $0x3  }
0x16f: {  	s1 =	sadd.s32 $0x80, s8  }
0x170: {  	s1 =	sand.u32 $0x380, s1  }
0x171: {  	s6 =	sadd.s32 s1, s6;
	v15 =	vshll.u32 v13, $0x8  }
0x172: {  	v14 =	vor.u32 v0, v15;
	v13 =	vld [tilespmem:s6+$0x0];
	_ =	sdelay $0x4  }
0x173: {  	[tilespmem:v14+s29+$0x0] =	vst.idx.add.f32.msk $0xffff, v13  }
0x174: {  	v14 =	vor.u32 v5, v15;
	v13 =	vld [tilespmem:s6+$0x10];
	_ =	sdelay $0x4  }
0x175: {  	[tilespmem:v14+s29+$0x0] =	vst.idx.add.f32.msk $0xffff, v13  }
0x176: {  	v14 =	vor.u32 v6, v15;
	v13 =	vld [tilespmem:s6+$0x20];
	_ =	sdelay $0x4  }
0x177: {  	[tilespmem:v14+s29+$0x0] =	vst.idx.add.f32.msk $0xffff, v13  }
0x178: {  	v14 =	vor.u32 v7, v15;
	v13 =	vld [tilespmem:s6+$0x30];
	_ =	sdelay $0x4  }
0x179: {  	[tilespmem:v14+s29+$0x0] =	vst.idx.add.f32.msk $0xffff, v13  }
0x17a: {  	v14 =	vor.u32 v8, v15;
	v13 =	vld [tilespmem:s6+$0x40];
	_ =	sdelay $0x4  }
0x17b: {  	[tilespmem:v14+s29+$0x0] =	vst.idx.add.f32.msk $0xffff, v13  }
0x17c: {  	v14 =	vor.u32 v9, v15;
	v13 =	vld [tilespmem:s6+$0x50];
	_ =	sdelay $0x4  }
0x17d: {  	[tilespmem:v14+s29+$0x0] =	vst.idx.add.f32.msk $0xffff, v13  }
0x17e: {  	v14 =	vor.u32 v10, v15;
	v13 =	vld [tilespmem:s6+$0x60];
	_ =	sdelay $0x4  }
0x17f: {  	[tilespmem:v14+s29+$0x0] =	vst.idx.add.f32.msk $0xffff, v13  }
0x180: {  	v14 =	vor.u32 v11, v15;
	v13 =	vld [tilespmem:s6+$0x70];
	_ =	sdelay $0x1  }
.Ltmp2:
0x181: {  	(pc) =	sbr.rel @p0 .LBB2_7-.Ltmp2, $4  }
0x182: {  	_ = 	snop  }
0x183: {  	v16 =	vmov s2  }
0x184: {  	v16 =	vand.u32 $0xFFFFFFFE, v16;
	[tilespmem:v14+s29+$0x0] =	vst.idx.add.f32.msk $0xffff, v13  }
0x185: {  	s1 =	smov.u32 s5;
	v15 =	vor.u32 v12, v15;
	v13 =	vbroadcast v16, $0x0;
	v14 =	vld [tilespmem:s6+$0x400]  }
0x186: {  	_ =	sdelay $0x3  }
0x187: {  	[tilespmem:v15+s29+$0x0] =	vst.idx.add.f32.msk $0xffff, v14  }
0x188: {  	v13 =	vld.idx.msk [tilespmem:v13+s30+$0x0], $0xffff;
	_ =	sdelay $0x1  }
0x189: {  	s1 =	sadd.s32 $0x200, s4  }
0x18a: {  	s10 =	sadd.s32 $0x100, s8;
	s1 =	sand.u32 $0x3800, s1  }
0x18b: {  	s5 =	sand.u32 $0x300, s10;
	s1 =	sadd.s32 $0x6C80, s1  }
0x18c: {  	s5 =	sor.u32 s5, s1;
	v13 =	vshll.u32 v13, $0x8  }
0x18d: {  	v14 =	vld [tilespmem:s5+$0x0];
	v15 =	vor.u32 v0, v13;
	_ =	sdelay $0x4  }
0x18e: {  	[tilespmem:v15+s29+$0x0] =	vst.idx.add.f32.msk $0xffff, v14  }
0x18f: {  	v15 =	vor.u32 v5, v13;
	v14 =	vld [tilespmem:s5+$0x10];
	_ =	sdelay $0x4  }
0x190: {  	[tilespmem:v15+s29+$0x0] =	vst.idx.add.f32.msk $0xffff, v14  }
0x191: {  	v15 =	vor.u32 v6, v13;
	v14 =	vld [tilespmem:s5+$0x20];
	_ =	sdelay $0x4  }
0x192: {  	[tilespmem:v15+s29+$0x0] =	vst.idx.add.f32.msk $0xffff, v14  }
0x193: {  	v15 =	vor.u32 v7, v13;
	v14 =	vld [tilespmem:s5+$0x30];
	_ =	sdelay $0x4  }
0x194: {  	[tilespmem:v15+s29+$0x0] =	vst.idx.add.f32.msk $0xffff, v14  }
0x195: {  	v15 =	vor.u32 v8, v13;
	v14 =	vld [tilespmem:s5+$0x40];
	_ =	sdelay $0x4  }
0x196: {  	[tilespmem:v15+s29+$0x0] =	vst.idx.add.f32.msk $0xffff, v14  }
0x197: {  	v15 =	vor.u32 v9, v13;
	v14 =	vld [tilespmem:s5+$0x50];
	_ =	sdelay $0x4  }
0x198: {  	[tilespmem:v15+s29+$0x0] =	vst.idx.add.f32.msk $0xffff, v14  }
0x199: {  	v15 =	vor.u32 v10, v13;
	v14 =	vld [tilespmem:s5+$0x60];
	_ =	sdelay $0x4  }
0x19a: {  	[tilespmem:v15+s29+$0x0] =	vst.idx.add.f32.msk $0xffff, v14  }
0x19b: {  	v15 =	vor.u32 v11, v13;
	v14 =	vld [tilespmem:s5+$0x70];
	_ =	sdelay $0x4  }
0x19c: {  	[tilespmem:v15+s29+$0x0] =	vst.idx.add.f32.msk $0xffff, v14  }
0x19d: {  	s2 =	sadd.s32 $0x1, s2;
	v13 =	vor.u32 v12, v13;
	v14 =	vld [tilespmem:s5+$0x400]  }
0x19e: {  	v15 =	vmov s2;
	_ =	sdelay $0x3  }
0x19f: {  	[tilespmem:v13+s29+$0x0] =	vst.idx.add.f32.msk $0xffff, v14  }
0x1a0: {  	v13 =	vld.idx.msk [tilespmem:v15+s30+$0x0], $0xffff;
	_ =	sdelay $0x2  }
0x1a1: {  	s31 =	sadd.s32 $0x80, s10  }
0x1a2: {  	s2 =	sand.u32 $0x380, s31  }
0x1a3: {  	s1 =	sadd.s32 s2, s1;
	v13 =	vshll.u32 v13, $0x8  }
0x1a4: {  	v14 =	vld [tilespmem:s1+$0x0];
	v15 =	vor.u32 v0, v13;
	_ =	sdelay $0x4  }
0x1a5: {  	[tilespmem:v15+s29+$0x0] =	vst.idx.add.f32.msk $0xffff, v14  }
0x1a6: {  	v15 =	vor.u32 v5, v13;
	v14 =	vld [tilespmem:s1+$0x10];
	_ =	sdelay $0x4  }
0x1a7: {  	[tilespmem:v15+s29+$0x0] =	vst.idx.add.f32.msk $0xffff, v14  }
0x1a8: {  	v15 =	vor.u32 v6, v13;
	v14 =	vld [tilespmem:s1+$0x20];
	_ =	sdelay $0x4  }
0x1a9: {  	[tilespmem:v15+s29+$0x0] =	vst.idx.add.f32.msk $0xffff, v14  }
0x1aa: {  	v15 =	vor.u32 v7, v13;
	v14 =	vld [tilespmem:s1+$0x30];
	_ =	sdelay $0x4  }
0x1ab: {  	[tilespmem:v15+s29+$0x0] =	vst.idx.add.f32.msk $0xffff, v14  }
0x1ac: {  	v15 =	vor.u32 v8, v13;
	v14 =	vld [tilespmem:s1+$0x40];
	_ =	sdelay $0x4  }
0x1ad: {  	[tilespmem:v15+s29+$0x0] =	vst.idx.add.f32.msk $0xffff, v14  }
0x1ae: {  	v15 =	vor.u32 v9, v13;
	v14 =	vld [tilespmem:s1+$0x50];
	_ =	sdelay $0x4  }
0x1af: {  	[tilespmem:v15+s29+$0x0] =	vst.idx.add.f32.msk $0xffff, v14  }
0x1b0: {  	v15 =	vor.u32 v10, v13;
	v14 =	vld [tilespmem:s1+$0x60];
	_ =	sdelay $0x4  }
0x1b1: {  	[tilespmem:v15+s29+$0x0] =	vst.idx.add.f32.msk $0xffff, v14  }
0x1b2: {  	v15 =	vor.u32 v11, v13;
	v14 =	vld [tilespmem:s1+$0x70];
	_ =	sdelay $0x4  }
0x1b3: {  	s7 =	sadd.s32 $0x1, s7;
	[tilespmem:v15+s29+$0x0] =	vst.idx.add.f32.msk $0xffff, v14  }
0x1b4: {  	p0 =	sne.s32 s7, $0x55;
	v13 =	vor.u32 v12, v13;
	v14 =	vld [tilespmem:s1+$0x400]  }
.Ltmp3:
0x1b5: {  	_ = 	snop;
	(pc) =	sbr.rel @p0 .LBB2_4-.Ltmp3, $2  }
0x1b6: {  	_ =	sdelay $0x2  }
0x1b7: {  	[tilespmem:v13+s29+$0x0] =	vst.idx.add.f32.msk $0xffff, v14  }
0x1b8: {  	s6 =	simm.s32 $0x0;
	s0 =	rddreg [dreg:$0x3];
	s1 =	simm.s32 $0x3  }
0x1b9: {  	[hbm4b:s0+s6] =	stream.linear.scatter [tilespmem:s29], [sflag:$0x3], $0x14000, $0x38;
	[tilespmem:$0x1ED80] =	vst v63  }
0x1ba: {  	_ =	swait.ge [sflag:s1], $0x14000  }
0x1bb: {  	s2 =	rddreg [dreg:$0x5]  }
0x1bc: {  	s31 =	rddreg [dreg:$0x4];
	s2 =	sadd.s32 $0x1, s2  }
0x1bd: {  	p0 =	sne.s32 s2, s31  }
.Ltmp4:
0x1be: {  	_ = 	snop;
	(pc) =	sbr.rel @p0 .LBB2_1-.Ltmp4, $3  }
0x1bf: {  	_ =	sdelay $0x1  }
0x1c0: {  	[sflag:s1] =	ssyncset.done $0x0  }
0x1c1: {  	[sflag:s1] =	ssyncadd.s32 $0xFFFEC000  }
0x1c2: {  	_ =	sfence.sel $0x180000  }
0x1c3: {  	[bflag:$0x0] =	sbarrier.arrive $0xFFFF  }
0x1c4: {  	_ =	strace $0x9000004D  }
0x1c5: {  	s0 =	stileid.u32;
	[bflag:$0x2] =	sbarrier.arrive $0xFFFF  }
0x1c6: {  	p0 =	sne.s32 s0, $0x0;
	s0 =	rddreg [dreg:$0x1]  }
0x1c7: {  	s0 =	sadd.s32 @!p0 $0x100000, s0  }
0x1c8: {  	[sflag:s0] =	ssyncadd.tile.s32 @!p0 $0x1;
	_ =	shalt  }
.Lfunc_end2:
_tile_overlayer_lowered:
.L_overlay_start_2:
0x1c9: {  	(tag) =	ssettag $0x2  }
0x1ca: {  	s0 =	rddreg [dreg:$0x0];
	s2 =	stileid.u32  }
0x1cb: {  	s1 =	rddreg [dreg:$0x1];
	p0 =	sne.s32 s2, $0x0  }
0x1cc: {  	s3 =	rddreg [dreg:$0x2];
	[bflag:$0x3] =	sbarrier.arrive $0xFFFF;
	s2 =	simm.s32 @!p0 $0x1C03  }
0x1cd: {  	[timem:s3], [sflag:s2] =	dma.local @!p0 [hbm:s0], s1  }
0x1ce: {  	s0 =	simm.s32 @!p0 $0x3  }
0x1cf: {  	_ =	swait.ge @!p0 [sflag:s0], s1  }
0x1d0: {  	s1 =	ssub.s32 @!p0 $0x0, s1;
	[sflag:s0] =	ssyncset.done @!p0 $0x0  }
0x1d1: {  	[sflag:s0] =	ssyncadd.s32 @!p0 s1  }
0x1d2: {  	[bflag:$0x3] =	sbarrier.arrive $0xFFFF  }
0x1d3: {  	_ =	shalt  }

// kernel: kernel.8.cloned.1.call-start
scs
__scs_entry_jumppad:
0x0: {  	(pc) =	sbr.rel $0x88, $3  }
0x1: {  	(tag) =	ssettag $0x0;
	lr =	simm.s32 $0x1  }
0x2: {  	[smem:$0x3F95] =	sst lr;
	_ =	strace $0xD0000000  }
0x3: {  	_ = 	snop  }
0x4: {  	_ = 	snop  }
0x5: {  	_ = 	snop  }
0x6: {  	_ = 	snop  }
0x7: {  	_ = 	snop  }
__scs_overlays_trampoline_lowered:
0x8: {  	[smem:$0x3FA4] =	sst s0  }
0x9: {  	[smem:$0x3FA5] =	sst s1  }
0xa: {  	[smem:$0x3FA6] =	sst s2  }
0xb: {  	[smem:$0x3FA7] =	sst s3  }
0xc: {  	[smem:$0x3FA8] =	sst s4  }
0xd: {  	[smem:$0x3FA9] =	sst s5  }
0xe: {  	[smem:$0x3FAA] =	sst s6  }
0xf: {  	[smem:$0x3FAB] =	sst s7  }
0x10: {  	[smem:$0x3FAC] =	sst s8  }
0x11: {  	[smem:$0x3FAD] =	sst s9;
	s0 =	simm.s32 @!p0 $0x0  }
0x12: {  	s1 =	sld [smem:$0x3F93];
	s0 =	simm.s32 @p0 $0x1  }
0x13: {  	[smem:$0x3FAE] =	sst s0;
	s0 =	simm.s32 @!p1 $0x0  }
0x14: {  	s2 =	sld [smem:$0x3F92];
	s0 =	simm.s32 @p1 $0x1  }
0x15: {  	[smem:$0x3FAF] =	sst s0;
	s0 =	simm.s32 @!p2 $0x0  }
0x16: {  	s3 =	sld [smem:$0x3FDB];
	s0 =	simm.s32 @p2 $0x1  }
0x17: {  	s4 =	simm.s32 $0x1BF5;
	[smem:$0x3FB1] =	sst s0  }
0x18: {  	s0 =	sld [smem:$0x3F94];
	_ =	swait.ge [sflag:s4], $0x0  }
0x19: {  	s7 =	sld [smem:$0x3F95]  }
0x1a: {  	s8 =	sadd.s32 $0xFFFFE003, lr  }
0x1b: {  	s9 =	sadd.s32 $0xFFFFFEF7, lr;
	s5 =	simm.s32 $0xFFFFFFFF;
	p2 =	slt.u32 s8, $0xFFFFF086  }
0x1c: {  	p1 =	slt.u32 s9, $0xF7A;
	s5 =	simm.s32 @!p2 $0x0  }
0x1d: {  	s5 =	simm.s32 @p1 $0x1;
	p0 =	seq.s32 s7, s2  }
0x1e: {  	s7 =	smul.u32 @!p0 $0xF7A, s2;
	p2 =	seq.s32 @!p0 s5, $0x0  }
0x1f: {  	s9 =	smul.u32 $0xF7A, s1;
	s8 =	simm.s32 @!p0 $0x1BF5;
	p2 =	por !p2, p0  }
0x20: {  	[sflag:s8] =	ssyncset.s32 @!p0 $0xFFFFF086;
	s6 =	sadd.s32 @!p0 s3, s7;
	s7 =	simm.s32 @!p0 $0x108  }
0x21: {  	s3 =	sadd.s32 s3, s9;
	s6 =	sadd.s32 @!p0 $0x88, s6;
	s7 =	simm.s32 @p2 $0x1082  }
0x22: {  	[simem:s7], [sflag:s8] =	dma.local @!p0 [hbm:s6], $0xF7A  }
0x23: {  	s9 =	sor.u32 $0xD0000000, s2;
	s6 =	simm.s32 $0x108;
	_ =	swait.ge @!p0 [sflag:s8], $0x0  }
0x24: {  	s3 =	sadd.s32 $0x88, s3;
	s6 =	simm.s32 @!p1 $0x1082;
	[sflag:s4] =	ssyncset.s32 $0xFFFFF086  }
0x25: {  	[simem:s6], [sflag:s4] =	dma.local [hbm:s3], $0xF7A  }
0x26: {  	[smem:$0x3F95] =	sst s1;
	(tag) =	ssettag s2;
	_ =	strace s9  }
0x27: {  	s1 =	sld [smem:$0x3FA5]  }
0x28: {  	s2 =	sld [smem:$0x3FA6]  }
0x29: {  	s4 =	sld [smem:$0x3FA8]  }
0x2a: {  	p0 =	seq.s32 s5, $0x0;
	s5 =	sld [smem:$0x3FA9]  }
0x2b: {  	s6 =	sld [smem:$0x3FAA]  }
0x2c: {  	s7 =	sld [smem:$0x3FAB]  }
0x2d: {  	s3 =	simm.s32 $0x108;
	s8 =	sld [smem:$0x3FAC]  }
0x2e: {  	s3 =	simm.s32 @!p0 $0x1082;
	s9 =	sld [smem:$0x3FAD]  }
0x2f: {  	lr =	sadd.s32 s0, s3;
	s0 =	sld [smem:$0x3FA4]  }
0x30: {  	s3 =	sld [smem:$0x3FA7]  }
0x31: {  	[smem:$0x3FB0] =	sst s10  }
0x32: {  	s10 =	sld [smem:$0x3FAE];
	_ =	sdelay $0x3  }
0x33: {  	p0 =	seq.s32 s10, $0x1;
	s10 =	sld [smem:$0x3FB0];
	_ =	sdelay $0x3  }
0x34: {  	[smem:$0x3FB0] =	sst s10  }
0x35: {  	s10 =	sld [smem:$0x3FAF];
	_ =	sdelay $0x3  }
0x36: {  	p1 =	seq.s32 s10, $0x1;
	s10 =	sld [smem:$0x3FB0];
	_ =	sdelay $0x3  }
0x37: {  	[smem:$0x3FB0] =	sst s10  }
0x38: {  	s10 =	sld [smem:$0x3FB1]  }
0x39: {  	_ = 	snop;
	(pc) =	sbr.ind lr, $3  }
0x3a: {  	_ = 	snop  }
0x3b: {  	_ = 	snop  }
0x3c: {  	p2 =	seq.s32 s10, $0x1;
	s10 =	sld [smem:$0x3FB0]  }
0x3d: {  	_ =	shalt  }
0x3e: {  	_ =	shalt  }
0x3f: {  	_ =	shalt  }
0x40: {  	_ =	shalt  }
0x41: {  	_ =	shalt  }
0x42: {  	_ =	shalt  }
0x43: {  	_ =	shalt  }
0x44: {  	_ =	shalt  }
0x45: {  	_ =	shalt  }
0x46: {  	_ =	shalt  }
0x47: {  	_ =	shalt  }
0x48: {  	_ =	shalt  }
0x49: {  	_ =	shalt  }
0x4a: {  	_ =	shalt  }
0x4b: {  	_ =	shalt  }
0x4c: {  	_ =	shalt  }
0x4d: {  	_ =	shalt  }
0x4e: {  	_ =	shalt  }
0x4f: {  	_ =	shalt  }
0x50: {  	_ =	shalt  }
0x51: {  	_ =	shalt  }
0x52: {  	_ =	shalt  }
0x53: {  	_ =	shalt  }
0x54: {  	_ =	shalt  }
0x55: {  	_ =	shalt  }
0x56: {  	_ =	shalt  }
0x57: {  	_ =	shalt  }
0x58: {  	_ =	shalt  }
0x59: {  	_ =	shalt  }
0x5a: {  	_ =	shalt  }
0x5b: {  	_ =	shalt  }
0x5c: {  	_ =	shalt  }
0x5d: {  	_ =	shalt  }
0x5e: {  	_ =	shalt  }
0x5f: {  	_ =	shalt  }
0x60: {  	_ =	shalt  }
0x61: {  	_ =	shalt  }
0x62: {  	_ =	shalt  }
0x63: {  	_ =	shalt  }
0x64: {  	_ =	shalt  }
0x65: {  	_ =	shalt  }
0x66: {  	_ =	shalt  }
0x67: {  	_ =	shalt  }
0x68: {  	_ =	shalt  }
0x69: {  	_ =	shalt  }
0x6a: {  	_ =	shalt  }
0x6b: {  	_ =	shalt  }
0x6c: {  	_ =	shalt  }
0x6d: {  	_ =	shalt  }
0x6e: {  	_ =	shalt  }
0x6f: {  	_ =	shalt  }
0x70: {  	_ =	shalt  }
0x71: {  	_ =	shalt  }
0x72: {  	_ =	shalt  }
0x73: {  	_ =	shalt  }
0x74: {  	_ =	shalt  }
0x75: {  	_ =	shalt  }
0x76: {  	_ =	shalt  }
0x77: {  	_ =	shalt  }
0x78: {  	_ =	shalt  }
0x79: {  	_ =	shalt  }
0x7a: {  	_ =	shalt  }
0x7b: {  	_ =	shalt  }
0x7c: {  	_ =	shalt  }
0x7d: {  	_ =	shalt  }
0x7e: {  	_ =	shalt  }
0x7f: {  	_ =	shalt  }
0x80: {  	_ =	shalt  }
0x81: {  	_ =	shalt  }
0x82: {  	_ =	shalt  }
0x83: {  	_ =	shalt  }
0x84: {  	_ =	shalt  }
0x85: {  	_ =	shalt  }
0x86: {  	_ =	shalt  }
0x87: {  	_ =	shalt  }
.Lfunc_end0:
.L_simem_size_0:
called_computation_lowered:
.L_overlay_start_0:
0x88: {  	s2 =	sld [smem:$0x3FD9]  }
0x89: {  	s3 =	sld [smem:$0x3FFE];
	_ =	sdelay $0x1  }
0x8a: {  	s1 =	srdreg.scid  }
0x8b: {  	s0 =	sand.u32 $0x1, s1  }
0x8c: {  	s17 =	sshll.u32 s0, $0xA;
	s2 =	sadd.s32 s3, s2  }
0x8d: {  	s2 =	sadd.s32 s2, s17  }
0x8e: {  	[smem:$0x3FBC] =	sst s2  }
0x8f: {  	_ = 	snop  }
0x90: {  	(tm) =	ssettm $0x1  }
0x91: {  	s18 =	sld [smem:$0x3FFB];
	_ =	sdelay $0x3  }
0x92: {  	_ =	strace s18  }
0x93: {  	s2 =	sld [smem:$0x3FFC];
	_ =	sdelay $0x3  }
0x94: {  	_ =	strace s2  }
0x95: {  	s2 =	sld [smem:$0x3FFD];
	_ =	sdelay $0x3  }
0x96: {  	_ =	strace s2  }
0x97: {  	_ =	strace $0x8FFFFFFF  }
0x98: {  	s19 =	sld [smem:$0x3FDB];
	_ =	sdelay $0x1  }
0x99: {  	s20 =	simm.s32 $_scs_section_size  }
0x9a: {  	s4 =	simm.s32 $_size__tile_overlayer_lowered;
	s5 =	simm.s32 $_tile_overlayer_lowered  }
0x9b: {  	s6 =	simm.s32 $0x1BFF;
	s21 =	sshll.u32 s5, $0x1;
	s3 =	sadd.s32 s20, s19  }
0x9c: {  	s22 =	simm.s32 $0x0;
	s4 =	sshll.u32 s4, $0x1;
	s5 =	sadd.s32 s21, s3  }
0x9d: {  	[timem:s22], [sflag:s6] =	dma.local [hbm:s5], s4  }
0x9e: {  	_ =	swait.ge [sflag:s6], s4  }
0x9f: {  	s4 =	ssub.s32 $0x0, s4;
	[sflag:s6] =	ssyncset.done $0x0  }
0xa0: {  	[sflag:s6] =	ssyncadd.s32 s4;
	_ =	sdelay $0x1  }
0xa1: {  	s23 =	simm.s32 $0x1B8B  }
0xa2: {  	_ =	swait.ge [sflag:s23], $0x1  }
0xa3: {  	[sflag:s23] =	ssyncset.done $0x0  }
0xa4: {  	[sflag:s23] =	ssyncadd.s32 $0xFFFFFFFF  }
0xa5: {  	s4 =	sld [smem:$0x0]  }
0xa6: {  	s5 =	sand.u32 $0xFFFFFFFE, s1  }
0xa7: {  	p0 =	sne.s32 s1, s5  }
0xa8: {  	s5 =	sshll.u32 @p0 s5, $0xE  }
0xa9: {  	s5 =	sadd.s32 @p0 $0x11B8D, s5;
	s6 =	sshll.u32 @p0 s4, $0x11  }
0xaa: {  	s5 =	sor.u32 @p0 s6, s5  }
0xab: {  	[sflag:s5] =	ssyncadd.remote.s32 @p0 $0x1;
	_ =	sdelay $0x1  }
0xac: {  	s5 =	simm.s32 @p0 $0x1B8D  }
0xad: {  	_ =	swait.eq @p0 [sflag:s5], $0x1  }
0xae: {  	[sflag:s5] =	ssyncadd.s32 @p0 $0xFFFFFFFF  }
0xaf: {  	s6 =	sshll.u32 @!p0 s1, $0xE  }
0xb0: {  	s6 =	sor.u32 @!p0 $0x4000, s6;
	s5 =	simm.s32 @!p0 $0x1B8D  }
0xb1: {  	s4 =	sshll.u32 @!p0 s4, $0x11;
	s6 =	sadd.s32 @!p0 $0x11B8D, s6;
	_ =	swait.eq @!p0 [sflag:s5], $0x1  }
0xb2: {  	s4 =	sor.u32 @!p0 s4, s6;
	[sflag:s5] =	ssyncadd.s32 @!p0 $0xFFFFFFFF  }
0xb3: {  	s25 =	simm.s32 $0x1B8E;
	s24 =	sld [smem:$0x3FFE];
	[sflag:s4] =	ssyncadd.remote.s32 @!p0 $0x1  }
0xb4: {  	s26 =	simm.s32 $execute0_lowered;
	[smem:$0x3FD2] =	sst s25  }
0xb5: {  	s5 =	sshll.u32 s26, $0x1;
	_ =	strace $0x80000049;
	[dreg:$0x1] =	wrdreg $0xFFFFFFFF  }
0xb6: {  	s28 =	simm.s32 $_size_execute0_lowered;
	s3 =	sadd.s32 s3, s5;
	[dreg:$0x0] =	wrdreg $0x0  }
0xb7: {  	s5 =	sshll.u32 s28, $0x1;
	[dreg:$0x2] =	wrdreg s3  }
0xb8: {  	[dreg:$0x3] =	wrdreg s5  }
0xb9: {  	[dreg:$0x4] =	wrdreg $0xC0  }
0xba: {  	_ =	task [dreg:s22], $0x5FFFF  }
0xbb: {  	[dreg:$0x1] =	wrdreg $0xFFFFFFFF  }
0xbc: {  	[dreg:$0x0] =	wrdreg $0x60  }
0xbd: {  	[dreg:$0x2] =	wrdreg s24  }
0xbe: {  	[dreg:$0x3] =	wrdreg $0x9  }
0xbf: {  	_ =	task.clear_ibuf [dreg:s22], $0x4FFFF;
	_ =	strace $0x90000049  }
0xc0: {  	s29 =	simm.s32 $0x9;
	_ =	strace $0x8000004B  }
0xc1: {  	_ =	swait.ge [sflag:s29], $0x1  }
0xc2: {  	[sflag:s29] =	ssyncadd.s32 $0xFFFFFFFF  }
0xc3: {  	_ =	strace $0x9000004B  }
0xc4: {  	_ =	sfence  }
0xc5: {  	s30 =	sld [smem:$0x0];
	_ =	sdelay $0x2  }
0xc6: {  	s31 =	sshll.u32 s1, $0xD;
	s1 =	sshrl.u32 s1, $0x2  }
0xc7: {  	s4 =	sand.u32 $0x4000, s31;
	s1 =	sadd.s32 s1, s30  }
0xc8: {  	s0 =	sor.u32 s4, s0;
	s1 =	sshll.u32 s1, $0x11  }
0xc9: {  	s0 =	sor.u32 s1, s0  }
0xca: {  	s0 =	sadd.s32 $0x8F2B, s0  }
0xcb: {  	[sflag:s0] =	ssyncadd.remote.s32 $0x1  }
0xcc: {  	_ =	sfence.sel $0xFFFF  }
0xcd: {  	[dreg:$0x0] =	wrdreg $0xFFFFFFFF;
	(pc) =	sbr.abs _section_cstart, $3  }
0xce: {  	[dreg:$0x1] =	wrdreg $0xFFFFFFFF  }
0xcf: {  	_ =	task.clear_ibuf [dreg:s22], $0x2FFFF;
	_ =	strace $0x9FFFFFFF  }
0xd0: {  	(tm) =	ssettm $0x7FFFFFFF  }
0xd1: {  	_ =	shalt  }
tec
execute0_lowered:
.L_overlay_start_1:
0x0: {  	(tag) =	ssettag $0x1  }
0x1: {  	s4 =	rddreg [dreg:$0x0];
	s2 =	srdreg.scid  }
0x2: {  	s1 =	stileid.u32;
	s0 =	rddreg [dreg:$0x1];
	s8 =	simm.s32 $0x2  }
0x3: {  	s9 =	simm.s32 $0xD00;
	s12 =	simm.s32 $0x3;
	s3 =	sand.u32 $0x1, s2  }
0x4: {  	s5 =	sshll.u32 s1, $0x1;
	s2 =	simm.s32 $0x0;
	s6 =	sshrl.u32 s1, $0x2  }
0x5: {  	s5 =	sor.u32 s3, s5;
	[smem:$0x7FF] =	sst s2;
	s6 =	smul.u32 $0x15400, s6  }
0x6: {  	s28 =	ssub.s32 $0x2, s3;
	s3 =	sadd.s32 $0xE200, s4;
	s7 =	sshll.u32 s5, $0x7  }
0x7: {  	s10 =	smul.u32 $0x140, s5;
	s30 =	sshrl.u32 s28, $0x1;
	s7 =	sand.u32 $0x380, s7  }
0x8: {  	_ =	strace $0x8000004A;
	s31 =	ssub.s32 s28, s30;
	s6 =	sor.u32 s6, s7  }
0x9: {  	s11 =	sadd.s32 $0x140, s10;
	s5 =	smax.u32 s31, $0x1;
	s29 =	sshrl.u32 s6, $0x3  }
0xa: {  	v0 =	vlaneseq.u32;
	s7 =	simm.s32 $0x1;
	v1 =	vmov s10;
	s10 =	simm.s32 $0x80;
	s4 =	sadd.s32 s29, s4  }
0xb: {  	v3 =	vor.u32 $0xA000000, v0;
	s6 =	simm.s32 $0x680;
	v2 =	vmov s11;
	s11 =	simm.s32 $0x400;
	s4 =	sadd.s32 $0xA52A00, s4  }
.LBB2_1:
0xc: {  	s13 =	simm.s32 $0x670  }
0xd: {  	s14 =	simm.s32 $0x0;
	s16 =	simm.s32 $0x0;
	s15 =	simm.s32 $0x0  }
.LBB2_2:
0xe: {  	s17 =	smul.u32 $0xC80, s15;
	_ =	sdelay $0x1  }
0xf: {  	s17 =	sshrl.u32 s17, $0x3  }
0x10: {  	s18 =	simm.s32 $0x0;
	s17 =	sadd.s32 s3, s17  }
0x11: {  	[tilespmem:s18], [sflag:$0x1] =	stream.linear.gather [hbm4b:s17+s18], $0x640, $0x38;
	[tilespmem:$0x3780] =	vst v63  }
0x12: {  	s17 =	sadd.s32 $0xC8, s17  }
0x13: {  	[tilespmem:s6], [sflag:$0x2] =	stream.linear.gather [hbm4b:s17+s18], $0x640, $0x38;
	[tilespmem:$0x3780] =	vst v63  }
0x14: {  	_ =	swait.ge [sflag:s7], $0x640  }
0x15: {  	[sflag:s7] =	ssyncset.done $0x0  }
0x16: {  	s23 =	simm.s32 $0x20;
	[sflag:s7] =	ssyncadd.s32 $0xFFFFF9C0  }
0x17: {  	v4 =	vld [tilespmem:s23+$0xFFFFFFE0];
	_ =	sdelay $0x4  }
0x18: {  	vm0 =	vge.s32 v4, v1;
	vm1 =	vlt.s32 v4, v2;
	v4 =	vsub.s32 v4, v1  }
0x19: {  	s24 =	sadd.s32 $0x0, s14;
	vm0 =	vmand vm0, vm1;
	v4 =	vshll.u32 v4, $0x13  }
0x1a: {  	v4 =	vor.u32 s24, v4;
	v5 =	vmpcnt.ones.xlane vm0  }
0x1b: {  	v4 =	vor.u32 v0, v4  }
0x1c: {  	[tilespmem:s16+$0xD00] =	vst.msk vm0, v4;
	(v2sf) =	vpush v5, $0x0  }
0x1d: {  	v4 =	vld [tilespmem:s23+$0xFFFFFFF0];
	_ =	sdelay $0x4  }
0x1e: {  	vm0 =	vge.s32 v4, v1;
	vm1 =	vlt.s32 v4, v2  }
0x1f: {  	vm0 =	vmand vm0, vm1  }
0x20: {  	v5 =	vmpcnt.ones.xlane vm0;
	_ =	sdelay $0x1  }
0x21: {  	(v2sf) =	vpush v5, $0x0;
	_ =	sdelay $0x2  }
0x22: {  	v4 =	vsub.s32 v4, v1  }
0x23: {  	s19 =	sadd.s32 $0x10, s24;
	v4 =	vshll.u32 v4, $0x13  }
0x24: {  	v4 =	vor.u32 s19, v4;
	s25 =	spop (v2sf)  }
0x25: {  	v4 =	vor.u32 v0, v4;
	s26 =	sadd.s32 s16, s25  }
0x26: {  	[tilespmem:s26+$0xD00] =	vst.msk vm0, v4  }
0x27: {  	v4 =	vld [tilespmem:s23+$0x0];
	_ =	sdelay $0x4  }
0x28: {  	vm0 =	vge.s32 v4, v1;
	vm1 =	vlt.s32 v4, v2;
	v4 =	vsub.s32 v4, v1  }
0x29: {  	s28 =	sadd.s32 $0x20, s24;
	vm0 =	vmand vm0, vm1;
	v4 =	vshll.u32 v4, $0x13  }
0x2a: {  	v4 =	vor.u32 s28, v4;
	v5 =	vmpcnt.ones.xlane vm0;
	s29 =	spop (v2sf)  }
0x2b: {  	s16 =	sadd.s32 s26, s29;
	v4 =	vor.u32 v0, v4  }
0x2c: {  	[tilespmem:s16+$0xD00] =	vst.msk vm0, v4;
	(v2sf) =	vpush v5, $0x0  }
0x2d: {  	v4 =	vld [tilespmem:s23+$0x10];
	_ =	sdelay $0x4  }
0x2e: {  	vm0 =	vge.s32 v4, v1;
	vm1 =	vlt.s32 v4, v2  }
0x2f: {  	vm0 =	vmand vm0, vm1  }
0x30: {  	v5 =	vmpcnt.ones.xlane vm0;
	_ =	sdelay $0x1  }
0x31: {  	(v2sf) =	vpush v5, $0x0;
	_ =	sdelay $0x2  }
0x32: {  	v4 =	vsub.s32 v4, v1  }
0x33: {  	s30 =	sadd.s32 $0x30, s24;
	v4 =	vshll.u32 v4, $0x13  }
0x34: {  	v4 =	vor.u32 s30, v4;
	s31 =	spop (v2sf)  }
0x35: {  	v4 =	vor.u32 v0, v4;
	s20 =	sadd.s32 s16, s31  }
0x36: {  	s16 =	simm.s32 $0x60;
	[tilespmem:s20+$0xD00] =	vst.msk vm0, v4  }
0x37: {  	v4 =	vld [tilespmem:s16+$0xFFFFFFE0];
	_ =	sdelay $0x4  }
0x38: {  	vm0 =	vge.s32 v4, v1;
	vm1 =	vlt.s32 v4, v2;
	v4 =	vsub.s32 v4, v1  }
0x39: {  	s17 =	sadd.s32 $0x40, s14;
	vm0 =	vmand vm0, vm1;
	v4 =	vshll.u32 v4, $0x13  }
0x3a: {  	s18 =	simm.s32 $0x80;
	v5 =	vor.u32 s17, v4;
	v4 =	vmpcnt.ones.xlane vm0;
	s19 =	spop (v2sf)  }
.LBB2_3:
0x3b: {  	p0 =	sne.s32 s18, $0x600  }
0x3c: {  	v5 =	vor.u32 v0, v5;
	s20 =	sadd.s32 s20, s19;
	s19 =	smov.u32 s18;
	s18 =	sadd.s32 $0x40, s18  }
0x3d: {  	[tilespmem:s20+$0xD00] =	vst.msk vm0, v5;
	(v2sf) =	vpush v4, $0x0  }
0x3e: {  	v4 =	vld [tilespmem:s16+$0xFFFFFFF0];
	_ =	sdelay $0x4  }
0x3f: {  	vm0 =	vge.s32 v4, v1;
	vm1 =	vlt.s32 v4, v2;
	v4 =	vsub.s32 v4, v1  }
0x40: {  	s21 =	sadd.s32 $0x10, s17;
	vm0 =	vmand vm0, vm1;
	v4 =	vshll.u32 v4, $0x13  }
0x41: {  	v4 =	vor.u32 s21, v4;
	v5 =	vmpcnt.ones.xlane vm0;
	_ =	sdelay $0x1  }
0x42: {  	(v2sf) =	vpush v5, $0x0;
	_ =	sdelay $0x4  }
0x43: {  	s21 =	spop (v2sf)  }
0x44: {  	v4 =	vor.u32 v0, v4;
	s20 =	sadd.s32 s20, s21  }
0x45: {  	[tilespmem:s20+$0xD00] =	vst.msk vm0, v4  }
0x46: {  	v4 =	vld [tilespmem:s16+$0x0];
	_ =	sdelay $0x4  }
0x47: {  	vm0 =	vge.s32 v4, v1;
	vm1 =	vlt.s32 v4, v2;
	v4 =	vsub.s32 v4, v1  }
0x48: {  	s21 =	sadd.s32 $0x20, s17;
	vm0 =	vmand vm0, vm1;
	v4 =	vshll.u32 v4, $0x13  }
0x49: {  	v4 =	vor.u32 s21, v4;
	v5 =	vmpcnt.ones.xlane vm0;
	s21 =	spop (v2sf)  }
0x4a: {  	s20 =	sadd.s32 s20, s21;
	v4 =	vor.u32 v0, v4  }
0x4b: {  	[tilespmem:s20+$0xD00] =	vst.msk vm0, v4;
	(v2sf) =	vpush v5, $0x0  }
0x4c: {  	v4 =	vld [tilespmem:s16+$0x10];
	_ =	sdelay $0x4  }
0x4d: {  	vm0 =	vge.s32 v4, v1;
	vm1 =	vlt.s32 v4, v2;
	v4 =	vsub.s32 v4, v1  }
0x4e: {  	s17 =	sadd.s32 $0x30, s17;
	vm0 =	vmand vm0, vm1;
	v4 =	vshll.u32 v4, $0x13  }
0x4f: {  	v4 =	vor.u32 s17, v4;
	v5 =	vmpcnt.ones.xlane vm0;
	_ =	sdelay $0x1  }
0x50: {  	(v2sf) =	vpush v5, $0x0;
	_ =	sdelay $0x4  }
0x51: {  	s17 =	spop (v2sf)  }
0x52: {  	v4 =	vor.u32 v0, v4;
	s20 =	sadd.s32 s20, s17  }
0x53: {  	s16 =	sadd.s32 $0x40, s16;
	[tilespmem:s20+$0xD00] =	vst.msk vm0, v4  }
0x54: {  	v4 =	vld [tilespmem:s16+$0xFFFFFFE0];
	_ =	sdelay $0x2  }
.Ltmp0:
0x55: {  	(pc) =	sbr.rel @p0 .LBB2_3-.Ltmp0, $4  }
0x56: {  	_ = 	snop  }
0x57: {  	vm0 =	vge.s32 v4, v1;
	vm1 =	vlt.s32 v4, v2;
	v4 =	vsub.s32 v4, v1  }
0x58: {  	s17 =	sadd.s32 s19, s14;
	vm0 =	vmand vm0, vm1;
	v4 =	vshll.u32 v4, $0x13  }
0x59: {  	v5 =	vor.u32 s17, v4;
	v4 =	vmpcnt.ones.xlane vm0;
	s19 =	spop (v2sf)  }
0x5a: {  	v5 =	vor.u32 v0, v5;
	s18 =	sadd.s32 s20, s19  }
0x5b: {  	[tilespmem:s18+$0xD00] =	vst.msk vm0, v5;
	(v2sf) =	vpush v4, $0x0  }
0x5c: {  	v4 =	vld [tilespmem:s16+$0xFFFFFFF0];
	_ =	sdelay $0x4  }
0x5d: {  	vm0 =	vge.s32 v4, v1;
	vm1 =	vlt.s32 v4, v2  }
0x5e: {  	vm0 =	vmand vm0, vm1  }
0x5f: {  	v5 =	vmpcnt.ones.xlane vm0;
	_ =	sdelay $0x1  }
0x60: {  	(v2sf) =	vpush v5, $0x0;
	_ =	sdelay $0x2  }
0x61: {  	v4 =	vsub.s32 v4, v1  }
0x62: {  	s28 =	sadd.s32 $0x10, s17;
	v4 =	vshll.u32 v4, $0x13  }
0x63: {  	v4 =	vor.u32 s28, v4;
	s29 =	spop (v2sf)  }
0x64: {  	v4 =	vor.u32 v0, v4;
	s18 =	sadd.s32 s18, s29  }
0x65: {  	[tilespmem:s18+$0xD00] =	vst.msk vm0, v4  }
0x66: {  	v4 =	vld [tilespmem:s16+$0x0];
	_ =	sdelay $0x4  }
0x67: {  	v5 =	vsub.s32 v4, v1  }
0x68: {  	s30 =	sadd.s32 $0x20, s17;
	v5 =	vshll.u32 v5, $0x13  }
0x69: {  	vm0 =	vge.s32 v4, v1;
	vm1 =	vlt.s32 v4, v2;
	v4 =	vor.u32 s30, v5;
	s31 =	spop (v2sf)  }
0x6a: {  	vm0 =	vmand vm0, vm1;
	s18 =	sadd.s32 s18, s31;
	v4 =	vor.u32 v0, v4  }
0x6b: {  	[tilespmem:s18+$0xD00] =	vst.msk vm0, v4  }
0x6c: {  	v4 =	vld [tilespmem:s16+$0x10];
	_ =	sdelay $0x4  }
0x6d: {  	v5 =	vmpcnt.ones.xlane vm0;
	vm0 =	vge.s32 v4, v1;
	vm1 =	vlt.s32 v4, v2  }
0x6e: {  	vm0 =	vmand vm0, vm1  }
0x6f: {  	(v2sf) =	vpush v5, $0x0;
	v5 =	vmpcnt.ones.xlane vm0;
	_ =	sdelay $0x1  }
0x70: {  	(v2sf) =	vpush v5, $0x0;
	_ =	sdelay $0xa  }
0x71: {  	v4 =	vsub.s32 v4, v1  }
0x72: {  	s20 =	sadd.s32 $0x30, s17;
	v4 =	vshll.u32 v4, $0x13  }
0x73: {  	v4 =	vor.u32 s20, v4;
	s21 =	spop (v2sf)  }
0x74: {  	v4 =	vor.u32 v0, v4;
	s16 =	sadd.s32 s18, s21  }
0x75: {  	[tilespmem:s16+$0xD00] =	vst.msk vm0, v4;
	s22 =	spop (v2sf)  }
0x76: {  	_ =	swait.ge [sflag:s8], $0x640  }
0x77: {  	[sflag:s8] =	ssyncset.done $0x0  }
0x78: {  	s23 =	simm.s32 $0x0;
	[sflag:s8] =	ssyncadd.s32 $0xFFFFF9C0  }
0x79: {  	v4 =	vld [tilespmem:s23+$0x680];
	_ =	sdelay $0x4  }
0x7a: {  	vm0 =	vge.s32 v4, v1;
	vm1 =	vlt.s32 v4, v2;
	v4 =	vsub.s32 v4, v1  }
0x7b: {  	s24 =	sadd.s32 $0xFFFFFFD0, s13;
	vm0 =	vmand vm0, vm1;
	v4 =	vshll.u32 v4, $0x13  }
0x7c: {  	v4 =	vor.u32 s24, v4;
	v5 =	vmpcnt.ones.xlane vm0  }
0x7d: {  	s16 =	sadd.s32 s16, s22;
	v4 =	vor.u32 v0, v4  }
0x7e: {  	[tilespmem:s16+$0xD00] =	vst.msk vm0, v4;
	(v2sf) =	vpush v5, $0x0  }
0x7f: {  	v4 =	vld [tilespmem:s23+$0x690];
	_ =	sdelay $0x4  }
0x80: {  	vm0 =	vge.s32 v4, v1;
	vm1 =	vlt.s32 v4, v2  }
0x81: {  	vm0 =	vmand vm0, vm1  }
0x82: {  	v5 =	vmpcnt.ones.xlane vm0;
	_ =	sdelay $0x1  }
0x83: {  	(v2sf) =	vpush v5, $0x0;
	_ =	sdelay $0x2  }
0x84: {  	v4 =	vsub.s32 v4, v1  }
0x85: {  	s25 =	sadd.s32 $0xFFFFFFE0, s13;
	v4 =	vshll.u32 v4, $0x13  }
0x86: {  	v4 =	vor.u32 s25, v4;
	s26 =	spop (v2sf)  }
0x87: {  	v4 =	vor.u32 v0, v4;
	s16 =	sadd.s32 s16, s26  }
0x88: {  	[tilespmem:s16+$0xD00] =	vst.msk vm0, v4  }
0x89: {  	v4 =	vld [tilespmem:s23+$0x6A0];
	_ =	sdelay $0x4  }
0x8a: {  	vm0 =	vge.s32 v4, v1;
	vm1 =	vlt.s32 v4, v2;
	v4 =	vsub.s32 v4, v1  }
0x8b: {  	s28 =	sadd.s32 $0xFFFFFFF0, s13;
	vm0 =	vmand vm0, vm1;
	v4 =	vshll.u32 v4, $0x13  }
0x8c: {  	v4 =	vor.u32 s28, v4;
	v5 =	vmpcnt.ones.xlane vm0;
	s29 =	spop (v2sf)  }
0x8d: {  	s16 =	sadd.s32 s16, s29;
	v4 =	vor.u32 v0, v4  }
0x8e: {  	[tilespmem:s16+$0xD00] =	vst.msk vm0, v4;
	(v2sf) =	vpush v5, $0x0  }
0x8f: {  	v4 =	vld [tilespmem:s23+$0x6B0];
	_ =	sdelay $0x4  }
0x90: {  	vm0 =	vge.s32 v4, v1;
	vm1 =	vlt.s32 v4, v2  }
0x91: {  	vm0 =	vmand vm0, vm1  }
0x92: {  	v5 =	vmpcnt.ones.xlane vm0;
	_ =	sdelay $0x1  }
0x93: {  	(v2sf) =	vpush v5, $0x0;
	_ =	sdelay $0x2  }
0x94: {  	v4 =	vsub.s32 v4, v1  }
0x95: {  	v4 =	vshll.u32 v4, $0x13  }
0x96: {  	v4 =	vor.u32 s13, v4;
	s30 =	spop (v2sf)  }
0x97: {  	v4 =	vor.u32 v0, v4;
	s20 =	sadd.s32 s16, s30  }
0x98: {  	s17 =	simm.s32 $0x40;
	[tilespmem:s20+$0xD00] =	vst.msk vm0, v4  }
0x99: {  	v4 =	vld [tilespmem:s17+$0x680];
	_ =	sdelay $0x4  }
0x9a: {  	s16 =	sadd.s32 $0x40, s13;
	vm0 =	vge.s32 v4, v1;
	vm1 =	vlt.s32 v4, v2;
	v4 =	vsub.s32 v4, v1  }
0x9b: {  	s31 =	sadd.s32 $0xFFFFFFD0, s16;
	vm0 =	vmand vm0, vm1;
	v4 =	vshll.u32 v4, $0x13  }
0x9c: {  	s18 =	simm.s32 $0x200;
	v5 =	vor.u32 s31, v4;
	v4 =	vmpcnt.ones.xlane vm0;
	s19 =	spop (v2sf)  }
.LBB2_5:
0x9d: {  	p0 =	sne.s32 s18, $0x1800  }
0x9e: {  	v5 =	vor.u32 v0, v5;
	s20 =	sadd.s32 s20, s19;
	s19 =	smov.u32 s18;
	s18 =	sadd.s32 $0x100, s18  }
0x9f: {  	[tilespmem:s20+$0xD00] =	vst.msk vm0, v5;
	(v2sf) =	vpush v4, $0x0  }
0xa0: {  	v4 =	vld [tilespmem:s17+$0x690];
	_ =	sdelay $0x4  }
0xa1: {  	vm0 =	vge.s32 v4, v1;
	vm1 =	vlt.s32 v4, v2;
	v4 =	vsub.s32 v4, v1  }
0xa2: {  	s21 =	sadd.s32 $0xFFFFFFE0, s16;
	vm0 =	vmand vm0, vm1;
	v4 =	vshll.u32 v4, $0x13  }
0xa3: {  	v4 =	vor.u32 s21, v4;
	v5 =	vmpcnt.ones.xlane vm0;
	_ =	sdelay $0x1  }
0xa4: {  	(v2sf) =	vpush v5, $0x0;
	_ =	sdelay $0x4  }
0xa5: {  	s21 =	spop (v2sf)  }
0xa6: {  	v4 =	vor.u32 v0, v4;
	s20 =	sadd.s32 s20, s21  }
0xa7: {  	[tilespmem:s20+$0xD00] =	vst.msk vm0, v4  }
0xa8: {  	v4 =	vld [tilespmem:s17+$0x6A0];
	_ =	sdelay $0x4  }
0xa9: {  	vm0 =	vge.s32 v4, v1;
	vm1 =	vlt.s32 v4, v2;
	v4 =	vsub.s32 v4, v1  }
0xaa: {  	s21 =	sadd.s32 $0xFFFFFFF0, s16;
	vm0 =	vmand vm0, vm1;
	v4 =	vshll.u32 v4, $0x13  }
0xab: {  	v4 =	vor.u32 s21, v4;
	v5 =	vmpcnt.ones.xlane vm0;
	s21 =	spop (v2sf)  }
0xac: {  	s20 =	sadd.s32 s20, s21;
	v4 =	vor.u32 v0, v4  }
0xad: {  	[tilespmem:s20+$0xD00] =	vst.msk vm0, v4;
	(v2sf) =	vpush v5, $0x0  }
0xae: {  	v4 =	vld [tilespmem:s17+$0x6B0];
	_ =	sdelay $0x4  }
0xaf: {  	vm0 =	vge.s32 v4, v1;
	vm1 =	vlt.s32 v4, v2;
	v4 =	vsub.s32 v4, v1  }
0xb0: {  	vm0 =	vmand vm0, vm1;
	v4 =	vshll.u32 v4, $0x13  }
0xb1: {  	v4 =	vor.u32 s16, v4;
	v5 =	vmpcnt.ones.xlane vm0;
	_ =	sdelay $0x1  }
0xb2: {  	(v2sf) =	vpush v5, $0x0;
	_ =	sdelay $0x4  }
0xb3: {  	s17 =	spop (v2sf)  }
0xb4: {  	v4 =	vor.u32 v0, v4;
	s20 =	sadd.s32 s20, s17  }
0xb5: {  	s17 =	sshra.s32 s19, $0x2;
	[tilespmem:s20+$0xD00] =	vst.msk vm0, v4  }
0xb6: {  	v4 =	vld [tilespmem:s17+$0x680];
	_ =	sdelay $0x2  }
.Ltmp1:
0xb7: {  	(pc) =	sbr.rel @p0 .LBB2_5-.Ltmp1, $4  }
0xb8: {  	_ = 	snop  }
0xb9: {  	s16 =	sadd.s32 $0x40, s16;
	vm0 =	vge.s32 v4, v1;
	vm1 =	vlt.s32 v4, v2;
	v4 =	vsub.s32 v4, v1  }
0xba: {  	s19 =	sadd.s32 $0xFFFFFFD0, s16;
	vm0 =	vmand vm0, vm1;
	v4 =	vshll.u32 v4, $0x13  }
0xbb: {  	v5 =	vor.u32 s19, v4;
	v4 =	vmpcnt.ones.xlane vm0;
	s19 =	spop (v2sf)  }
0xbc: {  	v5 =	vor.u32 v0, v5;
	s18 =	sadd.s32 s20, s19  }
0xbd: {  	[tilespmem:s18+$0xD00] =	vst.msk vm0, v5;
	(v2sf) =	vpush v4, $0x0  }
0xbe: {  	v4 =	vld [tilespmem:s17+$0x690];
	_ =	sdelay $0x4  }
0xbf: {  	vm11 =	vge.s32 v4, v1;
	vm1 =	vlt.s32 v4, v2  }
0xc0: {  	vm0 =	vmand vm11, vm1  }
0xc1: {  	v5 =	vmpcnt.ones.xlane vm0;
	_ =	sdelay $0x1  }
0xc2: {  	(v2sf) =	vpush v5, $0x0;
	_ =	sdelay $0x2  }
0xc3: {  	v4 =	vsub.s32 v4, v1  }
0xc4: {  	s25 =	sadd.s32 $0xFFFFFFE0, s16;
	v4 =	vshll.u32 v4, $0x13  }
0xc5: {  	v4 =	vor.u32 s25, v4;
	s26 =	spop (v2sf)  }
0xc6: {  	v4 =	vor.u32 v0, v4;
	s18 =	sadd.s32 s18, s26  }
0xc7: {  	[tilespmem:s18+$0xD00] =	vst.msk vm0, v4  }
0xc8: {  	v4 =	vld [tilespmem:s17+$0x6A0];
	_ =	sdelay $0x4  }
0xc9: {  	v5 =	vsub.s32 v4, v1  }
0xca: {  	s28 =	sadd.s32 $0xFFFFFFF0, s16;
	v5 =	vshll.u32 v5, $0x13  }
0xcb: {  	vm12 =	vge.s32 v4, v1;
	vm13 =	vlt.s32 v4, v2;
	v4 =	vor.u32 s28, v5;
	s29 =	spop (v2sf)  }
0xcc: {  	vm0 =	vmand vm12, vm13;
	s18 =	sadd.s32 s18, s29;
	v4 =	vor.u32 v0, v4  }
0xcd: {  	[tilespmem:s18+$0xD00] =	vst.msk vm0, v4  }
0xce: {  	v4 =	vld [tilespmem:s17+$0x6B0];
	_ =	sdelay $0x4  }
0xcf: {  	vm14 =	vge.s32 v4, v1;
	vm2 =	vlt.s32 v4, v2  }
0xd0: {  	v5 =	vmpcnt.ones.xlane vm0;
	vm15 =	vmand vm14, vm2  }
0xd1: {  	v6 =	vmpcnt.ones.xlane vm15  }
0xd2: {  	(v2sf) =	vpush v5, $0x0  }
0xd3: {  	(v2sf) =	vpush v6, $0x0;
	_ =	sdelay $0x9  }
0xd4: {  	s15 =	sadd.s32 $0x1, s15  }
0xd5: {  	p0 =	seq.s32 s15, $0x64  }
.Ltmp2:
0xd6: {  	v4 =	vsub.s32 v4, v1;
	(pc) =	sbr.rel @!p0 .LBB2_2-.Ltmp2, $4  }
0xd7: {  	v4 =	vshll.u32 v4, $0x13  }
0xd8: {  	v4 =	vor.u32 s16, v4;
	s30 =	spop (v2sf)  }
0xd9: {  	v4 =	vor.u32 v0, v4;
	s16 =	sadd.s32 s18, s30;
	s31 =	spop (v2sf)  }
0xda: {  	s14 =	sadd.s32 $0xC80, s14;
	s13 =	sadd.s32 $0xC80, s13;
	[tilespmem:s16+$0xD00] =	vst.msk vm15, v4;
	s16 =	sadd.s32 s16, s31  }
0xdb: {  	s13 =	simm.s32 $0x0  }
0xdc: {  	v4 =	vmov s16;
	v5 =	vor.u32 s13, v0  }
0xdd: {  	s14 =	simm.s32 $0x10;
	vm0 =	vge.s32 v5, v4  }
.LBB2_8:
0xde: {  	p0 =	sne.s32 s14, $0x2A70  }
.Ltmp3:
0xdf: {  	_ = 	snop;
	(pc) =	sbr.rel @p0 .LBB2_8-.Ltmp3, $3  }
0xe0: {  	_ =	sdelay $0x1  }
0xe1: {  	v6 =	vor.u32 s14, v0;
	v7 =	vor.u32 s13, v3;
	s13 =	smov.u32 s14;
	s14 =	sadd.s32 $0x10, s14  }
0xe2: {  	[tilespmem:v5+s9+$0x0] =	vst.idx.msk vm0, v7;
	vm0 =	vge.s32 v6, v4;
	v5 =	vmov v6  }
0xe3: {  	_ =	sdelay $0x2  }
0xe4: {  	s2 =	sadd.s32 $0x1, s2  }
0xe5: {  	v4 =	vor.u32 s13, v3;
	p0 =	sne.s32 s2, s5  }
.Ltmp4:
0xe6: {  	[tilespmem:v5+s9+$0x0] =	vst.idx.msk vm0, v4;
	(pc) =	sbr.rel @p0 .LBB2_1-.Ltmp4, $4  }
0xe7: {  	[hbm4b:s4+s10] =	stream.strided.scatter [tilespmem:s9], [sflag:$0x3], $0x2A80, s11, s10, $0x38;
	[tilespmem:$0x3780] =	vst v63  }
0xe8: {  	_ =	swait.ge [sflag:s12], $0x2A80  }
0xe9: {  	[sflag:s12] =	ssyncset.done $0x0  }
0xea: {  	[sflag:s12] =	ssyncadd.s32 $0xFFFFD580  }
0xeb: {  	_ =	sfence.sel $0x180000  }
0xec: {  	[bflag:$0x0] =	sbarrier.arrive $0xFFFF  }
0xed: {  	p0 =	sne.s32 s1, $0x0;
	_ =	strace $0x9000004A  }
0xee: {  	s0 =	sadd.s32 @!p0 $0x100000, s0;
	[bflag:$0x2] =	sbarrier.arrive $0xFFFF  }
0xef: {  	[sflag:s0] =	ssyncadd.tile.s32 @!p0 $0x1;
	_ =	shalt  }
.Lfunc_end2:
_tile_overlayer_lowered:
.L_overlay_start_2:
0xf0: {  	(tag) =	ssettag $0x2  }
0xf1: {  	s0 =	rddreg [dreg:$0x0];
	s2 =	stileid.u32  }
0xf2: {  	s1 =	rddreg [dreg:$0x1];
	p0 =	sne.s32 s2, $0x0  }
0xf3: {  	s3 =	rddreg [dreg:$0x2];
	[bflag:$0x3] =	sbarrier.arrive $0xFFFF;
	s2 =	simm.s32 @!p0 $0x1C03  }
0xf4: {  	[timem:s3], [sflag:s2] =	dma.local @!p0 [hbm:s0], s1  }
0xf5: {  	s0 =	simm.s32 @!p0 $0x3  }
0xf6: {  	_ =	swait.ge @!p0 [sflag:s0], s1  }
0xf7: {  	s1 =	ssub.s32 @!p0 $0x0, s1;
	[sflag:s0] =	ssyncset.done @!p0 $0x0  }
0xf8: {  	[sflag:s0] =	ssyncadd.s32 @!p0 s1  }
0xf9: {  	[bflag:$0x3] =	sbarrier.arrive $0xFFFF  }
0xfa: {  	_ =	shalt  }

</sc_bundles>
